<compile_context>
chip_gen: v7x
topology: tpu7x:2x2x1
jax: 0.10.2.dev20260603
libtpu: 0.0.44.dev20260713+nightly
codegen_flags: <defaults>
</compile_context>

<pallas_src>
import functools

import jax
import jax.numpy as jnp
from jax import lax
from jax.experimental import pallas as pl
from jax.experimental.pallas import tpu as pltpu
from jax.experimental.pallas import tpu_sc as plsc

NUM_FEATS = 11
NUM_CATS = 21
HIDDEN = 128
LANES = 16
HWORDS = HIDDEN // 2

_info = plsc.get_sparse_core_info()
NC, NS = _info.num_cores, _info.num_subcores
NW = NC * NS

NPAIR = 3
NSINGLE = NUM_FEATS - 2 * NPAIR
PAIR_ROWS = NUM_CATS * NUM_CATS
TAB_ROWS = NPAIR * PAIR_ROWS + NSINGLE * NUM_CATS
TAB_WORDS = TAB_ROWS * HWORDS
SINGLE_BASE = NPAIR * PAIR_ROWS

N = 100000
ROWS_PER_W = N // NW
CHUNK = 125
NCHUNKS = ROWS_PER_W // CHUNK
OUT_WORDS = CHUNK * HIDDEN
XWIN = 1408


FEAT_WORDS = NUM_CATS * HIDDEN


def _build_tables(embf_hbm, tab_v, stage_v):
    for p in range(NPAIR):
        pltpu.sync_copy(embf_hbm.at[pl.ds(2 * p * FEAT_WORDS, 2 * FEAT_WORDS)],
                        stage_v.at[pl.ds(0, 2 * FEAT_WORDS)])

        def ca_body(ca, carry):
            arow = ca * HIDDEN

            @plsc.parallel_loop(0, NUM_CATS, unroll=3)
            def cb_body(cb):
                brow = FEAT_WORDS + cb * HIDDEN
                out0 = (p * PAIR_ROWS + ca * NUM_CATS + cb) * HWORDS
                for g in range(4):
                    lo = (stage_v[pl.ds(arow + g * 32, LANES)]
                          + stage_v[pl.ds(brow + g * 32, LANES)])
                    hi = (stage_v[pl.ds(arow + g * 32 + LANES, LANES)]
                          + stage_v[pl.ds(brow + g * 32 + LANES, LANES)])
                    packed = plsc.pack(lo, hi, format=plsc.PackFormat.INTERLEAVED)
                    tab_v[pl.ds(out0 + g * LANES, LANES)] = plsc.bitcast(
                        packed, jnp.int32)

            return carry

        lax.fori_loop(0, NUM_CATS, ca_body, 0)

    pltpu.sync_copy(
        embf_hbm.at[pl.ds(2 * NPAIR * FEAT_WORDS, NSINGLE * FEAT_WORDS)],
        stage_v.at[pl.ds(0, NSINGLE * FEAT_WORDS)])

    @plsc.parallel_loop(0, NSINGLE * NUM_CATS, unroll=3)
    def srow_body(i):
        out0 = (SINGLE_BASE + i) * HWORDS
        for g in range(4):
            lo = stage_v[pl.ds(i * HIDDEN + g * 32, LANES)]
            hi = stage_v[pl.ds(i * HIDDEN + g * 32 + LANES, LANES)]
            packed = plsc.pack(lo, hi, format=plsc.PackFormat.INTERLEAVED)
            tab_v[pl.ds(out0 + g * LANES, LANES)] = plsc.bitcast(
                packed, jnp.int32)


def _compute_chunk(tab_v, xc_v, outc_v, xoff):
    NHG = HWORDS // LANES

    @plsc.parallel_loop(0, CHUNK, unroll=5)
    def row_body(r):
        catv = xc_v[pl.ds(xoff + r * NUM_FEATS, LANES)]
        accs = [None] * NHG
        for j in range(NPAIR + NSINGLE):
            if j < NPAIR:
                ca = catv[2 * j]
                cb = catv[2 * j + 1]
                start = (j * PAIR_ROWS + ca * NUM_CATS + cb) * HWORDS
            else:
                s = j - NPAIR
                c = catv[2 * NPAIR + s]
                start = (SINGLE_BASE + s * NUM_CATS + c) * HWORDS
            for hg in range(NHG):
                v = plsc.bitcast(
                    tab_v[pl.ds(start + hg * LANES, LANES)], jnp.bfloat16)
                accs[hg] = v if j == 0 else accs[hg] + v
        for hg in range(NHG):
            lo, hi = plsc.unpack(accs[hg], format=plsc.PackFormat.INTERLEAVED)
            outc_v[pl.ds(r * HIDDEN + hg * 2 * LANES, LANES)] = lo
            outc_v[pl.ds(r * HIDDEN + hg * 2 * LANES + LANES, LANES)] = hi


def _body(xf_hbm, embf_hbm, outf_hbm, tab_v, xc0, xc1, outc0, outc1,
          sem0, sem1, xsem0, xsem1):
    wid = lax.axis_index("s") * NC + lax.axis_index("c")
    base = wid * ROWS_PER_W
    outcs = (outc0, outc1)
    sems = (sem0, sem1)
    xcs = (xc0, xc1)
    xsems = (xsem0, xsem1)

    def x_window(c):
        w0 = (base + c * CHUNK) * NUM_FEATS
        a0 = jnp.minimum((w0 // 8) * 8, N * NUM_FEATS - XWIN)
        return w0, a0

    def x_copy(c, b):
        _, a0 = x_window(c)
        return pltpu.make_async_copy(
            xf_hbm.at[pl.ds(a0, XWIN)], xcs[b].at[pl.ds(0, XWIN)], xsems[b])

    x_copy(0, 0).start()
    _build_tables(embf_hbm, tab_v, outc0)

    for b in range(2):
        pltpu.make_async_copy(
            outf_hbm.at[pl.ds(0, OUT_WORDS)], outcs[b], sems[b]).start()

    def chunk_step(c, b, prefetch_next):
        row0 = base + c * CHUNK
        out_slice = outf_hbm.at[pl.ds(row0 * HIDDEN, OUT_WORDS)]
        w0, a0 = x_window(c)
        x_copy(c, b).wait()
        if prefetch_next:
            x_copy(c + 1, 1 - b).start()
        pltpu.make_async_copy(outcs[b], out_slice, sems[b]).wait()
        _compute_chunk(tab_v, xcs[b], outcs[b], w0 - a0)
        pltpu.make_async_copy(outcs[b], out_slice, sems[b]).start()

    def pair_body(ii, carry):
        for b in range(2):
            chunk_step(ii * 2 + b, b, True)
        return carry

    lax.fori_loop(0, NCHUNKS // 2, pair_body, 0)
    chunk_step(NCHUNKS - 1, 0, False)

    for b in range(2):
        c = NCHUNKS - 1 - b
        row0 = base + c * CHUNK
        pltpu.make_async_copy(
            outcs[b], outf_hbm.at[pl.ds(row0 * HIDDEN, OUT_WORDS)],
            sems[b]).wait()


@functools.partial(
    pl.kernel,
    mesh=plsc.VectorSubcoreMesh(core_axis_name="c", subcore_axis_name="s"),
    compiler_params=pltpu.CompilerParams(
        needs_layout_passes=False,
        disable_bounds_checks=True,
        disable_semaphore_checks=True,
        skip_device_barrier=True,
    ),
    out_type=jax.ShapeDtypeStruct((N * HIDDEN,), jnp.float32),
    scratch_types=[
        pltpu.VMEM((TAB_WORDS,), jnp.int32),
        pltpu.VMEM((XWIN + LANES,), jnp.int32),
        pltpu.VMEM((XWIN + LANES,), jnp.int32),
        pltpu.VMEM((OUT_WORDS,), jnp.float32),
        pltpu.VMEM((OUT_WORDS,), jnp.float32),
        pltpu.SemaphoreType.DMA,
        pltpu.SemaphoreType.DMA,
        pltpu.SemaphoreType.DMA,
        pltpu.SemaphoreType.DMA,
    ],
)
def _sc_encode(xf_hbm, embf_hbm, outf_hbm, tab_v, xc0, xc1, outc0, outc1,
               sem0, sem1, xsem0, xsem1):
    _body(xf_hbm, embf_hbm, outf_hbm, tab_v, xc0, xc1, outc0, outc1,
          sem0, sem1, xsem0, xsem1)


def kernel(x, emb):
    n = x.shape[0]
    outf = _sc_encode(x.astype(jnp.int32).reshape(-1), emb.reshape(-1))
    return outf.reshape(n, HIDDEN)

# --- scband reference (transcript-rebuilt; emitter-appended) ---
"""Pipeline reference for scband-qm9-atom-encoder-87273735455443 (READ-ONLY COPY).

The authoritative reference and input builder live on the scoring server;
editing this copy changes nothing except your own understanding.
"""

import jax, jax.numpy as jnp
import numpy as np

NUM_FEATS = 11
NUM_CATS = 21
HIDDEN = 128
N = 100000


def setup_inputs(seed: int = 0) -> dict:
    key = jax.random.key(seed)
    k_x, k_w = jax.random.split(key)
    x = jax.random.randint(k_x, (N, NUM_FEATS), 0, NUM_CATS, dtype=jnp.int64 if jax.config.jax_enable_x64 else jnp.int32).astype(jnp.int32)
    # 11 embedding tables, each [21, hidden], stacked: [11, 21, hidden]
    # xavier_uniform bound = sqrt(6/(fan_in+fan_out)) = sqrt(6/(21+128))
    bound = float(np.sqrt(6.0 / (NUM_CATS + HIDDEN)))
    emb = jax.random.uniform(k_w, (NUM_FEATS, NUM_CATS, HIDDEN), minval=-bound, maxval=bound, dtype=jnp.float32)
    return {"x": x, "emb": emb}


def reference(x, emb):
    x = x.astype(jnp.int32)
    out = jnp.zeros((x.shape[0], emb.shape[-1]), dtype=emb.dtype)
    for i in range(NUM_FEATS):
        out = out + jnp.take(emb[i], x[:, i], axis=0)
    return out

if __name__ == "__main__":
    import jax
    _d = setup_inputs()
    print(jax.jit(kernel)(*tuple(_d.values())))

</pallas_src>

<mosaic_0001>
#map = affine_map<(d0, d1) -> (0)>
module attributes {stable_mosaic.version = 14 : i64} {
  func.func @_sc_encode(%arg0: i32, %arg1: i32, %arg2: memref<1100000xi32, #tpu.memory_space<hbm>>, %arg3: memref<29568xf32, #tpu.memory_space<hbm>>, %arg4: memref<12800000xf32, #tpu.memory_space<hbm>>, %arg5: memref<91392xi32, #tpu.memory_space<vmem>>, %arg6: memref<1424xi32, #tpu.memory_space<vmem>>, %arg7: memref<1424xi32, #tpu.memory_space<vmem>>, %arg8: memref<16000xf32, #tpu.memory_space<vmem>>, %arg9: memref<16000xf32, #tpu.memory_space<vmem>>, %arg10: memref<!tpu.dma_semaphore, #tpu.memory_space<semaphore_mem>>, %arg11: memref<!tpu.dma_semaphore, #tpu.memory_space<semaphore_mem>>, %arg12: memref<!tpu.dma_semaphore, #tpu.memory_space<semaphore_mem>>, %arg13: memref<!tpu.dma_semaphore, #tpu.memory_space<semaphore_mem>>) attributes {dimension_semantics = [#tpu.dimension_semantics<core_parallel>, #tpu.dimension_semantics<subcore_parallel>], iteration_bounds = array<i64: 2, 16>, scalar_prefetch = 0 : i64, scratch_operands = 9 : i64, tpu.core_type = #tpu.core_type<sc_vector_subcore>, window_params = [{transform_indices = #map}, {transform_indices = #map}, {transform_indices = #map}]} {
    %mul3A = arith.constant 2 : i32
    %mul3A_0 = arith.muli %arg1, %mul3A : i32
    %add3A = arith.addi %mul3A_0, %arg0 : i32
    %mul3A_1 = arith.constant 3125 : i32
    %mul3A_2 = arith.muli %add3A, %mul3A_1 : i32
    %add3A_3 = arith.constant 0 : i32
    %add3A_4 = arith.addi %mul3A_2, %add3A_3 : i32
    %mul3A_5 = arith.constant 11 : i32
    %mul3A_6 = arith.muli %add3A_4, %mul3A_5 : i32
    %jit3A = arith.constant 8 : i32
    %div3A = arith.divsi %mul3A_6, %jit3A : i32
    %sign3A = arith.constant 0 : i32
    %sign3A_7 = arith.cmpi sgt, %mul3A_6, %sign3A : i32
    %sign3A_8 = arith.extui %sign3A_7 : i1 to i32
    %sign3A_9 = arith.constant 0 : i32
    %sign3A_10 = arith.cmpi slt, %mul3A_6, %sign3A_9 : i32
    %sign3A_11 = arith.extui %sign3A_10 : i1 to i32
    %sign3A_12 = arith.subi %sign3A_8, %sign3A_11 : i32
    %sign3A_13 = arith.constant 0 : i32
    %sign3A_14 = arith.cmpi sgt, %jit3A, %sign3A_13 : i32
    %sign3A_15 = arith.extui %sign3A_14 : i1 to i32
    %sign3A_16 = arith.constant 0 : i32
    %sign3A_17 = arith.cmpi slt, %jit3A, %sign3A_16 : i32
    %sign3A_18 = arith.extui %sign3A_17 : i1 to i32
    %sign3A_19 = arith.subi %sign3A_15, %sign3A_18 : i32
    %ne3A = arith.cmpi ne, %sign3A_12, %sign3A_19 : i32
    %rem3A = arith.remsi %mul3A_6, %jit3A : i32
    %ne3A_20 = arith.constant 0 : i32
    %ne3A_21 = arith.cmpi ne, %rem3A, %ne3A_20 : i32
    %and3A = arith.andi %ne3A, %ne3A_21 : i1
    %sub3A = arith.constant 1 : i32
    %sub3A_22 = arith.subi %div3A, %sub3A : i32
    %select_n3A = arith.select %and3A, %sub3A_22, %div3A : i32
    %mul3A_23 = arith.constant 8 : i32
    %mul3A_24 = arith.muli %select_n3A, %mul3A_23 : i32
    %min3A = arith.constant 1098592 : i32
    %min3A_25 = arith.minsi %mul3A_24, %min3A : i32
    %dma_start3A = arith.constant 0 : i32
    %dma_start3A_26 = tpu.memref_slice %arg6[%dma_start3A] : memref<1424xi32, #tpu.memory_space<vmem>> -> memref<1408xi32, #tpu.memory_space<vmem>>
    %dma_start3A_27 = tpu.memref_slice %arg2[%min3A_25] : memref<1100000xi32, #tpu.memory_space<hbm>> -> memref<1408xi32, #tpu.memory_space<hbm>>
    %dma_start3A_28 = arith.constant 0 : i32
    %dma_start3A_29 = tpu.memref_slice %arg6[%dma_start3A_28] : memref<1424xi32, #tpu.memory_space<vmem>> -> memref<1408xi32, #tpu.memory_space<vmem>>
    %dma_start3A_30 = tpu.memref_slice %arg2[%min3A_25] : memref<1100000xi32, #tpu.memory_space<hbm>> -> memref<1408xi32, #tpu.memory_space<hbm>>
    tpu.enqueue_dma source(%dma_start3A_30 : memref<1408xi32, #tpu.memory_space<hbm>>) target(%dma_start3A_29 : memref<1408xi32, #tpu.memory_space<vmem>>) target_semaphore(%arg12 : memref<!tpu.dma_semaphore, #tpu.memory_space<semaphore_mem>>)
    "tpu.region"() ({
      %run_scoped3A = tpu.sem_alloc : memref<!tpu.dma_semaphore, #tpu.memory_space<semaphore_mem>>
      %dma_start3A_157 = arith.constant 0 : i32
      %dma_start3A_158 = tpu.memref_slice %arg8[%dma_start3A_157] : memref<16000xf32, #tpu.memory_space<vmem>> -> memref<5376xf32, #tpu.memory_space<vmem>>
      %dma_start3A_159 = arith.constant 0 : i32
      %dma_start3A_160 = tpu.memref_slice %arg3[%dma_start3A_159] : memref<29568xf32, #tpu.memory_space<hbm>> -> memref<5376xf32, #tpu.memory_space<hbm>>
      %dma_start3A_161 = arith.constant 0 : i32
      %dma_start3A_162 = tpu.memref_slice %arg8[%dma_start3A_161] : memref<16000xf32, #tpu.memory_space<vmem>> -> memref<5376xf32, #tpu.memory_space<vmem>>
      %dma_start3A_163 = arith.constant 0 : i32
      %dma_start3A_164 = tpu.memref_slice %arg3[%dma_start3A_163] : memref<29568xf32, #tpu.memory_space<hbm>> -> memref<5376xf32, #tpu.memory_space<hbm>>
      tpu.enqueue_dma source(%dma_start3A_164 : memref<5376xf32, #tpu.memory_space<hbm>>) target(%dma_start3A_162 : memref<5376xf32, #tpu.memory_space<vmem>>) target_semaphore(%run_scoped3A : memref<!tpu.dma_semaphore, #tpu.memory_space<semaphore_mem>>)
      %dma_wait3A_165 = arith.constant 0 : i32
      %dma_wait3A_166 = tpu.memref_slice %arg8[%dma_wait3A_165] : memref<16000xf32, #tpu.memory_space<vmem>> -> memref<5376xf32, #tpu.memory_space<vmem>>
      %dma_wait3A_167 = arith.constant 0 : i32
      %dma_wait3A_168 = tpu.memref_slice %arg3[%dma_wait3A_167] : memref<29568xf32, #tpu.memory_space<hbm>> -> memref<5376xf32, #tpu.memory_space<hbm>>
      %dma_wait3A_169 = arith.constant 0 : i32
      %dma_wait3A_170 = tpu.memref_slice %arg8[%dma_wait3A_169] : memref<16000xf32, #tpu.memory_space<vmem>> -> memref<5376xf32, #tpu.memory_space<vmem>>
      %dma_wait3A_171 = arith.constant 0 : i32
      %dma_wait3A_172 = tpu.memref_slice %arg3[%dma_wait3A_171] : memref<29568xf32, #tpu.memory_space<hbm>> -> memref<5376xf32, #tpu.memory_space<hbm>>
      tpu.wait_dma2 semaphore(%run_scoped3A : memref<!tpu.dma_semaphore, #tpu.memory_space<semaphore_mem>>) src(%dma_wait3A_172 : memref<5376xf32, #tpu.memory_space<hbm>>) dst(%dma_wait3A_170 : memref<5376xf32, #tpu.memory_space<vmem>>)
      tpu.yield
    }) : () -> ()
    %scan3A = arith.constant 0 : i32
    %scan3A_31 = arith.constant 0 : i32
    %scan3A_32 = arith.constant 21 : i32
    %scan3A_33 = arith.addi %scan3A_31, %scan3A_32 : i32
    %scan3A_34 = arith.constant 1 : i32
    scf.for %scan3A_157 = %scan3A_31 to %scan3A_33 step %scan3A_34  : i32 {
      %mul3A_158 = arith.constant 128 : i32
      %mul3A_159 = arith.muli %scan3A_157, %mul3A_158 : i32
      %parallel_loop3A_160 = arith.constant 0 : i32
      %parallel_loop3A_161 = arith.constant 21 : i32
      %parallel_loop3A_162 = arith.constant 1 : i32
      scf.for %parallel_loop3A_163 = %parallel_loop3A_160 to %parallel_loop3A_161 step %parallel_loop3A_162  : i32 {
        %parallel_loop3A_164 = arith.constant 128 : i32
        %parallel_loop3A_165 = arith.muli %parallel_loop3A_163, %parallel_loop3A_164 : i32
        %parallel_loop3A_166 = arith.constant 2688 : i32
        %parallel_loop3A_167 = arith.addi %parallel_loop3A_166, %parallel_loop3A_165 : i32
        %parallel_loop3A_168 = arith.constant 21 : i32
        %parallel_loop3A_169 = arith.muli %scan3A_157, %parallel_loop3A_168 : i32
        %parallel_loop3A_170 = arith.constant 0 : i32
        %parallel_loop3A_171 = arith.addi %parallel_loop3A_170, %parallel_loop3A_169 : i32
        %parallel_loop3A_172 = arith.addi %parallel_loop3A_171, %parallel_loop3A_163 : i32
        %parallel_loop3A_173 = arith.constant 64 : i32
        %parallel_loop3A_174 = arith.muli %parallel_loop3A_172, %parallel_loop3A_173 : i32
        %parallel_loop3A_175 = arith.constant 0 : i32
        %parallel_loop3A_176 = arith.addi %mul3A_159, %parallel_loop3A_175 : i32
        %parallel_loop3A_177 = arith.index_cast %parallel_loop3A_176 : i32 to index
        %parallel_loop3A_178 = tpu.vector_load %arg8[%parallel_loop3A_177] {strides = array<i32>} : memref<16000xf32, #tpu.memory_space<vmem>>, vector<16xf32>,
        %parallel_loop3A_179 = arith.constant 0 : i32
        %parallel_loop3A_180 = arith.addi %parallel_loop3A_167, %parallel_loop3A_179 : i32
        %parallel_loop3A_181 = arith.index_cast %parallel_loop3A_180 : i32 to index
        %parallel_loop3A_182 = tpu.vector_load %arg8[%parallel_loop3A_181] {strides = array<i32>} : memref<16000xf32, #tpu.memory_space<vmem>>, vector<16xf32>,
        %parallel_loop3A_183 = arith.addf %parallel_loop3A_178, %parallel_loop3A_182 : vector<16xf32>
        %parallel_loop3A_184 = arith.constant 0 : i32
        %parallel_loop3A_185 = arith.addi %mul3A_159, %parallel_loop3A_184 : i32
        %parallel_loop3A_186 = arith.constant 16 : i32
        %parallel_loop3A_187 = arith.addi %parallel_loop3A_185, %parallel_loop3A_186 : i32
        %parallel_loop3A_188 = arith.index_cast %parallel_loop3A_187 : i32 to index
        %parallel_loop3A_189 = tpu.vector_load %arg8[%parallel_loop3A_188] {strides = array<i32>} : memref<16000xf32, #tpu.memory_space<vmem>>, vector<16xf32>,
        %parallel_loop3A_190 = arith.constant 0 : i32
        %parallel_loop3A_191 = arith.addi %parallel_loop3A_167, %parallel_loop3A_190 : i32
        %parallel_loop3A_192 = arith.constant 16 : i32
        %parallel_loop3A_193 = arith.addi %parallel_loop3A_191, %parallel_loop3A_192 : i32
        %parallel_loop3A_194 = arith.index_cast %parallel_loop3A_193 : i32 to index
        %parallel_loop3A_195 = tpu.vector_load %arg8[%parallel_loop3A_194] {strides = array<i32>} : memref<16000xf32, #tpu.memory_space<vmem>>, vector<16xf32>,
        %parallel_loop3A_196 = arith.addf %parallel_loop3A_189, %parallel_loop3A_195 : vector<16xf32>
        %parallel_loop3A_197 = tpu.pack_subelements %parallel_loop3A_183, %parallel_loop3A_196 {pack_format = #tpu.pack_format<interleaved>, positions = array<i32: 0, 1>} : vector<16xf32>, vector<16xf32> -> vector<32xbf16>
        %parallel_loop3A_198 = vector.bitcast %parallel_loop3A_197 : vector<32xbf16> to vector<16xi32>
        %parallel_loop3A_199 = arith.constant 0 : i32
        %parallel_loop3A_200 = arith.addi %parallel_loop3A_174, %parallel_loop3A_199 : i32
        %parallel_loop3A_201 = arith.index_cast %parallel_loop3A_200 : i32 to index
        %parallel_loop3A_202 = tpu.vector_load %arg5[%parallel_loop3A_201] {strides = array<i32>} : memref<91392xi32, #tpu.memory_space<vmem>>, vector<16xi32>,
        tpu.vector_store %arg5[%parallel_loop3A_201], %parallel_loop3A_198 {strides = array<i32>} : memref<91392xi32, #tpu.memory_space<vmem>>, vector<16xi32>,
        %parallel_loop3A_203 = arith.constant 32 : i32
        %parallel_loop3A_204 = arith.addi %mul3A_159, %parallel_loop3A_203 : i32
        %parallel_loop3A_205 = arith.index_cast %parallel_loop3A_204 : i32 to index
        %parallel_loop3A_206 = tpu.vector_load %arg8[%parallel_loop3A_205] {strides = array<i32>} : memref<16000xf32, #tpu.memory_space<vmem>>, vector<16xf32>,
        %parallel_loop3A_207 = arith.constant 32 : i32
        %parallel_loop3A_208 = arith.addi %parallel_loop3A_167, %parallel_loop3A_207 : i32
        %parallel_loop3A_209 = arith.index_cast %parallel_loop3A_208 : i32 to index
        %parallel_loop3A_210 = tpu.vector_load %arg8[%parallel_loop3A_209] {strides = array<i32>} : memref<16000xf32, #tpu.memory_space<vmem>>, vector<16xf32>,
        %parallel_loop3A_211 = arith.addf %parallel_loop3A_206, %parallel_loop3A_210 : vector<16xf32>
        %parallel_loop3A_212 = arith.constant 32 : i32
        %parallel_loop3A_213 = arith.addi %mul3A_159, %parallel_loop3A_212 : i32
        %parallel_loop3A_214 = arith.constant 16 : i32
        %parallel_loop3A_215 = arith.addi %parallel_loop3A_213, %parallel_loop3A_214 : i32
        %parallel_loop3A_216 = arith.index_cast %parallel_loop3A_215 : i32 to index
        %parallel_loop3A_217 = tpu.vector_load %arg8[%parallel_loop3A_216] {strides = array<i32>} : memref<16000xf32, #tpu.memory_space<vmem>>, vector<16xf32>,
        %parallel_loop3A_218 = arith.constant 32 : i32
        %parallel_loop3A_219 = arith.addi %parallel_loop3A_167, %parallel_loop3A_218 : i32
        %parallel_loop3A_220 = arith.constant 16 : i32
        %parallel_loop3A_221 = arith.addi %parallel_loop3A_219, %parallel_loop3A_220 : i32
        %parallel_loop3A_222 = arith.index_cast %parallel_loop3A_221 : i32 to index
        %parallel_loop3A_223 = tpu.vector_load %arg8[%parallel_loop3A_222] {strides = array<i32>} : memref<16000xf32, #tpu.memory_space<vmem>>, vector<16xf32>,
        %parallel_loop3A_224 = arith.addf %parallel_loop3A_217, %parallel_loop3A_223 : vector<16xf32>
        %parallel_loop3A_225 = tpu.pack_subelements %parallel_loop3A_211, %parallel_loop3A_224 {pack_format = #tpu.pack_format<interleaved>, positions = array<i32: 0, 1>} : vector<16xf32>, vector<16xf32> -> vector<32xbf16>
        %parallel_loop3A_226 = vector.bitcast %parallel_loop3A_225 : vector<32xbf16> to vector<16xi32>
        %parallel_loop3A_227 = arith.constant 16 : i32
        %parallel_loop3A_228 = arith.addi %parallel_loop3A_174, %parallel_loop3A_227 : i32
        %parallel_loop3A_229 = arith.index_cast %parallel_loop3A_228 : i32 to index
        %parallel_loop3A_230 = tpu.vector_load %arg5[%parallel_loop3A_229] {strides = array<i32>} : memref<91392xi32, #tpu.memory_space<vmem>>, vector<16xi32>,
        tpu.vector_store %arg5[%parallel_loop3A_229], %parallel_loop3A_226 {strides = array<i32>} : memref<91392xi32, #tpu.memory_space<vmem>>, vector<16xi32>,
        %parallel_loop3A_231 = arith.constant 64 : i32
        %parallel_loop3A_232 = arith.addi %mul3A_159, %parallel_loop3A_231 : i32
        %parallel_loop3A_233 = arith.index_cast %parallel_loop3A_232 : i32 to index
        %parallel_loop3A_234 = tpu.vector_load %arg8[%parallel_loop3A_233] {strides = array<i32>} : memref<16000xf32, #tpu.memory_space<vmem>>, vector<16xf32>,
        %parallel_loop3A_235 = arith.constant 64 : i32
        %parallel_loop3A_236 = arith.addi %parallel_loop3A_167, %parallel_loop3A_235 : i32
        %parallel_loop3A_237 = arith.index_cast %parallel_loop3A_236 : i32 to index
        %parallel_loop3A_238 = tpu.vector_load %arg8[%parallel_loop3A_237] {strides = array<i32>} : memref<16000xf32, #tpu.memory_space<vmem>>, vector<16xf32>,
        %parallel_loop3A_239 = arith.addf %parallel_loop3A_234, %parallel_loop3A_238 : vector<16xf32>
        %parallel_loop3A_240 = arith.constant 64 : i32
        %parallel_loop3A_241 = arith.addi %mul3A_159, %parallel_loop3A_240 : i32
        %parallel_loop3A_242 = arith.constant 16 : i32
        %parallel_loop3A_243 = arith.addi %parallel_loop3A_241, %parallel_loop3A_242 : i32
        %parallel_loop3A_244 = arith.index_cast %parallel_loop3A_243 : i32 to index
        %parallel_loop3A_245 = tpu.vector_load %arg8[%parallel_loop3A_244] {strides = array<i32>} : memref<16000xf32, #tpu.memory_space<vmem>>, vector<16xf32>,
        %parallel_loop3A_246 = arith.constant 64 : i32
        %parallel_loop3A_247 = arith.addi %parallel_loop3A_167, %parallel_loop3A_246 : i32
        %parallel_loop3A_248 = arith.constant 16 : i32
        %parallel_loop3A_249 = arith.addi %parallel_loop3A_247, %parallel_loop3A_248 : i32
        %parallel_loop3A_250 = arith.index_cast %parallel_loop3A_249 : i32 to index
        %parallel_loop3A_251 = tpu.vector_load %arg8[%parallel_loop3A_250] {strides = array<i32>} : memref<16000xf32, #tpu.memory_space<vmem>>, vector<16xf32>,
        %parallel_loop3A_252 = arith.addf %parallel_loop3A_245, %parallel_loop3A_251 : vector<16xf32>
        %parallel_loop3A_253 = tpu.pack_subelements %parallel_loop3A_239, %parallel_loop3A_252 {pack_format = #tpu.pack_format<interleaved>, positions = array<i32: 0, 1>} : vector<16xf32>, vector<16xf32> -> vector<32xbf16>
        %parallel_loop3A_254 = vector.bitcast %parallel_loop3A_253 : vector<32xbf16> to vector<16xi32>
        %parallel_loop3A_255 = arith.constant 32 : i32
        %parallel_loop3A_256 = arith.addi %parallel_loop3A_174, %parallel_loop3A_255 : i32
        %parallel_loop3A_257 = arith.index_cast %parallel_loop3A_256 : i32 to index
        %parallel_loop3A_258 = tpu.vector_load %arg5[%parallel_loop3A_257] {strides = array<i32>} : memref<91392xi32, #tpu.memory_space<vmem>>, vector<16xi32>,
        tpu.vector_store %arg5[%parallel_loop3A_257], %parallel_loop3A_254 {strides = array<i32>} : memref<91392xi32, #tpu.memory_space<vmem>>, vector<16xi32>,
        %parallel_loop3A_259 = arith.constant 96 : i32
        %parallel_loop3A_260 = arith.addi %mul3A_159, %parallel_loop3A_259 : i32
        %parallel_loop3A_261 = arith.index_cast %parallel_loop3A_260 : i32 to index
        %parallel_loop3A_262 = tpu.vector_load %arg8[%parallel_loop3A_261] {strides = array<i32>} : memref<16000xf32, #tpu.memory_space<vmem>>, vector<16xf32>,
        %parallel_loop3A_263 = arith.constant 96 : i32
        %parallel_loop3A_264 = arith.addi %parallel_loop3A_167, %parallel_loop3A_263 : i32
        %parallel_loop3A_265 = arith.index_cast %parallel_loop3A_264 : i32 to index
        %parallel_loop3A_266 = tpu.vector_load %arg8[%parallel_loop3A_265] {strides = array<i32>} : memref<16000xf32, #tpu.memory_space<vmem>>, vector<16xf32>,
        %parallel_loop3A_267 = arith.addf %parallel_loop3A_262, %parallel_loop3A_266 : vector<16xf32>
        %parallel_loop3A_268 = arith.constant 96 : i32
        %parallel_loop3A_269 = arith.addi %mul3A_159, %parallel_loop3A_268 : i32
        %parallel_loop3A_270 = arith.constant 16 : i32
        %parallel_loop3A_271 = arith.addi %parallel_loop3A_269, %parallel_loop3A_270 : i32
        %parallel_loop3A_272 = arith.index_cast %parallel_loop3A_271 : i32 to index
        %parallel_loop3A_273 = tpu.vector_load %arg8[%parallel_loop3A_272] {strides = array<i32>} : memref<16000xf32, #tpu.memory_space<vmem>>, vector<16xf32>,
        %parallel_loop3A_274 = arith.constant 96 : i32
        %parallel_loop3A_275 = arith.addi %parallel_loop3A_167, %parallel_loop3A_274 : i32
        %parallel_loop3A_276 = arith.constant 16 : i32
        %parallel_loop3A_277 = arith.addi %parallel_loop3A_275, %parallel_loop3A_276 : i32
        %parallel_loop3A_278 = arith.index_cast %parallel_loop3A_277 : i32 to index
        %parallel_loop3A_279 = tpu.vector_load %arg8[%parallel_loop3A_278] {strides = array<i32>} : memref<16000xf32, #tpu.memory_space<vmem>>, vector<16xf32>,
        %parallel_loop3A_280 = arith.addf %parallel_loop3A_273, %parallel_loop3A_279 : vector<16xf32>
        %parallel_loop3A_281 = tpu.pack_subelements %parallel_loop3A_267, %parallel_loop3A_280 {pack_format = #tpu.pack_format<interleaved>, positions = array<i32: 0, 1>} : vector<16xf32>, vector<16xf32> -> vector<32xbf16>
        %parallel_loop3A_282 = vector.bitcast %parallel_loop3A_281 : vector<32xbf16> to vector<16xi32>
        %parallel_loop3A_283 = arith.constant 48 : i32
        %parallel_loop3A_284 = arith.addi %parallel_loop3A_174, %parallel_loop3A_283 : i32
        %parallel_loop3A_285 = arith.index_cast %parallel_loop3A_284 : i32 to index
        %parallel_loop3A_286 = tpu.vector_load %arg5[%parallel_loop3A_285] {strides = array<i32>} : memref<91392xi32, #tpu.memory_space<vmem>>, vector<16xi32>,
        tpu.vector_store %arg5[%parallel_loop3A_285], %parallel_loop3A_282 {strides = array<i32>} : memref<91392xi32, #tpu.memory_space<vmem>>, vector<16xi32>,
      } {sc.loop_unroll_factor = 3 : i64, sc.parallel_access}
    }
    %scan3A_35 = arith.constant 21 : i32
    "tpu.region"() ({
      %run_scoped3A = tpu.sem_alloc : memref<!tpu.dma_semaphore, #tpu.memory_space<semaphore_mem>>
      %dma_start3A_157 = arith.constant 0 : i32
      %dma_start3A_158 = tpu.memref_slice %arg8[%dma_start3A_157] : memref<16000xf32, #tpu.memory_space<vmem>> -> memref<5376xf32, #tpu.memory_space<vmem>>
      %dma_start3A_159 = arith.constant 5376 : i32
      %dma_start3A_160 = tpu.memref_slice %arg3[%dma_start3A_159] : memref<29568xf32, #tpu.memory_space<hbm>> -> memref<5376xf32, #tpu.memory_space<hbm>>
      %dma_start3A_161 = arith.constant 0 : i32
      %dma_start3A_162 = tpu.memref_slice %arg8[%dma_start3A_161] : memref<16000xf32, #tpu.memory_space<vmem>> -> memref<5376xf32, #tpu.memory_space<vmem>>
      %dma_start3A_163 = arith.constant 5376 : i32
      %dma_start3A_164 = tpu.memref_slice %arg3[%dma_start3A_163] : memref<29568xf32, #tpu.memory_space<hbm>> -> memref<5376xf32, #tpu.memory_space<hbm>>
      tpu.enqueue_dma source(%dma_start3A_164 : memref<5376xf32, #tpu.memory_space<hbm>>) target(%dma_start3A_162 : memref<5376xf32, #tpu.memory_space<vmem>>) target_semaphore(%run_scoped3A : memref<!tpu.dma_semaphore, #tpu.memory_space<semaphore_mem>>)
      %dma_wait3A_165 = arith.constant 0 : i32
      %dma_wait3A_166 = tpu.memref_slice %arg8[%dma_wait3A_165] : memref<16000xf32, #tpu.memory_space<vmem>> -> memref<5376xf32, #tpu.memory_space<vmem>>
      %dma_wait3A_167 = arith.constant 5376 : i32
      %dma_wait3A_168 = tpu.memref_slice %arg3[%dma_wait3A_167] : memref<29568xf32, #tpu.memory_space<hbm>> -> memref<5376xf32, #tpu.memory_space<hbm>>
      %dma_wait3A_169 = arith.constant 0 : i32
      %dma_wait3A_170 = tpu.memref_slice %arg8[%dma_wait3A_169] : memref<16000xf32, #tpu.memory_space<vmem>> -> memref<5376xf32, #tpu.memory_space<vmem>>
      %dma_wait3A_171 = arith.constant 5376 : i32
      %dma_wait3A_172 = tpu.memref_slice %arg3[%dma_wait3A_171] : memref<29568xf32, #tpu.memory_space<hbm>> -> memref<5376xf32, #tpu.memory_space<hbm>>
      tpu.wait_dma2 semaphore(%run_scoped3A : memref<!tpu.dma_semaphore, #tpu.memory_space<semaphore_mem>>) src(%dma_wait3A_172 : memref<5376xf32, #tpu.memory_space<hbm>>) dst(%dma_wait3A_170 : memref<5376xf32, #tpu.memory_space<vmem>>)
      tpu.yield
    }) : () -> ()
    %scan3A_36 = arith.constant 0 : i32
    %scan3A_37 = arith.constant 0 : i32
    %scan3A_38 = arith.constant 21 : i32
    %scan3A_39 = arith.addi %scan3A_37, %scan3A_38 : i32
    %scan3A_40 = arith.constant 1 : i32
    scf.for %scan3A_157 = %scan3A_37 to %scan3A_39 step %scan3A_40  : i32 {
      %mul3A_158 = arith.constant 128 : i32
      %mul3A_159 = arith.muli %scan3A_157, %mul3A_158 : i32
      %parallel_loop3A_160 = arith.constant 0 : i32
      %parallel_loop3A_161 = arith.constant 21 : i32
      %parallel_loop3A_162 = arith.constant 1 : i32
      scf.for %parallel_loop3A_163 = %parallel_loop3A_160 to %parallel_loop3A_161 step %parallel_loop3A_162  : i32 {
        %parallel_loop3A_164 = arith.constant 128 : i32
        %parallel_loop3A_165 = arith.muli %parallel_loop3A_163, %parallel_loop3A_164 : i32
        %parallel_loop3A_166 = arith.constant 2688 : i32
        %parallel_loop3A_167 = arith.addi %parallel_loop3A_166, %parallel_loop3A_165 : i32
        %parallel_loop3A_168 = arith.constant 21 : i32
        %parallel_loop3A_169 = arith.muli %scan3A_157, %parallel_loop3A_168 : i32
        %parallel_loop3A_170 = arith.constant 441 : i32
        %parallel_loop3A_171 = arith.addi %parallel_loop3A_170, %parallel_loop3A_169 : i32
        %parallel_loop3A_172 = arith.addi %parallel_loop3A_171, %parallel_loop3A_163 : i32
        %parallel_loop3A_173 = arith.constant 64 : i32
        %parallel_loop3A_174 = arith.muli %parallel_loop3A_172, %parallel_loop3A_173 : i32
        %parallel_loop3A_175 = arith.constant 0 : i32
        %parallel_loop3A_176 = arith.addi %mul3A_159, %parallel_loop3A_175 : i32
        %parallel_loop3A_177 = arith.index_cast %parallel_loop3A_176 : i32 to index
        %parallel_loop3A_178 = tpu.vector_load %arg8[%parallel_loop3A_177] {strides = array<i32>} : memref<16000xf32, #tpu.memory_space<vmem>>, vector<16xf32>,
        %parallel_loop3A_179 = arith.constant 0 : i32
        %parallel_loop3A_180 = arith.addi %parallel_loop3A_167, %parallel_loop3A_179 : i32
        %parallel_loop3A_181 = arith.index_cast %parallel_loop3A_180 : i32 to index
        %parallel_loop3A_182 = tpu.vector_load %arg8[%parallel_loop3A_181] {strides = array<i32>} : memref<16000xf32, #tpu.memory_space<vmem>>, vector<16xf32>,
        %parallel_loop3A_183 = arith.addf %parallel_loop3A_178, %parallel_loop3A_182 : vector<16xf32>
        %parallel_loop3A_184 = arith.constant 0 : i32
        %parallel_loop3A_185 = arith.addi %mul3A_159, %parallel_loop3A_184 : i32
        %parallel_loop3A_186 = arith.constant 16 : i32
        %parallel_loop3A_187 = arith.addi %parallel_loop3A_185, %parallel_loop3A_186 : i32
        %parallel_loop3A_188 = arith.index_cast %parallel_loop3A_187 : i32 to index
        %parallel_loop3A_189 = tpu.vector_load %arg8[%parallel_loop3A_188] {strides = array<i32>} : memref<16000xf32, #tpu.memory_space<vmem>>, vector<16xf32>,
        %parallel_loop3A_190 = arith.constant 0 : i32
        %parallel_loop3A_191 = arith.addi %parallel_loop3A_167, %parallel_loop3A_190 : i32
        %parallel_loop3A_192 = arith.constant 16 : i32
        %parallel_loop3A_193 = arith.addi %parallel_loop3A_191, %parallel_loop3A_192 : i32
        %parallel_loop3A_194 = arith.index_cast %parallel_loop3A_193 : i32 to index
        %parallel_loop3A_195 = tpu.vector_load %arg8[%parallel_loop3A_194] {strides = array<i32>} : memref<16000xf32, #tpu.memory_space<vmem>>, vector<16xf32>,
        %parallel_loop3A_196 = arith.addf %parallel_loop3A_189, %parallel_loop3A_195 : vector<16xf32>
        %parallel_loop3A_197 = tpu.pack_subelements %parallel_loop3A_183, %parallel_loop3A_196 {pack_format = #tpu.pack_format<interleaved>, positions = array<i32: 0, 1>} : vector<16xf32>, vector<16xf32> -> vector<32xbf16>
        %parallel_loop3A_198 = vector.bitcast %parallel_loop3A_197 : vector<32xbf16> to vector<16xi32>
        %parallel_loop3A_199 = arith.constant 0 : i32
        %parallel_loop3A_200 = arith.addi %parallel_loop3A_174, %parallel_loop3A_199 : i32
        %parallel_loop3A_201 = arith.index_cast %parallel_loop3A_200 : i32 to index
        %parallel_loop3A_202 = tpu.vector_load %arg5[%parallel_loop3A_201] {strides = array<i32>} : memref<91392xi32, #tpu.memory_space<vmem>>, vector<16xi32>,
        tpu.vector_store %arg5[%parallel_loop3A_201], %parallel_loop3A_198 {strides = array<i32>} : memref<91392xi32, #tpu.memory_space<vmem>>, vector<16xi32>,
        %parallel_loop3A_203 = arith.constant 32 : i32
        %parallel_loop3A_204 = arith.addi %mul3A_159, %parallel_loop3A_203 : i32
        %parallel_loop3A_205 = arith.index_cast %parallel_loop3A_204 : i32 to index
        %parallel_loop3A_206 = tpu.vector_load %arg8[%parallel_loop3A_205] {strides = array<i32>} : memref<16000xf32, #tpu.memory_space<vmem>>, vector<16xf32>,
        %parallel_loop3A_207 = arith.constant 32 : i32
        %parallel_loop3A_208 = arith.addi %parallel_loop3A_167, %parallel_loop3A_207 : i32
        %parallel_loop3A_209 = arith.index_cast %parallel_loop3A_208 : i32 to index
        %parallel_loop3A_210 = tpu.vector_load %arg8[%parallel_loop3A_209] {strides = array<i32>} : memref<16000xf32, #tpu.memory_space<vmem>>, vector<16xf32>,
        %parallel_loop3A_211 = arith.addf %parallel_loop3A_206, %parallel_loop3A_210 : vector<16xf32>
        %parallel_loop3A_212 = arith.constant 32 : i32
        %parallel_loop3A_213 = arith.addi %mul3A_159, %parallel_loop3A_212 : i32
        %parallel_loop3A_214 = arith.constant 16 : i32
        %parallel_loop3A_215 = arith.addi %parallel_loop3A_213, %parallel_loop3A_214 : i32
        %parallel_loop3A_216 = arith.index_cast %parallel_loop3A_215 : i32 to index
        %parallel_loop3A_217 = tpu.vector_load %arg8[%parallel_loop3A_216] {strides = array<i32>} : memref<16000xf32, #tpu.memory_space<vmem>>, vector<16xf32>,
        %parallel_loop3A_218 = arith.constant 32 : i32
        %parallel_loop3A_219 = arith.addi %parallel_loop3A_167, %parallel_loop3A_218 : i32
        %parallel_loop3A_220 = arith.constant 16 : i32
        %parallel_loop3A_221 = arith.addi %parallel_loop3A_219, %parallel_loop3A_220 : i32
        %parallel_loop3A_222 = arith.index_cast %parallel_loop3A_221 : i32 to index
        %parallel_loop3A_223 = tpu.vector_load %arg8[%parallel_loop3A_222] {strides = array<i32>} : memref<16000xf32, #tpu.memory_space<vmem>>, vector<16xf32>,
        %parallel_loop3A_224 = arith.addf %parallel_loop3A_217, %parallel_loop3A_223 : vector<16xf32>
        %parallel_loop3A_225 = tpu.pack_subelements %parallel_loop3A_211, %parallel_loop3A_224 {pack_format = #tpu.pack_format<interleaved>, positions = array<i32: 0, 1>} : vector<16xf32>, vector<16xf32> -> vector<32xbf16>
        %parallel_loop3A_226 = vector.bitcast %parallel_loop3A_225 : vector<32xbf16> to vector<16xi32>
        %parallel_loop3A_227 = arith.constant 16 : i32
        %parallel_loop3A_228 = arith.addi %parallel_loop3A_174, %parallel_loop3A_227 : i32
        %parallel_loop3A_229 = arith.index_cast %parallel_loop3A_228 : i32 to index
        %parallel_loop3A_230 = tpu.vector_load %arg5[%parallel_loop3A_229] {strides = array<i32>} : memref<91392xi32, #tpu.memory_space<vmem>>, vector<16xi32>,
        tpu.vector_store %arg5[%parallel_loop3A_229], %parallel_loop3A_226 {strides = array<i32>} : memref<91392xi32, #tpu.memory_space<vmem>>, vector<16xi32>,
        %parallel_loop3A_231 = arith.constant 64 : i32
        %parallel_loop3A_232 = arith.addi %mul3A_159, %parallel_loop3A_231 : i32
        %parallel_loop3A_233 = arith.index_cast %parallel_loop3A_232 : i32 to index
        %parallel_loop3A_234 = tpu.vector_load %arg8[%parallel_loop3A_233] {strides = array<i32>} : memref<16000xf32, #tpu.memory_space<vmem>>, vector<16xf32>,
        %parallel_loop3A_235 = arith.constant 64 : i32
        %parallel_loop3A_236 = arith.addi %parallel_loop3A_167, %parallel_loop3A_235 : i32
        %parallel_loop3A_237 = arith.index_cast %parallel_loop3A_236 : i32 to index
        %parallel_loop3A_238 = tpu.vector_load %arg8[%parallel_loop3A_237] {strides = array<i32>} : memref<16000xf32, #tpu.memory_space<vmem>>, vector<16xf32>,
        %parallel_loop3A_239 = arith.addf %parallel_loop3A_234, %parallel_loop3A_238 : vector<16xf32>
        %parallel_loop3A_240 = arith.constant 64 : i32
        %parallel_loop3A_241 = arith.addi %mul3A_159, %parallel_loop3A_240 : i32
        %parallel_loop3A_242 = arith.constant 16 : i32
        %parallel_loop3A_243 = arith.addi %parallel_loop3A_241, %parallel_loop3A_242 : i32
        %parallel_loop3A_244 = arith.index_cast %parallel_loop3A_243 : i32 to index
        %parallel_loop3A_245 = tpu.vector_load %arg8[%parallel_loop3A_244] {strides = array<i32>} : memref<16000xf32, #tpu.memory_space<vmem>>, vector<16xf32>,
        %parallel_loop3A_246 = arith.constant 64 : i32
        %parallel_loop3A_247 = arith.addi %parallel_loop3A_167, %parallel_loop3A_246 : i32
        %parallel_loop3A_248 = arith.constant 16 : i32
        %parallel_loop3A_249 = arith.addi %parallel_loop3A_247, %parallel_loop3A_248 : i32
        %parallel_loop3A_250 = arith.index_cast %parallel_loop3A_249 : i32 to index
        %parallel_loop3A_251 = tpu.vector_load %arg8[%parallel_loop3A_250] {strides = array<i32>} : memref<16000xf32, #tpu.memory_space<vmem>>, vector<16xf32>,
        %parallel_loop3A_252 = arith.addf %parallel_loop3A_245, %parallel_loop3A_251 : vector<16xf32>
        %parallel_loop3A_253 = tpu.pack_subelements %parallel_loop3A_239, %parallel_loop3A_252 {pack_format = #tpu.pack_format<interleaved>, positions = array<i32: 0, 1>} : vector<16xf32>, vector<16xf32> -> vector<32xbf16>
        %parallel_loop3A_254 = vector.bitcast %parallel_loop3A_253 : vector<32xbf16> to vector<16xi32>
        %parallel_loop3A_255 = arith.constant 32 : i32
        %parallel_loop3A_256 = arith.addi %parallel_loop3A_174, %parallel_loop3A_255 : i32
        %parallel_loop3A_257 = arith.index_cast %parallel_loop3A_256 : i32 to index
        %parallel_loop3A_258 = tpu.vector_load %arg5[%parallel_loop3A_257] {strides = array<i32>} : memref<91392xi32, #tpu.memory_space<vmem>>, vector<16xi32>,
        tpu.vector_store %arg5[%parallel_loop3A_257], %parallel_loop3A_254 {strides = array<i32>} : memref<91392xi32, #tpu.memory_space<vmem>>, vector<16xi32>,
        %parallel_loop3A_259 = arith.constant 96 : i32
        %parallel_loop3A_260 = arith.addi %mul3A_159, %parallel_loop3A_259 : i32
        %parallel_loop3A_261 = arith.index_cast %parallel_loop3A_260 : i32 to index
        %parallel_loop3A_262 = tpu.vector_load %arg8[%parallel_loop3A_261] {strides = array<i32>} : memref<16000xf32, #tpu.memory_space<vmem>>, vector<16xf32>,
        %parallel_loop3A_263 = arith.constant 96 : i32
        %parallel_loop3A_264 = arith.addi %parallel_loop3A_167, %parallel_loop3A_263 : i32
        %parallel_loop3A_265 = arith.index_cast %parallel_loop3A_264 : i32 to index
        %parallel_loop3A_266 = tpu.vector_load %arg8[%parallel_loop3A_265] {strides = array<i32>} : memref<16000xf32, #tpu.memory_space<vmem>>, vector<16xf32>,
        %parallel_loop3A_267 = arith.addf %parallel_loop3A_262, %parallel_loop3A_266 : vector<16xf32>
        %parallel_loop3A_268 = arith.constant 96 : i32
        %parallel_loop3A_269 = arith.addi %mul3A_159, %parallel_loop3A_268 : i32
        %parallel_loop3A_270 = arith.constant 16 : i32
        %parallel_loop3A_271 = arith.addi %parallel_loop3A_269, %parallel_loop3A_270 : i32
        %parallel_loop3A_272 = arith.index_cast %parallel_loop3A_271 : i32 to index
        %parallel_loop3A_273 = tpu.vector_load %arg8[%parallel_loop3A_272] {strides = array<i32>} : memref<16000xf32, #tpu.memory_space<vmem>>, vector<16xf32>,
        %parallel_loop3A_274 = arith.constant 96 : i32
        %parallel_loop3A_275 = arith.addi %parallel_loop3A_167, %parallel_loop3A_274 : i32
        %parallel_loop3A_276 = arith.constant 16 : i32
        %parallel_loop3A_277 = arith.addi %parallel_loop3A_275, %parallel_loop3A_276 : i32
        %parallel_loop3A_278 = arith.index_cast %parallel_loop3A_277 : i32 to index
        %parallel_loop3A_279 = tpu.vector_load %arg8[%parallel_loop3A_278] {strides = array<i32>} : memref<16000xf32, #tpu.memory_space<vmem>>, vector<16xf32>,
        %parallel_loop3A_280 = arith.addf %parallel_loop3A_273, %parallel_loop3A_279 : vector<16xf32>
        %parallel_loop3A_281 = tpu.pack_subelements %parallel_loop3A_267, %parallel_loop3A_280 {pack_format = #tpu.pack_format<interleaved>, positions = array<i32: 0, 1>} : vector<16xf32>, vector<16xf32> -> vector<32xbf16>
        %parallel_loop3A_282 = vector.bitcast %parallel_loop3A_281 : vector<32xbf16> to vector<16xi32>
        %parallel_loop3A_283 = arith.constant 48 : i32
        %parallel_loop3A_284 = arith.addi %parallel_loop3A_174, %parallel_loop3A_283 : i32
        %parallel_loop3A_285 = arith.index_cast %parallel_loop3A_284 : i32 to index
        %parallel_loop3A_286 = tpu.vector_load %arg5[%parallel_loop3A_285] {strides = array<i32>} : memref<91392xi32, #tpu.memory_space<vmem>>, vector<16xi32>,
        tpu.vector_store %arg5[%parallel_loop3A_285], %parallel_loop3A_282 {strides = array<i32>} : memref<91392xi32, #tpu.memory_space<vmem>>, vector<16xi32>,
      } {sc.loop_unroll_factor = 3 : i64, sc.parallel_access}
    }
    %scan3A_41 = arith.constant 21 : i32
    "tpu.region"() ({
      %run_scoped3A = tpu.sem_alloc : memref<!tpu.dma_semaphore, #tpu.memory_space<semaphore_mem>>
      %dma_start3A_157 = arith.constant 0 : i32
      %dma_start3A_158 = tpu.memref_slice %arg8[%dma_start3A_157] : memref<16000xf32, #tpu.memory_space<vmem>> -> memref<5376xf32, #tpu.memory_space<vmem>>
      %dma_start3A_159 = arith.constant 10752 : i32
      %dma_start3A_160 = tpu.memref_slice %arg3[%dma_start3A_159] : memref<29568xf32, #tpu.memory_space<hbm>> -> memref<5376xf32, #tpu.memory_space<hbm>>
      %dma_start3A_161 = arith.constant 0 : i32
      %dma_start3A_162 = tpu.memref_slice %arg8[%dma_start3A_161] : memref<16000xf32, #tpu.memory_space<vmem>> -> memref<5376xf32, #tpu.memory_space<vmem>>
      %dma_start3A_163 = arith.constant 10752 : i32
      %dma_start3A_164 = tpu.memref_slice %arg3[%dma_start3A_163] : memref<29568xf32, #tpu.memory_space<hbm>> -> memref<5376xf32, #tpu.memory_space<hbm>>
      tpu.enqueue_dma source(%dma_start3A_164 : memref<5376xf32, #tpu.memory_space<hbm>>) target(%dma_start3A_162 : memref<5376xf32, #tpu.memory_space<vmem>>) target_semaphore(%run_scoped3A : memref<!tpu.dma_semaphore, #tpu.memory_space<semaphore_mem>>)
      %dma_wait3A_165 = arith.constant 0 : i32
      %dma_wait3A_166 = tpu.memref_slice %arg8[%dma_wait3A_165] : memref<16000xf32, #tpu.memory_space<vmem>> -> memref<5376xf32, #tpu.memory_space<vmem>>
      %dma_wait3A_167 = arith.constant 10752 : i32
      %dma_wait3A_168 = tpu.memref_slice %arg3[%dma_wait3A_167] : memref<29568xf32, #tpu.memory_space<hbm>> -> memref<5376xf32, #tpu.memory_space<hbm>>
      %dma_wait3A_169 = arith.constant 0 : i32
      %dma_wait3A_170 = tpu.memref_slice %arg8[%dma_wait3A_169] : memref<16000xf32, #tpu.memory_space<vmem>> -> memref<5376xf32, #tpu.memory_space<vmem>>
      %dma_wait3A_171 = arith.constant 10752 : i32
      %dma_wait3A_172 = tpu.memref_slice %arg3[%dma_wait3A_171] : memref<29568xf32, #tpu.memory_space<hbm>> -> memref<5376xf32, #tpu.memory_space<hbm>>
      tpu.wait_dma2 semaphore(%run_scoped3A : memref<!tpu.dma_semaphore, #tpu.memory_space<semaphore_mem>>) src(%dma_wait3A_172 : memref<5376xf32, #tpu.memory_space<hbm>>) dst(%dma_wait3A_170 : memref<5376xf32, #tpu.memory_space<vmem>>)
      tpu.yield
    }) : () -> ()
    %scan3A_42 = arith.constant 0 : i32
    %scan3A_43 = arith.constant 0 : i32
    %scan3A_44 = arith.constant 21 : i32
    %scan3A_45 = arith.addi %scan3A_43, %scan3A_44 : i32
    %scan3A_46 = arith.constant 1 : i32
    scf.for %scan3A_157 = %scan3A_43 to %scan3A_45 step %scan3A_46  : i32 {
      %mul3A_158 = arith.constant 128 : i32
      %mul3A_159 = arith.muli %scan3A_157, %mul3A_158 : i32
      %parallel_loop3A_160 = arith.constant 0 : i32
      %parallel_loop3A_161 = arith.constant 21 : i32
      %parallel_loop3A_162 = arith.constant 1 : i32
      scf.for %parallel_loop3A_163 = %parallel_loop3A_160 to %parallel_loop3A_161 step %parallel_loop3A_162  : i32 {
        %parallel_loop3A_164 = arith.constant 128 : i32
        %parallel_loop3A_165 = arith.muli %parallel_loop3A_163, %parallel_loop3A_164 : i32
        %parallel_loop3A_166 = arith.constant 2688 : i32
        %parallel_loop3A_167 = arith.addi %parallel_loop3A_166, %parallel_loop3A_165 : i32
        %parallel_loop3A_168 = arith.constant 21 : i32
        %parallel_loop3A_169 = arith.muli %scan3A_157, %parallel_loop3A_168 : i32
        %parallel_loop3A_170 = arith.constant 882 : i32
        %parallel_loop3A_171 = arith.addi %parallel_loop3A_170, %parallel_loop3A_169 : i32
        %parallel_loop3A_172 = arith.addi %parallel_loop3A_171, %parallel_loop3A_163 : i32
        %parallel_loop3A_173 = arith.constant 64 : i32
        %parallel_loop3A_174 = arith.muli %parallel_loop3A_172, %parallel_loop3A_173 : i32
        %parallel_loop3A_175 = arith.constant 0 : i32
        %parallel_loop3A_176 = arith.addi %mul3A_159, %parallel_loop3A_175 : i32
        %parallel_loop3A_177 = arith.index_cast %parallel_loop3A_176 : i32 to index
        %parallel_loop3A_178 = tpu.vector_load %arg8[%parallel_loop3A_177] {strides = array<i32>} : memref<16000xf32, #tpu.memory_space<vmem>>, vector<16xf32>,
        %parallel_loop3A_179 = arith.constant 0 : i32
        %parallel_loop3A_180 = arith.addi %parallel_loop3A_167, %parallel_loop3A_179 : i32
        %parallel_loop3A_181 = arith.index_cast %parallel_loop3A_180 : i32 to index
        %parallel_loop3A_182 = tpu.vector_load %arg8[%parallel_loop3A_181] {strides = array<i32>} : memref<16000xf32, #tpu.memory_space<vmem>>, vector<16xf32>,
        %parallel_loop3A_183 = arith.addf %parallel_loop3A_178, %parallel_loop3A_182 : vector<16xf32>
        %parallel_loop3A_184 = arith.constant 0 : i32
        %parallel_loop3A_185 = arith.addi %mul3A_159, %parallel_loop3A_184 : i32
        %parallel_loop3A_186 = arith.constant 16 : i32
        %parallel_loop3A_187 = arith.addi %parallel_loop3A_185, %parallel_loop3A_186 : i32
        %parallel_loop3A_188 = arith.index_cast %parallel_loop3A_187 : i32 to index
        %parallel_loop3A_189 = tpu.vector_load %arg8[%parallel_loop3A_188] {strides = array<i32>} : memref<16000xf32, #tpu.memory_space<vmem>>, vector<16xf32>,
        %parallel_loop3A_190 = arith.constant 0 : i32
        %parallel_loop3A_191 = arith.addi %parallel_loop3A_167, %parallel_loop3A_190 : i32
        %parallel_loop3A_192 = arith.constant 16 : i32
        %parallel_loop3A_193 = arith.addi %parallel_loop3A_191, %parallel_loop3A_192 : i32
        %parallel_loop3A_194 = arith.index_cast %parallel_loop3A_193 : i32 to index
        %parallel_loop3A_195 = tpu.vector_load %arg8[%parallel_loop3A_194] {strides = array<i32>} : memref<16000xf32, #tpu.memory_space<vmem>>, vector<16xf32>,
        %parallel_loop3A_196 = arith.addf %parallel_loop3A_189, %parallel_loop3A_195 : vector<16xf32>
        %parallel_loop3A_197 = tpu.pack_subelements %parallel_loop3A_183, %parallel_loop3A_196 {pack_format = #tpu.pack_format<interleaved>, positions = array<i32: 0, 1>} : vector<16xf32>, vector<16xf32> -> vector<32xbf16>
        %parallel_loop3A_198 = vector.bitcast %parallel_loop3A_197 : vector<32xbf16> to vector<16xi32>
        %parallel_loop3A_199 = arith.constant 0 : i32
        %parallel_loop3A_200 = arith.addi %parallel_loop3A_174, %parallel_loop3A_199 : i32
        %parallel_loop3A_201 = arith.index_cast %parallel_loop3A_200 : i32 to index
        %parallel_loop3A_202 = tpu.vector_load %arg5[%parallel_loop3A_201] {strides = array<i32>} : memref<91392xi32, #tpu.memory_space<vmem>>, vector<16xi32>,
        tpu.vector_store %arg5[%parallel_loop3A_201], %parallel_loop3A_198 {strides = array<i32>} : memref<91392xi32, #tpu.memory_space<vmem>>, vector<16xi32>,
        %parallel_loop3A_203 = arith.constant 32 : i32
        %parallel_loop3A_204 = arith.addi %mul3A_159, %parallel_loop3A_203 : i32
        %parallel_loop3A_205 = arith.index_cast %parallel_loop3A_204 : i32 to index
        %parallel_loop3A_206 = tpu.vector_load %arg8[%parallel_loop3A_205] {strides = array<i32>} : memref<16000xf32, #tpu.memory_space<vmem>>, vector<16xf32>,
        %parallel_loop3A_207 = arith.constant 32 : i32
        %parallel_loop3A_208 = arith.addi %parallel_loop3A_167, %parallel_loop3A_207 : i32
        %parallel_loop3A_209 = arith.index_cast %parallel_loop3A_208 : i32 to index
        %parallel_loop3A_210 = tpu.vector_load %arg8[%parallel_loop3A_209] {strides = array<i32>} : memref<16000xf32, #tpu.memory_space<vmem>>, vector<16xf32>,
        %parallel_loop3A_211 = arith.addf %parallel_loop3A_206, %parallel_loop3A_210 : vector<16xf32>
        %parallel_loop3A_212 = arith.constant 32 : i32
        %parallel_loop3A_213 = arith.addi %mul3A_159, %parallel_loop3A_212 : i32
        %parallel_loop3A_214 = arith.constant 16 : i32
        %parallel_loop3A_215 = arith.addi %parallel_loop3A_213, %parallel_loop3A_214 : i32
        %parallel_loop3A_216 = arith.index_cast %parallel_loop3A_215 : i32 to index
        %parallel_loop3A_217 = tpu.vector_load %arg8[%parallel_loop3A_216] {strides = array<i32>} : memref<16000xf32, #tpu.memory_space<vmem>>, vector<16xf32>,
        %parallel_loop3A_218 = arith.constant 32 : i32
        %parallel_loop3A_219 = arith.addi %parallel_loop3A_167, %parallel_loop3A_218 : i32
        %parallel_loop3A_220 = arith.constant 16 : i32
        %parallel_loop3A_221 = arith.addi %parallel_loop3A_219, %parallel_loop3A_220 : i32
        %parallel_loop3A_222 = arith.index_cast %parallel_loop3A_221 : i32 to index
        %parallel_loop3A_223 = tpu.vector_load %arg8[%parallel_loop3A_222] {strides = array<i32>} : memref<16000xf32, #tpu.memory_space<vmem>>, vector<16xf32>,
        %parallel_loop3A_224 = arith.addf %parallel_loop3A_217, %parallel_loop3A_223 : vector<16xf32>
        %parallel_loop3A_225 = tpu.pack_subelements %parallel_loop3A_211, %parallel_loop3A_224 {pack_format = #tpu.pack_format<interleaved>, positions = array<i32: 0, 1>} : vector<16xf32>, vector<16xf32> -> vector<32xbf16>
        %parallel_loop3A_226 = vector.bitcast %parallel_loop3A_225 : vector<32xbf16> to vector<16xi32>
        %parallel_loop3A_227 = arith.constant 16 : i32
        %parallel_loop3A_228 = arith.addi %parallel_loop3A_174, %parallel_loop3A_227 : i32
        %parallel_loop3A_229 = arith.index_cast %parallel_loop3A_228 : i32 to index
        %parallel_loop3A_230 = tpu.vector_load %arg5[%parallel_loop3A_229] {strides = array<i32>} : memref<91392xi32, #tpu.memory_space<vmem>>, vector<16xi32>,
        tpu.vector_store %arg5[%parallel_loop3A_229], %parallel_loop3A_226 {strides = array<i32>} : memref<91392xi32, #tpu.memory_space<vmem>>, vector<16xi32>,
        %parallel_loop3A_231 = arith.constant 64 : i32
        %parallel_loop3A_232 = arith.addi %mul3A_159, %parallel_loop3A_231 : i32
        %parallel_loop3A_233 = arith.index_cast %parallel_loop3A_232 : i32 to index
        %parallel_loop3A_234 = tpu.vector_load %arg8[%parallel_loop3A_233] {strides = array<i32>} : memref<16000xf32, #tpu.memory_space<vmem>>, vector<16xf32>,
        %parallel_loop3A_235 = arith.constant 64 : i32
        %parallel_loop3A_236 = arith.addi %parallel_loop3A_167, %parallel_loop3A_235 : i32
        %parallel_loop3A_237 = arith.index_cast %parallel_loop3A_236 : i32 to index
        %parallel_loop3A_238 = tpu.vector_load %arg8[%parallel_loop3A_237] {strides = array<i32>} : memref<16000xf32, #tpu.memory_space<vmem>>, vector<16xf32>,
        %parallel_loop3A_239 = arith.addf %parallel_loop3A_234, %parallel_loop3A_238 : vector<16xf32>
        %parallel_loop3A_240 = arith.constant 64 : i32
        %parallel_loop3A_241 = arith.addi %mul3A_159, %parallel_loop3A_240 : i32
        %parallel_loop3A_242 = arith.constant 16 : i32
        %parallel_loop3A_243 = arith.addi %parallel_loop3A_241, %parallel_loop3A_242 : i32
        %parallel_loop3A_244 = arith.index_cast %parallel_loop3A_243 : i32 to index
        %parallel_loop3A_245 = tpu.vector_load %arg8[%parallel_loop3A_244] {strides = array<i32>} : memref<16000xf32, #tpu.memory_space<vmem>>, vector<16xf32>,
        %parallel_loop3A_246 = arith.constant 64 : i32
        %parallel_loop3A_247 = arith.addi %parallel_loop3A_167, %parallel_loop3A_246 : i32
        %parallel_loop3A_248 = arith.constant 16 : i32
        %parallel_loop3A_249 = arith.addi %parallel_loop3A_247, %parallel_loop3A_248 : i32
        %parallel_loop3A_250 = arith.index_cast %parallel_loop3A_249 : i32 to index
        %parallel_loop3A_251 = tpu.vector_load %arg8[%parallel_loop3A_250] {strides = array<i32>} : memref<16000xf32, #tpu.memory_space<vmem>>, vector<16xf32>,
        %parallel_loop3A_252 = arith.addf %parallel_loop3A_245, %parallel_loop3A_251 : vector<16xf32>
        %parallel_loop3A_253 = tpu.pack_subelements %parallel_loop3A_239, %parallel_loop3A_252 {pack_format = #tpu.pack_format<interleaved>, positions = array<i32: 0, 1>} : vector<16xf32>, vector<16xf32> -> vector<32xbf16>
        %parallel_loop3A_254 = vector.bitcast %parallel_loop3A_253 : vector<32xbf16> to vector<16xi32>
        %parallel_loop3A_255 = arith.constant 32 : i32
        %parallel_loop3A_256 = arith.addi %parallel_loop3A_174, %parallel_loop3A_255 : i32
        %parallel_loop3A_257 = arith.index_cast %parallel_loop3A_256 : i32 to index
        %parallel_loop3A_258 = tpu.vector_load %arg5[%parallel_loop3A_257] {strides = array<i32>} : memref<91392xi32, #tpu.memory_space<vmem>>, vector<16xi32>,
        tpu.vector_store %arg5[%parallel_loop3A_257], %parallel_loop3A_254 {strides = array<i32>} : memref<91392xi32, #tpu.memory_space<vmem>>, vector<16xi32>,
        %parallel_loop3A_259 = arith.constant 96 : i32
        %parallel_loop3A_260 = arith.addi %mul3A_159, %parallel_loop3A_259 : i32
        %parallel_loop3A_261 = arith.index_cast %parallel_loop3A_260 : i32 to index
        %parallel_loop3A_262 = tpu.vector_load %arg8[%parallel_loop3A_261] {strides = array<i32>} : memref<16000xf32, #tpu.memory_space<vmem>>, vector<16xf32>,
        %parallel_loop3A_263 = arith.constant 96 : i32
        %parallel_loop3A_264 = arith.addi %parallel_loop3A_167, %parallel_loop3A_263 : i32
        %parallel_loop3A_265 = arith.index_cast %parallel_loop3A_264 : i32 to index
        %parallel_loop3A_266 = tpu.vector_load %arg8[%parallel_loop3A_265] {strides = array<i32>} : memref<16000xf32, #tpu.memory_space<vmem>>, vector<16xf32>,
        %parallel_loop3A_267 = arith.addf %parallel_loop3A_262, %parallel_loop3A_266 : vector<16xf32>
        %parallel_loop3A_268 = arith.constant 96 : i32
        %parallel_loop3A_269 = arith.addi %mul3A_159, %parallel_loop3A_268 : i32
        %parallel_loop3A_270 = arith.constant 16 : i32
        %parallel_loop3A_271 = arith.addi %parallel_loop3A_269, %parallel_loop3A_270 : i32
        %parallel_loop3A_272 = arith.index_cast %parallel_loop3A_271 : i32 to index
        %parallel_loop3A_273 = tpu.vector_load %arg8[%parallel_loop3A_272] {strides = array<i32>} : memref<16000xf32, #tpu.memory_space<vmem>>, vector<16xf32>,
        %parallel_loop3A_274 = arith.constant 96 : i32
        %parallel_loop3A_275 = arith.addi %parallel_loop3A_167, %parallel_loop3A_274 : i32
        %parallel_loop3A_276 = arith.constant 16 : i32
        %parallel_loop3A_277 = arith.addi %parallel_loop3A_275, %parallel_loop3A_276 : i32
        %parallel_loop3A_278 = arith.index_cast %parallel_loop3A_277 : i32 to index
        %parallel_loop3A_279 = tpu.vector_load %arg8[%parallel_loop3A_278] {strides = array<i32>} : memref<16000xf32, #tpu.memory_space<vmem>>, vector<16xf32>,
        %parallel_loop3A_280 = arith.addf %parallel_loop3A_273, %parallel_loop3A_279 : vector<16xf32>
        %parallel_loop3A_281 = tpu.pack_subelements %parallel_loop3A_267, %parallel_loop3A_280 {pack_format = #tpu.pack_format<interleaved>, positions = array<i32: 0, 1>} : vector<16xf32>, vector<16xf32> -> vector<32xbf16>
        %parallel_loop3A_282 = vector.bitcast %parallel_loop3A_281 : vector<32xbf16> to vector<16xi32>
        %parallel_loop3A_283 = arith.constant 48 : i32
        %parallel_loop3A_284 = arith.addi %parallel_loop3A_174, %parallel_loop3A_283 : i32
        %parallel_loop3A_285 = arith.index_cast %parallel_loop3A_284 : i32 to index
        %parallel_loop3A_286 = tpu.vector_load %arg5[%parallel_loop3A_285] {strides = array<i32>} : memref<91392xi32, #tpu.memory_space<vmem>>, vector<16xi32>,
        tpu.vector_store %arg5[%parallel_loop3A_285], %parallel_loop3A_282 {strides = array<i32>} : memref<91392xi32, #tpu.memory_space<vmem>>, vector<16xi32>,
      } {sc.loop_unroll_factor = 3 : i64, sc.parallel_access}
    }
    %scan3A_47 = arith.constant 21 : i32
    "tpu.region"() ({
      %run_scoped3A = tpu.sem_alloc : memref<!tpu.dma_semaphore, #tpu.memory_space<semaphore_mem>>
      %dma_start3A_157 = arith.constant 0 : i32
      %dma_start3A_158 = tpu.memref_slice %arg8[%dma_start3A_157] : memref<16000xf32, #tpu.memory_space<vmem>> -> memref<13440xf32, #tpu.memory_space<vmem>>
      %dma_start3A_159 = arith.constant 16128 : i32
      %dma_start3A_160 = tpu.memref_slice %arg3[%dma_start3A_159] : memref<29568xf32, #tpu.memory_space<hbm>> -> memref<13440xf32, #tpu.memory_space<hbm>>
      %dma_start3A_161 = arith.constant 0 : i32
      %dma_start3A_162 = tpu.memref_slice %arg8[%dma_start3A_161] : memref<16000xf32, #tpu.memory_space<vmem>> -> memref<13440xf32, #tpu.memory_space<vmem>>
      %dma_start3A_163 = arith.constant 16128 : i32
      %dma_start3A_164 = tpu.memref_slice %arg3[%dma_start3A_163] : memref<29568xf32, #tpu.memory_space<hbm>> -> memref<13440xf32, #tpu.memory_space<hbm>>
      tpu.enqueue_dma source(%dma_start3A_164 : memref<13440xf32, #tpu.memory_space<hbm>>) target(%dma_start3A_162 : memref<13440xf32, #tpu.memory_space<vmem>>) target_semaphore(%run_scoped3A : memref<!tpu.dma_semaphore, #tpu.memory_space<semaphore_mem>>)
      %dma_wait3A_165 = arith.constant 0 : i32
      %dma_wait3A_166 = tpu.memref_slice %arg8[%dma_wait3A_165] : memref<16000xf32, #tpu.memory_space<vmem>> -> memref<13440xf32, #tpu.memory_space<vmem>>
      %dma_wait3A_167 = arith.constant 16128 : i32
      %dma_wait3A_168 = tpu.memref_slice %arg3[%dma_wait3A_167] : memref<29568xf32, #tpu.memory_space<hbm>> -> memref<13440xf32, #tpu.memory_space<hbm>>
      %dma_wait3A_169 = arith.constant 0 : i32
      %dma_wait3A_170 = tpu.memref_slice %arg8[%dma_wait3A_169] : memref<16000xf32, #tpu.memory_space<vmem>> -> memref<13440xf32, #tpu.memory_space<vmem>>
      %dma_wait3A_171 = arith.constant 16128 : i32
      %dma_wait3A_172 = tpu.memref_slice %arg3[%dma_wait3A_171] : memref<29568xf32, #tpu.memory_space<hbm>> -> memref<13440xf32, #tpu.memory_space<hbm>>
      tpu.wait_dma2 semaphore(%run_scoped3A : memref<!tpu.dma_semaphore, #tpu.memory_space<semaphore_mem>>) src(%dma_wait3A_172 : memref<13440xf32, #tpu.memory_space<hbm>>) dst(%dma_wait3A_170 : memref<13440xf32, #tpu.memory_space<vmem>>)
      tpu.yield
    }) : () -> ()
    %parallel_loop3A = arith.constant 0 : i32
    %parallel_loop3A_48 = arith.constant 105 : i32
    %parallel_loop3A_49 = arith.constant 1 : i32
    scf.for %parallel_loop3A_157 = %parallel_loop3A to %parallel_loop3A_48 step %parallel_loop3A_49  : i32 {
      %parallel_loop3A_158 = arith.constant 1323 : i32
      %parallel_loop3A_159 = arith.addi %parallel_loop3A_158, %parallel_loop3A_157 : i32
      %parallel_loop3A_160 = arith.constant 64 : i32
      %parallel_loop3A_161 = arith.muli %parallel_loop3A_159, %parallel_loop3A_160 : i32
      %parallel_loop3A_162 = arith.constant 128 : i32
      %parallel_loop3A_163 = arith.muli %parallel_loop3A_157, %parallel_loop3A_162 : i32
      %parallel_loop3A_164 = arith.constant 0 : i32
      %parallel_loop3A_165 = arith.addi %parallel_loop3A_163, %parallel_loop3A_164 : i32
      %parallel_loop3A_166 = arith.index_cast %parallel_loop3A_165 : i32 to index
      %parallel_loop3A_167 = tpu.vector_load %arg8[%parallel_loop3A_166] {strides = array<i32>} : memref<16000xf32, #tpu.memory_space<vmem>>, vector<16xf32>,
      %parallel_loop3A_168 = arith.constant 128 : i32
      %parallel_loop3A_169 = arith.muli %parallel_loop3A_157, %parallel_loop3A_168 : i32
      %parallel_loop3A_170 = arith.constant 0 : i32
      %parallel_loop3A_171 = arith.addi %parallel_loop3A_169, %parallel_loop3A_170 : i32
      %parallel_loop3A_172 = arith.constant 16 : i32
      %parallel_loop3A_173 = arith.addi %parallel_loop3A_171, %parallel_loop3A_172 : i32
      %parallel_loop3A_174 = arith.index_cast %parallel_loop3A_173 : i32 to index
      %parallel_loop3A_175 = tpu.vector_load %arg8[%parallel_loop3A_174] {strides = array<i32>} : memref<16000xf32, #tpu.memory_space<vmem>>, vector<16xf32>,
      %parallel_loop3A_176 = tpu.pack_subelements %parallel_loop3A_167, %parallel_loop3A_175 {pack_format = #tpu.pack_format<interleaved>, positions = array<i32: 0, 1>} : vector<16xf32>, vector<16xf32> -> vector<32xbf16>
      %parallel_loop3A_177 = vector.bitcast %parallel_loop3A_176 : vector<32xbf16> to vector<16xi32>
      %parallel_loop3A_178 = arith.constant 0 : i32
      %parallel_loop3A_179 = arith.addi %parallel_loop3A_161, %parallel_loop3A_178 : i32
      %parallel_loop3A_180 = arith.index_cast %parallel_loop3A_179 : i32 to index
      %parallel_loop3A_181 = tpu.vector_load %arg5[%parallel_loop3A_180] {strides = array<i32>} : memref<91392xi32, #tpu.memory_space<vmem>>, vector<16xi32>,
      tpu.vector_store %arg5[%parallel_loop3A_180], %parallel_loop3A_177 {strides = array<i32>} : memref<91392xi32, #tpu.memory_space<vmem>>, vector<16xi32>,
      %parallel_loop3A_182 = arith.constant 128 : i32
      %parallel_loop3A_183 = arith.muli %parallel_loop3A_157, %parallel_loop3A_182 : i32
      %parallel_loop3A_184 = arith.constant 32 : i32
      %parallel_loop3A_185 = arith.addi %parallel_loop3A_183, %parallel_loop3A_184 : i32
      %parallel_loop3A_186 = arith.index_cast %parallel_loop3A_185 : i32 to index
      %parallel_loop3A_187 = tpu.vector_load %arg8[%parallel_loop3A_186] {strides = array<i32>} : memref<16000xf32, #tpu.memory_space<vmem>>, vector<16xf32>,
      %parallel_loop3A_188 = arith.constant 128 : i32
      %parallel_loop3A_189 = arith.muli %parallel_loop3A_157, %parallel_loop3A_188 : i32
      %parallel_loop3A_190 = arith.constant 32 : i32
      %parallel_loop3A_191 = arith.addi %parallel_loop3A_189, %parallel_loop3A_190 : i32
      %parallel_loop3A_192 = arith.constant 16 : i32
      %parallel_loop3A_193 = arith.addi %parallel_loop3A_191, %parallel_loop3A_192 : i32
      %parallel_loop3A_194 = arith.index_cast %parallel_loop3A_193 : i32 to index
      %parallel_loop3A_195 = tpu.vector_load %arg8[%parallel_loop3A_194] {strides = array<i32>} : memref<16000xf32, #tpu.memory_space<vmem>>, vector<16xf32>,
      %parallel_loop3A_196 = tpu.pack_subelements %parallel_loop3A_187, %parallel_loop3A_195 {pack_format = #tpu.pack_format<interleaved>, positions = array<i32: 0, 1>} : vector<16xf32>, vector<16xf32> -> vector<32xbf16>
      %parallel_loop3A_197 = vector.bitcast %parallel_loop3A_196 : vector<32xbf16> to vector<16xi32>
      %parallel_loop3A_198 = arith.constant 16 : i32
      %parallel_loop3A_199 = arith.addi %parallel_loop3A_161, %parallel_loop3A_198 : i32
      %parallel_loop3A_200 = arith.index_cast %parallel_loop3A_199 : i32 to index
      %parallel_loop3A_201 = tpu.vector_load %arg5[%parallel_loop3A_200] {strides = array<i32>} : memref<91392xi32, #tpu.memory_space<vmem>>, vector<16xi32>,
      tpu.vector_store %arg5[%parallel_loop3A_200], %parallel_loop3A_197 {strides = array<i32>} : memref<91392xi32, #tpu.memory_space<vmem>>, vector<16xi32>,
      %parallel_loop3A_202 = arith.constant 128 : i32
      %parallel_loop3A_203 = arith.muli %parallel_loop3A_157, %parallel_loop3A_202 : i32
      %parallel_loop3A_204 = arith.constant 64 : i32
      %parallel_loop3A_205 = arith.addi %parallel_loop3A_203, %parallel_loop3A_204 : i32
      %parallel_loop3A_206 = arith.index_cast %parallel_loop3A_205 : i32 to index
      %parallel_loop3A_207 = tpu.vector_load %arg8[%parallel_loop3A_206] {strides = array<i32>} : memref<16000xf32, #tpu.memory_space<vmem>>, vector<16xf32>,
      %parallel_loop3A_208 = arith.constant 128 : i32
      %parallel_loop3A_209 = arith.muli %parallel_loop3A_157, %parallel_loop3A_208 : i32
      %parallel_loop3A_210 = arith.constant 64 : i32
      %parallel_loop3A_211 = arith.addi %parallel_loop3A_209, %parallel_loop3A_210 : i32
      %parallel_loop3A_212 = arith.constant 16 : i32
      %parallel_loop3A_213 = arith.addi %parallel_loop3A_211, %parallel_loop3A_212 : i32
      %parallel_loop3A_214 = arith.index_cast %parallel_loop3A_213 : i32 to index
      %parallel_loop3A_215 = tpu.vector_load %arg8[%parallel_loop3A_214] {strides = array<i32>} : memref<16000xf32, #tpu.memory_space<vmem>>, vector<16xf32>,
      %parallel_loop3A_216 = tpu.pack_subelements %parallel_loop3A_207, %parallel_loop3A_215 {pack_format = #tpu.pack_format<interleaved>, positions = array<i32: 0, 1>} : vector<16xf32>, vector<16xf32> -> vector<32xbf16>
      %parallel_loop3A_217 = vector.bitcast %parallel_loop3A_216 : vector<32xbf16> to vector<16xi32>
      %parallel_loop3A_218 = arith.constant 32 : i32
      %parallel_loop3A_219 = arith.addi %parallel_loop3A_161, %parallel_loop3A_218 : i32
      %parallel_loop3A_220 = arith.index_cast %parallel_loop3A_219 : i32 to index
      %parallel_loop3A_221 = tpu.vector_load %arg5[%parallel_loop3A_220] {strides = array<i32>} : memref<91392xi32, #tpu.memory_space<vmem>>, vector<16xi32>,
      tpu.vector_store %arg5[%parallel_loop3A_220], %parallel_loop3A_217 {strides = array<i32>} : memref<91392xi32, #tpu.memory_space<vmem>>, vector<16xi32>,
      %parallel_loop3A_222 = arith.constant 128 : i32
      %parallel_loop3A_223 = arith.muli %parallel_loop3A_157, %parallel_loop3A_222 : i32
      %parallel_loop3A_224 = arith.constant 96 : i32
      %parallel_loop3A_225 = arith.addi %parallel_loop3A_223, %parallel_loop3A_224 : i32
      %parallel_loop3A_226 = arith.index_cast %parallel_loop3A_225 : i32 to index
      %parallel_loop3A_227 = tpu.vector_load %arg8[%parallel_loop3A_226] {strides = array<i32>} : memref<16000xf32, #tpu.memory_space<vmem>>, vector<16xf32>,
      %parallel_loop3A_228 = arith.constant 128 : i32
      %parallel_loop3A_229 = arith.muli %parallel_loop3A_157, %parallel_loop3A_228 : i32
      %parallel_loop3A_230 = arith.constant 96 : i32
      %parallel_loop3A_231 = arith.addi %parallel_loop3A_229, %parallel_loop3A_230 : i32
      %parallel_loop3A_232 = arith.constant 16 : i32
      %parallel_loop3A_233 = arith.addi %parallel_loop3A_231, %parallel_loop3A_232 : i32
      %parallel_loop3A_234 = arith.index_cast %parallel_loop3A_233 : i32 to index
      %parallel_loop3A_235 = tpu.vector_load %arg8[%parallel_loop3A_234] {strides = array<i32>} : memref<16000xf32, #tpu.memory_space<vmem>>, vector<16xf32>,
      %parallel_loop3A_236 = tpu.pack_subelements %parallel_loop3A_227, %parallel_loop3A_235 {pack_format = #tpu.pack_format<interleaved>, positions = array<i32: 0, 1>} : vector<16xf32>, vector<16xf32> -> vector<32xbf16>
      %parallel_loop3A_237 = vector.bitcast %parallel_loop3A_236 : vector<32xbf16> to vector<16xi32>
      %parallel_loop3A_238 = arith.constant 48 : i32
      %parallel_loop3A_239 = arith.addi %parallel_loop3A_161, %parallel_loop3A_238 : i32
      %parallel_loop3A_240 = arith.index_cast %parallel_loop3A_239 : i32 to index
      %parallel_loop3A_241 = tpu.vector_load %arg5[%parallel_loop3A_240] {strides = array<i32>} : memref<91392xi32, #tpu.memory_space<vmem>>, vector<16xi32>,
      tpu.vector_store %arg5[%parallel_loop3A_240], %parallel_loop3A_237 {strides = array<i32>} : memref<91392xi32, #tpu.memory_space<vmem>>, vector<16xi32>,
    } {sc.loop_unroll_factor = 3 : i64, sc.parallel_access}
    %dma_start3A_50 = arith.constant 0 : i32
    %dma_start3A_51 = tpu.memref_slice %arg4[%dma_start3A_50] : memref<12800000xf32, #tpu.memory_space<hbm>> -> memref<16000xf32, #tpu.memory_space<hbm>>
    %dma_start3A_52 = arith.constant 0 : i32
    %dma_start3A_53 = tpu.memref_slice %arg4[%dma_start3A_52] : memref<12800000xf32, #tpu.memory_space<hbm>> -> memref<16000xf32, #tpu.memory_space<hbm>>
    tpu.enqueue_dma source(%dma_start3A_53 : memref<16000xf32, #tpu.memory_space<hbm>>) target(%arg8 : memref<16000xf32, #tpu.memory_space<vmem>>) target_semaphore(%arg10 : memref<!tpu.dma_semaphore, #tpu.memory_space<semaphore_mem>>)
    %dma_start3A_54 = arith.constant 0 : i32
    %dma_start3A_55 = tpu.memref_slice %arg4[%dma_start3A_54] : memref<12800000xf32, #tpu.memory_space<hbm>> -> memref<16000xf32, #tpu.memory_space<hbm>>
    %dma_start3A_56 = arith.constant 0 : i32
    %dma_start3A_57 = tpu.memref_slice %arg4[%dma_start3A_56] : memref<12800000xf32, #tpu.memory_space<hbm>> -> memref<16000xf32, #tpu.memory_space<hbm>>
    tpu.enqueue_dma source(%dma_start3A_57 : memref<16000xf32, #tpu.memory_space<hbm>>) target(%arg9 : memref<16000xf32, #tpu.memory_space<vmem>>) target_semaphore(%arg11 : memref<!tpu.dma_semaphore, #tpu.memory_space<semaphore_mem>>)
    %scan3A_58 = arith.constant 0 : i32
    %scan3A_59 = arith.constant 0 : i32
    %scan3A_60 = arith.constant 12 : i32
    %scan3A_61 = arith.addi %scan3A_59, %scan3A_60 : i32
    %scan3A_62 = arith.constant 1 : i32
    scf.for %scan3A_157 = %scan3A_59 to %scan3A_61 step %scan3A_62  : i32 {
      %mul3A_158 = arith.constant 2 : i32
      %mul3A_159 = arith.muli %scan3A_157, %mul3A_158 : i32
      %add3A_160 = arith.constant 0 : i32
      %add3A_161 = arith.addi %mul3A_159, %add3A_160 : i32
      %mul3A_162 = arith.constant 125 : i32
      %mul3A_163 = arith.muli %add3A_161, %mul3A_162 : i32
      %add3A_164 = arith.addi %mul3A_2, %mul3A_163 : i32
      %mul3A_165 = arith.constant 128 : i32
      %mul3A_166 = arith.muli %add3A_164, %mul3A_165 : i32
      %mul3A_167 = arith.constant 125 : i32
      %mul3A_168 = arith.muli %add3A_161, %mul3A_167 : i32
      %add3A_169 = arith.addi %mul3A_2, %mul3A_168 : i32
      %mul3A_170 = arith.constant 11 : i32
      %mul3A_171 = arith.muli %add3A_169, %mul3A_170 : i32
      %jit3A_172 = arith.constant 8 : i32
      %div3A_173 = arith.divsi %mul3A_171, %jit3A_172 : i32
      %sign3A_174 = arith.constant 0 : i32
      %sign3A_175 = arith.cmpi sgt, %mul3A_171, %sign3A_174 : i32
      %sign3A_176 = arith.extui %sign3A_175 : i1 to i32
      %sign3A_177 = arith.constant 0 : i32
      %sign3A_178 = arith.cmpi slt, %mul3A_171, %sign3A_177 : i32
      %sign3A_179 = arith.extui %sign3A_178 : i1 to i32
      %sign3A_180 = arith.subi %sign3A_176, %sign3A_179 : i32
      %sign3A_181 = arith.constant 0 : i32
      %sign3A_182 = arith.cmpi sgt, %jit3A_172, %sign3A_181 : i32
      %sign3A_183 = arith.extui %sign3A_182 : i1 to i32
      %sign3A_184 = arith.constant 0 : i32
      %sign3A_185 = arith.cmpi slt, %jit3A_172, %sign3A_184 : i32
      %sign3A_186 = arith.extui %sign3A_185 : i1 to i32
      %sign3A_187 = arith.subi %sign3A_183, %sign3A_186 : i32
      %ne3A_188 = arith.cmpi ne, %sign3A_180, %sign3A_187 : i32
      %rem3A_189 = arith.remsi %mul3A_171, %jit3A_172 : i32
      %ne3A_190 = arith.constant 0 : i32
      %ne3A_191 = arith.cmpi ne, %rem3A_189, %ne3A_190 : i32
      %and3A_192 = arith.andi %ne3A_188, %ne3A_191 : i1
      %sub3A_193 = arith.constant 1 : i32
      %sub3A_194 = arith.subi %div3A_173, %sub3A_193 : i32
      %select_n3A_195 = arith.select %and3A_192, %sub3A_194, %div3A_173 : i32
      %mul3A_196 = arith.constant 8 : i32
      %mul3A_197 = arith.muli %select_n3A_195, %mul3A_196 : i32
      %min3A_198 = arith.constant 1098592 : i32
      %min3A_199 = arith.minsi %mul3A_197, %min3A_198 : i32
      %mul3A_200 = arith.constant 125 : i32
      %mul3A_201 = arith.muli %add3A_161, %mul3A_200 : i32
      %add3A_202 = arith.addi %mul3A_2, %mul3A_201 : i32
      %mul3A_203 = arith.constant 11 : i32
      %mul3A_204 = arith.muli %add3A_202, %mul3A_203 : i32
      %jit3A_205 = arith.constant 8 : i32
      %div3A_206 = arith.divsi %mul3A_204, %jit3A_205 : i32
      %sign3A_207 = arith.constant 0 : i32
      %sign3A_208 = arith.cmpi sgt, %mul3A_204, %sign3A_207 : i32
      %sign3A_209 = arith.extui %sign3A_208 : i1 to i32
      %sign3A_210 = arith.constant 0 : i32
      %sign3A_211 = arith.cmpi slt, %mul3A_204, %sign3A_210 : i32
      %sign3A_212 = arith.extui %sign3A_211 : i1 to i32
      %sign3A_213 = arith.subi %sign3A_209, %sign3A_212 : i32
      %sign3A_214 = arith.constant 0 : i32
      %sign3A_215 = arith.cmpi sgt, %jit3A_205, %sign3A_214 : i32
      %sign3A_216 = arith.extui %sign3A_215 : i1 to i32
      %sign3A_217 = arith.constant 0 : i32
      %sign3A_218 = arith.cmpi slt, %jit3A_205, %sign3A_217 : i32
      %sign3A_219 = arith.extui %sign3A_218 : i1 to i32
      %sign3A_220 = arith.subi %sign3A_216, %sign3A_219 : i32
      %ne3A_221 = arith.cmpi ne, %sign3A_213, %sign3A_220 : i32
      %rem3A_222 = arith.remsi %mul3A_204, %jit3A_205 : i32
      %ne3A_223 = arith.constant 0 : i32
      %ne3A_224 = arith.cmpi ne, %rem3A_222, %ne3A_223 : i32
      %and3A_225 = arith.andi %ne3A_221, %ne3A_224 : i1
      %sub3A_226 = arith.constant 1 : i32
      %sub3A_227 = arith.subi %div3A_206, %sub3A_226 : i32
      %select_n3A_228 = arith.select %and3A_225, %sub3A_227, %div3A_206 : i32
      %mul3A_229 = arith.constant 8 : i32
      %mul3A_230 = arith.muli %select_n3A_228, %mul3A_229 : i32
      %min3A_231 = arith.constant 1098592 : i32
      %min3A_232 = arith.minsi %mul3A_230, %min3A_231 : i32
      %dma_wait3A_233 = arith.constant 0 : i32
      %dma_wait3A_234 = tpu.memref_slice %arg6[%dma_wait3A_233] : memref<1424xi32, #tpu.memory_space<vmem>> -> memref<1408xi32, #tpu.memory_space<vmem>>
      %dma_wait3A_235 = tpu.memref_slice %arg2[%min3A_232] : memref<1100000xi32, #tpu.memory_space<hbm>> -> memref<1408xi32, #tpu.memory_space<hbm>>
      %dma_wait3A_236 = arith.constant 0 : i32
      %dma_wait3A_237 = tpu.memref_slice %arg6[%dma_wait3A_236] : memref<1424xi32, #tpu.memory_space<vmem>> -> memref<1408xi32, #tpu.memory_space<vmem>>
      %dma_wait3A_238 = tpu.memref_slice %arg2[%min3A_232] : memref<1100000xi32, #tpu.memory_space<hbm>> -> memref<1408xi32, #tpu.memory_space<hbm>>
      tpu.wait_dma2 semaphore(%arg12 : memref<!tpu.dma_semaphore, #tpu.memory_space<semaphore_mem>>) src(%dma_wait3A_238 : memref<1408xi32, #tpu.memory_space<hbm>>) dst(%dma_wait3A_237 : memref<1408xi32, #tpu.memory_space<vmem>>)
      %add3A_239 = arith.constant 1 : i32
      %add3A_240 = arith.addi %add3A_161, %add3A_239 : i32
      %mul3A_241 = arith.constant 125 : i32
      %mul3A_242 = arith.muli %add3A_240, %mul3A_241 : i32
      %add3A_243 = arith.addi %mul3A_2, %mul3A_242 : i32
      %mul3A_244 = arith.constant 11 : i32
      %mul3A_245 = arith.muli %add3A_243, %mul3A_244 : i32
      %jit3A_246 = arith.constant 8 : i32
      %div3A_247 = arith.divsi %mul3A_245, %jit3A_246 : i32
      %sign3A_248 = arith.constant 0 : i32
      %sign3A_249 = arith.cmpi sgt, %mul3A_245, %sign3A_248 : i32
      %sign3A_250 = arith.extui %sign3A_249 : i1 to i32
      %sign3A_251 = arith.constant 0 : i32
      %sign3A_252 = arith.cmpi slt, %mul3A_245, %sign3A_251 : i32
      %sign3A_253 = arith.extui %sign3A_252 : i1 to i32
      %sign3A_254 = arith.subi %sign3A_250, %sign3A_253 : i32
      %sign3A_255 = arith.constant 0 : i32
      %sign3A_256 = arith.cmpi sgt, %jit3A_246, %sign3A_255 : i32
      %sign3A_257 = arith.extui %sign3A_256 : i1 to i32
      %sign3A_258 = arith.constant 0 : i32
      %sign3A_259 = arith.cmpi slt, %jit3A_246, %sign3A_258 : i32
      %sign3A_260 = arith.extui %sign3A_259 : i1 to i32
      %sign3A_261 = arith.subi %sign3A_257, %sign3A_260 : i32
      %ne3A_262 = arith.cmpi ne, %sign3A_254, %sign3A_261 : i32
      %rem3A_263 = arith.remsi %mul3A_245, %jit3A_246 : i32
      %ne3A_264 = arith.constant 0 : i32
      %ne3A_265 = arith.cmpi ne, %rem3A_263, %ne3A_264 : i32
      %and3A_266 = arith.andi %ne3A_262, %ne3A_265 : i1
      %sub3A_267 = arith.constant 1 : i32
      %sub3A_268 = arith.subi %div3A_247, %sub3A_267 : i32
      %select_n3A_269 = arith.select %and3A_266, %sub3A_268, %div3A_247 : i32
      %mul3A_270 = arith.constant 8 : i32
      %mul3A_271 = arith.muli %select_n3A_269, %mul3A_270 : i32
      %min3A_272 = arith.constant 1098592 : i32
      %min3A_273 = arith.minsi %mul3A_271, %min3A_272 : i32
      %dma_start3A_274 = arith.constant 0 : i32
      %dma_start3A_275 = tpu.memref_slice %arg7[%dma_start3A_274] : memref<1424xi32, #tpu.memory_space<vmem>> -> memref<1408xi32, #tpu.memory_space<vmem>>
      %dma_start3A_276 = tpu.memref_slice %arg2[%min3A_273] : memref<1100000xi32, #tpu.memory_space<hbm>> -> memref<1408xi32, #tpu.memory_space<hbm>>
      %dma_start3A_277 = arith.constant 0 : i32
      %dma_start3A_278 = tpu.memref_slice %arg7[%dma_start3A_277] : memref<1424xi32, #tpu.memory_space<vmem>> -> memref<1408xi32, #tpu.memory_space<vmem>>
      %dma_start3A_279 = tpu.memref_slice %arg2[%min3A_273] : memref<1100000xi32, #tpu.memory_space<hbm>> -> memref<1408xi32, #tpu.memory_space<hbm>>
      tpu.enqueue_dma source(%dma_start3A_279 : memref<1408xi32, #tpu.memory_space<hbm>>) target(%dma_start3A_278 : memref<1408xi32, #tpu.memory_space<vmem>>) target_semaphore(%arg13 : memref<!tpu.dma_semaphore, #tpu.memory_space<semaphore_mem>>)
      %dma_wait3A_280 = tpu.memref_slice %arg4[%mul3A_166] : memref<12800000xf32, #tpu.memory_space<hbm>> -> memref<16000xf32, #tpu.memory_space<hbm>>
      %dma_wait3A_281 = tpu.memref_slice %arg4[%mul3A_166] : memref<12800000xf32, #tpu.memory_space<hbm>> -> memref<16000xf32, #tpu.memory_space<hbm>>
      tpu.wait_dma2 semaphore(%arg10 : memref<!tpu.dma_semaphore, #tpu.memory_space<semaphore_mem>>) src(%arg8 : memref<16000xf32, #tpu.memory_space<vmem>>) dst(%dma_wait3A_281 : memref<16000xf32, #tpu.memory_space<hbm>>)
      %sub3A_282 = arith.subi %mul3A_171, %min3A_199 : i32
      %parallel_loop3A_283 = arith.constant 0 : i32
      %parallel_loop3A_284 = arith.constant 125 : i32
      %parallel_loop3A_285 = arith.constant 1 : i32
      scf.for %parallel_loop3A_418 = %parallel_loop3A_283 to %parallel_loop3A_284 step %parallel_loop3A_285  : i32 {
        %parallel_loop3A_419 = arith.constant 11 : i32
        %parallel_loop3A_420 = arith.muli %parallel_loop3A_418, %parallel_loop3A_419 : i32
        %parallel_loop3A_421 = arith.addi %sub3A_282, %parallel_loop3A_420 : i32
        %parallel_loop3A_422 = arith.index_cast %parallel_loop3A_421 : i32 to index
        %parallel_loop3A_423 = tpu.vector_load %arg6[%parallel_loop3A_422] {strides = array<i32>} : memref<1424xi32, #tpu.memory_space<vmem>>, vector<16xi32>,
        %parallel_loop3A_424 = vector.extract_strided_slice %parallel_loop3A_423 {offsets = [0], sizes = [1], strides = [1]} : vector<16xi32> to vector<1xi32>
        %parallel_loop3A_425 = vector.extract %parallel_loop3A_424[0] : i32 from vector<1xi32>
        %parallel_loop3A_426 = vector.extract_strided_slice %parallel_loop3A_423 {offsets = [1], sizes = [1], strides = [1]} : vector<16xi32> to vector<1xi32>
        %parallel_loop3A_427 = vector.extract %parallel_loop3A_426[0] : i32 from vector<1xi32>
        %parallel_loop3A_428 = arith.constant 21 : i32
        %parallel_loop3A_429 = arith.muli %parallel_loop3A_425, %parallel_loop3A_428 : i32
        %parallel_loop3A_430 = arith.constant 0 : i32
        %parallel_loop3A_431 = arith.addi %parallel_loop3A_430, %parallel_loop3A_429 : i32
        %parallel_loop3A_432 = arith.addi %parallel_loop3A_431, %parallel_loop3A_427 : i32
        %parallel_loop3A_433 = arith.constant 64 : i32
        %parallel_loop3A_434 = arith.muli %parallel_loop3A_432, %parallel_loop3A_433 : i32
        %parallel_loop3A_435 = arith.constant 0 : i32
        %parallel_loop3A_436 = arith.addi %parallel_loop3A_434, %parallel_loop3A_435 : i32
        %parallel_loop3A_437 = arith.index_cast %parallel_loop3A_436 : i32 to index
        %parallel_loop3A_438 = tpu.vector_load %arg5[%parallel_loop3A_437] {strides = array<i32>} : memref<91392xi32, #tpu.memory_space<vmem>>, vector<16xi32>,
        %parallel_loop3A_439 = vector.bitcast %parallel_loop3A_438 : vector<16xi32> to vector<32xbf16>
        %parallel_loop3A_440 = arith.constant 16 : i32
        %parallel_loop3A_441 = arith.addi %parallel_loop3A_434, %parallel_loop3A_440 : i32
        %parallel_loop3A_442 = arith.index_cast %parallel_loop3A_441 : i32 to index
        %parallel_loop3A_443 = tpu.vector_load %arg5[%parallel_loop3A_442] {strides = array<i32>} : memref<91392xi32, #tpu.memory_space<vmem>>, vector<16xi32>,
        %parallel_loop3A_444 = vector.bitcast %parallel_loop3A_443 : vector<16xi32> to vector<32xbf16>
        %parallel_loop3A_445 = arith.constant 32 : i32
        %parallel_loop3A_446 = arith.addi %parallel_loop3A_434, %parallel_loop3A_445 : i32
        %parallel_loop3A_447 = arith.index_cast %parallel_loop3A_446 : i32 to index
        %parallel_loop3A_448 = tpu.vector_load %arg5[%parallel_loop3A_447] {strides = array<i32>} : memref<91392xi32, #tpu.memory_space<vmem>>, vector<16xi32>,
        %parallel_loop3A_449 = vector.bitcast %parallel_loop3A_448 : vector<16xi32> to vector<32xbf16>
        %parallel_loop3A_450 = arith.constant 48 : i32
        %parallel_loop3A_451 = arith.addi %parallel_loop3A_434, %parallel_loop3A_450 : i32
        %parallel_loop3A_452 = arith.index_cast %parallel_loop3A_451 : i32 to index
        %parallel_loop3A_453 = tpu.vector_load %arg5[%parallel_loop3A_452] {strides = array<i32>} : memref<91392xi32, #tpu.memory_space<vmem>>, vector<16xi32>,
        %parallel_loop3A_454 = vector.bitcast %parallel_loop3A_453 : vector<16xi32> to vector<32xbf16>
        %parallel_loop3A_455 = vector.extract_strided_slice %parallel_loop3A_423 {offsets = [2], sizes = [1], strides = [1]} : vector<16xi32> to vector<1xi32>
        %parallel_loop3A_456 = vector.extract %parallel_loop3A_455[0] : i32 from vector<1xi32>
        %parallel_loop3A_457 = vector.extract_strided_slice %parallel_loop3A_423 {offsets = [3], sizes = [1], strides = [1]} : vector<16xi32> to vector<1xi32>
        %parallel_loop3A_458 = vector.extract %parallel_loop3A_457[0] : i32 from vector<1xi32>
        %parallel_loop3A_459 = arith.constant 21 : i32
        %parallel_loop3A_460 = arith.muli %parallel_loop3A_456, %parallel_loop3A_459 : i32
        %parallel_loop3A_461 = arith.constant 441 : i32
        %parallel_loop3A_462 = arith.addi %parallel_loop3A_461, %parallel_loop3A_460 : i32
        %parallel_loop3A_463 = arith.addi %parallel_loop3A_462, %parallel_loop3A_458 : i32
        %parallel_loop3A_464 = arith.constant 64 : i32
        %parallel_loop3A_465 = arith.muli %parallel_loop3A_463, %parallel_loop3A_464 : i32
        %parallel_loop3A_466 = arith.constant 0 : i32
        %parallel_loop3A_467 = arith.addi %parallel_loop3A_465, %parallel_loop3A_466 : i32
        %parallel_loop3A_468 = arith.index_cast %parallel_loop3A_467 : i32 to index
        %parallel_loop3A_469 = tpu.vector_load %arg5[%parallel_loop3A_468] {strides = array<i32>} : memref<91392xi32, #tpu.memory_space<vmem>>, vector<16xi32>,
        %parallel_loop3A_470 = vector.bitcast %parallel_loop3A_469 : vector<16xi32> to vector<32xbf16>
        %parallel_loop3A_471 = arith.addf %parallel_loop3A_439, %parallel_loop3A_470 : vector<32xbf16>
        %parallel_loop3A_472 = arith.constant 16 : i32
        %parallel_loop3A_473 = arith.addi %parallel_loop3A_465, %parallel_loop3A_472 : i32
        %parallel_loop3A_474 = arith.index_cast %parallel_loop3A_473 : i32 to index
        %parallel_loop3A_475 = tpu.vector_load %arg5[%parallel_loop3A_474] {strides = array<i32>} : memref<91392xi32, #tpu.memory_space<vmem>>, vector<16xi32>,
        %parallel_loop3A_476 = vector.bitcast %parallel_loop3A_475 : vector<16xi32> to vector<32xbf16>
        %parallel_loop3A_477 = arith.addf %parallel_loop3A_444, %parallel_loop3A_476 : vector<32xbf16>
        %parallel_loop3A_478 = arith.constant 32 : i32
        %parallel_loop3A_479 = arith.addi %parallel_loop3A_465, %parallel_loop3A_478 : i32
        %parallel_loop3A_480 = arith.index_cast %parallel_loop3A_479 : i32 to index
        %parallel_loop3A_481 = tpu.vector_load %arg5[%parallel_loop3A_480] {strides = array<i32>} : memref<91392xi32, #tpu.memory_space<vmem>>, vector<16xi32>,
        %parallel_loop3A_482 = vector.bitcast %parallel_loop3A_481 : vector<16xi32> to vector<32xbf16>
        %parallel_loop3A_483 = arith.addf %parallel_loop3A_449, %parallel_loop3A_482 : vector<32xbf16>
        %parallel_loop3A_484 = arith.constant 48 : i32
        %parallel_loop3A_485 = arith.addi %parallel_loop3A_465, %parallel_loop3A_484 : i32
        %parallel_loop3A_486 = arith.index_cast %parallel_loop3A_485 : i32 to index
        %parallel_loop3A_487 = tpu.vector_load %arg5[%parallel_loop3A_486] {strides = array<i32>} : memref<91392xi32, #tpu.memory_space<vmem>>, vector<16xi32>,
        %parallel_loop3A_488 = vector.bitcast %parallel_loop3A_487 : vector<16xi32> to vector<32xbf16>
        %parallel_loop3A_489 = arith.addf %parallel_loop3A_454, %parallel_loop3A_488 : vector<32xbf16>
        %parallel_loop3A_490 = vector.extract_strided_slice %parallel_loop3A_423 {offsets = [4], sizes = [1], strides = [1]} : vector<16xi32> to vector<1xi32>
        %parallel_loop3A_491 = vector.extract %parallel_loop3A_490[0] : i32 from vector<1xi32>
        %parallel_loop3A_492 = vector.extract_strided_slice %parallel_loop3A_423 {offsets = [5], sizes = [1], strides = [1]} : vector<16xi32> to vector<1xi32>
        %parallel_loop3A_493 = vector.extract %parallel_loop3A_492[0] : i32 from vector<1xi32>
        %parallel_loop3A_494 = arith.constant 21 : i32
        %parallel_loop3A_495 = arith.muli %parallel_loop3A_491, %parallel_loop3A_494 : i32
        %parallel_loop3A_496 = arith.constant 882 : i32
        %parallel_loop3A_497 = arith.addi %parallel_loop3A_496, %parallel_loop3A_495 : i32
        %parallel_loop3A_498 = arith.addi %parallel_loop3A_497, %parallel_loop3A_493 : i32
        %parallel_loop3A_499 = arith.constant 64 : i32
        %parallel_loop3A_500 = arith.muli %parallel_loop3A_498, %parallel_loop3A_499 : i32
        %parallel_loop3A_501 = arith.constant 0 : i32
        %parallel_loop3A_502 = arith.addi %parallel_loop3A_500, %parallel_loop3A_501 : i32
        %parallel_loop3A_503 = arith.index_cast %parallel_loop3A_502 : i32 to index
        %parallel_loop3A_504 = tpu.vector_load %arg5[%parallel_loop3A_503] {strides = array<i32>} : memref<91392xi32, #tpu.memory_space<vmem>>, vector<16xi32>,
        %parallel_loop3A_505 = vector.bitcast %parallel_loop3A_504 : vector<16xi32> to vector<32xbf16>
        %parallel_loop3A_506 = arith.addf %parallel_loop3A_471, %parallel_loop3A_505 : vector<32xbf16>
        %parallel_loop3A_507 = arith.constant 16 : i32
        %parallel_loop3A_508 = arith.addi %parallel_loop3A_500, %parallel_loop3A_507 : i32
        %parallel_loop3A_509 = arith.index_cast %parallel_loop3A_508 : i32 to index
        %parallel_loop3A_510 = tpu.vector_load %arg5[%parallel_loop3A_509] {strides = array<i32>} : memref<91392xi32, #tpu.memory_space<vmem>>, vector<16xi32>,
        %parallel_loop3A_511 = vector.bitcast %parallel_loop3A_510 : vector<16xi32> to vector<32xbf16>
        %parallel_loop3A_512 = arith.addf %parallel_loop3A_477, %parallel_loop3A_511 : vector<32xbf16>
        %parallel_loop3A_513 = arith.constant 32 : i32
        %parallel_loop3A_514 = arith.addi %parallel_loop3A_500, %parallel_loop3A_513 : i32
        %parallel_loop3A_515 = arith.index_cast %parallel_loop3A_514 : i32 to index
        %parallel_loop3A_516 = tpu.vector_load %arg5[%parallel_loop3A_515] {strides = array<i32>} : memref<91392xi32, #tpu.memory_space<vmem>>, vector<16xi32>,
        %parallel_loop3A_517 = vector.bitcast %parallel_loop3A_516 : vector<16xi32> to vector<32xbf16>
        %parallel_loop3A_518 = arith.addf %parallel_loop3A_483, %parallel_loop3A_517 : vector<32xbf16>
        %parallel_loop3A_519 = arith.constant 48 : i32
        %parallel_loop3A_520 = arith.addi %parallel_loop3A_500, %parallel_loop3A_519 : i32
        %parallel_loop3A_521 = arith.index_cast %parallel_loop3A_520 : i32 to index
        %parallel_loop3A_522 = tpu.vector_load %arg5[%parallel_loop3A_521] {strides = array<i32>} : memref<91392xi32, #tpu.memory_space<vmem>>, vector<16xi32>,
        %parallel_loop3A_523 = vector.bitcast %parallel_loop3A_522 : vector<16xi32> to vector<32xbf16>
        %parallel_loop3A_524 = arith.addf %parallel_loop3A_489, %parallel_loop3A_523 : vector<32xbf16>
        %parallel_loop3A_525 = vector.extract_strided_slice %parallel_loop3A_423 {offsets = [6], sizes = [1], strides = [1]} : vector<16xi32> to vector<1xi32>
        %parallel_loop3A_526 = vector.extract %parallel_loop3A_525[0] : i32 from vector<1xi32>
        %parallel_loop3A_527 = arith.constant 1323 : i32
        %parallel_loop3A_528 = arith.addi %parallel_loop3A_527, %parallel_loop3A_526 : i32
        %parallel_loop3A_529 = arith.constant 64 : i32
        %parallel_loop3A_530 = arith.muli %parallel_loop3A_528, %parallel_loop3A_529 : i32
        %parallel_loop3A_531 = arith.constant 0 : i32
        %parallel_loop3A_532 = arith.addi %parallel_loop3A_530, %parallel_loop3A_531 : i32
        %parallel_loop3A_533 = arith.index_cast %parallel_loop3A_532 : i32 to index
        %parallel_loop3A_534 = tpu.vector_load %arg5[%parallel_loop3A_533] {strides = array<i32>} : memref<91392xi32, #tpu.memory_space<vmem>>, vector<16xi32>,
        %parallel_loop3A_535 = vector.bitcast %parallel_loop3A_534 : vector<16xi32> to vector<32xbf16>
        %parallel_loop3A_536 = arith.addf %parallel_loop3A_506, %parallel_loop3A_535 : vector<32xbf16>
        %parallel_loop3A_537 = arith.constant 16 : i32
        %parallel_loop3A_538 = arith.addi %parallel_loop3A_530, %parallel_loop3A_537 : i32
        %parallel_loop3A_539 = arith.index_cast %parallel_loop3A_538 : i32 to index
        %parallel_loop3A_540 = tpu.vector_load %arg5[%parallel_loop3A_539] {strides = array<i32>} : memref<91392xi32, #tpu.memory_space<vmem>>, vector<16xi32>,
        %parallel_loop3A_541 = vector.bitcast %parallel_loop3A_540 : vector<16xi32> to vector<32xbf16>
        %parallel_loop3A_542 = arith.addf %parallel_loop3A_512, %parallel_loop3A_541 : vector<32xbf16>
        %parallel_loop3A_543 = arith.constant 32 : i32
        %parallel_loop3A_544 = arith.addi %parallel_loop3A_530, %parallel_loop3A_543 : i32
        %parallel_loop3A_545 = arith.index_cast %parallel_loop3A_544 : i32 to index
        %parallel_loop3A_546 = tpu.vector_load %arg5[%parallel_loop3A_545] {strides = array<i32>} : memref<91392xi32, #tpu.memory_space<vmem>>, vector<16xi32>,
        %parallel_loop3A_547 = vector.bitcast %parallel_loop3A_546 : vector<16xi32> to vector<32xbf16>
        %parallel_loop3A_548 = arith.addf %parallel_loop3A_518, %parallel_loop3A_547 : vector<32xbf16>
        %parallel_loop3A_549 = arith.constant 48 : i32
        %parallel_loop3A_550 = arith.addi %parallel_loop3A_530, %parallel_loop3A_549 : i32
        %parallel_loop3A_551 = arith.index_cast %parallel_loop3A_550 : i32 to index
        %parallel_loop3A_552 = tpu.vector_load %arg5[%parallel_loop3A_551] {strides = array<i32>} : memref<91392xi32, #tpu.memory_space<vmem>>, vector<16xi32>,
        %parallel_loop3A_553 = vector.bitcast %parallel_loop3A_552 : vector<16xi32> to vector<32xbf16>
        %parallel_loop3A_554 = arith.addf %parallel_loop3A_524, %parallel_loop3A_553 : vector<32xbf16>
        %parallel_loop3A_555 = vector.extract_strided_slice %parallel_loop3A_423 {offsets = [7], sizes = [1], strides = [1]} : vector<16xi32> to vector<1xi32>
        %parallel_loop3A_556 = vector.extract %parallel_loop3A_555[0] : i32 from vector<1xi32>
        %parallel_loop3A_557 = arith.constant 1344 : i32
        %parallel_loop3A_558 = arith.addi %parallel_loop3A_557, %parallel_loop3A_556 : i32
        %parallel_loop3A_559 = arith.constant 64 : i32
        %parallel_loop3A_560 = arith.muli %parallel_loop3A_558, %parallel_loop3A_559 : i32
        %parallel_loop3A_561 = arith.constant 0 : i32
        %parallel_loop3A_562 = arith.addi %parallel_loop3A_560, %parallel_loop3A_561 : i32
        %parallel_loop3A_563 = arith.index_cast %parallel_loop3A_562 : i32 to index
        %parallel_loop3A_564 = tpu.vector_load %arg5[%parallel_loop3A_563] {strides = array<i32>} : memref<91392xi32, #tpu.memory_space<vmem>>, vector<16xi32>,
        %parallel_loop3A_565 = vector.bitcast %parallel_loop3A_564 : vector<16xi32> to vector<32xbf16>
        %parallel_loop3A_566 = arith.addf %parallel_loop3A_536, %parallel_loop3A_565 : vector<32xbf16>
        %parallel_loop3A_567 = arith.constant 16 : i32
        %parallel_loop3A_568 = arith.addi %parallel_loop3A_560, %parallel_loop3A_567 : i32
        %parallel_loop3A_569 = arith.index_cast %parallel_loop3A_568 : i32 to index
        %parallel_loop3A_570 = tpu.vector_load %arg5[%parallel_loop3A_569] {strides = array<i32>} : memref<91392xi32, #tpu.memory_space<vmem>>, vector<16xi32>,
        %parallel_loop3A_571 = vector.bitcast %parallel_loop3A_570 : vector<16xi32> to vector<32xbf16>
        %parallel_loop3A_572 = arith.addf %parallel_loop3A_542, %parallel_loop3A_571 : vector<32xbf16>
        %parallel_loop3A_573 = arith.constant 32 : i32
        %parallel_loop3A_574 = arith.addi %parallel_loop3A_560, %parallel_loop3A_573 : i32
        %parallel_loop3A_575 = arith.index_cast %parallel_loop3A_574 : i32 to index
        %parallel_loop3A_576 = tpu.vector_load %arg5[%parallel_loop3A_575] {strides = array<i32>} : memref<91392xi32, #tpu.memory_space<vmem>>, vector<16xi32>,
        %parallel_loop3A_577 = vector.bitcast %parallel_loop3A_576 : vector<16xi32> to vector<32xbf16>
        %parallel_loop3A_578 = arith.addf %parallel_loop3A_548, %parallel_loop3A_577 : vector<32xbf16>
        %parallel_loop3A_579 = arith.constant 48 : i32
        %parallel_loop3A_580 = arith.addi %parallel_loop3A_560, %parallel_loop3A_579 : i32
        %parallel_loop3A_581 = arith.index_cast %parallel_loop3A_580 : i32 to index
        %parallel_loop3A_582 = tpu.vector_load %arg5[%parallel_loop3A_581] {strides = array<i32>} : memref<91392xi32, #tpu.memory_space<vmem>>, vector<16xi32>,
        %parallel_loop3A_583 = vector.bitcast %parallel_loop3A_582 : vector<16xi32> to vector<32xbf16>
        %parallel_loop3A_584 = arith.addf %parallel_loop3A_554, %parallel_loop3A_583 : vector<32xbf16>
        %parallel_loop3A_585 = vector.extract_strided_slice %parallel_loop3A_423 {offsets = [8], sizes = [1], strides = [1]} : vector<16xi32> to vector<1xi32>
        %parallel_loop3A_586 = vector.extract %parallel_loop3A_585[0] : i32 from vector<1xi32>
        %parallel_loop3A_587 = arith.constant 1365 : i32
        %parallel_loop3A_588 = arith.addi %parallel_loop3A_587, %parallel_loop3A_586 : i32
        %parallel_loop3A_589 = arith.constant 64 : i32
        %parallel_loop3A_590 = arith.muli %parallel_loop3A_588, %parallel_loop3A_589 : i32
        %parallel_loop3A_591 = arith.constant 0 : i32
        %parallel_loop3A_592 = arith.addi %parallel_loop3A_590, %parallel_loop3A_591 : i32
        %parallel_loop3A_593 = arith.index_cast %parallel_loop3A_592 : i32 to index
        %parallel_loop3A_594 = tpu.vector_load %arg5[%parallel_loop3A_593] {strides = array<i32>} : memref<91392xi32, #tpu.memory_space<vmem>>, vector<16xi32>,
        %parallel_loop3A_595 = vector.bitcast %parallel_loop3A_594 : vector<16xi32> to vector<32xbf16>
        %parallel_loop3A_596 = arith.addf %parallel_loop3A_566, %parallel_loop3A_595 : vector<32xbf16>
        %parallel_loop3A_597 = arith.constant 16 : i32
        %parallel_loop3A_598 = arith.addi %parallel_loop3A_590, %parallel_loop3A_597 : i32
        %parallel_loop3A_599 = arith.index_cast %parallel_loop3A_598 : i32 to index
        %parallel_loop3A_600 = tpu.vector_load %arg5[%parallel_loop3A_599] {strides = array<i32>} : memref<91392xi32, #tpu.memory_space<vmem>>, vector<16xi32>,
        %parallel_loop3A_601 = vector.bitcast %parallel_loop3A_600 : vector<16xi32> to vector<32xbf16>
        %parallel_loop3A_602 = arith.addf %parallel_loop3A_572, %parallel_loop3A_601 : vector<32xbf16>
        %parallel_loop3A_603 = arith.constant 32 : i32
        %parallel_loop3A_604 = arith.addi %parallel_loop3A_590, %parallel_loop3A_603 : i32
        %parallel_loop3A_605 = arith.index_cast %parallel_loop3A_604 : i32 to index
        %parallel_loop3A_606 = tpu.vector_load %arg5[%parallel_loop3A_605] {strides = array<i32>} : memref<91392xi32, #tpu.memory_space<vmem>>, vector<16xi32>,
        %parallel_loop3A_607 = vector.bitcast %parallel_loop3A_606 : vector<16xi32> to vector<32xbf16>
        %parallel_loop3A_608 = arith.addf %parallel_loop3A_578, %parallel_loop3A_607 : vector<32xbf16>
        %parallel_loop3A_609 = arith.constant 48 : i32
        %parallel_loop3A_610 = arith.addi %parallel_loop3A_590, %parallel_loop3A_609 : i32
        %parallel_loop3A_611 = arith.index_cast %parallel_loop3A_610 : i32 to index
        %parallel_loop3A_612 = tpu.vector_load %arg5[%parallel_loop3A_611] {strides = array<i32>} : memref<91392xi32, #tpu.memory_space<vmem>>, vector<16xi32>,
        %parallel_loop3A_613 = vector.bitcast %parallel_loop3A_612 : vector<16xi32> to vector<32xbf16>
        %parallel_loop3A_614 = arith.addf %parallel_loop3A_584, %parallel_loop3A_613 : vector<32xbf16>
        %parallel_loop3A_615 = vector.extract_strided_slice %parallel_loop3A_423 {offsets = [9], sizes = [1], strides = [1]} : vector<16xi32> to vector<1xi32>
        %parallel_loop3A_616 = vector.extract %parallel_loop3A_615[0] : i32 from vector<1xi32>
        %parallel_loop3A_617 = arith.constant 1386 : i32
        %parallel_loop3A_618 = arith.addi %parallel_loop3A_617, %parallel_loop3A_616 : i32
        %parallel_loop3A_619 = arith.constant 64 : i32
        %parallel_loop3A_620 = arith.muli %parallel_loop3A_618, %parallel_loop3A_619 : i32
        %parallel_loop3A_621 = arith.constant 0 : i32
        %parallel_loop3A_622 = arith.addi %parallel_loop3A_620, %parallel_loop3A_621 : i32
        %parallel_loop3A_623 = arith.index_cast %parallel_loop3A_622 : i32 to index
        %parallel_loop3A_624 = tpu.vector_load %arg5[%parallel_loop3A_623] {strides = array<i32>} : memref<91392xi32, #tpu.memory_space<vmem>>, vector<16xi32>,
        %parallel_loop3A_625 = vector.bitcast %parallel_loop3A_624 : vector<16xi32> to vector<32xbf16>
        %parallel_loop3A_626 = arith.addf %parallel_loop3A_596, %parallel_loop3A_625 : vector<32xbf16>
        %parallel_loop3A_627 = arith.constant 16 : i32
        %parallel_loop3A_628 = arith.addi %parallel_loop3A_620, %parallel_loop3A_627 : i32
        %parallel_loop3A_629 = arith.index_cast %parallel_loop3A_628 : i32 to index
        %parallel_loop3A_630 = tpu.vector_load %arg5[%parallel_loop3A_629] {strides = array<i32>} : memref<91392xi32, #tpu.memory_space<vmem>>, vector<16xi32>,
        %parallel_loop3A_631 = vector.bitcast %parallel_loop3A_630 : vector<16xi32> to vector<32xbf16>
        %parallel_loop3A_632 = arith.addf %parallel_loop3A_602, %parallel_loop3A_631 : vector<32xbf16>
        %parallel_loop3A_633 = arith.constant 32 : i32
        %parallel_loop3A_634 = arith.addi %parallel_loop3A_620, %parallel_loop3A_633 : i32
        %parallel_loop3A_635 = arith.index_cast %parallel_loop3A_634 : i32 to index
        %parallel_loop3A_636 = tpu.vector_load %arg5[%parallel_loop3A_635] {strides = array<i32>} : memref<91392xi32, #tpu.memory_space<vmem>>, vector<16xi32>,
        %parallel_loop3A_637 = vector.bitcast %parallel_loop3A_636 : vector<16xi32> to vector<32xbf16>
        %parallel_loop3A_638 = arith.addf %parallel_loop3A_608, %parallel_loop3A_637 : vector<32xbf16>
        %parallel_loop3A_639 = arith.constant 48 : i32
        %parallel_loop3A_640 = arith.addi %parallel_loop3A_620, %parallel_loop3A_639 : i32
        %parallel_loop3A_641 = arith.index_cast %parallel_loop3A_640 : i32 to index
        %parallel_loop3A_642 = tpu.vector_load %arg5[%parallel_loop3A_641] {strides = array<i32>} : memref<91392xi32, #tpu.memory_space<vmem>>, vector<16xi32>,
        %parallel_loop3A_643 = vector.bitcast %parallel_loop3A_642 : vector<16xi32> to vector<32xbf16>
        %parallel_loop3A_644 = arith.addf %parallel_loop3A_614, %parallel_loop3A_643 : vector<32xbf16>
        %parallel_loop3A_645 = vector.extract_strided_slice %parallel_loop3A_423 {offsets = [10], sizes = [1], strides = [1]} : vector<16xi32> to vector<1xi32>
        %parallel_loop3A_646 = vector.extract %parallel_loop3A_645[0] : i32 from vector<1xi32>
        %parallel_loop3A_647 = arith.constant 1407 : i32
        %parallel_loop3A_648 = arith.addi %parallel_loop3A_647, %parallel_loop3A_646 : i32
        %parallel_loop3A_649 = arith.constant 64 : i32
        %parallel_loop3A_650 = arith.muli %parallel_loop3A_648, %parallel_loop3A_649 : i32
        %parallel_loop3A_651 = arith.constant 0 : i32
        %parallel_loop3A_652 = arith.addi %parallel_loop3A_650, %parallel_loop3A_651 : i32
        %parallel_loop3A_653 = arith.index_cast %parallel_loop3A_652 : i32 to index
        %parallel_loop3A_654 = tpu.vector_load %arg5[%parallel_loop3A_653] {strides = array<i32>} : memref<91392xi32, #tpu.memory_space<vmem>>, vector<16xi32>,
        %parallel_loop3A_655 = vector.bitcast %parallel_loop3A_654 : vector<16xi32> to vector<32xbf16>
        %parallel_loop3A_656 = arith.addf %parallel_loop3A_626, %parallel_loop3A_655 : vector<32xbf16>
        %parallel_loop3A_657 = arith.constant 16 : i32
        %parallel_loop3A_658 = arith.addi %parallel_loop3A_650, %parallel_loop3A_657 : i32
        %parallel_loop3A_659 = arith.index_cast %parallel_loop3A_658 : i32 to index
        %parallel_loop3A_660 = tpu.vector_load %arg5[%parallel_loop3A_659] {strides = array<i32>} : memref<91392xi32, #tpu.memory_space<vmem>>, vector<16xi32>,
        %parallel_loop3A_661 = vector.bitcast %parallel_loop3A_660 : vector<16xi32> to vector<32xbf16>
        %parallel_loop3A_662 = arith.addf %parallel_loop3A_632, %parallel_loop3A_661 : vector<32xbf16>
        %parallel_loop3A_663 = arith.constant 32 : i32
        %parallel_loop3A_664 = arith.addi %parallel_loop3A_650, %parallel_loop3A_663 : i32
        %parallel_loop3A_665 = arith.index_cast %parallel_loop3A_664 : i32 to index
        %parallel_loop3A_666 = tpu.vector_load %arg5[%parallel_loop3A_665] {strides = array<i32>} : memref<91392xi32, #tpu.memory_space<vmem>>, vector<16xi32>,
        %parallel_loop3A_667 = vector.bitcast %parallel_loop3A_666 : vector<16xi32> to vector<32xbf16>
        %parallel_loop3A_668 = arith.addf %parallel_loop3A_638, %parallel_loop3A_667 : vector<32xbf16>
        %parallel_loop3A_669 = arith.constant 48 : i32
        %parallel_loop3A_670 = arith.addi %parallel_loop3A_650, %parallel_loop3A_669 : i32
        %parallel_loop3A_671 = arith.index_cast %parallel_loop3A_670 : i32 to index
        %parallel_loop3A_672 = tpu.vector_load %arg5[%parallel_loop3A_671] {strides = array<i32>} : memref<91392xi32, #tpu.memory_space<vmem>>, vector<16xi32>,
        %parallel_loop3A_673 = vector.bitcast %parallel_loop3A_672 : vector<16xi32> to vector<32xbf16>
        %parallel_loop3A_674 = arith.addf %parallel_loop3A_644, %parallel_loop3A_673 : vector<32xbf16>
        %parallel_loop3A_675 = tpu.unpack_subelements %parallel_loop3A_656, 0 {pack_format = #tpu.pack_format<interleaved>} : vector<32xbf16> -> vector<16xf32>
        %parallel_loop3A_676 = tpu.unpack_subelements %parallel_loop3A_656, 1 {pack_format = #tpu.pack_format<interleaved>} : vector<32xbf16> -> vector<16xf32>
        %parallel_loop3A_677 = arith.constant 128 : i32
        %parallel_loop3A_678 = arith.muli %parallel_loop3A_418, %parallel_loop3A_677 : i32
        %parallel_loop3A_679 = arith.constant 0 : i32
        %parallel_loop3A_680 = arith.addi %parallel_loop3A_678, %parallel_loop3A_679 : i32
        %parallel_loop3A_681 = arith.index_cast %parallel_loop3A_680 : i32 to index
        %parallel_loop3A_682 = tpu.vector_load %arg8[%parallel_loop3A_681] {strides = array<i32>} : memref<16000xf32, #tpu.memory_space<vmem>>, vector<16xf32>,
        tpu.vector_store %arg8[%parallel_loop3A_681], %parallel_loop3A_675 {strides = array<i32>} : memref<16000xf32, #tpu.memory_space<vmem>>, vector<16xf32>,
        %parallel_loop3A_683 = arith.constant 128 : i32
        %parallel_loop3A_684 = arith.muli %parallel_loop3A_418, %parallel_loop3A_683 : i32
        %parallel_loop3A_685 = arith.constant 0 : i32
        %parallel_loop3A_686 = arith.addi %parallel_loop3A_684, %parallel_loop3A_685 : i32
        %parallel_loop3A_687 = arith.constant 16 : i32
        %parallel_loop3A_688 = arith.addi %parallel_loop3A_686, %parallel_loop3A_687 : i32
        %parallel_loop3A_689 = arith.index_cast %parallel_loop3A_688 : i32 to index
        %parallel_loop3A_690 = tpu.vector_load %arg8[%parallel_loop3A_689] {strides = array<i32>} : memref<16000xf32, #tpu.memory_space<vmem>>, vector<16xf32>,
        tpu.vector_store %arg8[%parallel_loop3A_689], %parallel_loop3A_676 {strides = array<i32>} : memref<16000xf32, #tpu.memory_space<vmem>>, vector<16xf32>,
        %parallel_loop3A_691 = tpu.unpack_subelements %parallel_loop3A_662, 0 {pack_format = #tpu.pack_format<interleaved>} : vector<32xbf16> -> vector<16xf32>
        %parallel_loop3A_692 = tpu.unpack_subelements %parallel_loop3A_662, 1 {pack_format = #tpu.pack_format<interleaved>} : vector<32xbf16> -> vector<16xf32>
        %parallel_loop3A_693 = arith.constant 128 : i32
        %parallel_loop3A_694 = arith.muli %parallel_loop3A_418, %parallel_loop3A_693 : i32
        %parallel_loop3A_695 = arith.constant 32 : i32
        %parallel_loop3A_696 = arith.addi %parallel_loop3A_694, %parallel_loop3A_695 : i32
        %parallel_loop3A_697 = arith.index_cast %parallel_loop3A_696 : i32 to index
        %parallel_loop3A_698 = tpu.vector_load %arg8[%parallel_loop3A_697] {strides = array<i32>} : memref<16000xf32, #tpu.memory_space<vmem>>, vector<16xf32>,
        tpu.vector_store %arg8[%parallel_loop3A_697], %parallel_loop3A_691 {strides = array<i32>} : memref<16000xf32, #tpu.memory_space<vmem>>, vector<16xf32>,
        %parallel_loop3A_699 = arith.constant 128 : i32
        %parallel_loop3A_700 = arith.muli %parallel_loop3A_418, %parallel_loop3A_699 : i32
        %parallel_loop3A_701 = arith.constant 32 : i32
        %parallel_loop3A_702 = arith.addi %parallel_loop3A_700, %parallel_loop3A_701 : i32
        %parallel_loop3A_703 = arith.constant 16 : i32
        %parallel_loop3A_704 = arith.addi %parallel_loop3A_702, %parallel_loop3A_703 : i32
        %parallel_loop3A_705 = arith.index_cast %parallel_loop3A_704 : i32 to index
        %parallel_loop3A_706 = tpu.vector_load %arg8[%parallel_loop3A_705] {strides = array<i32>} : memref<16000xf32, #tpu.memory_space<vmem>>, vector<16xf32>,
        tpu.vector_store %arg8[%parallel_loop3A_705], %parallel_loop3A_692 {strides = array<i32>} : memref<16000xf32, #tpu.memory_space<vmem>>, vector<16xf32>,
        %parallel_loop3A_707 = tpu.unpack_subelements %parallel_loop3A_668, 0 {pack_format = #tpu.pack_format<interleaved>} : vector<32xbf16> -> vector<16xf32>
        %parallel_loop3A_708 = tpu.unpack_subelements %parallel_loop3A_668, 1 {pack_format = #tpu.pack_format<interleaved>} : vector<32xbf16> -> vector<16xf32>
        %parallel_loop3A_709 = arith.constant 128 : i32
        %parallel_loop3A_710 = arith.muli %parallel_loop3A_418, %parallel_loop3A_709 : i32
        %parallel_loop3A_711 = arith.constant 64 : i32
        %parallel_loop3A_712 = arith.addi %parallel_loop3A_710, %parallel_loop3A_711 : i32
        %parallel_loop3A_713 = arith.index_cast %parallel_loop3A_712 : i32 to index
        %parallel_loop3A_714 = tpu.vector_load %arg8[%parallel_loop3A_713] {strides = array<i32>} : memref<16000xf32, #tpu.memory_space<vmem>>, vector<16xf32>,
        tpu.vector_store %arg8[%parallel_loop3A_713], %parallel_loop3A_707 {strides = array<i32>} : memref<16000xf32, #tpu.memory_space<vmem>>, vector<16xf32>,
        %parallel_loop3A_715 = arith.constant 128 : i32
        %parallel_loop3A_716 = arith.muli %parallel_loop3A_418, %parallel_loop3A_715 : i32
        %parallel_loop3A_717 = arith.constant 64 : i32
        %parallel_loop3A_718 = arith.addi %parallel_loop3A_716, %parallel_loop3A_717 : i32
        %parallel_loop3A_719 = arith.constant 16 : i32
        %parallel_loop3A_720 = arith.addi %parallel_loop3A_718, %parallel_loop3A_719 : i32
        %parallel_loop3A_721 = arith.index_cast %parallel_loop3A_720 : i32 to index
        %parallel_loop3A_722 = tpu.vector_load %arg8[%parallel_loop3A_721] {strides = array<i32>} : memref<16000xf32, #tpu.memory_space<vmem>>, vector<16xf32>,
        tpu.vector_store %arg8[%parallel_loop3A_721], %parallel_loop3A_708 {strides = array<i32>} : memref<16000xf32, #tpu.memory_space<vmem>>, vector<16xf32>,
        %parallel_loop3A_723 = tpu.unpack_subelements %parallel_loop3A_674, 0 {pack_format = #tpu.pack_format<interleaved>} : vector<32xbf16> -> vector<16xf32>
        %parallel_loop3A_724 = tpu.unpack_subelements %parallel_loop3A_674, 1 {pack_format = #tpu.pack_format<interleaved>} : vector<32xbf16> -> vector<16xf32>
        %parallel_loop3A_725 = arith.constant 128 : i32
        %parallel_loop3A_726 = arith.muli %parallel_loop3A_418, %parallel_loop3A_725 : i32
        %parallel_loop3A_727 = arith.constant 96 : i32
        %parallel_loop3A_728 = arith.addi %parallel_loop3A_726, %parallel_loop3A_727 : i32
        %parallel_loop3A_729 = arith.index_cast %parallel_loop3A_728 : i32 to index
        %parallel_loop3A_730 = tpu.vector_load %arg8[%parallel_loop3A_729] {strides = array<i32>} : memref<16000xf32, #tpu.memory_space<vmem>>, vector<16xf32>,
        tpu.vector_store %arg8[%parallel_loop3A_729], %parallel_loop3A_723 {strides = array<i32>} : memref<16000xf32, #tpu.memory_space<vmem>>, vector<16xf32>,
        %parallel_loop3A_731 = arith.constant 128 : i32
        %parallel_loop3A_732 = arith.muli %parallel_loop3A_418, %parallel_loop3A_731 : i32
        %parallel_loop3A_733 = arith.constant 96 : i32
        %parallel_loop3A_734 = arith.addi %parallel_loop3A_732, %parallel_loop3A_733 : i32
        %parallel_loop3A_735 = arith.constant 16 : i32
        %parallel_loop3A_736 = arith.addi %parallel_loop3A_734, %parallel_loop3A_735 : i32
        %parallel_loop3A_737 = arith.index_cast %parallel_loop3A_736 : i32 to index
        %parallel_loop3A_738 = tpu.vector_load %arg8[%parallel_loop3A_737] {strides = array<i32>} : memref<16000xf32, #tpu.memory_space<vmem>>, vector<16xf32>,
        tpu.vector_store %arg8[%parallel_loop3A_737], %parallel_loop3A_724 {strides = array<i32>} : memref<16000xf32, #tpu.memory_space<vmem>>, vector<16xf32>,
      } {sc.loop_unroll_factor = 5 : i64, sc.parallel_access}
      %dma_start3A_286 = tpu.memref_slice %arg4[%mul3A_166] : memref<12800000xf32, #tpu.memory_space<hbm>> -> memref<16000xf32, #tpu.memory_space<hbm>>
      %dma_start3A_287 = tpu.memref_slice %arg4[%mul3A_166] : memref<12800000xf32, #tpu.memory_space<hbm>> -> memref<16000xf32, #tpu.memory_space<hbm>>
      tpu.enqueue_dma source(%arg8 : memref<16000xf32, #tpu.memory_space<vmem>>) target(%dma_start3A_287 : memref<16000xf32, #tpu.memory_space<hbm>>) target_semaphore(%arg10 : memref<!tpu.dma_semaphore, #tpu.memory_space<semaphore_mem>>)
      %mul3A_288 = arith.constant 2 : i32
      %mul3A_289 = arith.muli %scan3A_157, %mul3A_288 : i32
      %add3A_290 = arith.constant 1 : i32
      %add3A_291 = arith.addi %mul3A_289, %add3A_290 : i32
      %mul3A_292 = arith.constant 125 : i32
      %mul3A_293 = arith.muli %add3A_291, %mul3A_292 : i32
      %add3A_294 = arith.addi %mul3A_2, %mul3A_293 : i32
      %mul3A_295 = arith.constant 128 : i32
      %mul3A_296 = arith.muli %add3A_294, %mul3A_295 : i32
      %mul3A_297 = arith.constant 125 : i32
      %mul3A_298 = arith.muli %add3A_291, %mul3A_297 : i32
      %add3A_299 = arith.addi %mul3A_2, %mul3A_298 : i32
      %mul3A_300 = arith.constant 11 : i32
      %mul3A_301 = arith.muli %add3A_299, %mul3A_300 : i32
      %jit3A_302 = arith.constant 8 : i32
      %div3A_303 = arith.divsi %mul3A_301, %jit3A_302 : i32
      %sign3A_304 = arith.constant 0 : i32
      %sign3A_305 = arith.cmpi sgt, %mul3A_301, %sign3A_304 : i32
      %sign3A_306 = arith.extui %sign3A_305 : i1 to i32
      %sign3A_307 = arith.constant 0 : i32
      %sign3A_308 = arith.cmpi slt, %mul3A_301, %sign3A_307 : i32
      %sign3A_309 = arith.extui %sign3A_308 : i1 to i32
      %sign3A_310 = arith.subi %sign3A_306, %sign3A_309 : i32
      %sign3A_311 = arith.constant 0 : i32
      %sign3A_312 = arith.cmpi sgt, %jit3A_302, %sign3A_311 : i32
      %sign3A_313 = arith.extui %sign3A_312 : i1 to i32
      %sign3A_314 = arith.constant 0 : i32
      %sign3A_315 = arith.cmpi slt, %jit3A_302, %sign3A_314 : i32
      %sign3A_316 = arith.extui %sign3A_315 : i1 to i32
      %sign3A_317 = arith.subi %sign3A_313, %sign3A_316 : i32
      %ne3A_318 = arith.cmpi ne, %sign3A_310, %sign3A_317 : i32
      %rem3A_319 = arith.remsi %mul3A_301, %jit3A_302 : i32
      %ne3A_320 = arith.constant 0 : i32
      %ne3A_321 = arith.cmpi ne, %rem3A_319, %ne3A_320 : i32
      %and3A_322 = arith.andi %ne3A_318, %ne3A_321 : i1
      %sub3A_323 = arith.constant 1 : i32
      %sub3A_324 = arith.subi %div3A_303, %sub3A_323 : i32
      %select_n3A_325 = arith.select %and3A_322, %sub3A_324, %div3A_303 : i32
      %mul3A_326 = arith.constant 8 : i32
      %mul3A_327 = arith.muli %select_n3A_325, %mul3A_326 : i32
      %min3A_328 = arith.constant 1098592 : i32
      %min3A_329 = arith.minsi %mul3A_327, %min3A_328 : i32
      %mul3A_330 = arith.constant 125 : i32
      %mul3A_331 = arith.muli %add3A_291, %mul3A_330 : i32
      %add3A_332 = arith.addi %mul3A_2, %mul3A_331 : i32
      %mul3A_333 = arith.constant 11 : i32
      %mul3A_334 = arith.muli %add3A_332, %mul3A_333 : i32
      %jit3A_335 = arith.constant 8 : i32
      %div3A_336 = arith.divsi %mul3A_334, %jit3A_335 : i32
      %sign3A_337 = arith.constant 0 : i32
      %sign3A_338 = arith.cmpi sgt, %mul3A_334, %sign3A_337 : i32
      %sign3A_339 = arith.extui %sign3A_338 : i1 to i32
      %sign3A_340 = arith.constant 0 : i32
      %sign3A_341 = arith.cmpi slt, %mul3A_334, %sign3A_340 : i32
      %sign3A_342 = arith.extui %sign3A_341 : i1 to i32
      %sign3A_343 = arith.subi %sign3A_339, %sign3A_342 : i32
      %sign3A_344 = arith.constant 0 : i32
      %sign3A_345 = arith.cmpi sgt, %jit3A_335, %sign3A_344 : i32
      %sign3A_346 = arith.extui %sign3A_345 : i1 to i32
      %sign3A_347 = arith.constant 0 : i32
      %sign3A_348 = arith.cmpi slt, %jit3A_335, %sign3A_347 : i32
      %sign3A_349 = arith.extui %sign3A_348 : i1 to i32
      %sign3A_350 = arith.subi %sign3A_346, %sign3A_349 : i32
      %ne3A_351 = arith.cmpi ne, %sign3A_343, %sign3A_350 : i32
      %rem3A_352 = arith.remsi %mul3A_334, %jit3A_335 : i32
      %ne3A_353 = arith.constant 0 : i32
      %ne3A_354 = arith.cmpi ne, %rem3A_352, %ne3A_353 : i32
      %and3A_355 = arith.andi %ne3A_351, %ne3A_354 : i1
      %sub3A_356 = arith.constant 1 : i32
      %sub3A_357 = arith.subi %div3A_336, %sub3A_356 : i32
      %select_n3A_358 = arith.select %and3A_355, %sub3A_357, %div3A_336 : i32
      %mul3A_359 = arith.constant 8 : i32
      %mul3A_360 = arith.muli %select_n3A_358, %mul3A_359 : i32
      %min3A_361 = arith.constant 1098592 : i32
      %min3A_362 = arith.minsi %mul3A_360, %min3A_361 : i32
      %dma_wait3A_363 = arith.constant 0 : i32
      %dma_wait3A_364 = tpu.memref_slice %arg7[%dma_wait3A_363] : memref<1424xi32, #tpu.memory_space<vmem>> -> memref<1408xi32, #tpu.memory_space<vmem>>
      %dma_wait3A_365 = tpu.memref_slice %arg2[%min3A_362] : memref<1100000xi32, #tpu.memory_space<hbm>> -> memref<1408xi32, #tpu.memory_space<hbm>>
      %dma_wait3A_366 = arith.constant 0 : i32
      %dma_wait3A_367 = tpu.memref_slice %arg7[%dma_wait3A_366] : memref<1424xi32, #tpu.memory_space<vmem>> -> memref<1408xi32, #tpu.memory_space<vmem>>
      %dma_wait3A_368 = tpu.memref_slice %arg2[%min3A_362] : memref<1100000xi32, #tpu.memory_space<hbm>> -> memref<1408xi32, #tpu.memory_space<hbm>>
      tpu.wait_dma2 semaphore(%arg13 : memref<!tpu.dma_semaphore, #tpu.memory_space<semaphore_mem>>) src(%dma_wait3A_368 : memref<1408xi32, #tpu.memory_space<hbm>>) dst(%dma_wait3A_367 : memref<1408xi32, #tpu.memory_space<vmem>>)
      %add3A_369 = arith.constant 1 : i32
      %add3A_370 = arith.addi %add3A_291, %add3A_369 : i32
      %mul3A_371 = arith.constant 125 : i32
      %mul3A_372 = arith.muli %add3A_370, %mul3A_371 : i32
      %add3A_373 = arith.addi %mul3A_2, %mul3A_372 : i32
      %mul3A_374 = arith.constant 11 : i32
      %mul3A_375 = arith.muli %add3A_373, %mul3A_374 : i32
      %jit3A_376 = arith.constant 8 : i32
      %div3A_377 = arith.divsi %mul3A_375, %jit3A_376 : i32
      %sign3A_378 = arith.constant 0 : i32
      %sign3A_379 = arith.cmpi sgt, %mul3A_375, %sign3A_378 : i32
      %sign3A_380 = arith.extui %sign3A_379 : i1 to i32
      %sign3A_381 = arith.constant 0 : i32
      %sign3A_382 = arith.cmpi slt, %mul3A_375, %sign3A_381 : i32
      %sign3A_383 = arith.extui %sign3A_382 : i1 to i32
      %sign3A_384 = arith.subi %sign3A_380, %sign3A_383 : i32
      %sign3A_385 = arith.constant 0 : i32
      %sign3A_386 = arith.cmpi sgt, %jit3A_376, %sign3A_385 : i32
      %sign3A_387 = arith.extui %sign3A_386 : i1 to i32
      %sign3A_388 = arith.constant 0 : i32
      %sign3A_389 = arith.cmpi slt, %jit3A_376, %sign3A_388 : i32
      %sign3A_390 = arith.extui %sign3A_389 : i1 to i32
      %sign3A_391 = arith.subi %sign3A_387, %sign3A_390 : i32
      %ne3A_392 = arith.cmpi ne, %sign3A_384, %sign3A_391 : i32
      %rem3A_393 = arith.remsi %mul3A_375, %jit3A_376 : i32
      %ne3A_394 = arith.constant 0 : i32
      %ne3A_395 = arith.cmpi ne, %rem3A_393, %ne3A_394 : i32
      %and3A_396 = arith.andi %ne3A_392, %ne3A_395 : i1
      %sub3A_397 = arith.constant 1 : i32
      %sub3A_398 = arith.subi %div3A_377, %sub3A_397 : i32
      %select_n3A_399 = arith.select %and3A_396, %sub3A_398, %div3A_377 : i32
      %mul3A_400 = arith.constant 8 : i32
      %mul3A_401 = arith.muli %select_n3A_399, %mul3A_400 : i32
      %min3A_402 = arith.constant 1098592 : i32
      %min3A_403 = arith.minsi %mul3A_401, %min3A_402 : i32
      %dma_start3A_404 = arith.constant 0 : i32
      %dma_start3A_405 = tpu.memref_slice %arg6[%dma_start3A_404] : memref<1424xi32, #tpu.memory_space<vmem>> -> memref<1408xi32, #tpu.memory_space<vmem>>
      %dma_start3A_406 = tpu.memref_slice %arg2[%min3A_403] : memref<1100000xi32, #tpu.memory_space<hbm>> -> memref<1408xi32, #tpu.memory_space<hbm>>
      %dma_start3A_407 = arith.constant 0 : i32
      %dma_start3A_408 = tpu.memref_slice %arg6[%dma_start3A_407] : memref<1424xi32, #tpu.memory_space<vmem>> -> memref<1408xi32, #tpu.memory_space<vmem>>
      %dma_start3A_409 = tpu.memref_slice %arg2[%min3A_403] : memref<1100000xi32, #tpu.memory_space<hbm>> -> memref<1408xi32, #tpu.memory_space<hbm>>
      tpu.enqueue_dma source(%dma_start3A_409 : memref<1408xi32, #tpu.memory_space<hbm>>) target(%dma_start3A_408 : memref<1408xi32, #tpu.memory_space<vmem>>) target_semaphore(%arg12 : memref<!tpu.dma_semaphore, #tpu.memory_space<semaphore_mem>>)
      %dma_wait3A_410 = tpu.memref_slice %arg4[%mul3A_296] : memref<12800000xf32, #tpu.memory_space<hbm>> -> memref<16000xf32, #tpu.memory_space<hbm>>
      %dma_wait3A_411 = tpu.memref_slice %arg4[%mul3A_296] : memref<12800000xf32, #tpu.memory_space<hbm>> -> memref<16000xf32, #tpu.memory_space<hbm>>
      tpu.wait_dma2 semaphore(%arg11 : memref<!tpu.dma_semaphore, #tpu.memory_space<semaphore_mem>>) src(%arg9 : memref<16000xf32, #tpu.memory_space<vmem>>) dst(%dma_wait3A_411 : memref<16000xf32, #tpu.memory_space<hbm>>)
      %sub3A_412 = arith.subi %mul3A_301, %min3A_329 : i32
      %parallel_loop3A_413 = arith.constant 0 : i32
      %parallel_loop3A_414 = arith.constant 125 : i32
      %parallel_loop3A_415 = arith.constant 1 : i32
      scf.for %parallel_loop3A_418 = %parallel_loop3A_413 to %parallel_loop3A_414 step %parallel_loop3A_415  : i32 {
        %parallel_loop3A_419 = arith.constant 11 : i32
        %parallel_loop3A_420 = arith.muli %parallel_loop3A_418, %parallel_loop3A_419 : i32
        %parallel_loop3A_421 = arith.addi %sub3A_412, %parallel_loop3A_420 : i32
        %parallel_loop3A_422 = arith.index_cast %parallel_loop3A_421 : i32 to index
        %parallel_loop3A_423 = tpu.vector_load %arg7[%parallel_loop3A_422] {strides = array<i32>} : memref<1424xi32, #tpu.memory_space<vmem>>, vector<16xi32>,
        %parallel_loop3A_424 = vector.extract_strided_slice %parallel_loop3A_423 {offsets = [0], sizes = [1], strides = [1]} : vector<16xi32> to vector<1xi32>
        %parallel_loop3A_425 = vector.extract %parallel_loop3A_424[0] : i32 from vector<1xi32>
        %parallel_loop3A_426 = vector.extract_strided_slice %parallel_loop3A_423 {offsets = [1], sizes = [1], strides = [1]} : vector<16xi32> to vector<1xi32>
        %parallel_loop3A_427 = vector.extract %parallel_loop3A_426[0] : i32 from vector<1xi32>
        %parallel_loop3A_428 = arith.constant 21 : i32
        %parallel_loop3A_429 = arith.muli %parallel_loop3A_425, %parallel_loop3A_428 : i32
        %parallel_loop3A_430 = arith.constant 0 : i32
        %parallel_loop3A_431 = arith.addi %parallel_loop3A_430, %parallel_loop3A_429 : i32
        %parallel_loop3A_432 = arith.addi %parallel_loop3A_431, %parallel_loop3A_427 : i32
        %parallel_loop3A_433 = arith.constant 64 : i32
        %parallel_loop3A_434 = arith.muli %parallel_loop3A_432, %parallel_loop3A_433 : i32
        %parallel_loop3A_435 = arith.constant 0 : i32
        %parallel_loop3A_436 = arith.addi %parallel_loop3A_434, %parallel_loop3A_435 : i32
        %parallel_loop3A_437 = arith.index_cast %parallel_loop3A_436 : i32 to index
        %parallel_loop3A_438 = tpu.vector_load %arg5[%parallel_loop3A_437] {strides = array<i32>} : memref<91392xi32, #tpu.memory_space<vmem>>, vector<16xi32>,
        %parallel_loop3A_439 = vector.bitcast %parallel_loop3A_438 : vector<16xi32> to vector<32xbf16>
        %parallel_loop3A_440 = arith.constant 16 : i32
        %parallel_loop3A_441 = arith.addi %parallel_loop3A_434, %parallel_loop3A_440 : i32
        %parallel_loop3A_442 = arith.index_cast %parallel_loop3A_441 : i32 to index
        %parallel_loop3A_443 = tpu.vector_load %arg5[%parallel_loop3A_442] {strides = array<i32>} : memref<91392xi32, #tpu.memory_space<vmem>>, vector<16xi32>,
        %parallel_loop3A_444 = vector.bitcast %parallel_loop3A_443 : vector<16xi32> to vector<32xbf16>
        %parallel_loop3A_445 = arith.constant 32 : i32
        %parallel_loop3A_446 = arith.addi %parallel_loop3A_434, %parallel_loop3A_445 : i32
        %parallel_loop3A_447 = arith.index_cast %parallel_loop3A_446 : i32 to index
        %parallel_loop3A_448 = tpu.vector_load %arg5[%parallel_loop3A_447] {strides = array<i32>} : memref<91392xi32, #tpu.memory_space<vmem>>, vector<16xi32>,
        %parallel_loop3A_449 = vector.bitcast %parallel_loop3A_448 : vector<16xi32> to vector<32xbf16>
        %parallel_loop3A_450 = arith.constant 48 : i32
        %parallel_loop3A_451 = arith.addi %parallel_loop3A_434, %parallel_loop3A_450 : i32
        %parallel_loop3A_452 = arith.index_cast %parallel_loop3A_451 : i32 to index
        %parallel_loop3A_453 = tpu.vector_load %arg5[%parallel_loop3A_452] {strides = array<i32>} : memref<91392xi32, #tpu.memory_space<vmem>>, vector<16xi32>,
        %parallel_loop3A_454 = vector.bitcast %parallel_loop3A_453 : vector<16xi32> to vector<32xbf16>
        %parallel_loop3A_455 = vector.extract_strided_slice %parallel_loop3A_423 {offsets = [2], sizes = [1], strides = [1]} : vector<16xi32> to vector<1xi32>
        %parallel_loop3A_456 = vector.extract %parallel_loop3A_455[0] : i32 from vector<1xi32>
        %parallel_loop3A_457 = vector.extract_strided_slice %parallel_loop3A_423 {offsets = [3], sizes = [1], strides = [1]} : vector<16xi32> to vector<1xi32>
        %parallel_loop3A_458 = vector.extract %parallel_loop3A_457[0] : i32 from vector<1xi32>
        %parallel_loop3A_459 = arith.constant 21 : i32
        %parallel_loop3A_460 = arith.muli %parallel_loop3A_456, %parallel_loop3A_459 : i32
        %parallel_loop3A_461 = arith.constant 441 : i32
        %parallel_loop3A_462 = arith.addi %parallel_loop3A_461, %parallel_loop3A_460 : i32
        %parallel_loop3A_463 = arith.addi %parallel_loop3A_462, %parallel_loop3A_458 : i32
        %parallel_loop3A_464 = arith.constant 64 : i32
        %parallel_loop3A_465 = arith.muli %parallel_loop3A_463, %parallel_loop3A_464 : i32
        %parallel_loop3A_466 = arith.constant 0 : i32
        %parallel_loop3A_467 = arith.addi %parallel_loop3A_465, %parallel_loop3A_466 : i32
        %parallel_loop3A_468 = arith.index_cast %parallel_loop3A_467 : i32 to index
        %parallel_loop3A_469 = tpu.vector_load %arg5[%parallel_loop3A_468] {strides = array<i32>} : memref<91392xi32, #tpu.memory_space<vmem>>, vector<16xi32>,
        %parallel_loop3A_470 = vector.bitcast %parallel_loop3A_469 : vector<16xi32> to vector<32xbf16>
        %parallel_loop3A_471 = arith.addf %parallel_loop3A_439, %parallel_loop3A_470 : vector<32xbf16>
        %parallel_loop3A_472 = arith.constant 16 : i32
        %parallel_loop3A_473 = arith.addi %parallel_loop3A_465, %parallel_loop3A_472 : i32
        %parallel_loop3A_474 = arith.index_cast %parallel_loop3A_473 : i32 to index
        %parallel_loop3A_475 = tpu.vector_load %arg5[%parallel_loop3A_474] {strides = array<i32>} : memref<91392xi32, #tpu.memory_space<vmem>>, vector<16xi32>,
        %parallel_loop3A_476 = vector.bitcast %parallel_loop3A_475 : vector<16xi32> to vector<32xbf16>
        %parallel_loop3A_477 = arith.addf %parallel_loop3A_444, %parallel_loop3A_476 : vector<32xbf16>
        %parallel_loop3A_478 = arith.constant 32 : i32
        %parallel_loop3A_479 = arith.addi %parallel_loop3A_465, %parallel_loop3A_478 : i32
        %parallel_loop3A_480 = arith.index_cast %parallel_loop3A_479 : i32 to index
        %parallel_loop3A_481 = tpu.vector_load %arg5[%parallel_loop3A_480] {strides = array<i32>} : memref<91392xi32, #tpu.memory_space<vmem>>, vector<16xi32>,
        %parallel_loop3A_482 = vector.bitcast %parallel_loop3A_481 : vector<16xi32> to vector<32xbf16>
        %parallel_loop3A_483 = arith.addf %parallel_loop3A_449, %parallel_loop3A_482 : vector<32xbf16>
        %parallel_loop3A_484 = arith.constant 48 : i32
        %parallel_loop3A_485 = arith.addi %parallel_loop3A_465, %parallel_loop3A_484 : i32
        %parallel_loop3A_486 = arith.index_cast %parallel_loop3A_485 : i32 to index
        %parallel_loop3A_487 = tpu.vector_load %arg5[%parallel_loop3A_486] {strides = array<i32>} : memref<91392xi32, #tpu.memory_space<vmem>>, vector<16xi32>,
        %parallel_loop3A_488 = vector.bitcast %parallel_loop3A_487 : vector<16xi32> to vector<32xbf16>
        %parallel_loop3A_489 = arith.addf %parallel_loop3A_454, %parallel_loop3A_488 : vector<32xbf16>
        %parallel_loop3A_490 = vector.extract_strided_slice %parallel_loop3A_423 {offsets = [4], sizes = [1], strides = [1]} : vector<16xi32> to vector<1xi32>
        %parallel_loop3A_491 = vector.extract %parallel_loop3A_490[0] : i32 from vector<1xi32>
        %parallel_loop3A_492 = vector.extract_strided_slice %parallel_loop3A_423 {offsets = [5], sizes = [1], strides = [1]} : vector<16xi32> to vector<1xi32>
        %parallel_loop3A_493 = vector.extract %parallel_loop3A_492[0] : i32 from vector<1xi32>
        %parallel_loop3A_494 = arith.constant 21 : i32
        %parallel_loop3A_495 = arith.muli %parallel_loop3A_491, %parallel_loop3A_494 : i32
        %parallel_loop3A_496 = arith.constant 882 : i32
        %parallel_loop3A_497 = arith.addi %parallel_loop3A_496, %parallel_loop3A_495 : i32
        %parallel_loop3A_498 = arith.addi %parallel_loop3A_497, %parallel_loop3A_493 : i32
        %parallel_loop3A_499 = arith.constant 64 : i32
        %parallel_loop3A_500 = arith.muli %parallel_loop3A_498, %parallel_loop3A_499 : i32
        %parallel_loop3A_501 = arith.constant 0 : i32
        %parallel_loop3A_502 = arith.addi %parallel_loop3A_500, %parallel_loop3A_501 : i32
        %parallel_loop3A_503 = arith.index_cast %parallel_loop3A_502 : i32 to index
        %parallel_loop3A_504 = tpu.vector_load %arg5[%parallel_loop3A_503] {strides = array<i32>} : memref<91392xi32, #tpu.memory_space<vmem>>, vector<16xi32>,
        %parallel_loop3A_505 = vector.bitcast %parallel_loop3A_504 : vector<16xi32> to vector<32xbf16>
        %parallel_loop3A_506 = arith.addf %parallel_loop3A_471, %parallel_loop3A_505 : vector<32xbf16>
        %parallel_loop3A_507 = arith.constant 16 : i32
        %parallel_loop3A_508 = arith.addi %parallel_loop3A_500, %parallel_loop3A_507 : i32
        %parallel_loop3A_509 = arith.index_cast %parallel_loop3A_508 : i32 to index
        %parallel_loop3A_510 = tpu.vector_load %arg5[%parallel_loop3A_509] {strides = array<i32>} : memref<91392xi32, #tpu.memory_space<vmem>>, vector<16xi32>,
        %parallel_loop3A_511 = vector.bitcast %parallel_loop3A_510 : vector<16xi32> to vector<32xbf16>
        %parallel_loop3A_512 = arith.addf %parallel_loop3A_477, %parallel_loop3A_511 : vector<32xbf16>
        %parallel_loop3A_513 = arith.constant 32 : i32
        %parallel_loop3A_514 = arith.addi %parallel_loop3A_500, %parallel_loop3A_513 : i32
        %parallel_loop3A_515 = arith.index_cast %parallel_loop3A_514 : i32 to index
        %parallel_loop3A_516 = tpu.vector_load %arg5[%parallel_loop3A_515] {strides = array<i32>} : memref<91392xi32, #tpu.memory_space<vmem>>, vector<16xi32>,
        %parallel_loop3A_517 = vector.bitcast %parallel_loop3A_516 : vector<16xi32> to vector<32xbf16>
        %parallel_loop3A_518 = arith.addf %parallel_loop3A_483, %parallel_loop3A_517 : vector<32xbf16>
        %parallel_loop3A_519 = arith.constant 48 : i32
        %parallel_loop3A_520 = arith.addi %parallel_loop3A_500, %parallel_loop3A_519 : i32
        %parallel_loop3A_521 = arith.index_cast %parallel_loop3A_520 : i32 to index
        %parallel_loop3A_522 = tpu.vector_load %arg5[%parallel_loop3A_521] {strides = array<i32>} : memref<91392xi32, #tpu.memory_space<vmem>>, vector<16xi32>,
        %parallel_loop3A_523 = vector.bitcast %parallel_loop3A_522 : vector<16xi32> to vector<32xbf16>
        %parallel_loop3A_524 = arith.addf %parallel_loop3A_489, %parallel_loop3A_523 : vector<32xbf16>
        %parallel_loop3A_525 = vector.extract_strided_slice %parallel_loop3A_423 {offsets = [6], sizes = [1], strides = [1]} : vector<16xi32> to vector<1xi32>
        %parallel_loop3A_526 = vector.extract %parallel_loop3A_525[0] : i32 from vector<1xi32>
        %parallel_loop3A_527 = arith.constant 1323 : i32
        %parallel_loop3A_528 = arith.addi %parallel_loop3A_527, %parallel_loop3A_526 : i32
        %parallel_loop3A_529 = arith.constant 64 : i32
        %parallel_loop3A_530 = arith.muli %parallel_loop3A_528, %parallel_loop3A_529 : i32
        %parallel_loop3A_531 = arith.constant 0 : i32
        %parallel_loop3A_532 = arith.addi %parallel_loop3A_530, %parallel_loop3A_531 : i32
        %parallel_loop3A_533 = arith.index_cast %parallel_loop3A_532 : i32 to index
        %parallel_loop3A_534 = tpu.vector_load %arg5[%parallel_loop3A_533] {strides = array<i32>} : memref<91392xi32, #tpu.memory_space<vmem>>, vector<16xi32>,
        %parallel_loop3A_535 = vector.bitcast %parallel_loop3A_534 : vector<16xi32> to vector<32xbf16>
        %parallel_loop3A_536 = arith.addf %parallel_loop3A_506, %parallel_loop3A_535 : vector<32xbf16>
        %parallel_loop3A_537 = arith.constant 16 : i32
        %parallel_loop3A_538 = arith.addi %parallel_loop3A_530, %parallel_loop3A_537 : i32
        %parallel_loop3A_539 = arith.index_cast %parallel_loop3A_538 : i32 to index
        %parallel_loop3A_540 = tpu.vector_load %arg5[%parallel_loop3A_539] {strides = array<i32>} : memref<91392xi32, #tpu.memory_space<vmem>>, vector<16xi32>,
        %parallel_loop3A_541 = vector.bitcast %parallel_loop3A_540 : vector<16xi32> to vector<32xbf16>
        %parallel_loop3A_542 = arith.addf %parallel_loop3A_512, %parallel_loop3A_541 : vector<32xbf16>
        %parallel_loop3A_543 = arith.constant 32 : i32
        %parallel_loop3A_544 = arith.addi %parallel_loop3A_530, %parallel_loop3A_543 : i32
        %parallel_loop3A_545 = arith.index_cast %parallel_loop3A_544 : i32 to index
        %parallel_loop3A_546 = tpu.vector_load %arg5[%parallel_loop3A_545] {strides = array<i32>} : memref<91392xi32, #tpu.memory_space<vmem>>, vector<16xi32>,
        %parallel_loop3A_547 = vector.bitcast %parallel_loop3A_546 : vector<16xi32> to vector<32xbf16>
        %parallel_loop3A_548 = arith.addf %parallel_loop3A_518, %parallel_loop3A_547 : vector<32xbf16>
        %parallel_loop3A_549 = arith.constant 48 : i32
        %parallel_loop3A_550 = arith.addi %parallel_loop3A_530, %parallel_loop3A_549 : i32
        %parallel_loop3A_551 = arith.index_cast %parallel_loop3A_550 : i32 to index
        %parallel_loop3A_552 = tpu.vector_load %arg5[%parallel_loop3A_551] {strides = array<i32>} : memref<91392xi32, #tpu.memory_space<vmem>>, vector<16xi32>,
        %parallel_loop3A_553 = vector.bitcast %parallel_loop3A_552 : vector<16xi32> to vector<32xbf16>
        %parallel_loop3A_554 = arith.addf %parallel_loop3A_524, %parallel_loop3A_553 : vector<32xbf16>
        %parallel_loop3A_555 = vector.extract_strided_slice %parallel_loop3A_423 {offsets = [7], sizes = [1], strides = [1]} : vector<16xi32> to vector<1xi32>
        %parallel_loop3A_556 = vector.extract %parallel_loop3A_555[0] : i32 from vector<1xi32>
        %parallel_loop3A_557 = arith.constant 1344 : i32
        %parallel_loop3A_558 = arith.addi %parallel_loop3A_557, %parallel_loop3A_556 : i32
        %parallel_loop3A_559 = arith.constant 64 : i32
        %parallel_loop3A_560 = arith.muli %parallel_loop3A_558, %parallel_loop3A_559 : i32
        %parallel_loop3A_561 = arith.constant 0 : i32
        %parallel_loop3A_562 = arith.addi %parallel_loop3A_560, %parallel_loop3A_561 : i32
        %parallel_loop3A_563 = arith.index_cast %parallel_loop3A_562 : i32 to index
        %parallel_loop3A_564 = tpu.vector_load %arg5[%parallel_loop3A_563] {strides = array<i32>} : memref<91392xi32, #tpu.memory_space<vmem>>, vector<16xi32>,
        %parallel_loop3A_565 = vector.bitcast %parallel_loop3A_564 : vector<16xi32> to vector<32xbf16>
        %parallel_loop3A_566 = arith.addf %parallel_loop3A_536, %parallel_loop3A_565 : vector<32xbf16>
        %parallel_loop3A_567 = arith.constant 16 : i32
        %parallel_loop3A_568 = arith.addi %parallel_loop3A_560, %parallel_loop3A_567 : i32
        %parallel_loop3A_569 = arith.index_cast %parallel_loop3A_568 : i32 to index
        %parallel_loop3A_570 = tpu.vector_load %arg5[%parallel_loop3A_569] {strides = array<i32>} : memref<91392xi32, #tpu.memory_space<vmem>>, vector<16xi32>,
        %parallel_loop3A_571 = vector.bitcast %parallel_loop3A_570 : vector<16xi32> to vector<32xbf16>
        %parallel_loop3A_572 = arith.addf %parallel_loop3A_542, %parallel_loop3A_571 : vector<32xbf16>
        %parallel_loop3A_573 = arith.constant 32 : i32
        %parallel_loop3A_574 = arith.addi %parallel_loop3A_560, %parallel_loop3A_573 : i32
        %parallel_loop3A_575 = arith.index_cast %parallel_loop3A_574 : i32 to index
        %parallel_loop3A_576 = tpu.vector_load %arg5[%parallel_loop3A_575] {strides = array<i32>} : memref<91392xi32, #tpu.memory_space<vmem>>, vector<16xi32>,
        %parallel_loop3A_577 = vector.bitcast %parallel_loop3A_576 : vector<16xi32> to vector<32xbf16>
        %parallel_loop3A_578 = arith.addf %parallel_loop3A_548, %parallel_loop3A_577 : vector<32xbf16>
        %parallel_loop3A_579 = arith.constant 48 : i32
        %parallel_loop3A_580 = arith.addi %parallel_loop3A_560, %parallel_loop3A_579 : i32
        %parallel_loop3A_581 = arith.index_cast %parallel_loop3A_580 : i32 to index
        %parallel_loop3A_582 = tpu.vector_load %arg5[%parallel_loop3A_581] {strides = array<i32>} : memref<91392xi32, #tpu.memory_space<vmem>>, vector<16xi32>,
        %parallel_loop3A_583 = vector.bitcast %parallel_loop3A_582 : vector<16xi32> to vector<32xbf16>
        %parallel_loop3A_584 = arith.addf %parallel_loop3A_554, %parallel_loop3A_583 : vector<32xbf16>
        %parallel_loop3A_585 = vector.extract_strided_slice %parallel_loop3A_423 {offsets = [8], sizes = [1], strides = [1]} : vector<16xi32> to vector<1xi32>
        %parallel_loop3A_586 = vector.extract %parallel_loop3A_585[0] : i32 from vector<1xi32>
        %parallel_loop3A_587 = arith.constant 1365 : i32
        %parallel_loop3A_588 = arith.addi %parallel_loop3A_587, %parallel_loop3A_586 : i32
        %parallel_loop3A_589 = arith.constant 64 : i32
        %parallel_loop3A_590 = arith.muli %parallel_loop3A_588, %parallel_loop3A_589 : i32
        %parallel_loop3A_591 = arith.constant 0 : i32
        %parallel_loop3A_592 = arith.addi %parallel_loop3A_590, %parallel_loop3A_591 : i32
        %parallel_loop3A_593 = arith.index_cast %parallel_loop3A_592 : i32 to index
        %parallel_loop3A_594 = tpu.vector_load %arg5[%parallel_loop3A_593] {strides = array<i32>} : memref<91392xi32, #tpu.memory_space<vmem>>, vector<16xi32>,
        %parallel_loop3A_595 = vector.bitcast %parallel_loop3A_594 : vector<16xi32> to vector<32xbf16>
        %parallel_loop3A_596 = arith.addf %parallel_loop3A_566, %parallel_loop3A_595 : vector<32xbf16>
        %parallel_loop3A_597 = arith.constant 16 : i32
        %parallel_loop3A_598 = arith.addi %parallel_loop3A_590, %parallel_loop3A_597 : i32
        %parallel_loop3A_599 = arith.index_cast %parallel_loop3A_598 : i32 to index
        %parallel_loop3A_600 = tpu.vector_load %arg5[%parallel_loop3A_599] {strides = array<i32>} : memref<91392xi32, #tpu.memory_space<vmem>>, vector<16xi32>,
        %parallel_loop3A_601 = vector.bitcast %parallel_loop3A_600 : vector<16xi32> to vector<32xbf16>
        %parallel_loop3A_602 = arith.addf %parallel_loop3A_572, %parallel_loop3A_601 : vector<32xbf16>
        %parallel_loop3A_603 = arith.constant 32 : i32
        %parallel_loop3A_604 = arith.addi %parallel_loop3A_590, %parallel_loop3A_603 : i32
        %parallel_loop3A_605 = arith.index_cast %parallel_loop3A_604 : i32 to index
        %parallel_loop3A_606 = tpu.vector_load %arg5[%parallel_loop3A_605] {strides = array<i32>} : memref<91392xi32, #tpu.memory_space<vmem>>, vector<16xi32>,
        %parallel_loop3A_607 = vector.bitcast %parallel_loop3A_606 : vector<16xi32> to vector<32xbf16>
        %parallel_loop3A_608 = arith.addf %parallel_loop3A_578, %parallel_loop3A_607 : vector<32xbf16>
        %parallel_loop3A_609 = arith.constant 48 : i32
        %parallel_loop3A_610 = arith.addi %parallel_loop3A_590, %parallel_loop3A_609 : i32
        %parallel_loop3A_611 = arith.index_cast %parallel_loop3A_610 : i32 to index
        %parallel_loop3A_612 = tpu.vector_load %arg5[%parallel_loop3A_611] {strides = array<i32>} : memref<91392xi32, #tpu.memory_space<vmem>>, vector<16xi32>,
        %parallel_loop3A_613 = vector.bitcast %parallel_loop3A_612 : vector<16xi32> to vector<32xbf16>
        %parallel_loop3A_614 = arith.addf %parallel_loop3A_584, %parallel_loop3A_613 : vector<32xbf16>
        %parallel_loop3A_615 = vector.extract_strided_slice %parallel_loop3A_423 {offsets = [9], sizes = [1], strides = [1]} : vector<16xi32> to vector<1xi32>
        %parallel_loop3A_616 = vector.extract %parallel_loop3A_615[0] : i32 from vector<1xi32>
        %parallel_loop3A_617 = arith.constant 1386 : i32
        %parallel_loop3A_618 = arith.addi %parallel_loop3A_617, %parallel_loop3A_616 : i32
        %parallel_loop3A_619 = arith.constant 64 : i32
        %parallel_loop3A_620 = arith.muli %parallel_loop3A_618, %parallel_loop3A_619 : i32
        %parallel_loop3A_621 = arith.constant 0 : i32
        %parallel_loop3A_622 = arith.addi %parallel_loop3A_620, %parallel_loop3A_621 : i32
        %parallel_loop3A_623 = arith.index_cast %parallel_loop3A_622 : i32 to index
        %parallel_loop3A_624 = tpu.vector_load %arg5[%parallel_loop3A_623] {strides = array<i32>} : memref<91392xi32, #tpu.memory_space<vmem>>, vector<16xi32>,
        %parallel_loop3A_625 = vector.bitcast %parallel_loop3A_624 : vector<16xi32> to vector<32xbf16>
        %parallel_loop3A_626 = arith.addf %parallel_loop3A_596, %parallel_loop3A_625 : vector<32xbf16>
        %parallel_loop3A_627 = arith.constant 16 : i32
        %parallel_loop3A_628 = arith.addi %parallel_loop3A_620, %parallel_loop3A_627 : i32
        %parallel_loop3A_629 = arith.index_cast %parallel_loop3A_628 : i32 to index
        %parallel_loop3A_630 = tpu.vector_load %arg5[%parallel_loop3A_629] {strides = array<i32>} : memref<91392xi32, #tpu.memory_space<vmem>>, vector<16xi32>,
        %parallel_loop3A_631 = vector.bitcast %parallel_loop3A_630 : vector<16xi32> to vector<32xbf16>
        %parallel_loop3A_632 = arith.addf %parallel_loop3A_602, %parallel_loop3A_631 : vector<32xbf16>
        %parallel_loop3A_633 = arith.constant 32 : i32
        %parallel_loop3A_634 = arith.addi %parallel_loop3A_620, %parallel_loop3A_633 : i32
        %parallel_loop3A_635 = arith.index_cast %parallel_loop3A_634 : i32 to index
        %parallel_loop3A_636 = tpu.vector_load %arg5[%parallel_loop3A_635] {strides = array<i32>} : memref<91392xi32, #tpu.memory_space<vmem>>, vector<16xi32>,
        %parallel_loop3A_637 = vector.bitcast %parallel_loop3A_636 : vector<16xi32> to vector<32xbf16>
        %parallel_loop3A_638 = arith.addf %parallel_loop3A_608, %parallel_loop3A_637 : vector<32xbf16>
        %parallel_loop3A_639 = arith.constant 48 : i32
        %parallel_loop3A_640 = arith.addi %parallel_loop3A_620, %parallel_loop3A_639 : i32
        %parallel_loop3A_641 = arith.index_cast %parallel_loop3A_640 : i32 to index
        %parallel_loop3A_642 = tpu.vector_load %arg5[%parallel_loop3A_641] {strides = array<i32>} : memref<91392xi32, #tpu.memory_space<vmem>>, vector<16xi32>,
        %parallel_loop3A_643 = vector.bitcast %parallel_loop3A_642 : vector<16xi32> to vector<32xbf16>
        %parallel_loop3A_644 = arith.addf %parallel_loop3A_614, %parallel_loop3A_643 : vector<32xbf16>
        %parallel_loop3A_645 = vector.extract_strided_slice %parallel_loop3A_423 {offsets = [10], sizes = [1], strides = [1]} : vector<16xi32> to vector<1xi32>
        %parallel_loop3A_646 = vector.extract %parallel_loop3A_645[0] : i32 from vector<1xi32>
        %parallel_loop3A_647 = arith.constant 1407 : i32
        %parallel_loop3A_648 = arith.addi %parallel_loop3A_647, %parallel_loop3A_646 : i32
        %parallel_loop3A_649 = arith.constant 64 : i32
        %parallel_loop3A_650 = arith.muli %parallel_loop3A_648, %parallel_loop3A_649 : i32
        %parallel_loop3A_651 = arith.constant 0 : i32
        %parallel_loop3A_652 = arith.addi %parallel_loop3A_650, %parallel_loop3A_651 : i32
        %parallel_loop3A_653 = arith.index_cast %parallel_loop3A_652 : i32 to index
        %parallel_loop3A_654 = tpu.vector_load %arg5[%parallel_loop3A_653] {strides = array<i32>} : memref<91392xi32, #tpu.memory_space<vmem>>, vector<16xi32>,
        %parallel_loop3A_655 = vector.bitcast %parallel_loop3A_654 : vector<16xi32> to vector<32xbf16>
        %parallel_loop3A_656 = arith.addf %parallel_loop3A_626, %parallel_loop3A_655 : vector<32xbf16>
        %parallel_loop3A_657 = arith.constant 16 : i32
        %parallel_loop3A_658 = arith.addi %parallel_loop3A_650, %parallel_loop3A_657 : i32
        %parallel_loop3A_659 = arith.index_cast %parallel_loop3A_658 : i32 to index
        %parallel_loop3A_660 = tpu.vector_load %arg5[%parallel_loop3A_659] {strides = array<i32>} : memref<91392xi32, #tpu.memory_space<vmem>>, vector<16xi32>,
        %parallel_loop3A_661 = vector.bitcast %parallel_loop3A_660 : vector<16xi32> to vector<32xbf16>
        %parallel_loop3A_662 = arith.addf %parallel_loop3A_632, %parallel_loop3A_661 : vector<32xbf16>
        %parallel_loop3A_663 = arith.constant 32 : i32
        %parallel_loop3A_664 = arith.addi %parallel_loop3A_650, %parallel_loop3A_663 : i32
        %parallel_loop3A_665 = arith.index_cast %parallel_loop3A_664 : i32 to index
        %parallel_loop3A_666 = tpu.vector_load %arg5[%parallel_loop3A_665] {strides = array<i32>} : memref<91392xi32, #tpu.memory_space<vmem>>, vector<16xi32>,
        %parallel_loop3A_667 = vector.bitcast %parallel_loop3A_666 : vector<16xi32> to vector<32xbf16>
        %parallel_loop3A_668 = arith.addf %parallel_loop3A_638, %parallel_loop3A_667 : vector<32xbf16>
        %parallel_loop3A_669 = arith.constant 48 : i32
        %parallel_loop3A_670 = arith.addi %parallel_loop3A_650, %parallel_loop3A_669 : i32
        %parallel_loop3A_671 = arith.index_cast %parallel_loop3A_670 : i32 to index
        %parallel_loop3A_672 = tpu.vector_load %arg5[%parallel_loop3A_671] {strides = array<i32>} : memref<91392xi32, #tpu.memory_space<vmem>>, vector<16xi32>,
        %parallel_loop3A_673 = vector.bitcast %parallel_loop3A_672 : vector<16xi32> to vector<32xbf16>
        %parallel_loop3A_674 = arith.addf %parallel_loop3A_644, %parallel_loop3A_673 : vector<32xbf16>
        %parallel_loop3A_675 = tpu.unpack_subelements %parallel_loop3A_656, 0 {pack_format = #tpu.pack_format<interleaved>} : vector<32xbf16> -> vector<16xf32>
        %parallel_loop3A_676 = tpu.unpack_subelements %parallel_loop3A_656, 1 {pack_format = #tpu.pack_format<interleaved>} : vector<32xbf16> -> vector<16xf32>
        %parallel_loop3A_677 = arith.constant 128 : i32
        %parallel_loop3A_678 = arith.muli %parallel_loop3A_418, %parallel_loop3A_677 : i32
        %parallel_loop3A_679 = arith.constant 0 : i32
        %parallel_loop3A_680 = arith.addi %parallel_loop3A_678, %parallel_loop3A_679 : i32
        %parallel_loop3A_681 = arith.index_cast %parallel_loop3A_680 : i32 to index
        %parallel_loop3A_682 = tpu.vector_load %arg9[%parallel_loop3A_681] {strides = array<i32>} : memref<16000xf32, #tpu.memory_space<vmem>>, vector<16xf32>,
        tpu.vector_store %arg9[%parallel_loop3A_681], %parallel_loop3A_675 {strides = array<i32>} : memref<16000xf32, #tpu.memory_space<vmem>>, vector<16xf32>,
        %parallel_loop3A_683 = arith.constant 128 : i32
        %parallel_loop3A_684 = arith.muli %parallel_loop3A_418, %parallel_loop3A_683 : i32
        %parallel_loop3A_685 = arith.constant 0 : i32
        %parallel_loop3A_686 = arith.addi %parallel_loop3A_684, %parallel_loop3A_685 : i32
        %parallel_loop3A_687 = arith.constant 16 : i32
        %parallel_loop3A_688 = arith.addi %parallel_loop3A_686, %parallel_loop3A_687 : i32
        %parallel_loop3A_689 = arith.index_cast %parallel_loop3A_688 : i32 to index
        %parallel_loop3A_690 = tpu.vector_load %arg9[%parallel_loop3A_689] {strides = array<i32>} : memref<16000xf32, #tpu.memory_space<vmem>>, vector<16xf32>,
        tpu.vector_store %arg9[%parallel_loop3A_689], %parallel_loop3A_676 {strides = array<i32>} : memref<16000xf32, #tpu.memory_space<vmem>>, vector<16xf32>,
        %parallel_loop3A_691 = tpu.unpack_subelements %parallel_loop3A_662, 0 {pack_format = #tpu.pack_format<interleaved>} : vector<32xbf16> -> vector<16xf32>
        %parallel_loop3A_692 = tpu.unpack_subelements %parallel_loop3A_662, 1 {pack_format = #tpu.pack_format<interleaved>} : vector<32xbf16> -> vector<16xf32>
        %parallel_loop3A_693 = arith.constant 128 : i32
        %parallel_loop3A_694 = arith.muli %parallel_loop3A_418, %parallel_loop3A_693 : i32
        %parallel_loop3A_695 = arith.constant 32 : i32
        %parallel_loop3A_696 = arith.addi %parallel_loop3A_694, %parallel_loop3A_695 : i32
        %parallel_loop3A_697 = arith.index_cast %parallel_loop3A_696 : i32 to index
        %parallel_loop3A_698 = tpu.vector_load %arg9[%parallel_loop3A_697] {strides = array<i32>} : memref<16000xf32, #tpu.memory_space<vmem>>, vector<16xf32>,
        tpu.vector_store %arg9[%parallel_loop3A_697], %parallel_loop3A_691 {strides = array<i32>} : memref<16000xf32, #tpu.memory_space<vmem>>, vector<16xf32>,
        %parallel_loop3A_699 = arith.constant 128 : i32
        %parallel_loop3A_700 = arith.muli %parallel_loop3A_418, %parallel_loop3A_699 : i32
        %parallel_loop3A_701 = arith.constant 32 : i32
        %parallel_loop3A_702 = arith.addi %parallel_loop3A_700, %parallel_loop3A_701 : i32
        %parallel_loop3A_703 = arith.constant 16 : i32
        %parallel_loop3A_704 = arith.addi %parallel_loop3A_702, %parallel_loop3A_703 : i32
        %parallel_loop3A_705 = arith.index_cast %parallel_loop3A_704 : i32 to index
        %parallel_loop3A_706 = tpu.vector_load %arg9[%parallel_loop3A_705] {strides = array<i32>} : memref<16000xf32, #tpu.memory_space<vmem>>, vector<16xf32>,
        tpu.vector_store %arg9[%parallel_loop3A_705], %parallel_loop3A_692 {strides = array<i32>} : memref<16000xf32, #tpu.memory_space<vmem>>, vector<16xf32>,
        %parallel_loop3A_707 = tpu.unpack_subelements %parallel_loop3A_668, 0 {pack_format = #tpu.pack_format<interleaved>} : vector<32xbf16> -> vector<16xf32>
        %parallel_loop3A_708 = tpu.unpack_subelements %parallel_loop3A_668, 1 {pack_format = #tpu.pack_format<interleaved>} : vector<32xbf16> -> vector<16xf32>
        %parallel_loop3A_709 = arith.constant 128 : i32
        %parallel_loop3A_710 = arith.muli %parallel_loop3A_418, %parallel_loop3A_709 : i32
        %parallel_loop3A_711 = arith.constant 64 : i32
        %parallel_loop3A_712 = arith.addi %parallel_loop3A_710, %parallel_loop3A_711 : i32
        %parallel_loop3A_713 = arith.index_cast %parallel_loop3A_712 : i32 to index
        %parallel_loop3A_714 = tpu.vector_load %arg9[%parallel_loop3A_713] {strides = array<i32>} : memref<16000xf32, #tpu.memory_space<vmem>>, vector<16xf32>,
        tpu.vector_store %arg9[%parallel_loop3A_713], %parallel_loop3A_707 {strides = array<i32>} : memref<16000xf32, #tpu.memory_space<vmem>>, vector<16xf32>,
        %parallel_loop3A_715 = arith.constant 128 : i32
        %parallel_loop3A_716 = arith.muli %parallel_loop3A_418, %parallel_loop3A_715 : i32
        %parallel_loop3A_717 = arith.constant 64 : i32
        %parallel_loop3A_718 = arith.addi %parallel_loop3A_716, %parallel_loop3A_717 : i32
        %parallel_loop3A_719 = arith.constant 16 : i32
        %parallel_loop3A_720 = arith.addi %parallel_loop3A_718, %parallel_loop3A_719 : i32
        %parallel_loop3A_721 = arith.index_cast %parallel_loop3A_720 : i32 to index
        %parallel_loop3A_722 = tpu.vector_load %arg9[%parallel_loop3A_721] {strides = array<i32>} : memref<16000xf32, #tpu.memory_space<vmem>>, vector<16xf32>,
        tpu.vector_store %arg9[%parallel_loop3A_721], %parallel_loop3A_708 {strides = array<i32>} : memref<16000xf32, #tpu.memory_space<vmem>>, vector<16xf32>,
        %parallel_loop3A_723 = tpu.unpack_subelements %parallel_loop3A_674, 0 {pack_format = #tpu.pack_format<interleaved>} : vector<32xbf16> -> vector<16xf32>
        %parallel_loop3A_724 = tpu.unpack_subelements %parallel_loop3A_674, 1 {pack_format = #tpu.pack_format<interleaved>} : vector<32xbf16> -> vector<16xf32>
        %parallel_loop3A_725 = arith.constant 128 : i32
        %parallel_loop3A_726 = arith.muli %parallel_loop3A_418, %parallel_loop3A_725 : i32
        %parallel_loop3A_727 = arith.constant 96 : i32
        %parallel_loop3A_728 = arith.addi %parallel_loop3A_726, %parallel_loop3A_727 : i32
        %parallel_loop3A_729 = arith.index_cast %parallel_loop3A_728 : i32 to index
        %parallel_loop3A_730 = tpu.vector_load %arg9[%parallel_loop3A_729] {strides = array<i32>} : memref<16000xf32, #tpu.memory_space<vmem>>, vector<16xf32>,
        tpu.vector_store %arg9[%parallel_loop3A_729], %parallel_loop3A_723 {strides = array<i32>} : memref<16000xf32, #tpu.memory_space<vmem>>, vector<16xf32>,
        %parallel_loop3A_731 = arith.constant 128 : i32
        %parallel_loop3A_732 = arith.muli %parallel_loop3A_418, %parallel_loop3A_731 : i32
        %parallel_loop3A_733 = arith.constant 96 : i32
        %parallel_loop3A_734 = arith.addi %parallel_loop3A_732, %parallel_loop3A_733 : i32
        %parallel_loop3A_735 = arith.constant 16 : i32
        %parallel_loop3A_736 = arith.addi %parallel_loop3A_734, %parallel_loop3A_735 : i32
        %parallel_loop3A_737 = arith.index_cast %parallel_loop3A_736 : i32 to index
        %parallel_loop3A_738 = tpu.vector_load %arg9[%parallel_loop3A_737] {strides = array<i32>} : memref<16000xf32, #tpu.memory_space<vmem>>, vector<16xf32>,
        tpu.vector_store %arg9[%parallel_loop3A_737], %parallel_loop3A_724 {strides = array<i32>} : memref<16000xf32, #tpu.memory_space<vmem>>, vector<16xf32>,
      } {sc.loop_unroll_factor = 5 : i64, sc.parallel_access}
      %dma_start3A_416 = tpu.memref_slice %arg4[%mul3A_296] : memref<12800000xf32, #tpu.memory_space<hbm>> -> memref<16000xf32, #tpu.memory_space<hbm>>
      %dma_start3A_417 = tpu.memref_slice %arg4[%mul3A_296] : memref<12800000xf32, #tpu.memory_space<hbm>> -> memref<16000xf32, #tpu.memory_space<hbm>>
      tpu.enqueue_dma source(%arg9 : memref<16000xf32, #tpu.memory_space<vmem>>) target(%dma_start3A_417 : memref<16000xf32, #tpu.memory_space<hbm>>) target_semaphore(%arg11 : memref<!tpu.dma_semaphore, #tpu.memory_space<semaphore_mem>>)
    }
    %scan3A_63 = arith.constant 12 : i32
    %add3A_64 = arith.constant 3000 : i32
    %add3A_65 = arith.addi %mul3A_2, %add3A_64 : i32
    %mul3A_66 = arith.constant 128 : i32
    %mul3A_67 = arith.muli %add3A_65, %mul3A_66 : i32
    %add3A_68 = arith.constant 3000 : i32
    %add3A_69 = arith.addi %mul3A_2, %add3A_68 : i32
    %mul3A_70 = arith.constant 11 : i32
    %mul3A_71 = arith.muli %add3A_69, %mul3A_70 : i32
    %jit3A_72 = arith.constant 8 : i32
    %div3A_73 = arith.divsi %mul3A_71, %jit3A_72 : i32
    %sign3A_74 = arith.constant 0 : i32
    %sign3A_75 = arith.cmpi sgt, %mul3A_71, %sign3A_74 : i32
    %sign3A_76 = arith.extui %sign3A_75 : i1 to i32
    %sign3A_77 = arith.constant 0 : i32
    %sign3A_78 = arith.cmpi slt, %mul3A_71, %sign3A_77 : i32
    %sign3A_79 = arith.extui %sign3A_78 : i1 to i32
    %sign3A_80 = arith.subi %sign3A_76, %sign3A_79 : i32
    %sign3A_81 = arith.constant 0 : i32
    %sign3A_82 = arith.cmpi sgt, %jit3A_72, %sign3A_81 : i32
    %sign3A_83 = arith.extui %sign3A_82 : i1 to i32
    %sign3A_84 = arith.constant 0 : i32
    %sign3A_85 = arith.cmpi slt, %jit3A_72, %sign3A_84 : i32
    %sign3A_86 = arith.extui %sign3A_85 : i1 to i32
    %sign3A_87 = arith.subi %sign3A_83, %sign3A_86 : i32
    %ne3A_88 = arith.cmpi ne, %sign3A_80, %sign3A_87 : i32
    %rem3A_89 = arith.remsi %mul3A_71, %jit3A_72 : i32
    %ne3A_90 = arith.constant 0 : i32
    %ne3A_91 = arith.cmpi ne, %rem3A_89, %ne3A_90 : i32
    %and3A_92 = arith.andi %ne3A_88, %ne3A_91 : i1
    %sub3A_93 = arith.constant 1 : i32
    %sub3A_94 = arith.subi %div3A_73, %sub3A_93 : i32
    %select_n3A_95 = arith.select %and3A_92, %sub3A_94, %div3A_73 : i32
    %mul3A_96 = arith.constant 8 : i32
    %mul3A_97 = arith.muli %select_n3A_95, %mul3A_96 : i32
    %min3A_98 = arith.constant 1098592 : i32
    %min3A_99 = arith.minsi %mul3A_97, %min3A_98 : i32
    %add3A_100 = arith.constant 3000 : i32
    %add3A_101 = arith.addi %mul3A_2, %add3A_100 : i32
    %mul3A_102 = arith.constant 11 : i32
    %mul3A_103 = arith.muli %add3A_101, %mul3A_102 : i32
    %jit3A_104 = arith.constant 8 : i32
    %div3A_105 = arith.divsi %mul3A_103, %jit3A_104 : i32
    %sign3A_106 = arith.constant 0 : i32
    %sign3A_107 = arith.cmpi sgt, %mul3A_103, %sign3A_106 : i32
    %sign3A_108 = arith.extui %sign3A_107 : i1 to i32
    %sign3A_109 = arith.constant 0 : i32
    %sign3A_110 = arith.cmpi slt, %mul3A_103, %sign3A_109 : i32
    %sign3A_111 = arith.extui %sign3A_110 : i1 to i32
    %sign3A_112 = arith.subi %sign3A_108, %sign3A_111 : i32
    %sign3A_113 = arith.constant 0 : i32
    %sign3A_114 = arith.cmpi sgt, %jit3A_104, %sign3A_113 : i32
    %sign3A_115 = arith.extui %sign3A_114 : i1 to i32
    %sign3A_116 = arith.constant 0 : i32
    %sign3A_117 = arith.cmpi slt, %jit3A_104, %sign3A_116 : i32
    %sign3A_118 = arith.extui %sign3A_117 : i1 to i32
    %sign3A_119 = arith.subi %sign3A_115, %sign3A_118 : i32
    %ne3A_120 = arith.cmpi ne, %sign3A_112, %sign3A_119 : i32
    %rem3A_121 = arith.remsi %mul3A_103, %jit3A_104 : i32
    %ne3A_122 = arith.constant 0 : i32
    %ne3A_123 = arith.cmpi ne, %rem3A_121, %ne3A_122 : i32
    %and3A_124 = arith.andi %ne3A_120, %ne3A_123 : i1
    %sub3A_125 = arith.constant 1 : i32
    %sub3A_126 = arith.subi %div3A_105, %sub3A_125 : i32
    %select_n3A_127 = arith.select %and3A_124, %sub3A_126, %div3A_105 : i32
    %mul3A_128 = arith.constant 8 : i32
    %mul3A_129 = arith.muli %select_n3A_127, %mul3A_128 : i32
    %min3A_130 = arith.constant 1098592 : i32
    %min3A_131 = arith.minsi %mul3A_129, %min3A_130 : i32
    %dma_wait3A = arith.constant 0 : i32
    %dma_wait3A_132 = tpu.memref_slice %arg6[%dma_wait3A] : memref<1424xi32, #tpu.memory_space<vmem>> -> memref<1408xi32, #tpu.memory_space<vmem>>
    %dma_wait3A_133 = tpu.memref_slice %arg2[%min3A_131] : memref<1100000xi32, #tpu.memory_space<hbm>> -> memref<1408xi32, #tpu.memory_space<hbm>>
    %dma_wait3A_134 = arith.constant 0 : i32
    %dma_wait3A_135 = tpu.memref_slice %arg6[%dma_wait3A_134] : memref<1424xi32, #tpu.memory_space<vmem>> -> memref<1408xi32, #tpu.memory_space<vmem>>
    %dma_wait3A_136 = tpu.memref_slice %arg2[%min3A_131] : memref<1100000xi32, #tpu.memory_space<hbm>> -> memref<1408xi32, #tpu.memory_space<hbm>>
    tpu.wait_dma2 semaphore(%arg12 : memref<!tpu.dma_semaphore, #tpu.memory_space<semaphore_mem>>) src(%dma_wait3A_136 : memref<1408xi32, #tpu.memory_space<hbm>>) dst(%dma_wait3A_135 : memref<1408xi32, #tpu.memory_space<vmem>>)
    %dma_wait3A_137 = tpu.memref_slice %arg4[%mul3A_67] : memref<12800000xf32, #tpu.memory_space<hbm>> -> memref<16000xf32, #tpu.memory_space<hbm>>
    %dma_wait3A_138 = tpu.memref_slice %arg4[%mul3A_67] : memref<12800000xf32, #tpu.memory_space<hbm>> -> memref<16000xf32, #tpu.memory_space<hbm>>
    tpu.wait_dma2 semaphore(%arg10 : memref<!tpu.dma_semaphore, #tpu.memory_space<semaphore_mem>>) src(%arg8 : memref<16000xf32, #tpu.memory_space<vmem>>) dst(%dma_wait3A_138 : memref<16000xf32, #tpu.memory_space<hbm>>)
    %sub3A_139 = arith.subi %mul3A_71, %min3A_99 : i32
    %parallel_loop3A_140 = arith.constant 0 : i32
    %parallel_loop3A_141 = arith.constant 125 : i32
    %parallel_loop3A_142 = arith.constant 1 : i32
    scf.for %parallel_loop3A_157 = %parallel_loop3A_140 to %parallel_loop3A_141 step %parallel_loop3A_142  : i32 {
      %parallel_loop3A_158 = arith.constant 11 : i32
      %parallel_loop3A_159 = arith.muli %parallel_loop3A_157, %parallel_loop3A_158 : i32
      %parallel_loop3A_160 = arith.addi %sub3A_139, %parallel_loop3A_159 : i32
      %parallel_loop3A_161 = arith.index_cast %parallel_loop3A_160 : i32 to index
      %parallel_loop3A_162 = tpu.vector_load %arg6[%parallel_loop3A_161] {strides = array<i32>} : memref<1424xi32, #tpu.memory_space<vmem>>, vector<16xi32>,
      %parallel_loop3A_163 = vector.extract_strided_slice %parallel_loop3A_162 {offsets = [0], sizes = [1], strides = [1]} : vector<16xi32> to vector<1xi32>
      %parallel_loop3A_164 = vector.extract %parallel_loop3A_163[0] : i32 from vector<1xi32>
      %parallel_loop3A_165 = vector.extract_strided_slice %parallel_loop3A_162 {offsets = [1], sizes = [1], strides = [1]} : vector<16xi32> to vector<1xi32>
      %parallel_loop3A_166 = vector.extract %parallel_loop3A_165[0] : i32 from vector<1xi32>
      %parallel_loop3A_167 = arith.constant 21 : i32
      %parallel_loop3A_168 = arith.muli %parallel_loop3A_164, %parallel_loop3A_167 : i32
      %parallel_loop3A_169 = arith.constant 0 : i32
      %parallel_loop3A_170 = arith.addi %parallel_loop3A_169, %parallel_loop3A_168 : i32
      %parallel_loop3A_171 = arith.addi %parallel_loop3A_170, %parallel_loop3A_166 : i32
      %parallel_loop3A_172 = arith.constant 64 : i32
      %parallel_loop3A_173 = arith.muli %parallel_loop3A_171, %parallel_loop3A_172 : i32
      %parallel_loop3A_174 = arith.constant 0 : i32
      %parallel_loop3A_175 = arith.addi %parallel_loop3A_173, %parallel_loop3A_174 : i32
      %parallel_loop3A_176 = arith.index_cast %parallel_loop3A_175 : i32 to index
      %parallel_loop3A_177 = tpu.vector_load %arg5[%parallel_loop3A_176] {strides = array<i32>} : memref<91392xi32, #tpu.memory_space<vmem>>, vector<16xi32>,
      %parallel_loop3A_178 = vector.bitcast %parallel_loop3A_177 : vector<16xi32> to vector<32xbf16>
      %parallel_loop3A_179 = arith.constant 16 : i32
      %parallel_loop3A_180 = arith.addi %parallel_loop3A_173, %parallel_loop3A_179 : i32
      %parallel_loop3A_181 = arith.index_cast %parallel_loop3A_180 : i32 to index
      %parallel_loop3A_182 = tpu.vector_load %arg5[%parallel_loop3A_181] {strides = array<i32>} : memref<91392xi32, #tpu.memory_space<vmem>>, vector<16xi32>,
      %parallel_loop3A_183 = vector.bitcast %parallel_loop3A_182 : vector<16xi32> to vector<32xbf16>
      %parallel_loop3A_184 = arith.constant 32 : i32
      %parallel_loop3A_185 = arith.addi %parallel_loop3A_173, %parallel_loop3A_184 : i32
      %parallel_loop3A_186 = arith.index_cast %parallel_loop3A_185 : i32 to index
      %parallel_loop3A_187 = tpu.vector_load %arg5[%parallel_loop3A_186] {strides = array<i32>} : memref<91392xi32, #tpu.memory_space<vmem>>, vector<16xi32>,
      %parallel_loop3A_188 = vector.bitcast %parallel_loop3A_187 : vector<16xi32> to vector<32xbf16>
      %parallel_loop3A_189 = arith.constant 48 : i32
      %parallel_loop3A_190 = arith.addi %parallel_loop3A_173, %parallel_loop3A_189 : i32
      %parallel_loop3A_191 = arith.index_cast %parallel_loop3A_190 : i32 to index
      %parallel_loop3A_192 = tpu.vector_load %arg5[%parallel_loop3A_191] {strides = array<i32>} : memref<91392xi32, #tpu.memory_space<vmem>>, vector<16xi32>,
      %parallel_loop3A_193 = vector.bitcast %parallel_loop3A_192 : vector<16xi32> to vector<32xbf16>
      %parallel_loop3A_194 = vector.extract_strided_slice %parallel_loop3A_162 {offsets = [2], sizes = [1], strides = [1]} : vector<16xi32> to vector<1xi32>
      %parallel_loop3A_195 = vector.extract %parallel_loop3A_194[0] : i32 from vector<1xi32>
      %parallel_loop3A_196 = vector.extract_strided_slice %parallel_loop3A_162 {offsets = [3], sizes = [1], strides = [1]} : vector<16xi32> to vector<1xi32>
      %parallel_loop3A_197 = vector.extract %parallel_loop3A_196[0] : i32 from vector<1xi32>
      %parallel_loop3A_198 = arith.constant 21 : i32
      %parallel_loop3A_199 = arith.muli %parallel_loop3A_195, %parallel_loop3A_198 : i32
      %parallel_loop3A_200 = arith.constant 441 : i32
      %parallel_loop3A_201 = arith.addi %parallel_loop3A_200, %parallel_loop3A_199 : i32
      %parallel_loop3A_202 = arith.addi %parallel_loop3A_201, %parallel_loop3A_197 : i32
      %parallel_loop3A_203 = arith.constant 64 : i32
      %parallel_loop3A_204 = arith.muli %parallel_loop3A_202, %parallel_loop3A_203 : i32
      %parallel_loop3A_205 = arith.constant 0 : i32
      %parallel_loop3A_206 = arith.addi %parallel_loop3A_204, %parallel_loop3A_205 : i32
      %parallel_loop3A_207 = arith.index_cast %parallel_loop3A_206 : i32 to index
      %parallel_loop3A_208 = tpu.vector_load %arg5[%parallel_loop3A_207] {strides = array<i32>} : memref<91392xi32, #tpu.memory_space<vmem>>, vector<16xi32>,
      %parallel_loop3A_209 = vector.bitcast %parallel_loop3A_208 : vector<16xi32> to vector<32xbf16>
      %parallel_loop3A_210 = arith.addf %parallel_loop3A_178, %parallel_loop3A_209 : vector<32xbf16>
      %parallel_loop3A_211 = arith.constant 16 : i32
      %parallel_loop3A_212 = arith.addi %parallel_loop3A_204, %parallel_loop3A_211 : i32
      %parallel_loop3A_213 = arith.index_cast %parallel_loop3A_212 : i32 to index
      %parallel_loop3A_214 = tpu.vector_load %arg5[%parallel_loop3A_213] {strides = array<i32>} : memref<91392xi32, #tpu.memory_space<vmem>>, vector<16xi32>,
      %parallel_loop3A_215 = vector.bitcast %parallel_loop3A_214 : vector<16xi32> to vector<32xbf16>
      %parallel_loop3A_216 = arith.addf %parallel_loop3A_183, %parallel_loop3A_215 : vector<32xbf16>
      %parallel_loop3A_217 = arith.constant 32 : i32
      %parallel_loop3A_218 = arith.addi %parallel_loop3A_204, %parallel_loop3A_217 : i32
      %parallel_loop3A_219 = arith.index_cast %parallel_loop3A_218 : i32 to index
      %parallel_loop3A_220 = tpu.vector_load %arg5[%parallel_loop3A_219] {strides = array<i32>} : memref<91392xi32, #tpu.memory_space<vmem>>, vector<16xi32>,
      %parallel_loop3A_221 = vector.bitcast %parallel_loop3A_220 : vector<16xi32> to vector<32xbf16>
      %parallel_loop3A_222 = arith.addf %parallel_loop3A_188, %parallel_loop3A_221 : vector<32xbf16>
      %parallel_loop3A_223 = arith.constant 48 : i32
      %parallel_loop3A_224 = arith.addi %parallel_loop3A_204, %parallel_loop3A_223 : i32
      %parallel_loop3A_225 = arith.index_cast %parallel_loop3A_224 : i32 to index
      %parallel_loop3A_226 = tpu.vector_load %arg5[%parallel_loop3A_225] {strides = array<i32>} : memref<91392xi32, #tpu.memory_space<vmem>>, vector<16xi32>,
      %parallel_loop3A_227 = vector.bitcast %parallel_loop3A_226 : vector<16xi32> to vector<32xbf16>
      %parallel_loop3A_228 = arith.addf %parallel_loop3A_193, %parallel_loop3A_227 : vector<32xbf16>
      %parallel_loop3A_229 = vector.extract_strided_slice %parallel_loop3A_162 {offsets = [4], sizes = [1], strides = [1]} : vector<16xi32> to vector<1xi32>
      %parallel_loop3A_230 = vector.extract %parallel_loop3A_229[0] : i32 from vector<1xi32>
      %parallel_loop3A_231 = vector.extract_strided_slice %parallel_loop3A_162 {offsets = [5], sizes = [1], strides = [1]} : vector<16xi32> to vector<1xi32>
      %parallel_loop3A_232 = vector.extract %parallel_loop3A_231[0] : i32 from vector<1xi32>
      %parallel_loop3A_233 = arith.constant 21 : i32
      %parallel_loop3A_234 = arith.muli %parallel_loop3A_230, %parallel_loop3A_233 : i32
      %parallel_loop3A_235 = arith.constant 882 : i32
      %parallel_loop3A_236 = arith.addi %parallel_loop3A_235, %parallel_loop3A_234 : i32
      %parallel_loop3A_237 = arith.addi %parallel_loop3A_236, %parallel_loop3A_232 : i32
      %parallel_loop3A_238 = arith.constant 64 : i32
      %parallel_loop3A_239 = arith.muli %parallel_loop3A_237, %parallel_loop3A_238 : i32
      %parallel_loop3A_240 = arith.constant 0 : i32
      %parallel_loop3A_241 = arith.addi %parallel_loop3A_239, %parallel_loop3A_240 : i32
      %parallel_loop3A_242 = arith.index_cast %parallel_loop3A_241 : i32 to index
      %parallel_loop3A_243 = tpu.vector_load %arg5[%parallel_loop3A_242] {strides = array<i32>} : memref<91392xi32, #tpu.memory_space<vmem>>, vector<16xi32>,
      %parallel_loop3A_244 = vector.bitcast %parallel_loop3A_243 : vector<16xi32> to vector<32xbf16>
      %parallel_loop3A_245 = arith.addf %parallel_loop3A_210, %parallel_loop3A_244 : vector<32xbf16>
      %parallel_loop3A_246 = arith.constant 16 : i32
      %parallel_loop3A_247 = arith.addi %parallel_loop3A_239, %parallel_loop3A_246 : i32
      %parallel_loop3A_248 = arith.index_cast %parallel_loop3A_247 : i32 to index
      %parallel_loop3A_249 = tpu.vector_load %arg5[%parallel_loop3A_248] {strides = array<i32>} : memref<91392xi32, #tpu.memory_space<vmem>>, vector<16xi32>,
      %parallel_loop3A_250 = vector.bitcast %parallel_loop3A_249 : vector<16xi32> to vector<32xbf16>
      %parallel_loop3A_251 = arith.addf %parallel_loop3A_216, %parallel_loop3A_250 : vector<32xbf16>
      %parallel_loop3A_252 = arith.constant 32 : i32
      %parallel_loop3A_253 = arith.addi %parallel_loop3A_239, %parallel_loop3A_252 : i32
      %parallel_loop3A_254 = arith.index_cast %parallel_loop3A_253 : i32 to index
      %parallel_loop3A_255 = tpu.vector_load %arg5[%parallel_loop3A_254] {strides = array<i32>} : memref<91392xi32, #tpu.memory_space<vmem>>, vector<16xi32>,
      %parallel_loop3A_256 = vector.bitcast %parallel_loop3A_255 : vector<16xi32> to vector<32xbf16>
      %parallel_loop3A_257 = arith.addf %parallel_loop3A_222, %parallel_loop3A_256 : vector<32xbf16>
      %parallel_loop3A_258 = arith.constant 48 : i32
      %parallel_loop3A_259 = arith.addi %parallel_loop3A_239, %parallel_loop3A_258 : i32
      %parallel_loop3A_260 = arith.index_cast %parallel_loop3A_259 : i32 to index
      %parallel_loop3A_261 = tpu.vector_load %arg5[%parallel_loop3A_260] {strides = array<i32>} : memref<91392xi32, #tpu.memory_space<vmem>>, vector<16xi32>,
      %parallel_loop3A_262 = vector.bitcast %parallel_loop3A_261 : vector<16xi32> to vector<32xbf16>
      %parallel_loop3A_263 = arith.addf %parallel_loop3A_228, %parallel_loop3A_262 : vector<32xbf16>
      %parallel_loop3A_264 = vector.extract_strided_slice %parallel_loop3A_162 {offsets = [6], sizes = [1], strides = [1]} : vector<16xi32> to vector<1xi32>
      %parallel_loop3A_265 = vector.extract %parallel_loop3A_264[0] : i32 from vector<1xi32>
      %parallel_loop3A_266 = arith.constant 1323 : i32
      %parallel_loop3A_267 = arith.addi %parallel_loop3A_266, %parallel_loop3A_265 : i32
      %parallel_loop3A_268 = arith.constant 64 : i32
      %parallel_loop3A_269 = arith.muli %parallel_loop3A_267, %parallel_loop3A_268 : i32
      %parallel_loop3A_270 = arith.constant 0 : i32
      %parallel_loop3A_271 = arith.addi %parallel_loop3A_269, %parallel_loop3A_270 : i32
      %parallel_loop3A_272 = arith.index_cast %parallel_loop3A_271 : i32 to index
      %parallel_loop3A_273 = tpu.vector_load %arg5[%parallel_loop3A_272] {strides = array<i32>} : memref<91392xi32, #tpu.memory_space<vmem>>, vector<16xi32>,
      %parallel_loop3A_274 = vector.bitcast %parallel_loop3A_273 : vector<16xi32> to vector<32xbf16>
      %parallel_loop3A_275 = arith.addf %parallel_loop3A_245, %parallel_loop3A_274 : vector<32xbf16>
      %parallel_loop3A_276 = arith.constant 16 : i32
      %parallel_loop3A_277 = arith.addi %parallel_loop3A_269, %parallel_loop3A_276 : i32
      %parallel_loop3A_278 = arith.index_cast %parallel_loop3A_277 : i32 to index
      %parallel_loop3A_279 = tpu.vector_load %arg5[%parallel_loop3A_278] {strides = array<i32>} : memref<91392xi32, #tpu.memory_space<vmem>>, vector<16xi32>,
      %parallel_loop3A_280 = vector.bitcast %parallel_loop3A_279 : vector<16xi32> to vector<32xbf16>
      %parallel_loop3A_281 = arith.addf %parallel_loop3A_251, %parallel_loop3A_280 : vector<32xbf16>
      %parallel_loop3A_282 = arith.constant 32 : i32
      %parallel_loop3A_283 = arith.addi %parallel_loop3A_269, %parallel_loop3A_282 : i32
      %parallel_loop3A_284 = arith.index_cast %parallel_loop3A_283 : i32 to index
      %parallel_loop3A_285 = tpu.vector_load %arg5[%parallel_loop3A_284] {strides = array<i32>} : memref<91392xi32, #tpu.memory_space<vmem>>, vector<16xi32>,
      %parallel_loop3A_286 = vector.bitcast %parallel_loop3A_285 : vector<16xi32> to vector<32xbf16>
      %parallel_loop3A_287 = arith.addf %parallel_loop3A_257, %parallel_loop3A_286 : vector<32xbf16>
      %parallel_loop3A_288 = arith.constant 48 : i32
      %parallel_loop3A_289 = arith.addi %parallel_loop3A_269, %parallel_loop3A_288 : i32
      %parallel_loop3A_290 = arith.index_cast %parallel_loop3A_289 : i32 to index
      %parallel_loop3A_291 = tpu.vector_load %arg5[%parallel_loop3A_290] {strides = array<i32>} : memref<91392xi32, #tpu.memory_space<vmem>>, vector<16xi32>,
      %parallel_loop3A_292 = vector.bitcast %parallel_loop3A_291 : vector<16xi32> to vector<32xbf16>
      %parallel_loop3A_293 = arith.addf %parallel_loop3A_263, %parallel_loop3A_292 : vector<32xbf16>
      %parallel_loop3A_294 = vector.extract_strided_slice %parallel_loop3A_162 {offsets = [7], sizes = [1], strides = [1]} : vector<16xi32> to vector<1xi32>
      %parallel_loop3A_295 = vector.extract %parallel_loop3A_294[0] : i32 from vector<1xi32>
      %parallel_loop3A_296 = arith.constant 1344 : i32
      %parallel_loop3A_297 = arith.addi %parallel_loop3A_296, %parallel_loop3A_295 : i32
      %parallel_loop3A_298 = arith.constant 64 : i32
      %parallel_loop3A_299 = arith.muli %parallel_loop3A_297, %parallel_loop3A_298 : i32
      %parallel_loop3A_300 = arith.constant 0 : i32
      %parallel_loop3A_301 = arith.addi %parallel_loop3A_299, %parallel_loop3A_300 : i32
      %parallel_loop3A_302 = arith.index_cast %parallel_loop3A_301 : i32 to index
      %parallel_loop3A_303 = tpu.vector_load %arg5[%parallel_loop3A_302] {strides = array<i32>} : memref<91392xi32, #tpu.memory_space<vmem>>, vector<16xi32>,
      %parallel_loop3A_304 = vector.bitcast %parallel_loop3A_303 : vector<16xi32> to vector<32xbf16>
      %parallel_loop3A_305 = arith.addf %parallel_loop3A_275, %parallel_loop3A_304 : vector<32xbf16>
      %parallel_loop3A_306 = arith.constant 16 : i32
      %parallel_loop3A_307 = arith.addi %parallel_loop3A_299, %parallel_loop3A_306 : i32
      %parallel_loop3A_308 = arith.index_cast %parallel_loop3A_307 : i32 to index
      %parallel_loop3A_309 = tpu.vector_load %arg5[%parallel_loop3A_308] {strides = array<i32>} : memref<91392xi32, #tpu.memory_space<vmem>>, vector<16xi32>,
      %parallel_loop3A_310 = vector.bitcast %parallel_loop3A_309 : vector<16xi32> to vector<32xbf16>
      %parallel_loop3A_311 = arith.addf %parallel_loop3A_281, %parallel_loop3A_310 : vector<32xbf16>
      %parallel_loop3A_312 = arith.constant 32 : i32
      %parallel_loop3A_313 = arith.addi %parallel_loop3A_299, %parallel_loop3A_312 : i32
      %parallel_loop3A_314 = arith.index_cast %parallel_loop3A_313 : i32 to index
      %parallel_loop3A_315 = tpu.vector_load %arg5[%parallel_loop3A_314] {strides = array<i32>} : memref<91392xi32, #tpu.memory_space<vmem>>, vector<16xi32>,
      %parallel_loop3A_316 = vector.bitcast %parallel_loop3A_315 : vector<16xi32> to vector<32xbf16>
      %parallel_loop3A_317 = arith.addf %parallel_loop3A_287, %parallel_loop3A_316 : vector<32xbf16>
      %parallel_loop3A_318 = arith.constant 48 : i32
      %parallel_loop3A_319 = arith.addi %parallel_loop3A_299, %parallel_loop3A_318 : i32
      %parallel_loop3A_320 = arith.index_cast %parallel_loop3A_319 : i32 to index
      %parallel_loop3A_321 = tpu.vector_load %arg5[%parallel_loop3A_320] {strides = array<i32>} : memref<91392xi32, #tpu.memory_space<vmem>>, vector<16xi32>,
      %parallel_loop3A_322 = vector.bitcast %parallel_loop3A_321 : vector<16xi32> to vector<32xbf16>
      %parallel_loop3A_323 = arith.addf %parallel_loop3A_293, %parallel_loop3A_322 : vector<32xbf16>
      %parallel_loop3A_324 = vector.extract_strided_slice %parallel_loop3A_162 {offsets = [8], sizes = [1], strides = [1]} : vector<16xi32> to vector<1xi32>
      %parallel_loop3A_325 = vector.extract %parallel_loop3A_324[0] : i32 from vector<1xi32>
      %parallel_loop3A_326 = arith.constant 1365 : i32
      %parallel_loop3A_327 = arith.addi %parallel_loop3A_326, %parallel_loop3A_325 : i32
      %parallel_loop3A_328 = arith.constant 64 : i32
      %parallel_loop3A_329 = arith.muli %parallel_loop3A_327, %parallel_loop3A_328 : i32
      %parallel_loop3A_330 = arith.constant 0 : i32
      %parallel_loop3A_331 = arith.addi %parallel_loop3A_329, %parallel_loop3A_330 : i32
      %parallel_loop3A_332 = arith.index_cast %parallel_loop3A_331 : i32 to index
      %parallel_loop3A_333 = tpu.vector_load %arg5[%parallel_loop3A_332] {strides = array<i32>} : memref<91392xi32, #tpu.memory_space<vmem>>, vector<16xi32>,
      %parallel_loop3A_334 = vector.bitcast %parallel_loop3A_333 : vector<16xi32> to vector<32xbf16>
      %parallel_loop3A_335 = arith.addf %parallel_loop3A_305, %parallel_loop3A_334 : vector<32xbf16>
      %parallel_loop3A_336 = arith.constant 16 : i32
      %parallel_loop3A_337 = arith.addi %parallel_loop3A_329, %parallel_loop3A_336 : i32
      %parallel_loop3A_338 = arith.index_cast %parallel_loop3A_337 : i32 to index
      %parallel_loop3A_339 = tpu.vector_load %arg5[%parallel_loop3A_338] {strides = array<i32>} : memref<91392xi32, #tpu.memory_space<vmem>>, vector<16xi32>,
      %parallel_loop3A_340 = vector.bitcast %parallel_loop3A_339 : vector<16xi32> to vector<32xbf16>
      %parallel_loop3A_341 = arith.addf %parallel_loop3A_311, %parallel_loop3A_340 : vector<32xbf16>
      %parallel_loop3A_342 = arith.constant 32 : i32
      %parallel_loop3A_343 = arith.addi %parallel_loop3A_329, %parallel_loop3A_342 : i32
      %parallel_loop3A_344 = arith.index_cast %parallel_loop3A_343 : i32 to index
      %parallel_loop3A_345 = tpu.vector_load %arg5[%parallel_loop3A_344] {strides = array<i32>} : memref<91392xi32, #tpu.memory_space<vmem>>, vector<16xi32>,
      %parallel_loop3A_346 = vector.bitcast %parallel_loop3A_345 : vector<16xi32> to vector<32xbf16>
      %parallel_loop3A_347 = arith.addf %parallel_loop3A_317, %parallel_loop3A_346 : vector<32xbf16>
      %parallel_loop3A_348 = arith.constant 48 : i32
      %parallel_loop3A_349 = arith.addi %parallel_loop3A_329, %parallel_loop3A_348 : i32
      %parallel_loop3A_350 = arith.index_cast %parallel_loop3A_349 : i32 to index
      %parallel_loop3A_351 = tpu.vector_load %arg5[%parallel_loop3A_350] {strides = array<i32>} : memref<91392xi32, #tpu.memory_space<vmem>>, vector<16xi32>,
      %parallel_loop3A_352 = vector.bitcast %parallel_loop3A_351 : vector<16xi32> to vector<32xbf16>
      %parallel_loop3A_353 = arith.addf %parallel_loop3A_323, %parallel_loop3A_352 : vector<32xbf16>
      %parallel_loop3A_354 = vector.extract_strided_slice %parallel_loop3A_162 {offsets = [9], sizes = [1], strides = [1]} : vector<16xi32> to vector<1xi32>
      %parallel_loop3A_355 = vector.extract %parallel_loop3A_354[0] : i32 from vector<1xi32>
      %parallel_loop3A_356 = arith.constant 1386 : i32
      %parallel_loop3A_357 = arith.addi %parallel_loop3A_356, %parallel_loop3A_355 : i32
      %parallel_loop3A_358 = arith.constant 64 : i32
      %parallel_loop3A_359 = arith.muli %parallel_loop3A_357, %parallel_loop3A_358 : i32
      %parallel_loop3A_360 = arith.constant 0 : i32
      %parallel_loop3A_361 = arith.addi %parallel_loop3A_359, %parallel_loop3A_360 : i32
      %parallel_loop3A_362 = arith.index_cast %parallel_loop3A_361 : i32 to index
      %parallel_loop3A_363 = tpu.vector_load %arg5[%parallel_loop3A_362] {strides = array<i32>} : memref<91392xi32, #tpu.memory_space<vmem>>, vector<16xi32>,
      %parallel_loop3A_364 = vector.bitcast %parallel_loop3A_363 : vector<16xi32> to vector<32xbf16>
      %parallel_loop3A_365 = arith.addf %parallel_loop3A_335, %parallel_loop3A_364 : vector<32xbf16>
      %parallel_loop3A_366 = arith.constant 16 : i32
      %parallel_loop3A_367 = arith.addi %parallel_loop3A_359, %parallel_loop3A_366 : i32
      %parallel_loop3A_368 = arith.index_cast %parallel_loop3A_367 : i32 to index
      %parallel_loop3A_369 = tpu.vector_load %arg5[%parallel_loop3A_368] {strides = array<i32>} : memref<91392xi32, #tpu.memory_space<vmem>>, vector<16xi32>,
      %parallel_loop3A_370 = vector.bitcast %parallel_loop3A_369 : vector<16xi32> to vector<32xbf16>
      %parallel_loop3A_371 = arith.addf %parallel_loop3A_341, %parallel_loop3A_370 : vector<32xbf16>
      %parallel_loop3A_372 = arith.constant 32 : i32
      %parallel_loop3A_373 = arith.addi %parallel_loop3A_359, %parallel_loop3A_372 : i32
      %parallel_loop3A_374 = arith.index_cast %parallel_loop3A_373 : i32 to index
      %parallel_loop3A_375 = tpu.vector_load %arg5[%parallel_loop3A_374] {strides = array<i32>} : memref<91392xi32, #tpu.memory_space<vmem>>, vector<16xi32>,
      %parallel_loop3A_376 = vector.bitcast %parallel_loop3A_375 : vector<16xi32> to vector<32xbf16>
      %parallel_loop3A_377 = arith.addf %parallel_loop3A_347, %parallel_loop3A_376 : vector<32xbf16>
      %parallel_loop3A_378 = arith.constant 48 : i32
      %parallel_loop3A_379 = arith.addi %parallel_loop3A_359, %parallel_loop3A_378 : i32
      %parallel_loop3A_380 = arith.index_cast %parallel_loop3A_379 : i32 to index
      %parallel_loop3A_381 = tpu.vector_load %arg5[%parallel_loop3A_380] {strides = array<i32>} : memref<91392xi32, #tpu.memory_space<vmem>>, vector<16xi32>,
      %parallel_loop3A_382 = vector.bitcast %parallel_loop3A_381 : vector<16xi32> to vector<32xbf16>
      %parallel_loop3A_383 = arith.addf %parallel_loop3A_353, %parallel_loop3A_382 : vector<32xbf16>
      %parallel_loop3A_384 = vector.extract_strided_slice %parallel_loop3A_162 {offsets = [10], sizes = [1], strides = [1]} : vector<16xi32> to vector<1xi32>
      %parallel_loop3A_385 = vector.extract %parallel_loop3A_384[0] : i32 from vector<1xi32>
      %parallel_loop3A_386 = arith.constant 1407 : i32
      %parallel_loop3A_387 = arith.addi %parallel_loop3A_386, %parallel_loop3A_385 : i32
      %parallel_loop3A_388 = arith.constant 64 : i32
      %parallel_loop3A_389 = arith.muli %parallel_loop3A_387, %parallel_loop3A_388 : i32
      %parallel_loop3A_390 = arith.constant 0 : i32
      %parallel_loop3A_391 = arith.addi %parallel_loop3A_389, %parallel_loop3A_390 : i32
      %parallel_loop3A_392 = arith.index_cast %parallel_loop3A_391 : i32 to index
      %parallel_loop3A_393 = tpu.vector_load %arg5[%parallel_loop3A_392] {strides = array<i32>} : memref<91392xi32, #tpu.memory_space<vmem>>, vector<16xi32>,
      %parallel_loop3A_394 = vector.bitcast %parallel_loop3A_393 : vector<16xi32> to vector<32xbf16>
      %parallel_loop3A_395 = arith.addf %parallel_loop3A_365, %parallel_loop3A_394 : vector<32xbf16>
      %parallel_loop3A_396 = arith.constant 16 : i32
      %parallel_loop3A_397 = arith.addi %parallel_loop3A_389, %parallel_loop3A_396 : i32
      %parallel_loop3A_398 = arith.index_cast %parallel_loop3A_397 : i32 to index
      %parallel_loop3A_399 = tpu.vector_load %arg5[%parallel_loop3A_398] {strides = array<i32>} : memref<91392xi32, #tpu.memory_space<vmem>>, vector<16xi32>,
      %parallel_loop3A_400 = vector.bitcast %parallel_loop3A_399 : vector<16xi32> to vector<32xbf16>
      %parallel_loop3A_401 = arith.addf %parallel_loop3A_371, %parallel_loop3A_400 : vector<32xbf16>
      %parallel_loop3A_402 = arith.constant 32 : i32
      %parallel_loop3A_403 = arith.addi %parallel_loop3A_389, %parallel_loop3A_402 : i32
      %parallel_loop3A_404 = arith.index_cast %parallel_loop3A_403 : i32 to index
      %parallel_loop3A_405 = tpu.vector_load %arg5[%parallel_loop3A_404] {strides = array<i32>} : memref<91392xi32, #tpu.memory_space<vmem>>, vector<16xi32>,
      %parallel_loop3A_406 = vector.bitcast %parallel_loop3A_405 : vector<16xi32> to vector<32xbf16>
      %parallel_loop3A_407 = arith.addf %parallel_loop3A_377, %parallel_loop3A_406 : vector<32xbf16>
      %parallel_loop3A_408 = arith.constant 48 : i32
      %parallel_loop3A_409 = arith.addi %parallel_loop3A_389, %parallel_loop3A_408 : i32
      %parallel_loop3A_410 = arith.index_cast %parallel_loop3A_409 : i32 to index
      %parallel_loop3A_411 = tpu.vector_load %arg5[%parallel_loop3A_410] {strides = array<i32>} : memref<91392xi32, #tpu.memory_space<vmem>>, vector<16xi32>,
      %parallel_loop3A_412 = vector.bitcast %parallel_loop3A_411 : vector<16xi32> to vector<32xbf16>
      %parallel_loop3A_413 = arith.addf %parallel_loop3A_383, %parallel_loop3A_412 : vector<32xbf16>
      %parallel_loop3A_414 = tpu.unpack_subelements %parallel_loop3A_395, 0 {pack_format = #tpu.pack_format<interleaved>} : vector<32xbf16> -> vector<16xf32>
      %parallel_loop3A_415 = tpu.unpack_subelements %parallel_loop3A_395, 1 {pack_format = #tpu.pack_format<interleaved>} : vector<32xbf16> -> vector<16xf32>
      %parallel_loop3A_416 = arith.constant 128 : i32
      %parallel_loop3A_417 = arith.muli %parallel_loop3A_157, %parallel_loop3A_416 : i32
      %parallel_loop3A_418 = arith.constant 0 : i32
      %parallel_loop3A_419 = arith.addi %parallel_loop3A_417, %parallel_loop3A_418 : i32
      %parallel_loop3A_420 = arith.index_cast %parallel_loop3A_419 : i32 to index
      %parallel_loop3A_421 = tpu.vector_load %arg8[%parallel_loop3A_420] {strides = array<i32>} : memref<16000xf32, #tpu.memory_space<vmem>>, vector<16xf32>,
      tpu.vector_store %arg8[%parallel_loop3A_420], %parallel_loop3A_414 {strides = array<i32>} : memref<16000xf32, #tpu.memory_space<vmem>>, vector<16xf32>,
      %parallel_loop3A_422 = arith.constant 128 : i32
      %parallel_loop3A_423 = arith.muli %parallel_loop3A_157, %parallel_loop3A_422 : i32
      %parallel_loop3A_424 = arith.constant 0 : i32
      %parallel_loop3A_425 = arith.addi %parallel_loop3A_423, %parallel_loop3A_424 : i32
      %parallel_loop3A_426 = arith.constant 16 : i32
      %parallel_loop3A_427 = arith.addi %parallel_loop3A_425, %parallel_loop3A_426 : i32
      %parallel_loop3A_428 = arith.index_cast %parallel_loop3A_427 : i32 to index
      %parallel_loop3A_429 = tpu.vector_load %arg8[%parallel_loop3A_428] {strides = array<i32>} : memref<16000xf32, #tpu.memory_space<vmem>>, vector<16xf32>,
      tpu.vector_store %arg8[%parallel_loop3A_428], %parallel_loop3A_415 {strides = array<i32>} : memref<16000xf32, #tpu.memory_space<vmem>>, vector<16xf32>,
      %parallel_loop3A_430 = tpu.unpack_subelements %parallel_loop3A_401, 0 {pack_format = #tpu.pack_format<interleaved>} : vector<32xbf16> -> vector<16xf32>
      %parallel_loop3A_431 = tpu.unpack_subelements %parallel_loop3A_401, 1 {pack_format = #tpu.pack_format<interleaved>} : vector<32xbf16> -> vector<16xf32>
      %parallel_loop3A_432 = arith.constant 128 : i32
      %parallel_loop3A_433 = arith.muli %parallel_loop3A_157, %parallel_loop3A_432 : i32
      %parallel_loop3A_434 = arith.constant 32 : i32
      %parallel_loop3A_435 = arith.addi %parallel_loop3A_433, %parallel_loop3A_434 : i32
      %parallel_loop3A_436 = arith.index_cast %parallel_loop3A_435 : i32 to index
      %parallel_loop3A_437 = tpu.vector_load %arg8[%parallel_loop3A_436] {strides = array<i32>} : memref<16000xf32, #tpu.memory_space<vmem>>, vector<16xf32>,
      tpu.vector_store %arg8[%parallel_loop3A_436], %parallel_loop3A_430 {strides = array<i32>} : memref<16000xf32, #tpu.memory_space<vmem>>, vector<16xf32>,
      %parallel_loop3A_438 = arith.constant 128 : i32
      %parallel_loop3A_439 = arith.muli %parallel_loop3A_157, %parallel_loop3A_438 : i32
      %parallel_loop3A_440 = arith.constant 32 : i32
      %parallel_loop3A_441 = arith.addi %parallel_loop3A_439, %parallel_loop3A_440 : i32
      %parallel_loop3A_442 = arith.constant 16 : i32
      %parallel_loop3A_443 = arith.addi %parallel_loop3A_441, %parallel_loop3A_442 : i32
      %parallel_loop3A_444 = arith.index_cast %parallel_loop3A_443 : i32 to index
      %parallel_loop3A_445 = tpu.vector_load %arg8[%parallel_loop3A_444] {strides = array<i32>} : memref<16000xf32, #tpu.memory_space<vmem>>, vector<16xf32>,
      tpu.vector_store %arg8[%parallel_loop3A_444], %parallel_loop3A_431 {strides = array<i32>} : memref<16000xf32, #tpu.memory_space<vmem>>, vector<16xf32>,
      %parallel_loop3A_446 = tpu.unpack_subelements %parallel_loop3A_407, 0 {pack_format = #tpu.pack_format<interleaved>} : vector<32xbf16> -> vector<16xf32>
      %parallel_loop3A_447 = tpu.unpack_subelements %parallel_loop3A_407, 1 {pack_format = #tpu.pack_format<interleaved>} : vector<32xbf16> -> vector<16xf32>
      %parallel_loop3A_448 = arith.constant 128 : i32
      %parallel_loop3A_449 = arith.muli %parallel_loop3A_157, %parallel_loop3A_448 : i32
      %parallel_loop3A_450 = arith.constant 64 : i32
      %parallel_loop3A_451 = arith.addi %parallel_loop3A_449, %parallel_loop3A_450 : i32
      %parallel_loop3A_452 = arith.index_cast %parallel_loop3A_451 : i32 to index
      %parallel_loop3A_453 = tpu.vector_load %arg8[%parallel_loop3A_452] {strides = array<i32>} : memref<16000xf32, #tpu.memory_space<vmem>>, vector<16xf32>,
      tpu.vector_store %arg8[%parallel_loop3A_452], %parallel_loop3A_446 {strides = array<i32>} : memref<16000xf32, #tpu.memory_space<vmem>>, vector<16xf32>,
      %parallel_loop3A_454 = arith.constant 128 : i32
      %parallel_loop3A_455 = arith.muli %parallel_loop3A_157, %parallel_loop3A_454 : i32
      %parallel_loop3A_456 = arith.constant 64 : i32
      %parallel_loop3A_457 = arith.addi %parallel_loop3A_455, %parallel_loop3A_456 : i32
      %parallel_loop3A_458 = arith.constant 16 : i32
      %parallel_loop3A_459 = arith.addi %parallel_loop3A_457, %parallel_loop3A_458 : i32
      %parallel_loop3A_460 = arith.index_cast %parallel_loop3A_459 : i32 to index
      %parallel_loop3A_461 = tpu.vector_load %arg8[%parallel_loop3A_460] {strides = array<i32>} : memref<16000xf32, #tpu.memory_space<vmem>>, vector<16xf32>,
      tpu.vector_store %arg8[%parallel_loop3A_460], %parallel_loop3A_447 {strides = array<i32>} : memref<16000xf32, #tpu.memory_space<vmem>>, vector<16xf32>,
      %parallel_loop3A_462 = tpu.unpack_subelements %parallel_loop3A_413, 0 {pack_format = #tpu.pack_format<interleaved>} : vector<32xbf16> -> vector<16xf32>
      %parallel_loop3A_463 = tpu.unpack_subelements %parallel_loop3A_413, 1 {pack_format = #tpu.pack_format<interleaved>} : vector<32xbf16> -> vector<16xf32>
      %parallel_loop3A_464 = arith.constant 128 : i32
      %parallel_loop3A_465 = arith.muli %parallel_loop3A_157, %parallel_loop3A_464 : i32
      %parallel_loop3A_466 = arith.constant 96 : i32
      %parallel_loop3A_467 = arith.addi %parallel_loop3A_465, %parallel_loop3A_466 : i32
      %parallel_loop3A_468 = arith.index_cast %parallel_loop3A_467 : i32 to index
      %parallel_loop3A_469 = tpu.vector_load %arg8[%parallel_loop3A_468] {strides = array<i32>} : memref<16000xf32, #tpu.memory_space<vmem>>, vector<16xf32>,
      tpu.vector_store %arg8[%parallel_loop3A_468], %parallel_loop3A_462 {strides = array<i32>} : memref<16000xf32, #tpu.memory_space<vmem>>, vector<16xf32>,
      %parallel_loop3A_470 = arith.constant 128 : i32
      %parallel_loop3A_471 = arith.muli %parallel_loop3A_157, %parallel_loop3A_470 : i32
      %parallel_loop3A_472 = arith.constant 96 : i32
      %parallel_loop3A_473 = arith.addi %parallel_loop3A_471, %parallel_loop3A_472 : i32
      %parallel_loop3A_474 = arith.constant 16 : i32
      %parallel_loop3A_475 = arith.addi %parallel_loop3A_473, %parallel_loop3A_474 : i32
      %parallel_loop3A_476 = arith.index_cast %parallel_loop3A_475 : i32 to index
      %parallel_loop3A_477 = tpu.vector_load %arg8[%parallel_loop3A_476] {strides = array<i32>} : memref<16000xf32, #tpu.memory_space<vmem>>, vector<16xf32>,
      tpu.vector_store %arg8[%parallel_loop3A_476], %parallel_loop3A_463 {strides = array<i32>} : memref<16000xf32, #tpu.memory_space<vmem>>, vector<16xf32>,
    } {sc.loop_unroll_factor = 5 : i64, sc.parallel_access}
    %dma_start3A_143 = tpu.memref_slice %arg4[%mul3A_67] : memref<12800000xf32, #tpu.memory_space<hbm>> -> memref<16000xf32, #tpu.memory_space<hbm>>
    %dma_start3A_144 = tpu.memref_slice %arg4[%mul3A_67] : memref<12800000xf32, #tpu.memory_space<hbm>> -> memref<16000xf32, #tpu.memory_space<hbm>>
    tpu.enqueue_dma source(%arg8 : memref<16000xf32, #tpu.memory_space<vmem>>) target(%dma_start3A_144 : memref<16000xf32, #tpu.memory_space<hbm>>) target_semaphore(%arg10 : memref<!tpu.dma_semaphore, #tpu.memory_space<semaphore_mem>>)
    %add3A_145 = arith.constant 3000 : i32
    %add3A_146 = arith.addi %mul3A_2, %add3A_145 : i32
    %mul3A_147 = arith.constant 128 : i32
    %mul3A_148 = arith.muli %add3A_146, %mul3A_147 : i32
    %dma_wait3A_149 = tpu.memref_slice %arg4[%mul3A_148] : memref<12800000xf32, #tpu.memory_space<hbm>> -> memref<16000xf32, #tpu.memory_space<hbm>>
    %dma_wait3A_150 = tpu.memref_slice %arg4[%mul3A_148] : memref<12800000xf32, #tpu.memory_space<hbm>> -> memref<16000xf32, #tpu.memory_space<hbm>>
    tpu.wait_dma2 semaphore(%arg10 : memref<!tpu.dma_semaphore, #tpu.memory_space<semaphore_mem>>) src(%arg8 : memref<16000xf32, #tpu.memory_space<vmem>>) dst(%dma_wait3A_150 : memref<16000xf32, #tpu.memory_space<hbm>>)
    %add3A_151 = arith.constant 2875 : i32
    %add3A_152 = arith.addi %mul3A_2, %add3A_151 : i32
    %mul3A_153 = arith.constant 128 : i32
    %mul3A_154 = arith.muli %add3A_152, %mul3A_153 : i32
    %dma_wait3A_155 = tpu.memref_slice %arg4[%mul3A_154] : memref<12800000xf32, #tpu.memory_space<hbm>> -> memref<16000xf32, #tpu.memory_space<hbm>>
    %dma_wait3A_156 = tpu.memref_slice %arg4[%mul3A_154] : memref<12800000xf32, #tpu.memory_space<hbm>> -> memref<16000xf32, #tpu.memory_space<hbm>>
    tpu.wait_dma2 semaphore(%arg11 : memref<!tpu.dma_semaphore, #tpu.memory_space<semaphore_mem>>) src(%arg9 : memref<16000xf32, #tpu.memory_space<vmem>>) dst(%dma_wait3A_156 : memref<16000xf32, #tpu.memory_space<hbm>>)
    return
  }
}

</mosaic_0001>

<sc_bundles>
// kernel: kernel.3.cloned.1.call-start
scs
__scs_entry_jumppad:
0x0: {  	(pc) =	sbr.rel $0x88, $3  }
0x1: {  	(tag) =	ssettag $0x0;
	lr =	simm.s32 $0x1  }
0x2: {  	[smem:$0x3F9F] =	sst lr;
	_ =	strace $0xD0000000  }
0x3: {  	_ = 	snop  }
0x4: {  	_ = 	snop  }
0x5: {  	_ = 	snop  }
0x6: {  	_ = 	snop  }
0x7: {  	_ = 	snop  }
__scs_overlays_trampoline_lowered:
0x8: {  	[smem:$0x3FAE] =	sst s0  }
0x9: {  	[smem:$0x3FAF] =	sst s1  }
0xa: {  	[smem:$0x3FB0] =	sst s2  }
0xb: {  	[smem:$0x3FB1] =	sst s3  }
0xc: {  	[smem:$0x3FB2] =	sst s4  }
0xd: {  	[smem:$0x3FB3] =	sst s5  }
0xe: {  	[smem:$0x3FB4] =	sst s6  }
0xf: {  	[smem:$0x3FB5] =	sst s7  }
0x10: {  	[smem:$0x3FB6] =	sst s8  }
0x11: {  	[smem:$0x3FB7] =	sst s9;
	s0 =	simm.s32 @!p0 $0x0  }
0x12: {  	s1 =	sld [smem:$0x3F9D];
	s0 =	simm.s32 @p0 $0x1  }
0x13: {  	[smem:$0x3FB8] =	sst s0;
	s0 =	simm.s32 @!p1 $0x0  }
0x14: {  	s2 =	sld [smem:$0x3F9C];
	s0 =	simm.s32 @p1 $0x1  }
0x15: {  	[smem:$0x3FB9] =	sst s0;
	s0 =	simm.s32 @!p2 $0x0  }
0x16: {  	s3 =	sld [smem:$0x3FDB];
	s0 =	simm.s32 @p2 $0x1  }
0x17: {  	s4 =	simm.s32 $0x1BF5;
	[smem:$0x3FBB] =	sst s0  }
0x18: {  	s0 =	sld [smem:$0x3F9E];
	_ =	swait.ge [sflag:s4], $0x0  }
0x19: {  	s7 =	sld [smem:$0x3F9F]  }
0x1a: {  	s8 =	sadd.s32 $0xFFFFE003, lr  }
0x1b: {  	s9 =	sadd.s32 $0xFFFFFEF7, lr;
	s5 =	simm.s32 $0xFFFFFFFF;
	p2 =	slt.u32 s8, $0xFFFFF086  }
0x1c: {  	p1 =	slt.u32 s9, $0xF7A;
	s5 =	simm.s32 @!p2 $0x0  }
0x1d: {  	s5 =	simm.s32 @p1 $0x1;
	p0 =	seq.s32 s7, s2  }
0x1e: {  	s7 =	smul.u32 @!p0 $0xF7A, s2;
	p2 =	seq.s32 @!p0 s5, $0x0  }
0x1f: {  	s9 =	smul.u32 $0xF7A, s1;
	s8 =	simm.s32 @!p0 $0x1BF5;
	p2 =	por !p2, p0  }
0x20: {  	[sflag:s8] =	ssyncset.s32 @!p0 $0xFFFFF086;
	s6 =	sadd.s32 @!p0 s3, s7;
	s7 =	simm.s32 @!p0 $0x108  }
0x21: {  	s3 =	sadd.s32 s3, s9;
	s6 =	sadd.s32 @!p0 $0x88, s6;
	s7 =	simm.s32 @p2 $0x1082  }
0x22: {  	[simem:s7], [sflag:s8] =	dma.local @!p0 [hbm:s6], $0xF7A  }
0x23: {  	s9 =	sor.u32 $0xD0000000, s2;
	s6 =	simm.s32 $0x108;
	_ =	swait.ge @!p0 [sflag:s8], $0x0  }
0x24: {  	s3 =	sadd.s32 $0x88, s3;
	s6 =	simm.s32 @!p1 $0x1082;
	[sflag:s4] =	ssyncset.s32 $0xFFFFF086  }
0x25: {  	[simem:s6], [sflag:s4] =	dma.local [hbm:s3], $0xF7A  }
0x26: {  	[smem:$0x3F9F] =	sst s1;
	(tag) =	ssettag s2;
	_ =	strace s9  }
0x27: {  	s1 =	sld [smem:$0x3FAF]  }
0x28: {  	s2 =	sld [smem:$0x3FB0]  }
0x29: {  	s4 =	sld [smem:$0x3FB2]  }
0x2a: {  	p0 =	seq.s32 s5, $0x0;
	s5 =	sld [smem:$0x3FB3]  }
0x2b: {  	s6 =	sld [smem:$0x3FB4]  }
0x2c: {  	s7 =	sld [smem:$0x3FB5]  }
0x2d: {  	s3 =	simm.s32 $0x108;
	s8 =	sld [smem:$0x3FB6]  }
0x2e: {  	s3 =	simm.s32 @!p0 $0x1082;
	s9 =	sld [smem:$0x3FB7]  }
0x2f: {  	lr =	sadd.s32 s0, s3;
	s0 =	sld [smem:$0x3FAE]  }
0x30: {  	s3 =	sld [smem:$0x3FB1]  }
0x31: {  	[smem:$0x3FBA] =	sst s10  }
0x32: {  	s10 =	sld [smem:$0x3FB8];
	_ =	sdelay $0x3  }
0x33: {  	p0 =	seq.s32 s10, $0x1;
	s10 =	sld [smem:$0x3FBA];
	_ =	sdelay $0x3  }
0x34: {  	[smem:$0x3FBA] =	sst s10  }
0x35: {  	s10 =	sld [smem:$0x3FB9];
	_ =	sdelay $0x3  }
0x36: {  	p1 =	seq.s32 s10, $0x1;
	s10 =	sld [smem:$0x3FBA];
	_ =	sdelay $0x3  }
0x37: {  	[smem:$0x3FBA] =	sst s10  }
0x38: {  	s10 =	sld [smem:$0x3FBB]  }
0x39: {  	_ = 	snop;
	(pc) =	sbr.ind lr, $3  }
0x3a: {  	_ = 	snop  }
0x3b: {  	_ = 	snop  }
0x3c: {  	p2 =	seq.s32 s10, $0x1;
	s10 =	sld [smem:$0x3FBA]  }
0x3d: {  	_ =	shalt  }
0x3e: {  	_ =	shalt  }
0x3f: {  	_ =	shalt  }
0x40: {  	_ =	shalt  }
0x41: {  	_ =	shalt  }
0x42: {  	_ =	shalt  }
0x43: {  	_ =	shalt  }
0x44: {  	_ =	shalt  }
0x45: {  	_ =	shalt  }
0x46: {  	_ =	shalt  }
0x47: {  	_ =	shalt  }
0x48: {  	_ =	shalt  }
0x49: {  	_ =	shalt  }
0x4a: {  	_ =	shalt  }
0x4b: {  	_ =	shalt  }
0x4c: {  	_ =	shalt  }
0x4d: {  	_ =	shalt  }
0x4e: {  	_ =	shalt  }
0x4f: {  	_ =	shalt  }
0x50: {  	_ =	shalt  }
0x51: {  	_ =	shalt  }
0x52: {  	_ =	shalt  }
0x53: {  	_ =	shalt  }
0x54: {  	_ =	shalt  }
0x55: {  	_ =	shalt  }
0x56: {  	_ =	shalt  }
0x57: {  	_ =	shalt  }
0x58: {  	_ =	shalt  }
0x59: {  	_ =	shalt  }
0x5a: {  	_ =	shalt  }
0x5b: {  	_ =	shalt  }
0x5c: {  	_ =	shalt  }
0x5d: {  	_ =	shalt  }
0x5e: {  	_ =	shalt  }
0x5f: {  	_ =	shalt  }
0x60: {  	_ =	shalt  }
0x61: {  	_ =	shalt  }
0x62: {  	_ =	shalt  }
0x63: {  	_ =	shalt  }
0x64: {  	_ =	shalt  }
0x65: {  	_ =	shalt  }
0x66: {  	_ =	shalt  }
0x67: {  	_ =	shalt  }
0x68: {  	_ =	shalt  }
0x69: {  	_ =	shalt  }
0x6a: {  	_ =	shalt  }
0x6b: {  	_ =	shalt  }
0x6c: {  	_ =	shalt  }
0x6d: {  	_ =	shalt  }
0x6e: {  	_ =	shalt  }
0x6f: {  	_ =	shalt  }
0x70: {  	_ =	shalt  }
0x71: {  	_ =	shalt  }
0x72: {  	_ =	shalt  }
0x73: {  	_ =	shalt  }
0x74: {  	_ =	shalt  }
0x75: {  	_ =	shalt  }
0x76: {  	_ =	shalt  }
0x77: {  	_ =	shalt  }
0x78: {  	_ =	shalt  }
0x79: {  	_ =	shalt  }
0x7a: {  	_ =	shalt  }
0x7b: {  	_ =	shalt  }
0x7c: {  	_ =	shalt  }
0x7d: {  	_ =	shalt  }
0x7e: {  	_ =	shalt  }
0x7f: {  	_ =	shalt  }
0x80: {  	_ =	shalt  }
0x81: {  	_ =	shalt  }
0x82: {  	_ =	shalt  }
0x83: {  	_ =	shalt  }
0x84: {  	_ =	shalt  }
0x85: {  	_ =	shalt  }
0x86: {  	_ =	shalt  }
0x87: {  	_ =	shalt  }
.Lfunc_end0:
.L_simem_size_0:
called_computation_lowered:
.L_overlay_start_0:
0x88: {  	s2 =	sld [smem:$0x3FD9]  }
0x89: {  	s3 =	sld [smem:$0x3FFE];
	_ =	sdelay $0x1  }
0x8a: {  	s1 =	srdreg.scid  }
0x8b: {  	s0 =	sand.u32 $0x1, s1  }
0x8c: {  	s17 =	sshll.u32 s0, $0xA;
	s2 =	sadd.s32 s3, s2  }
0x8d: {  	s2 =	sadd.s32 s2, s17  }
0x8e: {  	[smem:$0x3FC6] =	sst s2  }
0x8f: {  	_ = 	snop  }
0x90: {  	s2 =	sld [smem:$0x3FD0];
	(tm) =	ssettm $0x1  }
0x91: {  	s18 =	sld [smem:$0x3FFB];
	_ =	sdelay $0x3  }
0x92: {  	_ =	strace s18  }
0x93: {  	s3 =	sld [smem:$0x3FFC];
	_ =	sdelay $0x3  }
0x94: {  	_ =	strace s3  }
0x95: {  	s3 =	sld [smem:$0x3FFD];
	_ =	sdelay $0x3  }
0x96: {  	_ =	strace s3  }
0x97: {  	_ =	strace $0x8FFFFFFF  }
0x98: {  	s19 =	sld [smem:$0x3FDB];
	_ =	sdelay $0x1  }
0x99: {  	s4 =	simm.s32 $_scs_section_size  }
0x9a: {  	s5 =	simm.s32 $_size__tile_overlayer_lowered;
	s6 =	simm.s32 $_tile_overlayer_lowered  }
0x9b: {  	s22 =	simm.s32 $0x1BFF;
	s21 =	sshll.u32 s6, $0x1;
	s3 =	sadd.s32 s4, s19  }
0x9c: {  	s7 =	simm.s32 $0x0;
	s20 =	sshll.u32 s5, $0x1;
	s5 =	sadd.s32 s21, s3  }
0x9d: {  	[timem:s7], [sflag:s22] =	dma.local [hbm:s5], s20  }
0x9e: {  	_ =	swait.ge [sflag:s22], s20  }
0x9f: {  	s4 =	ssub.s32 $0x0, s20;
	[sflag:s22] =	ssyncset.done $0x0  }
0xa0: {  	[sflag:s22] =	ssyncadd.s32 s4;
	_ =	sdelay $0x1  }
0xa1: {  	s23 =	simm.s32 $0x1B8B  }
0xa2: {  	_ =	swait.ge [sflag:s23], $0x1  }
0xa3: {  	[sflag:s23] =	ssyncset.done $0x0  }
0xa4: {  	s25 =	simm.s32 $0x1B8E;
	s24 =	sld [smem:$0x3FFE];
	[sflag:s23] =	ssyncadd.s32 $0xFFFFFFFF  }
0xa5: {  	s26 =	simm.s32 $execute0_lowered;
	[smem:$0x3FD2] =	sst s25  }
0xa6: {  	s5 =	sshll.u32 s26, $0x1;
	_ =	strace $0x80000046;
	[dreg:$0x1] =	wrdreg $0xFFFFFFFF  }
0xa7: {  	s28 =	simm.s32 $_size_execute0_lowered;
	s3 =	sadd.s32 s3, s5;
	[dreg:$0x0] =	wrdreg $0x0  }
0xa8: {  	s5 =	sshll.u32 s28, $0x1;
	[dreg:$0x2] =	wrdreg s3  }
0xa9: {  	[dreg:$0x3] =	wrdreg s5  }
0xaa: {  	[dreg:$0x4] =	wrdreg $0xC0  }
0xab: {  	_ =	task [dreg:s7], $0x5FFFF  }
0xac: {  	[dreg:$0x1] =	wrdreg $0xFFFFFFFF  }
0xad: {  	[dreg:$0x0] =	wrdreg $0x60  }
0xae: {  	[dreg:$0x2] =	wrdreg s24  }
0xaf: {  	[dreg:$0x3] =	wrdreg s2  }
0xb0: {  	[dreg:$0x4] =	wrdreg $0x9  }
0xb1: {  	_ =	task.clear_ibuf [dreg:s7], $0x5FFFF;
	_ =	strace $0x90000046  }
0xb2: {  	s29 =	simm.s32 $0x9;
	_ =	strace $0x80000048  }
0xb3: {  	_ =	swait.ge [sflag:s29], $0x1  }
0xb4: {  	[sflag:s29] =	ssyncadd.s32 $0xFFFFFFFF  }
0xb5: {  	_ =	strace $0x90000048  }
0xb6: {  	_ =	sfence  }
0xb7: {  	s30 =	sld [smem:$0x0];
	_ =	sdelay $0x2  }
0xb8: {  	s31 =	sshll.u32 s1, $0xD;
	s1 =	sshrl.u32 s1, $0x2  }
0xb9: {  	s3 =	sand.u32 $0x4000, s31;
	s1 =	sadd.s32 s1, s30  }
0xba: {  	s0 =	sor.u32 s3, s0;
	s1 =	sshll.u32 s1, $0x11  }
0xbb: {  	s0 =	sor.u32 s1, s0  }
0xbc: {  	s0 =	sadd.s32 $0x8F2B, s0  }
0xbd: {  	[sflag:s0] =	ssyncadd.remote.s32 $0x1  }
0xbe: {  	_ =	sfence.sel $0xFFFF  }
0xbf: {  	[dreg:$0x0] =	wrdreg $0xFFFFFFFF;
	(pc) =	sbr.abs _section_cstart, $3  }
0xc0: {  	[dreg:$0x1] =	wrdreg $0xFFFFFFFF  }
0xc1: {  	_ =	task.clear_ibuf [dreg:s7], $0x2FFFF;
	_ =	strace $0x9FFFFFFF  }
0xc2: {  	(tm) =	ssettm $0x7FFFFFFF  }
0xc3: {  	_ =	shalt  }
tec
execute0_lowered:
.L_overlay_start_1:
0x0: {  	(tag) =	ssettag $0x1  }
0x1: {  	s0 =	rddreg [dreg:$0x0]  }
0x2: {  	s9 =	rddreg [dreg:$0x1];
	s1 =	srdreg.scid  }
0x3: {  	s8 =	stileid.u32;
	s31 =	simm.s32 $0x0;
	s1 =	sand.u32 $0x1, s1  }
0x4: {  	s2 =	sshll.u32 s8, $0x1;
	[smem:$0x7FF] =	sst s31;
	s5 =	smul.u32 $0x186A, s8  }
0x5: {  	s10 =	sadd.s32 $0x1400, s0;
	s4 =	sadd.s32 $0x400, s0;
	s18 =	smul.u32 $0x43238, s8  }
0x6: {  	s11 =	sadd.s32 $0x6A0, s0;
	s12 =	sadd.s32 $0x940, s0;
	s21 =	smul.u32 $0x10C8E, s8  }
0x7: {  	_ =	strace $0x80000047;
	[dreg:$0x4] =	wrdreg s4;
	s7 =	smul.u32 $0xC35, s1  }
0x8: {  	s2 =	sor.u32 s1, s2;
	[dreg:$0x3] =	wrdreg s10;
	s19 =	smul.u32 $0x2191C, s1  }
0x9: {  	s29 =	ssub.s32 $0x2, s1;
	[dreg:$0x7] =	wrdreg s11;
	s1 =	smul.u32 $0x8647, s1  }
0xa: {  	s0 =	sadd.s32 $0xBE0, s0;
	[dreg:$0x8] =	wrdreg s12;
	s3 =	smul.u32 $0x8647, s2  }
0xb: {  	[dreg:$0x9] =	wrdreg s0;
	s6 =	sshrl.u32 s29, $0x1;
	s30 =	smul.u32 $0xC35, s2  }
0xc: {  	s4 =	ssub.s32 s29, s6;
	s13 =	sadd.s32 s7, s5;
	s1 =	sadd.s32 s1, s21  }
0xd: {  	s3 =	sshrl.u32 s3, $0x3;
	s14 =	sadd.s32 $0x7D, s30;
	[dreg:$0x5] =	wrdreg s30  }
0xe: {  	s15 =	smul.u32 $0xB, s13;
	s16 =	sadd.s32 $0xFA, s30;
	[dreg:$0xe] =	wrdreg s1  }
0xf: {  	s17 =	sshll.u32 s30, $0x4;
	s4 =	smax.u32 s4, $0x1;
	[dreg:$0xa] =	wrdreg s14  }
0x10: {  	s10 =	sadd.s32 s10, s3;
	[dreg:$0xb] =	wrdreg s16;
	s2 =	sadd.s32 s9, s17  }
0x11: {  	s3 =	sadd.s32 s19, s18;
	[dreg:$0xd] =	wrdreg s4;
	s20 =	sadd.s32 $0x80E8, s15  }
0x12: {  	[dreg:$0x6] =	wrdreg s10;
	s2 =	sadd.s32 $0xBB80, s2;
	s6 =	sand.u32 $0x7FFFF8, s20  }
0x13: {  	s23 =	sadd.s32 $0xB0, s3;
	s26 =	sadd.s32 $0x162C, s3;
	s22 =	smin.u32 s6, $0x10C360  }
0x14: {  	s0 =	sadd.s32 $0x55F, s15;
	[dreg:$0xc] =	wrdreg s2;
	s5 =	sshll.u32 s22, $0x2  }
0x15: {  	s24 =	sshrl.u32 s23, $0x2;
	[dreg:$0x10] =	wrdreg s0;
	s25 =	ssub.s32 s3, s5  }
0x16: {  	s28 =	sshrl.u32 s26, $0x2;
	s1 =	sadd.s32 $0x16500, s24;
	s2 =	sadd.s32 $0x203F8, s25  }
0x17: {  	s0 =	sadd.s32 $0x16B00, s28;
	[dreg:$0xf] =	wrdreg s1;
	s29 =	sshra.s32 s2, $0x2  }
0x18: {  	s8 =	simm.s32 $0x17100;
	[dreg:$0x11] =	wrdreg s0;
	s30 =	sadd.s32 $0x16500, s29  }
0x19: {  	s9 =	simm.s32 $0x5;
	s2 =	simm.s32 $0x0;
	[dreg:$0x12] =	wrdreg s30  }
.LBB2_1:
0x1a: {  	[dreg:$0x13] =	wrdreg s2  }
0x1b: {  	s0 =	rddreg [dreg:$0x6];
	s1 =	simm.s32 $0x16500  }
0x1c: {  	[tilespmem:s1], [sflag:$0x3] =	stream.linear.gather [hbm4b:s0+s31], $0x580, $0x38;
	[tilespmem:$0x1EE00] =	vst v63  }
0x1d: {  	s30 =	rddreg [dreg:$0x4]  }
0x1e: {  	[tilespmem:s8], [sflag:$0x5] =	stream.linear.gather [hbm4b:s30+s31], $0x1500, $0x38;
	[tilespmem:$0x1EE00] =	vst v63  }
0x1f: {  	_ =	swait.ge [sflag:s9], $0x1500  }
0x20: {  	[sflag:s9] =	ssyncset.done $0x0  }
0x21: {  	s0 =	simm.s32 $0x60;
	s1 =	simm.s32 $0x0;
	[sflag:s9] =	ssyncadd.s32 $0xFFFFEB00  }
.LBB2_2:
0x22: {  	s5 =	simm.s32 $0x17CF0  }
0x23: {  	s2 =	sshll.u32 s1, $0x7;
	v2 =	vld [tilespmem:s5+$0xFFFFFF90]  }
0x24: {  	s2 =	sand.u32 $0x3FFFFF80, s2;
	v3 =	vld [tilespmem:s5+$0xFFFFFFA0]  }
0x25: {  	v0 =	vld [tilespmem:s2+$0x17100]  }
0x26: {  	v1 =	vld [tilespmem:s2+$0x17110];
	_ =	sdelay $0x2  }
0x27: {  	v4 =	vld [tilespmem:s5+$0xFFFFFE90]  }
0x28: {  	v5 =	vld [tilespmem:s5+$0xFFFFFEA0]  }
0x29: {  	v2 =	vadd.f32 v2, v0;
	v3 =	vadd.f32 v3, v1;
	_ =	sdelay $0x1  }
0x2a: {  	v6 =	vld [tilespmem:s5+$0xFFFFFF10];
	v2 =	vpack.i.f32.bf16 v3, v2  }
0x2b: {  	v3 =	vld [tilespmem:s5+$0xFFFFFF20];
	[tilespmem:s0+$0x20] =	vst v2  }
0x2c: {  	v2 =	vadd.f32 v4, v0;
	v4 =	vadd.f32 v5, v1;
	v5 =	vld [tilespmem:s2+$0x17120]  }
0x2d: {  	v7 =	vld [tilespmem:s5+$0xFFFFFFB0]  }
0x2e: {  	v2 =	vpack.i.f32.bf16 v4, v2;
	v4 =	vld [tilespmem:s2+$0x17130]  }
0x2f: {  	[tilespmem:s0+$0xFFFFFFA0] =	vst v2;
	v2 =	vld [tilespmem:s5+$0xFFFFFFC0]  }
0x30: {  	v0 =	vadd.f32 v6, v0;
	v1 =	vadd.f32 v3, v1;
	v3 =	vld [tilespmem:s2+$0x17120]  }
0x31: {  	v6 =	vld [tilespmem:s5+$0xFFFFFEB0]  }
0x32: {  	v0 =	vpack.i.f32.bf16 v1, v0;
	v1 =	vld [tilespmem:s2+$0x17130]  }
0x33: {  	[tilespmem:s0+$0xFFFFFFE0] =	vst v0;
	v0 =	vld [tilespmem:s5+$0xFFFFFEC0]  }
0x34: {  	v5 =	vadd.f32 v7, v5;
	v8 =	vld [tilespmem:s2+$0x17120];
	v2 =	vadd.f32 v2, v4  }
0x35: {  	v4 =	vld [tilespmem:s5+$0xFFFFFF30]  }
0x36: {  	v7 =	vld [tilespmem:s2+$0x17130];
	v2 =	vpack.i.f32.bf16 v2, v5  }
0x37: {  	v5 =	vld [tilespmem:s5+$0xFFFFFF40];
	[tilespmem:s0+$0x30] =	vst v2  }
0x38: {  	v2 =	vadd.f32 v6, v3;
	v0 =	vadd.f32 v0, v1;
	v1 =	vld [tilespmem:s2+$0x17140]  }
0x39: {  	v3 =	vld [tilespmem:s5+$0xFFFFFFD0]  }
0x3a: {  	v0 =	vpack.i.f32.bf16 v0, v2;
	v2 =	vld [tilespmem:s2+$0x17150]  }
0x3b: {  	[tilespmem:s0+$0xFFFFFFB0] =	vst v0;
	v0 =	vld [tilespmem:s5+$0xFFFFFFE0]  }
0x3c: {  	v4 =	vadd.f32 v4, v8;
	v5 =	vadd.f32 v5, v7;
	v6 =	vld [tilespmem:s2+$0x17140]  }
0x3d: {  	v7 =	vld [tilespmem:s5+$0xFFFFFED0]  }
0x3e: {  	v8 =	vld [tilespmem:s2+$0x17150];
	v4 =	vpack.i.f32.bf16 v5, v4  }
0x3f: {  	v5 =	vld [tilespmem:s5+$0xFFFFFEE0];
	[tilespmem:s0+$0xFFFFFFF0] =	vst v4  }
0x40: {  	v1 =	vadd.f32 v3, v1;
	v4 =	vld [tilespmem:s2+$0x17140];
	v0 =	vadd.f32 v0, v2  }
0x41: {  	v3 =	vld [tilespmem:s5+$0xFFFFFF50]  }
0x42: {  	v9 =	vld [tilespmem:s2+$0x17150];
	v0 =	vpack.i.f32.bf16 v0, v1  }
0x43: {  	v10 =	vld [tilespmem:s5+$0xFFFFFF60];
	[tilespmem:s0+$0x40] =	vst v0  }
0x44: {  	v2 =	vadd.f32 v7, v6;
	v5 =	vadd.f32 v5, v8;
	v0 =	vld [tilespmem:s2+$0x17160]  }
0x45: {  	v1 =	vld [tilespmem:s5+$0xFFFFFFF0]  }
0x46: {  	v5 =	vpack.i.f32.bf16 v5, v2;
	v2 =	vld [tilespmem:s2+$0x17170]  }
0x47: {  	[tilespmem:s0+$0xFFFFFFC0] =	vst v5;
	v5 =	vld [tilespmem:s5+$0x0]  }
0x48: {  	v7 =	vadd.f32 v3, v4;
	v8 =	vadd.f32 v10, v9;
	v3 =	vld [tilespmem:s2+$0x17160]  }
0x49: {  	v6 =	vld [tilespmem:s5+$0xFFFFFEF0]  }
0x4a: {  	s6 =	simm.s32 $0x0;
	v4 =	vld [tilespmem:s2+$0x17170];
	v8 =	vpack.i.f32.bf16 v8, v7  }
0x4b: {  	s4 =	smov.u32 s0;
	s7 =	simm.s32 $0x17CF0;
	s3 =	smov.u32 s0;
	v7 =	vld [tilespmem:s5+$0xFFFFFF00];
	[tilespmem:s0+$0x0] =	vst v8  }
.LBB2_3:
0x4c: {  	v8 =	vld [tilespmem:s2+$0x17100];
	v0 =	vadd.f32 v1, v0;
	v1 =	vadd.f32 v5, v2  }
0x4d: {  	s5 =	sadd.s32 $0x180, s5;
	v2 =	vld [tilespmem:s2+$0x17110]  }
0x4e: {  	v5 =	vld [tilespmem:s5+$0xFFFFFF90];
	v3 =	vadd.f32 v6, v3;
	v0 =	vpack.i.f32.bf16 v1, v0  }
0x4f: {  	v1 =	vld [tilespmem:s5+$0xFFFFFFA0];
	[tilespmem:s4+$0x50] =	vst v0  }
0x50: {  	v0 =	vld [tilespmem:s5+$0xFFFFFE90];
	v4 =	vadd.f32 v7, v4  }
0x51: {  	v6 =	vld [tilespmem:s5+$0xFFFFFEA0]  }
0x52: {  	v7 =	vld [tilespmem:s5+$0xFFFFFF10];
	v3 =	vpack.i.f32.bf16 v4, v3  }
0x53: {  	v4 =	vld [tilespmem:s5+$0xFFFFFF20];
	[tilespmem:s4+$0xFFFFFFD0] =	vst v3  }
0x54: {  	v3 =	vadd.f32 v5, v8;
	v1 =	vadd.f32 v1, v2;
	v5 =	vld [tilespmem:s2+$0x17160]  }
0x55: {  	v0 =	vadd.f32 v0, v8;
	v9 =	vld [tilespmem:s7+$0xFFFFFF70]  }
0x56: {  	s4 =	sadd.s32 $0xC0, s4;
	v6 =	vadd.f32 v6, v2;
	v1 =	vpack.i.f32.bf16 v1, v3;
	v3 =	vld [tilespmem:s2+$0x17170]  }
0x57: {  	v7 =	vadd.f32 v7, v8;
	[tilespmem:s4+$0x20] =	vst v1;
	v1 =	vld [tilespmem:s7+$0xFFFFFF80];
	s7 =	smov.u32 s5  }
0x58: {  	s6 =	sadd.s32 $0x3, s6;
	v0 =	vpack.i.f32.bf16 v6, v0;
	v2 =	vadd.f32 v4, v2;
	v4 =	vld [tilespmem:s2+$0x17120]  }
0x59: {  	p0 =	slt.u32 s6, $0x12;
	[tilespmem:s4+$0xFFFFFFA0] =	vst v0;
	v0 =	vld [tilespmem:s5+$0xFFFFFFB0]  }
0x5a: {  	v2 =	vpack.i.f32.bf16 v2, v7;
	v6 =	vld [tilespmem:s2+$0x17130];
	v5 =	vadd.f32 v9, v5  }
0x5b: {  	[tilespmem:s4+$0xFFFFFFE0] =	vst v2;
	v2 =	vld [tilespmem:s5+$0xFFFFFFC0]  }
0x5c: {  	v7 =	vld [tilespmem:s2+$0x17120];
	v1 =	vadd.f32 v1, v3  }
0x5d: {  	v3 =	vld [tilespmem:s5+$0xFFFFFEB0]  }
0x5e: {  	v8 =	vld [tilespmem:s2+$0x17130];
	v1 =	vpack.i.f32.bf16 v1, v5  }
0x5f: {  	v5 =	vld [tilespmem:s5+$0xFFFFFEC0];
	[tilespmem:s3+$0x10] =	vst v1;
	s3 =	smov.u32 s4  }
0x60: {  	v0 =	vadd.f32 v0, v4;
	v1 =	vld [tilespmem:s2+$0x17120];
	v2 =	vadd.f32 v2, v6  }
0x61: {  	v4 =	vld [tilespmem:s5+$0xFFFFFF30]  }
0x62: {  	v3 =	vadd.f32 v3, v7;
	v6 =	vld [tilespmem:s2+$0x17130];
	v0 =	vpack.i.f32.bf16 v2, v0  }
0x63: {  	v2 =	vld [tilespmem:s5+$0xFFFFFF40];
	[tilespmem:s4+$0x30] =	vst v0  }
0x64: {  	v0 =	vadd.f32 v5, v8;
	v5 =	vld [tilespmem:s2+$0x17140]  }
0x65: {  	v7 =	vld [tilespmem:s5+$0xFFFFFFD0]  }
0x66: {  	v0 =	vpack.i.f32.bf16 v0, v3;
	v1 =	vadd.f32 v4, v1;
	v3 =	vld [tilespmem:s2+$0x17150]  }
0x67: {  	[tilespmem:s4+$0xFFFFFFB0] =	vst v0;
	v0 =	vld [tilespmem:s5+$0xFFFFFFE0]  }
0x68: {  	v4 =	vld [tilespmem:s2+$0x17140];
	v2 =	vadd.f32 v2, v6  }
0x69: {  	v6 =	vld [tilespmem:s5+$0xFFFFFED0]  }
0x6a: {  	v8 =	vld [tilespmem:s2+$0x17150];
	v1 =	vpack.i.f32.bf16 v2, v1  }
0x6b: {  	v2 =	vld [tilespmem:s5+$0xFFFFFEE0];
	[tilespmem:s4+$0xFFFFFFF0] =	vst v1  }
0x6c: {  	v1 =	vadd.f32 v7, v5;
	v9 =	vld [tilespmem:s2+$0x17140];
	v0 =	vadd.f32 v0, v3  }
0x6d: {  	v3 =	vld [tilespmem:s5+$0xFFFFFF50]  }
0x6e: {  	v4 =	vadd.f32 v6, v4;
	v6 =	vld [tilespmem:s2+$0x17150];
	v0 =	vpack.i.f32.bf16 v0, v1  }
0x6f: {  	v7 =	vld [tilespmem:s5+$0xFFFFFF60];
	[tilespmem:s4+$0x40] =	vst v0  }
0x70: {  	v2 =	vadd.f32 v2, v8;
	v0 =	vld [tilespmem:s2+$0x17160]  }
0x71: {  	v1 =	vld [tilespmem:s5+$0xFFFFFFF0]  }
0x72: {  	v4 =	vpack.i.f32.bf16 v2, v4;
	v8 =	vadd.f32 v3, v9;
	v2 =	vld [tilespmem:s2+$0x17170]  }
.Ltmp0:
0x73: {  	[tilespmem:s4+$0xFFFFFFC0] =	vst v4;
	v5 =	vld [tilespmem:s5+$0x0];
	(pc) =	sbr.rel @p0 .LBB2_3-.Ltmp0, $4  }
0x74: {  	v3 =	vld [tilespmem:s2+$0x17160];
	v7 =	vadd.f32 v7, v6  }
0x75: {  	v6 =	vld [tilespmem:s5+$0xFFFFFEF0]  }
0x76: {  	v4 =	vld [tilespmem:s2+$0x17170];
	v8 =	vpack.i.f32.bf16 v7, v8  }
0x77: {  	v7 =	vld [tilespmem:s5+$0xFFFFFF00];
	[tilespmem:s4+$0x0] =	vst v8  }
0x78: {  	v8 =	vld [tilespmem:s2+$0x17160]  }
0x79: {  	v9 =	vld [tilespmem:s7+$0xFFFFFF70]  }
0x7a: {  	v10 =	vld [tilespmem:s2+$0x17170]  }
0x7b: {  	v11 =	vld [tilespmem:s7+$0xFFFFFF80];
	_ =	sdelay $0x1  }
0x7c: {  	s1 =	sadd.s32 $0x1, s1  }
0x7d: {  	v0 =	vadd.f32 v1, v0;
	v57 =	vadd.f32 v5, v2;
	p0 =	sne.s32 s1, $0x15  }
.Ltmp1:
0x7e: {  	v58 =	vadd.f32 v6, v3;
	v59 =	vadd.f32 v7, v4;
	(pc) =	sbr.rel @p0 .LBB2_2-.Ltmp1, $4  }
0x7f: {  	v0 =	vpack.i.f32.bf16 v57, v0;
	v60 =	vadd.f32 v9, v8;
	v61 =	vadd.f32 v11, v10  }
0x80: {  	[tilespmem:s4+$0x50] =	vst v0;
	v62 =	vpack.i.f32.bf16 v59, v58  }
0x81: {  	[tilespmem:s4+$0xFFFFFFD0] =	vst v62;
	v63 =	vpack.i.f32.bf16 v61, v60  }
0x82: {  	s0 =	sadd.s32 $0x540, s0;
	[tilespmem:s3+$0x10] =	vst v63  }
0x83: {  	s0 =	simm.s32 $0x0;
	s1 =	rddreg [dreg:$0x7]  }
0x84: {  	[tilespmem:s8], [sflag:$0x5] =	stream.linear.gather [hbm4b:s1+s0], $0x1500, $0x38;
	[tilespmem:$0x1EE00] =	vst v63  }
0x85: {  	_ =	swait.ge [sflag:s9], $0x1500  }
0x86: {  	[sflag:s9] =	ssyncset.done $0x0  }
0x87: {  	s1 =	simm.s32 $0x6EF0;
	[sflag:s9] =	ssyncadd.s32 $0xFFFFEB00  }
.LBB2_6:
0x88: {  	s5 =	simm.s32 $0x17CF0  }
0x89: {  	s2 =	sshll.u32 s0, $0x7;
	v2 =	vld [tilespmem:s5+$0xFFFFFF90]  }
0x8a: {  	s2 =	sand.u32 $0x3FFFFF80, s2;
	v3 =	vld [tilespmem:s5+$0xFFFFFFA0]  }
0x8b: {  	v0 =	vld [tilespmem:s2+$0x17100]  }
0x8c: {  	v1 =	vld [tilespmem:s2+$0x17110];
	_ =	sdelay $0x2  }
0x8d: {  	v4 =	vld [tilespmem:s5+$0xFFFFFE90]  }
0x8e: {  	v5 =	vld [tilespmem:s5+$0xFFFFFEA0]  }
0x8f: {  	v2 =	vadd.f32 v2, v0;
	v3 =	vadd.f32 v3, v1;
	_ =	sdelay $0x1  }
0x90: {  	v6 =	vld [tilespmem:s5+$0xFFFFFF10];
	v2 =	vpack.i.f32.bf16 v3, v2  }
0x91: {  	v3 =	vld [tilespmem:s5+$0xFFFFFF20];
	[tilespmem:s1+$0xFFFFFFD0] =	vst v2  }
0x92: {  	v2 =	vadd.f32 v4, v0;
	v4 =	vadd.f32 v5, v1;
	v5 =	vld [tilespmem:s2+$0x17120]  }
0x93: {  	v7 =	vld [tilespmem:s5+$0xFFFFFFB0]  }
0x94: {  	v2 =	vpack.i.f32.bf16 v4, v2;
	v4 =	vld [tilespmem:s2+$0x17130]  }
0x95: {  	[tilespmem:s1+$0xFFFFFF50] =	vst v2;
	v2 =	vld [tilespmem:s5+$0xFFFFFFC0]  }
0x96: {  	v0 =	vadd.f32 v6, v0;
	v1 =	vadd.f32 v3, v1;
	v3 =	vld [tilespmem:s2+$0x17120]  }
0x97: {  	v6 =	vld [tilespmem:s5+$0xFFFFFEB0]  }
0x98: {  	v0 =	vpack.i.f32.bf16 v1, v0;
	v1 =	vld [tilespmem:s2+$0x17130]  }
0x99: {  	[tilespmem:s1+$0xFFFFFF90] =	vst v0;
	v0 =	vld [tilespmem:s5+$0xFFFFFEC0]  }
0x9a: {  	v5 =	vadd.f32 v7, v5;
	v8 =	vld [tilespmem:s2+$0x17120];
	v2 =	vadd.f32 v2, v4  }
0x9b: {  	v4 =	vld [tilespmem:s5+$0xFFFFFF30]  }
0x9c: {  	v7 =	vld [tilespmem:s2+$0x17130];
	v2 =	vpack.i.f32.bf16 v2, v5  }
0x9d: {  	v5 =	vld [tilespmem:s5+$0xFFFFFF40];
	[tilespmem:s1+$0xFFFFFFE0] =	vst v2  }
0x9e: {  	v2 =	vadd.f32 v6, v3;
	v0 =	vadd.f32 v0, v1;
	v1 =	vld [tilespmem:s2+$0x17140]  }
0x9f: {  	v3 =	vld [tilespmem:s5+$0xFFFFFFD0]  }
0xa0: {  	v0 =	vpack.i.f32.bf16 v0, v2;
	v2 =	vld [tilespmem:s2+$0x17150]  }
0xa1: {  	[tilespmem:s1+$0xFFFFFF60] =	vst v0;
	v0 =	vld [tilespmem:s5+$0xFFFFFFE0]  }
0xa2: {  	v4 =	vadd.f32 v4, v8;
	v5 =	vadd.f32 v5, v7;
	v6 =	vld [tilespmem:s2+$0x17140]  }
0xa3: {  	v7 =	vld [tilespmem:s5+$0xFFFFFED0]  }
0xa4: {  	v8 =	vld [tilespmem:s2+$0x17150];
	v4 =	vpack.i.f32.bf16 v5, v4  }
0xa5: {  	v5 =	vld [tilespmem:s5+$0xFFFFFEE0];
	[tilespmem:s1+$0xFFFFFFA0] =	vst v4  }
0xa6: {  	v1 =	vadd.f32 v3, v1;
	v4 =	vld [tilespmem:s2+$0x17140];
	v0 =	vadd.f32 v0, v2  }
0xa7: {  	v3 =	vld [tilespmem:s5+$0xFFFFFF50]  }
0xa8: {  	v9 =	vld [tilespmem:s2+$0x17150];
	v0 =	vpack.i.f32.bf16 v0, v1  }
0xa9: {  	v10 =	vld [tilespmem:s5+$0xFFFFFF60];
	[tilespmem:s1+$0xFFFFFFF0] =	vst v0  }
0xaa: {  	v2 =	vadd.f32 v7, v6;
	v5 =	vadd.f32 v5, v8;
	v0 =	vld [tilespmem:s2+$0x17160]  }
0xab: {  	v1 =	vld [tilespmem:s5+$0xFFFFFFF0]  }
0xac: {  	v5 =	vpack.i.f32.bf16 v5, v2;
	v2 =	vld [tilespmem:s2+$0x17170]  }
0xad: {  	[tilespmem:s1+$0xFFFFFF70] =	vst v5;
	v5 =	vld [tilespmem:s5+$0x0]  }
0xae: {  	v7 =	vadd.f32 v3, v4;
	v8 =	vadd.f32 v10, v9;
	v3 =	vld [tilespmem:s2+$0x17160]  }
0xaf: {  	v6 =	vld [tilespmem:s5+$0xFFFFFEF0]  }
0xb0: {  	s6 =	simm.s32 $0x0;
	v4 =	vld [tilespmem:s2+$0x17170];
	v8 =	vpack.i.f32.bf16 v8, v7  }
0xb1: {  	s4 =	smov.u32 s1;
	s7 =	simm.s32 $0x17CF0;
	s3 =	smov.u32 s1;
	v7 =	vld [tilespmem:s5+$0xFFFFFF00];
	[tilespmem:s1+$0xFFFFFFB0] =	vst v8  }
.LBB2_7:
0xb2: {  	v8 =	vld [tilespmem:s2+$0x17100];
	v0 =	vadd.f32 v1, v0;
	v1 =	vadd.f32 v5, v2  }
0xb3: {  	s5 =	sadd.s32 $0x180, s5;
	v2 =	vld [tilespmem:s2+$0x17110]  }
0xb4: {  	v5 =	vld [tilespmem:s5+$0xFFFFFF90];
	v3 =	vadd.f32 v6, v3;
	v0 =	vpack.i.f32.bf16 v1, v0  }
0xb5: {  	v1 =	vld [tilespmem:s5+$0xFFFFFFA0];
	[tilespmem:s4+$0x0] =	vst v0  }
0xb6: {  	v0 =	vld [tilespmem:s5+$0xFFFFFE90];
	v4 =	vadd.f32 v7, v4  }
0xb7: {  	v6 =	vld [tilespmem:s5+$0xFFFFFEA0]  }
0xb8: {  	v7 =	vld [tilespmem:s5+$0xFFFFFF10];
	v3 =	vpack.i.f32.bf16 v4, v3  }
0xb9: {  	v4 =	vld [tilespmem:s5+$0xFFFFFF20];
	[tilespmem:s4+$0xFFFFFF80] =	vst v3  }
0xba: {  	v3 =	vadd.f32 v5, v8;
	v1 =	vadd.f32 v1, v2;
	v5 =	vld [tilespmem:s2+$0x17160]  }
0xbb: {  	v0 =	vadd.f32 v0, v8;
	v9 =	vld [tilespmem:s7+$0xFFFFFF70]  }
0xbc: {  	s4 =	sadd.s32 $0xC0, s4;
	v6 =	vadd.f32 v6, v2;
	v1 =	vpack.i.f32.bf16 v1, v3;
	v3 =	vld [tilespmem:s2+$0x17170]  }
0xbd: {  	v7 =	vadd.f32 v7, v8;
	[tilespmem:s4+$0xFFFFFFD0] =	vst v1;
	v1 =	vld [tilespmem:s7+$0xFFFFFF80];
	s7 =	smov.u32 s5  }
0xbe: {  	s6 =	sadd.s32 $0x3, s6;
	v0 =	vpack.i.f32.bf16 v6, v0;
	v2 =	vadd.f32 v4, v2;
	v4 =	vld [tilespmem:s2+$0x17120]  }
0xbf: {  	p0 =	slt.u32 s6, $0x12;
	[tilespmem:s4+$0xFFFFFF50] =	vst v0;
	v0 =	vld [tilespmem:s5+$0xFFFFFFB0]  }
0xc0: {  	v2 =	vpack.i.f32.bf16 v2, v7;
	v6 =	vld [tilespmem:s2+$0x17130];
	v5 =	vadd.f32 v9, v5  }
0xc1: {  	[tilespmem:s4+$0xFFFFFF90] =	vst v2;
	v2 =	vld [tilespmem:s5+$0xFFFFFFC0]  }
0xc2: {  	v7 =	vld [tilespmem:s2+$0x17120];
	v1 =	vadd.f32 v1, v3  }
0xc3: {  	v3 =	vld [tilespmem:s5+$0xFFFFFEB0]  }
0xc4: {  	v8 =	vld [tilespmem:s2+$0x17130];
	v1 =	vpack.i.f32.bf16 v1, v5  }
0xc5: {  	v5 =	vld [tilespmem:s5+$0xFFFFFEC0];
	[tilespmem:s3+$0xFFFFFFC0] =	vst v1;
	s3 =	smov.u32 s4  }
0xc6: {  	v0 =	vadd.f32 v0, v4;
	v1 =	vld [tilespmem:s2+$0x17120];
	v2 =	vadd.f32 v2, v6  }
0xc7: {  	v4 =	vld [tilespmem:s5+$0xFFFFFF30]  }
0xc8: {  	v3 =	vadd.f32 v3, v7;
	v6 =	vld [tilespmem:s2+$0x17130];
	v0 =	vpack.i.f32.bf16 v2, v0  }
0xc9: {  	v2 =	vld [tilespmem:s5+$0xFFFFFF40];
	[tilespmem:s4+$0xFFFFFFE0] =	vst v0  }
0xca: {  	v0 =	vadd.f32 v5, v8;
	v5 =	vld [tilespmem:s2+$0x17140]  }
0xcb: {  	v7 =	vld [tilespmem:s5+$0xFFFFFFD0]  }
0xcc: {  	v0 =	vpack.i.f32.bf16 v0, v3;
	v1 =	vadd.f32 v4, v1;
	v3 =	vld [tilespmem:s2+$0x17150]  }
0xcd: {  	[tilespmem:s4+$0xFFFFFF60] =	vst v0;
	v0 =	vld [tilespmem:s5+$0xFFFFFFE0]  }
0xce: {  	v4 =	vld [tilespmem:s2+$0x17140];
	v2 =	vadd.f32 v2, v6  }
0xcf: {  	v6 =	vld [tilespmem:s5+$0xFFFFFED0]  }
0xd0: {  	v8 =	vld [tilespmem:s2+$0x17150];
	v1 =	vpack.i.f32.bf16 v2, v1  }
0xd1: {  	v2 =	vld [tilespmem:s5+$0xFFFFFEE0];
	[tilespmem:s4+$0xFFFFFFA0] =	vst v1  }
0xd2: {  	v1 =	vadd.f32 v7, v5;
	v9 =	vld [tilespmem:s2+$0x17140];
	v0 =	vadd.f32 v0, v3  }
0xd3: {  	v3 =	vld [tilespmem:s5+$0xFFFFFF50]  }
0xd4: {  	v4 =	vadd.f32 v6, v4;
	v6 =	vld [tilespmem:s2+$0x17150];
	v0 =	vpack.i.f32.bf16 v0, v1  }
0xd5: {  	v7 =	vld [tilespmem:s5+$0xFFFFFF60];
	[tilespmem:s4+$0xFFFFFFF0] =	vst v0  }
0xd6: {  	v2 =	vadd.f32 v2, v8;
	v0 =	vld [tilespmem:s2+$0x17160]  }
0xd7: {  	v1 =	vld [tilespmem:s5+$0xFFFFFFF0]  }
0xd8: {  	v4 =	vpack.i.f32.bf16 v2, v4;
	v8 =	vadd.f32 v3, v9;
	v2 =	vld [tilespmem:s2+$0x17170]  }
.Ltmp2:
0xd9: {  	[tilespmem:s4+$0xFFFFFF70] =	vst v4;
	v5 =	vld [tilespmem:s5+$0x0];
	(pc) =	sbr.rel @p0 .LBB2_7-.Ltmp2, $4  }
0xda: {  	v3 =	vld [tilespmem:s2+$0x17160];
	v7 =	vadd.f32 v7, v6  }
0xdb: {  	v6 =	vld [tilespmem:s5+$0xFFFFFEF0]  }
0xdc: {  	v4 =	vld [tilespmem:s2+$0x17170];
	v8 =	vpack.i.f32.bf16 v7, v8  }
0xdd: {  	v7 =	vld [tilespmem:s5+$0xFFFFFF00];
	[tilespmem:s4+$0xFFFFFFB0] =	vst v8  }
0xde: {  	v8 =	vld [tilespmem:s2+$0x17160]  }
0xdf: {  	v9 =	vld [tilespmem:s7+$0xFFFFFF70]  }
0xe0: {  	v10 =	vld [tilespmem:s2+$0x17170]  }
0xe1: {  	v11 =	vld [tilespmem:s7+$0xFFFFFF80];
	_ =	sdelay $0x1  }
0xe2: {  	s0 =	sadd.s32 $0x1, s0  }
0xe3: {  	v0 =	vadd.f32 v1, v0;
	v57 =	vadd.f32 v5, v2;
	p0 =	sne.s32 s0, $0x15  }
.Ltmp3:
0xe4: {  	v58 =	vadd.f32 v6, v3;
	v59 =	vadd.f32 v7, v4;
	(pc) =	sbr.rel @p0 .LBB2_6-.Ltmp3, $4  }
0xe5: {  	v0 =	vpack.i.f32.bf16 v57, v0;
	v60 =	vadd.f32 v9, v8;
	v61 =	vadd.f32 v11, v10  }
0xe6: {  	[tilespmem:s4+$0x0] =	vst v0;
	v62 =	vpack.i.f32.bf16 v59, v58  }
0xe7: {  	[tilespmem:s4+$0xFFFFFF80] =	vst v62;
	v63 =	vpack.i.f32.bf16 v61, v60  }
0xe8: {  	s1 =	sadd.s32 $0x540, s1;
	[tilespmem:s3+$0xFFFFFFC0] =	vst v63  }
0xe9: {  	s0 =	simm.s32 $0x0;
	s1 =	rddreg [dreg:$0x8]  }
0xea: {  	[tilespmem:s8], [sflag:$0x5] =	stream.linear.gather [hbm4b:s1+s0], $0x1500, $0x38;
	[tilespmem:$0x1EE00] =	vst v63  }
0xeb: {  	_ =	swait.ge [sflag:s9], $0x1500  }
0xec: {  	[sflag:s9] =	ssyncset.done $0x0  }
0xed: {  	s1 =	simm.s32 $0xDD30;
	[sflag:s9] =	ssyncadd.s32 $0xFFFFEB00  }
.LBB2_10:
0xee: {  	s5 =	simm.s32 $0x17CF0  }
0xef: {  	s2 =	sshll.u32 s0, $0x7;
	v2 =	vld [tilespmem:s5+$0xFFFFFF90]  }
0xf0: {  	s2 =	sand.u32 $0x3FFFFF80, s2;
	v3 =	vld [tilespmem:s5+$0xFFFFFFA0]  }
0xf1: {  	v0 =	vld [tilespmem:s2+$0x17100]  }
0xf2: {  	v1 =	vld [tilespmem:s2+$0x17110];
	_ =	sdelay $0x2  }
0xf3: {  	v4 =	vld [tilespmem:s5+$0xFFFFFE90]  }
0xf4: {  	v5 =	vld [tilespmem:s5+$0xFFFFFEA0]  }
0xf5: {  	v2 =	vadd.f32 v2, v0;
	v3 =	vadd.f32 v3, v1;
	_ =	sdelay $0x1  }
0xf6: {  	v6 =	vld [tilespmem:s5+$0xFFFFFF10];
	v2 =	vpack.i.f32.bf16 v3, v2  }
0xf7: {  	v3 =	vld [tilespmem:s5+$0xFFFFFF20];
	[tilespmem:s1+$0xFFFFFFD0] =	vst v2  }
0xf8: {  	v2 =	vadd.f32 v4, v0;
	v4 =	vadd.f32 v5, v1;
	v5 =	vld [tilespmem:s2+$0x17120]  }
0xf9: {  	v7 =	vld [tilespmem:s5+$0xFFFFFFB0]  }
0xfa: {  	v2 =	vpack.i.f32.bf16 v4, v2;
	v4 =	vld [tilespmem:s2+$0x17130]  }
0xfb: {  	[tilespmem:s1+$0xFFFFFF50] =	vst v2;
	v2 =	vld [tilespmem:s5+$0xFFFFFFC0]  }
0xfc: {  	v0 =	vadd.f32 v6, v0;
	v1 =	vadd.f32 v3, v1;
	v3 =	vld [tilespmem:s2+$0x17120]  }
0xfd: {  	v6 =	vld [tilespmem:s5+$0xFFFFFEB0]  }
0xfe: {  	v0 =	vpack.i.f32.bf16 v1, v0;
	v1 =	vld [tilespmem:s2+$0x17130]  }
0xff: {  	[tilespmem:s1+$0xFFFFFF90] =	vst v0;
	v0 =	vld [tilespmem:s5+$0xFFFFFEC0]  }
0x100: {  	v5 =	vadd.f32 v7, v5;
	v8 =	vld [tilespmem:s2+$0x17120];
	v2 =	vadd.f32 v2, v4  }
0x101: {  	v4 =	vld [tilespmem:s5+$0xFFFFFF30]  }
0x102: {  	v7 =	vld [tilespmem:s2+$0x17130];
	v2 =	vpack.i.f32.bf16 v2, v5  }
0x103: {  	v5 =	vld [tilespmem:s5+$0xFFFFFF40];
	[tilespmem:s1+$0xFFFFFFE0] =	vst v2  }
0x104: {  	v2 =	vadd.f32 v6, v3;
	v0 =	vadd.f32 v0, v1;
	v1 =	vld [tilespmem:s2+$0x17140]  }
0x105: {  	v3 =	vld [tilespmem:s5+$0xFFFFFFD0]  }
0x106: {  	v0 =	vpack.i.f32.bf16 v0, v2;
	v2 =	vld [tilespmem:s2+$0x17150]  }
0x107: {  	[tilespmem:s1+$0xFFFFFF60] =	vst v0;
	v0 =	vld [tilespmem:s5+$0xFFFFFFE0]  }
0x108: {  	v4 =	vadd.f32 v4, v8;
	v5 =	vadd.f32 v5, v7;
	v6 =	vld [tilespmem:s2+$0x17140]  }
0x109: {  	v7 =	vld [tilespmem:s5+$0xFFFFFED0]  }
0x10a: {  	v8 =	vld [tilespmem:s2+$0x17150];
	v4 =	vpack.i.f32.bf16 v5, v4  }
0x10b: {  	v5 =	vld [tilespmem:s5+$0xFFFFFEE0];
	[tilespmem:s1+$0xFFFFFFA0] =	vst v4  }
0x10c: {  	v1 =	vadd.f32 v3, v1;
	v4 =	vld [tilespmem:s2+$0x17140];
	v0 =	vadd.f32 v0, v2  }
0x10d: {  	v3 =	vld [tilespmem:s5+$0xFFFFFF50]  }
0x10e: {  	v9 =	vld [tilespmem:s2+$0x17150];
	v0 =	vpack.i.f32.bf16 v0, v1  }
0x10f: {  	v10 =	vld [tilespmem:s5+$0xFFFFFF60];
	[tilespmem:s1+$0xFFFFFFF0] =	vst v0  }
0x110: {  	v2 =	vadd.f32 v7, v6;
	v5 =	vadd.f32 v5, v8;
	v0 =	vld [tilespmem:s2+$0x17160]  }
0x111: {  	v1 =	vld [tilespmem:s5+$0xFFFFFFF0]  }
0x112: {  	v5 =	vpack.i.f32.bf16 v5, v2;
	v2 =	vld [tilespmem:s2+$0x17170]  }
0x113: {  	[tilespmem:s1+$0xFFFFFF70] =	vst v5;
	v5 =	vld [tilespmem:s5+$0x0]  }
0x114: {  	v7 =	vadd.f32 v3, v4;
	v8 =	vadd.f32 v10, v9;
	v3 =	vld [tilespmem:s2+$0x17160]  }
0x115: {  	v6 =	vld [tilespmem:s5+$0xFFFFFEF0]  }
0x116: {  	s6 =	simm.s32 $0x0;
	v4 =	vld [tilespmem:s2+$0x17170];
	v8 =	vpack.i.f32.bf16 v8, v7  }
0x117: {  	s4 =	smov.u32 s1;
	s7 =	simm.s32 $0x17CF0;
	s3 =	smov.u32 s1;
	v7 =	vld [tilespmem:s5+$0xFFFFFF00];
	[tilespmem:s1+$0xFFFFFFB0] =	vst v8  }
.LBB2_11:
0x118: {  	v8 =	vld [tilespmem:s2+$0x17100];
	v0 =	vadd.f32 v1, v0;
	v1 =	vadd.f32 v5, v2  }
0x119: {  	s5 =	sadd.s32 $0x180, s5;
	v2 =	vld [tilespmem:s2+$0x17110]  }
0x11a: {  	v5 =	vld [tilespmem:s5+$0xFFFFFF90];
	v3 =	vadd.f32 v6, v3;
	v0 =	vpack.i.f32.bf16 v1, v0  }
0x11b: {  	v1 =	vld [tilespmem:s5+$0xFFFFFFA0];
	[tilespmem:s4+$0x0] =	vst v0  }
0x11c: {  	v0 =	vld [tilespmem:s5+$0xFFFFFE90];
	v4 =	vadd.f32 v7, v4  }
0x11d: {  	v6 =	vld [tilespmem:s5+$0xFFFFFEA0]  }
0x11e: {  	v7 =	vld [tilespmem:s5+$0xFFFFFF10];
	v3 =	vpack.i.f32.bf16 v4, v3  }
0x11f: {  	v4 =	vld [tilespmem:s5+$0xFFFFFF20];
	[tilespmem:s4+$0xFFFFFF80] =	vst v3  }
0x120: {  	v3 =	vadd.f32 v5, v8;
	v1 =	vadd.f32 v1, v2;
	v5 =	vld [tilespmem:s2+$0x17160]  }
0x121: {  	v0 =	vadd.f32 v0, v8;
	v9 =	vld [tilespmem:s7+$0xFFFFFF70]  }
0x122: {  	s4 =	sadd.s32 $0xC0, s4;
	v6 =	vadd.f32 v6, v2;
	v1 =	vpack.i.f32.bf16 v1, v3;
	v3 =	vld [tilespmem:s2+$0x17170]  }
0x123: {  	v7 =	vadd.f32 v7, v8;
	[tilespmem:s4+$0xFFFFFFD0] =	vst v1;
	v1 =	vld [tilespmem:s7+$0xFFFFFF80];
	s7 =	smov.u32 s5  }
0x124: {  	s6 =	sadd.s32 $0x3, s6;
	v0 =	vpack.i.f32.bf16 v6, v0;
	v2 =	vadd.f32 v4, v2;
	v4 =	vld [tilespmem:s2+$0x17120]  }
0x125: {  	p0 =	slt.u32 s6, $0x12;
	[tilespmem:s4+$0xFFFFFF50] =	vst v0;
	v0 =	vld [tilespmem:s5+$0xFFFFFFB0]  }
0x126: {  	v2 =	vpack.i.f32.bf16 v2, v7;
	v6 =	vld [tilespmem:s2+$0x17130];
	v5 =	vadd.f32 v9, v5  }
0x127: {  	[tilespmem:s4+$0xFFFFFF90] =	vst v2;
	v2 =	vld [tilespmem:s5+$0xFFFFFFC0]  }
0x128: {  	v7 =	vld [tilespmem:s2+$0x17120];
	v1 =	vadd.f32 v1, v3  }
0x129: {  	v3 =	vld [tilespmem:s5+$0xFFFFFEB0]  }
0x12a: {  	v8 =	vld [tilespmem:s2+$0x17130];
	v1 =	vpack.i.f32.bf16 v1, v5  }
0x12b: {  	v5 =	vld [tilespmem:s5+$0xFFFFFEC0];
	[tilespmem:s3+$0xFFFFFFC0] =	vst v1;
	s3 =	smov.u32 s4  }
0x12c: {  	v0 =	vadd.f32 v0, v4;
	v1 =	vld [tilespmem:s2+$0x17120];
	v2 =	vadd.f32 v2, v6  }
0x12d: {  	v4 =	vld [tilespmem:s5+$0xFFFFFF30]  }
0x12e: {  	v3 =	vadd.f32 v3, v7;
	v6 =	vld [tilespmem:s2+$0x17130];
	v0 =	vpack.i.f32.bf16 v2, v0  }
0x12f: {  	v2 =	vld [tilespmem:s5+$0xFFFFFF40];
	[tilespmem:s4+$0xFFFFFFE0] =	vst v0  }
0x130: {  	v0 =	vadd.f32 v5, v8;
	v5 =	vld [tilespmem:s2+$0x17140]  }
0x131: {  	v7 =	vld [tilespmem:s5+$0xFFFFFFD0]  }
0x132: {  	v0 =	vpack.i.f32.bf16 v0, v3;
	v1 =	vadd.f32 v4, v1;
	v3 =	vld [tilespmem:s2+$0x17150]  }
0x133: {  	[tilespmem:s4+$0xFFFFFF60] =	vst v0;
	v0 =	vld [tilespmem:s5+$0xFFFFFFE0]  }
0x134: {  	v4 =	vld [tilespmem:s2+$0x17140];
	v2 =	vadd.f32 v2, v6  }
0x135: {  	v6 =	vld [tilespmem:s5+$0xFFFFFED0]  }
0x136: {  	v8 =	vld [tilespmem:s2+$0x17150];
	v1 =	vpack.i.f32.bf16 v2, v1  }
0x137: {  	v2 =	vld [tilespmem:s5+$0xFFFFFEE0];
	[tilespmem:s4+$0xFFFFFFA0] =	vst v1  }
0x138: {  	v1 =	vadd.f32 v7, v5;
	v9 =	vld [tilespmem:s2+$0x17140];
	v0 =	vadd.f32 v0, v3  }
0x139: {  	v3 =	vld [tilespmem:s5+$0xFFFFFF50]  }
0x13a: {  	v4 =	vadd.f32 v6, v4;
	v6 =	vld [tilespmem:s2+$0x17150];
	v0 =	vpack.i.f32.bf16 v0, v1  }
0x13b: {  	v7 =	vld [tilespmem:s5+$0xFFFFFF60];
	[tilespmem:s4+$0xFFFFFFF0] =	vst v0  }
0x13c: {  	v2 =	vadd.f32 v2, v8;
	v0 =	vld [tilespmem:s2+$0x17160]  }
0x13d: {  	v1 =	vld [tilespmem:s5+$0xFFFFFFF0]  }
0x13e: {  	v4 =	vpack.i.f32.bf16 v2, v4;
	v8 =	vadd.f32 v3, v9;
	v2 =	vld [tilespmem:s2+$0x17170]  }
.Ltmp4:
0x13f: {  	[tilespmem:s4+$0xFFFFFF70] =	vst v4;
	v5 =	vld [tilespmem:s5+$0x0];
	(pc) =	sbr.rel @p0 .LBB2_11-.Ltmp4, $4  }
0x140: {  	v3 =	vld [tilespmem:s2+$0x17160];
	v7 =	vadd.f32 v7, v6  }
0x141: {  	v6 =	vld [tilespmem:s5+$0xFFFFFEF0]  }
0x142: {  	v4 =	vld [tilespmem:s2+$0x17170];
	v8 =	vpack.i.f32.bf16 v7, v8  }
0x143: {  	v7 =	vld [tilespmem:s5+$0xFFFFFF00];
	[tilespmem:s4+$0xFFFFFFB0] =	vst v8  }
0x144: {  	v8 =	vld [tilespmem:s2+$0x17160]  }
0x145: {  	v9 =	vld [tilespmem:s7+$0xFFFFFF70]  }
0x146: {  	v10 =	vld [tilespmem:s2+$0x17170]  }
0x147: {  	v11 =	vld [tilespmem:s7+$0xFFFFFF80];
	_ =	sdelay $0x1  }
0x148: {  	s0 =	sadd.s32 $0x1, s0  }
0x149: {  	v0 =	vadd.f32 v1, v0;
	v57 =	vadd.f32 v5, v2;
	p0 =	sne.s32 s0, $0x15  }
.Ltmp5:
0x14a: {  	v58 =	vadd.f32 v6, v3;
	v59 =	vadd.f32 v7, v4;
	(pc) =	sbr.rel @p0 .LBB2_10-.Ltmp5, $4  }
0x14b: {  	v0 =	vpack.i.f32.bf16 v57, v0;
	v60 =	vadd.f32 v9, v8;
	v61 =	vadd.f32 v11, v10  }
0x14c: {  	[tilespmem:s4+$0x0] =	vst v0;
	v62 =	vpack.i.f32.bf16 v59, v58  }
0x14d: {  	[tilespmem:s4+$0xFFFFFF80] =	vst v62;
	v63 =	vpack.i.f32.bf16 v61, v60  }
0x14e: {  	s1 =	sadd.s32 $0x540, s1;
	[tilespmem:s3+$0xFFFFFFC0] =	vst v63  }
0x14f: {  	s1 =	simm.s32 $0x0;
	s0 =	rddreg [dreg:$0x9]  }
0x150: {  	[tilespmem:s8], [sflag:$0x5] =	stream.linear.gather [hbm4b:s0+s1], $0x3480, $0x38;
	[tilespmem:$0x1EE00] =	vst v63  }
0x151: {  	_ =	swait.ge [sflag:s9], $0x3480  }
0x152: {  	[sflag:s9] =	ssyncset.done $0x0  }
0x153: {  	s4 =	simm.s32 $0x171C0;
	[sflag:s9] =	ssyncadd.s32 $0xFFFFCB80  }
0x154: {  	v0 =	vld [tilespmem:s4+$0x40]  }
0x155: {  	v1 =	vld [tilespmem:s4+$0x50]  }
0x156: {  	v2 =	vld [tilespmem:s4+$0xFFFFFF50]  }
0x157: {  	v3 =	vld [tilespmem:s4+$0xFFFFFF40];
	_ =	sdelay $0x2  }
0x158: {  	s0 =	simm.s32 $0x14B70;
	v0 =	vpack.i.f32.bf16 v1, v0  }
0x159: {  	v4 =	vld [tilespmem:s4+$0xFFFFFFC0];
	[tilespmem:s0+$0xFFFFFFD0] =	vst v0  }
0x15a: {  	v2 =	vpack.i.f32.bf16 v2, v3;
	v0 =	vld [tilespmem:s4+$0x60]  }
0x15b: {  	[tilespmem:s0+$0xFFFFFF50] =	vst v2;
	v1 =	vld [tilespmem:s4+$0x70]  }
0x15c: {  	v2 =	vld [tilespmem:s4+$0xFFFFFF60]  }
0x15d: {  	v5 =	vld [tilespmem:s4+$0xFFFFFF70]  }
0x15e: {  	v3 =	vld [tilespmem:s4+$0xFFFFFFD0];
	_ =	sdelay $0x2  }
0x15f: {  	v0 =	vpack.i.f32.bf16 v1, v0  }
0x160: {  	v2 =	vpack.i.f32.bf16 v5, v2;
	[tilespmem:s0+$0xFFFFFFE0] =	vst v0  }
0x161: {  	s1 =	sand.u32 $0x1FC0, s1;
	v0 =	vpack.i.f32.bf16 v3, v4;
	[tilespmem:s0+$0xFFFFFF60] =	vst v2;
	v1 =	vld [tilespmem:s4+$0x80]  }
0x162: {  	[tilespmem:s1+$0x14B00] =	vst v0;
	v0 =	vld [tilespmem:s4+$0x90]  }
0x163: {  	v2 =	vld [tilespmem:s4+$0xFFFFFF80]  }
0x164: {  	v5 =	vld [tilespmem:s4+$0xFFFFFF90]  }
0x165: {  	v3 =	vld [tilespmem:s4+$0xFFFFFFE0]  }
0x166: {  	s1 =	simm.s32 $0x17340;
	v4 =	vld [tilespmem:s4+$0xFFFFFFF0]  }
0x167: {  	v6 =	vld [tilespmem:s1+$0x40]  }
0x168: {  	v8 =	vld [tilespmem:s1+$0xFFFFFF50]  }
0x169: {  	v9 =	vld [tilespmem:s1+$0xFFFFFFC0]  }
0x16a: {  	v0 =	vpack.i.f32.bf16 v0, v1;
	v1 =	vld [tilespmem:s1+$0x50]  }
0x16b: {  	[tilespmem:s0+$0xFFFFFFF0] =	vst v0;
	v3 =	vpack.i.f32.bf16 v4, v3;
	v4 =	vld [tilespmem:s1+$0xFFFFFFD0]  }
0x16c: {  	v2 =	vpack.i.f32.bf16 v5, v2;
	v0 =	vld [tilespmem:s4+$0xA0]  }
0x16d: {  	[tilespmem:s0+$0xFFFFFF70] =	vst v2;
	v7 =	vld [tilespmem:s4+$0xB0]  }
0x16e: {  	[tilespmem:s0+$0xFFFFFFA0] =	vst v3;
	v3 =	vld [tilespmem:s1+$0xFFFFFF40]  }
0x16f: {  	s2 =	simm.s32 $0x14C30;
	v62 =	vld [tilespmem:s4+$0xFFFFFFA0];
	v1 =	vpack.i.f32.bf16 v1, v6  }
0x170: {  	v6 =	vld [tilespmem:s4+$0x0];
	[tilespmem:s2+$0xFFFFFFD0] =	vst v1  }
0x171: {  	s3 =	simm.s32 $0xC0;
	v5 =	vld [tilespmem:s1+$0x60]  }
0x172: {  	s5 =	sand.u32 $0x1FC0, s3;
	v2 =	vpack.i.f32.bf16 v4, v9;
	v4 =	vld [tilespmem:s1+$0x70]  }
0x173: {  	v1 =	vld [tilespmem:s4+$0x10];
	v3 =	vpack.i.f32.bf16 v8, v3;
	[tilespmem:s5+$0x14B00] =	vst v2  }
0x174: {  	[tilespmem:s2+$0xFFFFFF50] =	vst v3;
	v2 =	vld [tilespmem:s1+$0xFFFFFFE0]  }
0x175: {  	v63 =	vld [tilespmem:s1+$0xFFFFFF60]  }
0x176: {  	v10 =	vld [tilespmem:s1+$0xFFFFFF70]  }
0x177: {  	v3 =	vpack.i.f32.bf16 v4, v5;
	v4 =	vld [tilespmem:s1+$0xFFFFFFF0]  }
0x178: {  	v5 =	vld [tilespmem:s4+$0xFFFFFFB0];
	[tilespmem:s2+$0xFFFFFFE0] =	vst v3  }
0x179: {  	v3 =	vpack.i.f32.bf16 v1, v6;
	v1 =	vld [tilespmem:s1+$0x80]  }
0x17a: {  	v0 =	vpack.i.f32.bf16 v7, v0;
	[tilespmem:s0+$0xFFFFFFB0] =	vst v3;
	v3 =	vld [tilespmem:s1+$0x90]  }
0x17b: {  	[tilespmem:s0+$0x0] =	vst v0;
	v6 =	vpack.i.f32.bf16 v10, v63;
	v0 =	vld [tilespmem:s4+$0x20]  }
0x17c: {  	[tilespmem:s2+$0xFFFFFF60] =	vst v6;
	v6 =	vpack.i.f32.bf16 v4, v2;
	v2 =	vld [tilespmem:s4+$0x30]  }
0x17d: {  	v4 =	vld [tilespmem:s1+$0xFFFFFF80];
	[tilespmem:s2+$0xFFFFFFA0] =	vst v6;
	v6 =	vpack.i.f32.bf16 v5, v62  }
0x17e: {  	s5 =	simm.s32 $0x174C0;
	s4 =	simm.s32 $0x3;
	v5 =	vld [tilespmem:s1+$0xFFFFFF90];
	[tilespmem:s0+$0xFFFFFF80] =	vst v6  }
.LBB2_14:
0x17f: {  	v6 =	vld [tilespmem:s5+$0x40];
	v1 =	vpack.i.f32.bf16 v3, v1  }
0x180: {  	v3 =	vld [tilespmem:s5+$0x50];
	[tilespmem:s2+$0xFFFFFFF0] =	vst v1  }
0x181: {  	v1 =	vld [tilespmem:s1+$0xA0];
	v0 =	vpack.i.f32.bf16 v2, v0  }
0x182: {  	v2 =	vld [tilespmem:s1+$0xB0];
	[tilespmem:s0+$0xFFFFFFC0] =	vst v0;
	s0 =	smov.u32 s2  }
0x183: {  	v0 =	vld [tilespmem:s5+$0xFFFFFF50];
	v4 =	vpack.i.f32.bf16 v5, v4  }
0x184: {  	v5 =	vld [tilespmem:s5+$0xFFFFFFC0];
	[tilespmem:s2+$0xFFFFFF70] =	vst v4  }
0x185: {  	s4 =	sadd.s32 $0x3, s4;
	v4 =	vld [tilespmem:s5+$0xFFFFFFD0]  }
0x186: {  	p0 =	slt.u32 s4, $0x66;
	s2 =	sadd.s32 $0xC0, s2;
	v3 =	vpack.i.f32.bf16 v3, v6;
	v7 =	vld [tilespmem:s5+$0xFFFFFF40]  }
0x187: {  	[tilespmem:s2+$0xFFFFFFD0] =	vst v3;
	v3 =	vld [tilespmem:s1+$0x0];
	v1 =	vpack.i.f32.bf16 v2, v1  }
0x188: {  	v2 =	vld [tilespmem:s1+$0x10];
	[tilespmem:s0+$0x0] =	vst v1  }
0x189: {  	s3 =	sadd.s32 $0xC0, s3;
	v1 =	vld [tilespmem:s5+$0x60]  }
0x18a: {  	s6 =	sand.u32 $0x1FC0, s3;
	v4 =	vpack.i.f32.bf16 v4, v5;
	v5 =	vld [tilespmem:s5+$0x70]  }
0x18b: {  	v0 =	vpack.i.f32.bf16 v0, v7;
	[tilespmem:s6+$0x14B00] =	vst v4;
	v6 =	vld [tilespmem:s1+$0xFFFFFFA0]  }
0x18c: {  	[tilespmem:s2+$0xFFFFFF50] =	vst v0;
	v4 =	vld [tilespmem:s5+$0xFFFFFFE0]  }
0x18d: {  	v0 =	vld [tilespmem:s5+$0xFFFFFF60];
	v2 =	vpack.i.f32.bf16 v2, v3  }
0x18e: {  	v7 =	vld [tilespmem:s5+$0xFFFFFF70];
	[tilespmem:s0+$0xFFFFFFB0] =	vst v2  }
0x18f: {  	v2 =	vld [tilespmem:s5+$0xFFFFFFF0];
	v1 =	vpack.i.f32.bf16 v5, v1  }
0x190: {  	[tilespmem:s2+$0xFFFFFFE0] =	vst v1;
	v5 =	vld [tilespmem:s1+$0xFFFFFFB0]  }
0x191: {  	v1 =	vld [tilespmem:s5+$0x80]  }
.Ltmp6:
0x192: {  	v3 =	vld [tilespmem:s5+$0x90];
	(pc) =	sbr.rel @p0 .LBB2_14-.Ltmp6, $4  }
0x193: {  	v7 =	vpack.i.f32.bf16 v7, v0;
	v0 =	vld [tilespmem:s1+$0x20]  }
0x194: {  	[tilespmem:s2+$0xFFFFFF60] =	vst v7;
	v7 =	vpack.i.f32.bf16 v2, v4;
	v2 =	vld [tilespmem:s1+$0x30];
	s1 =	smov.u32 s5  }
0x195: {  	v4 =	vld [tilespmem:s5+$0xFFFFFF80];
	[tilespmem:s2+$0xFFFFFFA0] =	vst v7;
	v6 =	vpack.i.f32.bf16 v5, v6  }
0x196: {  	s5 =	sadd.s32 $0x180, s5;
	v5 =	vld [tilespmem:s1+$0xFFFFFF90];
	[tilespmem:s0+$0xFFFFFF80] =	vst v6  }
0x197: {  	v6 =	vld [tilespmem:s1+$0x0]  }
0x198: {  	v7 =	vld [tilespmem:s1+$0x10]  }
0x199: {  	v1 =	vpack.i.f32.bf16 v3, v1  }
0x19a: {  	[tilespmem:s2+$0xFFFFFFF0] =	vst v1  }
0x19b: {  	v1 =	vld [tilespmem:s1+$0xA0];
	v55 =	vpack.i.f32.bf16 v5, v4  }
0x19c: {  	v56 =	vld [tilespmem:s1+$0xB0];
	[tilespmem:s2+$0xFFFFFF70] =	vst v55  }
0x19d: {  	v57 =	vpack.i.f32.bf16 v7, v6;
	v3 =	vld [tilespmem:s1+$0xFFFFFFA0]  }
0x19e: {  	[tilespmem:s2+$0xFFFFFFB0] =	vst v57;
	v58 =	vld [tilespmem:s1+$0xFFFFFFB0]  }
0x19f: {  	v59 =	vld [tilespmem:s1+$0x20]  }
0x1a0: {  	v60 =	vld [tilespmem:s1+$0x30];
	_ =	sdelay $0x1  }
0x1a1: {  	v0 =	vpack.i.f32.bf16 v2, v0  }
0x1a2: {  	[tilespmem:s0+$0xFFFFFFC0] =	vst v0;
	v61 =	vpack.i.f32.bf16 v56, v1  }
0x1a3: {  	[tilespmem:s2+$0x0] =	vst v61;
	v62 =	vpack.i.f32.bf16 v58, v3  }
0x1a4: {  	[tilespmem:s2+$0xFFFFFF80] =	vst v62;
	v63 =	vpack.i.f32.bf16 v60, v59  }
0x1a5: {  	s28 =	rddreg [dreg:$0x1];
	[tilespmem:s2+$0xFFFFFFC0] =	vst v63;
	s2 =	simm.s32 $0x0  }
0x1a6: {  	[tilespmem:s8], [sflag:$0x1] =	stream.linear.gather [hbm4b:s28+s2], $0x3E80, $0x38;
	[tilespmem:$0x1EE00] =	vst v63  }
0x1a7: {  	s30 =	rddreg [dreg:$0x11]  }
0x1a8: {  	s11 =	rddreg [dreg:$0x10]  }
0x1a9: {  	s16 =	rddreg [dreg:$0xf]  }
0x1aa: {  	s1 =	rddreg [dreg:$0xe]  }
0x1ab: {  	s29 =	simm.s32 $0x1AF80;
	[dreg:$0x15] =	wrdreg s30  }
0x1ac: {  	[tilespmem:s29], [sflag:$0x2] =	stream.linear.gather [hbm4b:s28+s2], $0x3E80, $0x38;
	[tilespmem:$0x1EE00] =	vst v63  }
.LBB2_16:
0x1ad: {  	s12 =	smul.u32 $0xFA, s2  }
0x1ae: {  	s0 =	rddreg [dreg:$0xa]  }
0x1af: {  	[dreg:$0x14] =	wrdreg s2;
	s0 =	sadd.s32 s12, s0  }
0x1b0: {  	s15 =	sshll.u32 s1, $0x2;
	[dreg:$0x18] =	wrdreg s0;
	s0 =	smul.u32 $0xB, s0  }
0x1b1: {  	[dreg:$0x17] =	wrdreg s1;
	s17 =	simm.s32 $0x3;
	s1 =	sand.u32 $0xFFFFFFE0, s15  }
0x1b2: {  	s19 =	simm.s32 $0x16B00;
	s1 =	ssub.s32 $0x0, s1;
	s0 =	sand.u32 $0x7FFFFFF8, s0  }
0x1b3: {  	s1 =	sshra.s32 s1, $0x2;
	_ =	swait.ge [sflag:s17], $0x580;
	s0 =	smin.u32 s0, $0x10C360  }
0x1b4: {  	[sflag:s17] =	ssyncset.done $0x0;
	s18 =	rddreg [dreg:$0x3];
	s0 =	sshrl.u32 s0, $0x3  }
0x1b5: {  	s20 =	simm.s32 $0x1;
	v0 =	vmov s1;
	[sflag:s17] =	ssyncadd.s32 $0xFFFFFA80;
	s0 =	sadd.s32 s18, s0  }
0x1b6: {  	[tilespmem:s19], [sflag:$0x4] =	stream.linear.gather [hbm4b:s0+s31], $0x580, $0x38;
	[tilespmem:$0x1EE00] =	vst v63  }
0x1b7: {  	_ =	swait.ge [sflag:s20], $0x3E80  }
0x1b8: {  	[sflag:s20] =	ssyncset.done $0x0  }
0x1b9: {  	[sflag:s20] =	ssyncadd.s32 $0xFFFFC180  }
0x1ba: {  	v1 =	vld.idx.msk [tilespmem:v0+s16+$0x0 ss:$0x1], $0xffff;
	_ =	sdelay $0x4  }
0x1bb: {  	v2 =	vshll.u32 v1, $0x6  }
0x1bc: {  	(v2sf) =	vpush v2, $0x9;
	_ =	sdelay $0x1  }
0x1bd: {  	v10 =	vld.idx.msk [tilespmem:v0+s16+$0xFFFFFFDF ss:$0x1], $0xffff;
	_ =	sdelay $0x4  }
0x1be: {  	(v2sf) =	vpush v10, $0x3;
	_ =	sdelay $0x1  }
0x1bf: {  	(v2sf) =	vpush v1, $0x5  }
0x1c0: {  	v13 =	vld.idx.msk [tilespmem:v0+s16+$0xFFFFFFD4 ss:$0x1], $0xffff;
	(v2sf) =	vpush v1, $0x1  }
0x1c1: {  	v3 =	vmul.u32 $0x15, v1;
	(v2sf) =	vpush v2, $0x7  }
0x1c2: {  	v12 =	vld.idx.msk [tilespmem:v0+s16+$0xFFFFFFEA ss:$0x1], $0xffff;
	(v2sf) =	vpush v1, $0x3  }
0x1c3: {  	v11 =	vld.idx.msk [tilespmem:v0+s16+$0xFFFFFFF5 ss:$0x1], $0xffff;
	v1 =	vshll.u32 v1, $0x8;
	(v2sf) =	vpush v3, $0x0  }
0x1c4: {  	v1 =	vshra.s32 v1, $0x2;
	(v2sf) =	vpush v3, $0x2  }
0x1c5: {  	v2 =	vmul.u32 $0x15, v13;
	(v2sf) =	vpush v1, $0xA;
	s21 =	spop (v2sf)  }
0x1c6: {  	v4 =	vmul.u32 $0x15, v10;
	(v2sf) =	vpush v3, $0x4;
	v3 =	vld [tilespmem:s21+$0x15A80]  }
0x1c7: {  	v5 =	vmul.u32 $0x15, v12;
	(v2sf) =	vpush v2, $0x2  }
0x1c8: {  	v8 =	vmul.u32 $0x15, v11;
	(v2sf) =	vpush v4, $0x2  }
0x1c9: {  	(v2sf) =	vpush v5, $0x2  }
0x1ca: {  	(v2sf) =	vpush v8, $0x2  }
0x1cb: {  	(v2sf) =	vpush v1, $0x6;
	[tilespmem:$0x1FED0] =	vst v3  }
0x1cc: {  	s22 =	spop (v2sf);
	(v2sf) =	vpush v1, $0x8;
	v1 =	vld [tilespmem:s21+$0x15A90];
	_ =	sdelay $0x4  }
0x1cd: {  	[tilespmem:$0x1FEE0] =	vst v1  }
0x1ce: {  	v1 =	vld [tilespmem:s21+$0x15AA0];
	_ =	sdelay $0x2  }
0x1cf: {  	s23 =	spop (v2sf)  }
0x1d0: {  	s3 =	spop (v2sf)  }
0x1d1: {  	s24 =	spop (v2sf);
	[tilespmem:$0x1FEF0] =	vst v1  }
0x1d2: {  	v1 =	vld [tilespmem:s24+$0x15000];
	_ =	sdelay $0x4  }
0x1d3: {  	v9 =	vld [tilespmem:s21+$0x15AB0];
	[tilespmem:$0x1FE70] =	vst v1  }
0x1d4: {  	v1 =	vld [tilespmem:s24+$0x15010];
	_ =	sdelay $0x4  }
0x1d5: {  	[tilespmem:$0x1FE80] =	vst v1  }
0x1d6: {  	v1 =	vld [tilespmem:s24+$0x15020];
	_ =	sdelay $0x1  }
0x1d7: {  	s4 =	spop (v2sf)  }
0x1d8: {  	s5 =	spop (v2sf)  }
0x1d9: {  	s6 =	spop (v2sf)  }
0x1da: {  	s25 =	spop (v2sf);
	[tilespmem:$0x1FE90] =	vst v1  }
0x1db: {  	v1 =	vld [tilespmem:s25+$0x15FC0];
	_ =	sdelay $0x4  }
0x1dc: {  	v28 =	vld [tilespmem:s24+$0x15030];
	[tilespmem:$0x1FF00] =	vst v1  }
0x1dd: {  	v1 =	vld [tilespmem:s25+$0x15FD0];
	_ =	sdelay $0x4  }
0x1de: {  	s26 =	spop (v2sf);
	[tilespmem:$0x1FF10] =	vst v1  }
0x1df: {  	s28 =	spop (v2sf);
	v1 =	vld [tilespmem:s25+$0x15FE0]  }
0x1e0: {  	s3 =	sadd.s32 s3, s5;
	s4 =	sadd.s32 s6, s4;
	s29 =	spop (v2sf)  }
0x1e1: {  	s3 =	sshll.u32 s3, $0x8;
	s4 =	sshll.u32 s4, $0x8;
	s7 =	spop (v2sf)  }
0x1e2: {  	s3 =	sshra.s32 s3, $0x2;
	s4 =	sadd.s32 $0x1B900, s4;
	s8 =	spop (v2sf)  }
0x1e3: {  	s4 =	sshra.s32 s4, $0x2;
	s31 =	spop (v2sf);
	v50 =	vld [tilespmem:s3+$0x30]  }
0x1e4: {  	s2 =	sadd.s32 s26, s23;
	s9 =	spop (v2sf);
	v54 =	vld [tilespmem:s4+$0x30];
	[tilespmem:$0x1FF20] =	vst v1  }
0x1e5: {  	s2 =	sshll.u32 s2, $0x8;
	v1 =	vld [tilespmem:s9+$0x15540]  }
0x1e6: {  	s2 =	sadd.s32 $0x37200, s2  }
0x1e7: {  	s2 =	sshra.s32 s2, $0x2  }
0x1e8: {  	v51 =	vld [tilespmem:s2+$0x30]  }
0x1e9: {  	v32 =	vld [tilespmem:s25+$0x15FF0]  }
0x1ea: {  	v49 =	vld [tilespmem:s31+$0x14AF0];
	[tilespmem:$0x1FEA0] =	vst v1  }
0x1eb: {  	v1 =	vld [tilespmem:s9+$0x15550];
	_ =	sdelay $0x4  }
0x1ec: {  	(v2sf) =	vpush v13, $0x3;
	[tilespmem:$0x1FEB0] =	vst v1  }
0x1ed: {  	v1 =	vld [tilespmem:s9+$0x15560];
	_ =	sdelay $0x4  }
0x1ee: {  	[tilespmem:$0x1FEC0] =	vst v1  }
0x1ef: {  	v1 =	vld [tilespmem:s31+$0x14AE0];
	_ =	sdelay $0x2  }
0x1f0: {  	v45 =	vld [tilespmem:s9+$0x15570]  }
0x1f1: {  	v6 =	vld [tilespmem:s31+$0x14AC0]  }
0x1f2: {  	v7 =	vld [tilespmem:s31+$0x14AD0];
	[tilespmem:$0x1FE60] =	vst v1  }
0x1f3: {  	v39 =	vld [tilespmem:s3+$0x0]  }
0x1f4: {  	v42 =	vld [tilespmem:s3+$0x10]  }
0x1f5: {  	v40 =	vld [tilespmem:s3+$0x20];
	s3 =	spop (v2sf)  }
0x1f6: {  	s1 =	sadd.s32 s28, s3  }
0x1f7: {  	s1 =	sshll.u32 s1, $0x8  }
0x1f8: {  	s1 =	sadd.s32 $0x1B900, s1  }
0x1f9: {  	v41 =	vld [tilespmem:s2+$0x0];
	s1 =	sshra.s32 s1, $0x2  }
0x1fa: {  	v1 =	vld [tilespmem:s1+$0x0]  }
0x1fb: {  	v43 =	vld [tilespmem:s2+$0x10]  }
0x1fc: {  	v44 =	vld [tilespmem:s2+$0x20]  }
0x1fd: {  	v46 =	vld [tilespmem:s4+$0x0]  }
0x1fe: {  	v48 =	vld [tilespmem:s4+$0x10]  }
0x1ff: {  	v47 =	vld [tilespmem:s4+$0x20];
	[tilespmem:$0x1FF30] =	vst v1  }
0x200: {  	v1 =	vld [tilespmem:s1+$0x10];
	_ =	sdelay $0x4  }
0x201: {  	[tilespmem:$0x1FF40] =	vst v1  }
0x202: {  	v1 =	vld [tilespmem:s1+$0x20];
	_ =	sdelay $0x4  }
0x203: {  	[tilespmem:$0x1FF50] =	vst v1  }
0x204: {  	v1 =	vld [tilespmem:s1+$0x30];
	_ =	sdelay $0x1  }
0x205: {  	s0 =	sadd.s32 s29, s22  }
0x206: {  	s0 =	sshll.u32 s0, $0x8  }
0x207: {  	s0 =	sadd.s32 $0x1B900, s0  }
0x208: {  	s0 =	sshra.s32 s0, $0x2;
	[tilespmem:$0x1FF60] =	vst v1  }
0x209: {  	v1 =	vld [tilespmem:s0+$0x0];
	_ =	sdelay $0x3  }
0x20a: {  	(v2sf) =	vpush v12, $0x3  }
0x20b: {  	[tilespmem:$0x1FF70] =	vst v1  }
0x20c: {  	v1 =	vld [tilespmem:s0+$0x10];
	_ =	sdelay $0x4  }
0x20d: {  	[tilespmem:$0x1FF80] =	vst v1  }
0x20e: {  	v1 =	vld [tilespmem:s0+$0x20];
	_ =	sdelay $0x4  }
0x20f: {  	[tilespmem:$0x1FF90] =	vst v1  }
0x210: {  	v1 =	vld [tilespmem:s0+$0x30]  }
0x211: {  	s6 =	spop (v2sf)  }
0x212: {  	s9 =	sadd.s32 s7, s6  }
0x213: {  	s1 =	sshll.u32 s9, $0x8  }
0x214: {  	s1 =	sadd.s32 $0x1B900, s1  }
0x215: {  	s1 =	sshra.s32 s1, $0x2;
	[tilespmem:$0x1FFA0] =	vst v1  }
0x216: {  	v1 =	vld [tilespmem:s1+$0x0];
	_ =	sdelay $0x1  }
0x217: {  	(v2sf) =	vpush v11, $0x3  }
0x218: {  	(v2sf) =	vpush v2, $0x0  }
0x219: {  	(v2sf) =	vpush v4, $0x0  }
0x21a: {  	(v2sf) =	vpush v5, $0x0;
	[tilespmem:$0x1FFB0] =	vst v1  }
0x21b: {  	(v2sf) =	vpush v8, $0x0;
	v1 =	vld [tilespmem:s1+$0x10]  }
0x21c: {  	(v2sf) =	vpush v13, $0x1  }
0x21d: {  	(v2sf) =	vpush v10, $0x1  }
0x21e: {  	v50 =	vadd.bf16 v54, v50;
	_ =	sdelay $0x1  }
0x21f: {  	v50 =	vadd.bf16 v51, v50;
	[tilespmem:$0x1FFC0] =	vst v1  }
0x220: {  	v1 =	vld [tilespmem:s1+$0x20]  }
0x221: {  	v49 =	vadd.bf16 v49, v50;
	_ =	sdelay $0x1  }
0x222: {  	v28 =	vadd.bf16 v28, v49;
	(v2sf) =	vpush v12, $0x1  }
0x223: {  	(v2sf) =	vpush v11, $0x1  }
0x224: {  	v28 =	vadd.bf16 v45, v28;
	s10 =	spop (v2sf);
	(v2sf) =	vpush v2, $0x4;
	[tilespmem:$0x1FFD0] =	vst v1  }
0x225: {  	s14 =	spop (v2sf);
	(v2sf) =	vpush v4, $0x4;
	v1 =	vld [tilespmem:s1+$0x30]  }
0x226: {  	v28 =	vadd.bf16 v9, v28;
	s15 =	spop (v2sf);
	(v2sf) =	vpush v5, $0x4  }
0x227: {  	s13 =	sadd.s32 s8, s10;
	s17 =	spop (v2sf);
	(v2sf) =	vpush v8, $0x4  }
0x228: {  	v9 =	vadd.bf16 v32, v28;
	s18 =	spop (v2sf);
	(v2sf) =	vpush v13, $0x5;
	s0 =	sshll.u32 s13, $0x8  }
0x229: {  	v28 =	vadd.bf16 v46, v39;
	s19 =	spop (v2sf);
	(v2sf) =	vpush v10, $0x5;
	s0 =	sadd.s32 $0x1B900, s0  }
0x22a: {  	v4 =	vld [tilespmem:$0x1FE70];
	s20 =	spop (v2sf);
	(v2sf) =	vpush v12, $0x5;
	s0 =	sshra.s32 s0, $0x2;
	[tilespmem:$0x1FFE0] =	vst v1  }
0x22b: {  	v28 =	vadd.bf16 v41, v28;
	v1 =	vld [tilespmem:s0+$0x0];
	_ =	sdelay $0x1  }
0x22c: {  	v6 =	vadd.bf16 v6, v28  }
0x22d: {  	v48 =	vadd.bf16 v48, v42  }
0x22e: {  	v6 =	vadd.bf16 v4, v6;
	v4 =	vld [tilespmem:$0x1FE80]  }
0x22f: {  	v32 =	vadd.bf16 v43, v48;
	[tilespmem:$0x1FFF0] =	vst v1;
	v1 =	vshll.u32 v13, $0x8  }
0x230: {  	v2 =	vshll.u32 v10, $0x8;
	(v2sf) =	vpush v11, $0x5;
	s21 =	spop (v2sf);
	v3 =	vshra.s32 v1, $0x2  }
0x231: {  	v2 =	vshra.s32 v2, $0x2;
	v7 =	vadd.bf16 v7, v32;
	s22 =	spop (v2sf);
	(v2sf) =	vpush v3, $0x6  }
0x232: {  	s23 =	spop (v2sf);
	v1 =	vshll.u32 v12, $0x8;
	(v2sf) =	vpush v2, $0x6  }
0x233: {  	v35 =	vshll.u32 v11, $0x8;
	v7 =	vadd.bf16 v4, v7;
	v4 =	vld [tilespmem:$0x1FEB0];
	s24 =	spop (v2sf);
	v1 =	vshra.s32 v1, $0x2  }
0x234: {  	v54 =	vshra.s32 v35, $0x2;
	s25 =	spop (v2sf);
	v35 =	vld [tilespmem:$0x1FFE0];
	(v2sf) =	vpush v1, $0x6  }
0x235: {  	s26 =	spop (v2sf);
	s1 =	sadd.s32 s19, s14;
	v36 =	vld [tilespmem:s0+$0x10]  }
0x236: {  	s28 =	spop (v2sf);
	s1 =	sshll.u32 s1, $0x8;
	v13 =	vshll.u32 v13, $0x6;
	v37 =	vld [tilespmem:s0+$0x20];
	(v2sf) =	vpush v54, $0x6  }
0x237: {  	v10 =	vshll.u32 v10, $0x6;
	s31 =	spop (v2sf);
	s1 =	sshra.s32 s1, $0x2;
	v38 =	vld [tilespmem:s0+$0x30];
	(v2sf) =	vpush v13, $0x7  }
0x238: {  	s3 =	spop (v2sf);
	v52 =	vld [tilespmem:s1+$0x0];
	v12 =	vshll.u32 v12, $0x6;
	(v2sf) =	vpush v10, $0x7  }
0x239: {  	v11 =	vshll.u32 v11, $0x6;
	s2 =	sadd.s32 s22, s18;
	v53 =	vld [tilespmem:s1+$0x10];
	(v2sf) =	vpush v12, $0x7  }
0x23a: {  	s2 =	sshll.u32 s2, $0x8;
	v55 =	vld [tilespmem:s1+$0x20];
	(v2sf) =	vpush v11, $0x7  }
0x23b: {  	s2 =	sshra.s32 s2, $0x2;
	v56 =	vld [tilespmem:s1+$0x30];
	(v2sf) =	vpush v3, $0x8  }
0x23c: {  	v31 =	vld [tilespmem:s2+$0x0];
	(v2sf) =	vpush v2, $0x8  }
0x23d: {  	s0 =	sadd.s32 s20, s15;
	v33 =	vld [tilespmem:s2+$0x10];
	(v2sf) =	vpush v1, $0x8  }
0x23e: {  	v30 =	vld [tilespmem:s2+$0x20];
	s0 =	sshll.u32 s0, $0x8;
	(v2sf) =	vpush v54, $0x8  }
0x23f: {  	s6 =	spop (v2sf);
	v29 =	vld [tilespmem:s2+$0x30];
	s0 =	sshra.s32 s0, $0x2;
	(v2sf) =	vpush v13, $0x9  }
0x240: {  	v58 =	vld [tilespmem:s0+$0x0];
	(v2sf) =	vpush v10, $0x9;
	s8 =	spop (v2sf)  }
0x241: {  	s1 =	sadd.s32 s21, s17;
	v57 =	vld [tilespmem:s0+$0x10];
	s9 =	spop (v2sf);
	(v2sf) =	vpush v12, $0x9  }
0x242: {  	s1 =	sshll.u32 s1, $0x8;
	v59 =	vld [tilespmem:s0+$0x20];
	(v2sf) =	vpush v11, $0x9  }
0x243: {  	s1 =	sshra.s32 s1, $0x2;
	s10 =	spop (v2sf);
	(v2sf) =	vpush v3, $0xA;
	v3 =	vld [tilespmem:$0x1FE60]  }
0x244: {  	v61 =	vld [tilespmem:s1+$0x0];
	v12 =	vadd.bf16 v47, v40  }
0x245: {  	(v2sf) =	vpush v2, $0xA;
	v2 =	vld [tilespmem:$0x1FE90]  }
0x246: {  	v62 =	vld [tilespmem:s1+$0x10];
	v11 =	vadd.bf16 v44, v12  }
0x247: {  	(v2sf) =	vpush v1, $0xA;
	v1 =	vld [tilespmem:$0x1FEC0]  }
0x248: {  	v63 =	vld [tilespmem:s1+$0x20];
	v3 =	vadd.bf16 v3, v11  }
0x249: {  	s29 =	sadd.s32 s23, s28;
	v34 =	vld [tilespmem:s1+$0x30]  }
0x24a: {  	s1 =	sshll.u32 s29, $0x8;
	v2 =	vadd.bf16 v2, v3;
	v3 =	vld [tilespmem:$0x1FEA0]  }
0x24b: {  	v60 =	vld [tilespmem:s0+$0x30];
	s1 =	sadd.s32 $0x37200, s1  }
0x24c: {  	s1 =	sshra.s32 s1, $0x2;
	v1 =	vadd.bf16 v1, v2;
	v2 =	vld [tilespmem:$0x1FED0]  }
0x24d: {  	v26 =	vld [tilespmem:s1+$0x0]  }
0x24e: {  	s0 =	sadd.s32 s24, s31;
	v27 =	vld [tilespmem:s1+$0x10]  }
0x24f: {  	s0 =	sshll.u32 s0, $0x8;
	v25 =	vld [tilespmem:s1+$0x20];
	v3 =	vadd.bf16 v3, v6  }
0x250: {  	s0 =	sadd.s32 $0x37200, s0;
	v24 =	vld [tilespmem:s1+$0x30]  }
0x251: {  	s0 =	sshra.s32 s0, $0x2;
	v3 =	vadd.bf16 v2, v3;
	v2 =	vld [tilespmem:$0x1FEE0]  }
0x252: {  	v22 =	vld [tilespmem:s0+$0x0]  }
0x253: {  	v23 =	vld [tilespmem:s0+$0x10]  }
0x254: {  	s4 =	sadd.s32 s25, s3;
	v21 =	vld [tilespmem:s0+$0x20];
	v6 =	vadd.bf16 v4, v7  }
0x255: {  	s1 =	sshll.u32 s4, $0x8;
	v20 =	vld [tilespmem:s0+$0x30]  }
0x256: {  	s1 =	sadd.s32 $0x37200, s1;
	v7 =	vadd.bf16 v2, v6;
	v2 =	vld [tilespmem:$0x1FEF0]  }
0x257: {  	s1 =	sshra.s32 s1, $0x2;
	v34 =	vadd.bf16 v35, v34;
	v35 =	vld [tilespmem:$0x1FFF0]  }
0x258: {  	v19 =	vld [tilespmem:s1+$0x0]  }
0x259: {  	s7 =	sadd.s32 s26, s6;
	v51 =	vld [tilespmem:s1+$0x10]  }
0x25a: {  	s0 =	sshll.u32 s7, $0x8;
	v18 =	vld [tilespmem:s1+$0x20]  }
0x25b: {  	s0 =	sadd.s32 $0x37200, s0;
	v1 =	vadd.bf16 v2, v1;
	v2 =	vld [tilespmem:$0x1FF00]  }
0x25c: {  	s0 =	sshra.s32 s0, $0x2;
	v50 =	vld [tilespmem:s1+$0x30]  }
0x25d: {  	v17 =	vld [tilespmem:s0+$0x0]  }
0x25e: {  	v49 =	vld [tilespmem:s0+$0x10]  }
0x25f: {  	v16 =	vld [tilespmem:s0+$0x20]  }
0x260: {  	v6 =	vadd.bf16 v2, v3;
	v2 =	vld [tilespmem:$0x1FF10]  }
0x261: {  	v45 =	vld [tilespmem:s0+$0x30]  }
0x262: {  	v15 =	vld [tilespmem:s8+$0x14AC0]  }
0x263: {  	v14 =	vld [tilespmem:s8+$0x14AD0]  }
0x264: {  	v8 =	vld [tilespmem:s8+$0x14AE0]  }
0x265: {  	v7 =	vadd.bf16 v2, v7;
	v2 =	vld [tilespmem:$0x1FF20]  }
0x266: {  	v10 =	vld [tilespmem:s8+$0x14AF0]  }
0x267: {  	v39 =	vld [tilespmem:s9+$0x14AC0]  }
0x268: {  	v40 =	vld [tilespmem:s9+$0x14AD0]  }
0x269: {  	v41 =	vld [tilespmem:s9+$0x14AE0]  }
0x26a: {  	v13 =	vadd.bf16 v2, v1;
	v1 =	vld [tilespmem:$0x1FF30]  }
0x26b: {  	v2 =	vld [tilespmem:$0x1FF40]  }
0x26c: {  	v12 =	vld [tilespmem:s9+$0x14AF0]  }
0x26d: {  	v28 =	vld [tilespmem:s10+$0x14AC0]  }
0x26e: {  	v32 =	vld [tilespmem:s10+$0x14AE0]  }
0x26f: {  	v42 =	vld [tilespmem:s10+$0x14AF0]  }
0x270: {  	s13 =	spop (v2sf);
	v1 =	vadd.bf16 v1, v52;
	v52 =	vadd.bf16 v2, v53;
	v2 =	vld [tilespmem:$0x1FF50]  }
0x271: {  	v43 =	vld [tilespmem:s13+$0x14AC0]  }
0x272: {  	v5 =	vld [tilespmem:s13+$0x14AD0]  }
0x273: {  	v44 =	vld [tilespmem:s13+$0x14AE0]  }
0x274: {  	v46 =	vld [tilespmem:s13+$0x14AF0]  }
0x275: {  	s14 =	spop (v2sf);
	v53 =	vadd.bf16 v2, v55;
	v2 =	vld [tilespmem:$0x1FF60]  }
0x276: {  	v47 =	vld [tilespmem:s14+$0x15000]  }
0x277: {  	v48 =	vld [tilespmem:s14+$0x15010]  }
0x278: {  	s15 =	spop (v2sf);
	(v2sf) =	vpush v54, $0xA;
	v54 =	vld [tilespmem:s14+$0x15020]  }
0x279: {  	v31 =	vadd.bf16 v35, v31;
	v35 =	vld [tilespmem:s15+$0x15030]  }
0x27a: {  	s17 =	spop (v2sf);
	v55 =	vadd.bf16 v2, v56;
	v2 =	vld [tilespmem:$0x1FF70]  }
0x27b: {  	v33 =	vadd.bf16 v36, v33;
	v36 =	vld [tilespmem:s17+$0x15000]  }
0x27c: {  	v30 =	vadd.bf16 v37, v30;
	v37 =	vld [tilespmem:s17+$0x15020]  }
0x27d: {  	v29 =	vadd.bf16 v38, v29;
	s18 =	spop (v2sf);
	v38 =	vld [tilespmem:s17+$0x15030]  }
0x27e: {  	v17 =	vadd.bf16 v17, v31;
	s19 =	spop (v2sf);
	v31 =	vld [tilespmem:s18+$0x15030]  }
0x27f: {  	v29 =	vadd.bf16 v45, v29;
	s20 =	spop (v2sf);
	v56 =	vadd.bf16 v2, v58;
	v2 =	vld [tilespmem:$0x1FF80]  }
0x280: {  	v11 =	vld [tilespmem:s10+$0x14AD0];
	s21 =	spop (v2sf)  }
0x281: {  	v16 =	vadd.bf16 v16, v30;
	v30 =	vld [tilespmem:s19+$0x15540];
	v29 =	vadd.bf16 v46, v29;
	s22 =	spop (v2sf)  }
0x282: {  	v34 =	vadd.bf16 v50, v34;
	v50 =	vld [tilespmem:s20+$0x15570];
	s23 =	spop (v2sf)  }
0x283: {  	v29 =	vadd.bf16 v31, v29;
	v31 =	vld [tilespmem:s23+$0x15A90]  }
0x284: {  	v57 =	vadd.bf16 v2, v57;
	v2 =	vld [tilespmem:$0x1FF90]  }
0x285: {  	v4 =	vld [tilespmem:s15+$0x15000]  }
0x286: {  	v3 =	vld [tilespmem:s15+$0x15010];
	v1 =	vadd.bf16 v26, v1  }
0x287: {  	v26 =	vld [tilespmem:s17+$0x15010];
	v27 =	vadd.bf16 v27, v52  }
0x288: {  	v1 =	vadd.bf16 v15, v1;
	v15 =	vld [tilespmem:s19+$0x15550];
	v25 =	vadd.bf16 v25, v53  }
0x289: {  	v59 =	vadd.bf16 v2, v59;
	v2 =	vld [tilespmem:$0x1FFA0]  }
0x28a: {  	v14 =	vadd.bf16 v14, v27;
	v8 =	vadd.bf16 v8, v25;
	v25 =	vld [tilespmem:s19+$0x15560]  }
0x28b: {  	v27 =	vld [tilespmem:s20+$0x15540];
	v24 =	vadd.bf16 v24, v55  }
0x28c: {  	v14 =	vadd.bf16 v48, v14;
	v58 =	vld [tilespmem:s14+$0x15030]  }
0x28d: {  	v8 =	vadd.bf16 v54, v8;
	v10 =	vadd.bf16 v10, v24;
	v24 =	vld [tilespmem:s19+$0x15570]  }
0x28e: {  	v14 =	vadd.bf16 v15, v14;
	v60 =	vadd.bf16 v2, v60;
	v2 =	vld [tilespmem:$0x1FFB0]  }
0x28f: {  	v15 =	vadd.bf16 v25, v8;
	v25 =	vld [tilespmem:s23+$0x15AA0];
	v22 =	vadd.bf16 v22, v56  }
0x290: {  	v56 =	vld [tilespmem:s21+$0x15550]  }
0x291: {  	v22 =	vadd.bf16 v39, v22;
	v10 =	vadd.bf16 v58, v10;
	v58 =	vld [tilespmem:s22+$0x15570]  }
0x292: {  	v23 =	vadd.bf16 v23, v57;
	v21 =	vadd.bf16 v21, v59;
	v59 =	vld [tilespmem:s18+$0x15000]  }
0x293: {  	v61 =	vadd.bf16 v2, v61;
	v2 =	vld [tilespmem:$0x1FFC0]  }
0x294: {  	v4 =	vadd.bf16 v4, v22;
	v22 =	vld [tilespmem:s21+$0x15570];
	v23 =	vadd.bf16 v40, v23  }
0x295: {  	v17 =	vadd.bf16 v43, v17;
	v57 =	vld [tilespmem:s21+$0x15560]  }
0x296: {  	v3 =	vadd.bf16 v3, v23;
	v23 =	vld [tilespmem:s22+$0x15550]  }
0x297: {  	v33 =	vadd.bf16 v49, v33;
	v17 =	vadd.bf16 v59, v17;
	v59 =	vld [tilespmem:s23+$0x15A80]  }
0x298: {  	v49 =	vadd.bf16 v42, v34;
	v62 =	vadd.bf16 v2, v62;
	v2 =	vld [tilespmem:$0x1FFD0]  }
0x299: {  	v5 =	vadd.bf16 v5, v33;
	v20 =	vadd.bf16 v20, v60;
	v60 =	vld [tilespmem:s23+$0x15AB0]  }
0x29a: {  	v1 =	vadd.bf16 v47, v1;
	v19 =	vadd.bf16 v19, v61;
	v61 =	vld [tilespmem:s18+$0x15010]  }
0x29b: {  	v16 =	vadd.bf16 v44, v16;
	v12 =	vadd.bf16 v12, v20;
	v20 =	vld [tilespmem:s20+$0x15550]  }
0x29c: {  	s24 =	spop (v2sf);
	v30 =	vadd.bf16 v30, v1;
	v19 =	vadd.bf16 v28, v19;
	v28 =	vld [tilespmem:s20+$0x15560]  }
0x29d: {  	s10 =	simm.s32 $0x17240;
	s25 =	spop (v2sf);
	v24 =	vadd.bf16 v24, v10;
	v10 =	vunpack.i.u.bf16.f32 v6;
	v63 =	vadd.bf16 v2, v63;
	v2 =	vld [tilespmem:s15+$0x15020]  }
0x29e: {  	v25 =	vadd.bf16 v25, v15;
	v27 =	vadd.bf16 v27, v4;
	[tilespmem:s10+$0xD0] =	vst v10;
	v10 =	vld [tilespmem:s25+$0x15A90]  }
0x29f: {  	v21 =	vadd.bf16 v41, v21;
	v5 =	vadd.bf16 v61, v5;
	v61 =	vld [tilespmem:s24+$0x15A80]  }
0x2a0: {  	v12 =	vadd.bf16 v35, v12;
	v51 =	vadd.bf16 v51, v62;
	v62 =	vld [tilespmem:s24+$0x15A90]  }
0x2a1: {  	v3 =	vadd.bf16 v20, v3;
	v18 =	vadd.bf16 v18, v63;
	v63 =	vld [tilespmem:s18+$0x15020]  }
0x2a2: {  	v1 =	vunpack.i.u.bf16.f32 v9;
	v11 =	vadd.bf16 v11, v51;
	v2 =	vadd.bf16 v2, v21;
	v21 =	vld [tilespmem:s22+$0x15540]  }
0x2a3: {  	[tilespmem:s10+$0x130] =	vst v1;
	v1 =	vunpack.i.l.bf16.f32 v6;
	v51 =	vld [tilespmem:s21+$0x15540];
	v18 =	vadd.bf16 v32, v18;
	v32 =	vadd.bf16 v38, v49  }
0x2a4: {  	[tilespmem:s10+$0xC0] =	vst v1;
	v11 =	vadd.bf16 v26, v11;
	v26 =	vld [tilespmem:s22+$0x15560];
	v20 =	vadd.bf16 v28, v2;
	v2 =	vunpack.i.l.bf16.f32 v9  }
0x2a5: {  	v12 =	vadd.bf16 v50, v12;
	v4 =	vadd.bf16 v22, v32;
	v22 =	vld [tilespmem:s25+$0x15A80];
	[tilespmem:s10+$0x120] =	vst v2  }
0x2a6: {  	v19 =	vadd.bf16 v36, v19;
	v16 =	vadd.bf16 v63, v16;
	v63 =	vld [tilespmem:s24+$0x15AA0];
	s28 =	rddreg [dreg:$0x5]  }
0x2a7: {  	s26 =	sshll.u32 s11, $0x2;
	v1 =	vadd.bf16 v23, v5;
	v2 =	vadd.bf16 v21, v17;
	v17 =	vld [tilespmem:s24+$0x15AB0];
	[dreg:$0x16] =	wrdreg s11  }
0x2a8: {  	s2 =	sand.u32 $0xFFFFFFE0, s26;
	v5 =	vadd.bf16 v58, v29;
	v9 =	vadd.bf16 v56, v11;
	v11 =	vunpack.i.l.bf16.f32 v7;
	[dreg:$0x19] =	wrdreg s12  }
0x2a9: {  	s29 =	ssub.s32 $0x0, s2;
	v15 =	vadd.bf16 v61, v27;
	v19 =	vadd.bf16 v51, v19;
	v7 =	vunpack.i.u.bf16.f32 v7;
	s3 =	sadd.s32 s28, s12;
	[tilespmem:s10+$0xE0] =	vst v11  }
0x2aa: {  	s31 =	rddreg [dreg:$0x1];
	s0 =	spop (v2sf);
	v18 =	vadd.bf16 v37, v18;
	v28 =	vadd.bf16 v59, v30;
	v11 =	vld [tilespmem:s25+$0x15AA0];
	s3 =	sshll.u32 s3, $0x4;
	[tilespmem:s10+$0xF0] =	vst v7  }
0x2ab: {  	s30 =	spop (v2sf);
	v30 =	vadd.bf16 v31, v14;
	v6 =	vadd.bf16 v26, v16;
	v16 =	vld [tilespmem:s25+$0x15AB0];
	[dreg:$0x1a] =	wrdreg s29;
	s1 =	sadd.s32 s31, s3  }
0x2ac: {  	s19 =	spop (v2sf);
	v14 =	vunpack.i.l.bf16.f32 v13;
	v8 =	vadd.bf16 v57, v18;
	v18 =	vadd.bf16 v60, v24;
	[dreg:$0x1b] =	wrdreg s1  }
0x2ad: {  	s22 =	spop (v2sf);
	v7 =	vunpack.i.u.bf16.f32 v13;
	v13 =	vadd.bf16 v63, v20;
	[tilespmem:s10+$0x100] =	vst v14;
	v14 =	vadd.bf16 v62, v3;
	v21 =	vld [tilespmem:s0+$0x15A80]  }
0x2ae: {  	s5 =	sadd.s32 $0x37, s16;
	s7 =	simm.s32 $0x0;
	s1 =	spop (v2sf);
	[tilespmem:s10+$0x110] =	vst v7;
	v3 =	vld [tilespmem:s0+$0x15A90];
	v7 =	vadd.bf16 v17, v12;
	v12 =	vadd.bf16 v22, v19  }
.LBB2_17:
0x2af: {  	v33 =	vld.idx.msk [tilespmem:v0+s5+$0x0 ss:$0x1], $0xffff;
	v32 =	vadd.bf16 v10, v9  }
0x2b0: {  	v20 =	vld.idx.msk [tilespmem:v0+s5+$0xFFFFFFDF ss:$0x1], $0xffff;
	v31 =	vadd.bf16 v11, v8  }
0x2b1: {  	v19 =	vld.idx.msk [tilespmem:v0+s5+$0xFFFFFFEA ss:$0x1], $0xffff;
	v29 =	vadd.bf16 v16, v4  }
0x2b2: {  	v17 =	vld.idx.msk [tilespmem:v0+s5+$0xFFFFFFF5 ss:$0x1], $0xffff;
	v27 =	vadd.bf16 v21, v2  }
0x2b3: {  	v21 =	vld.idx.msk [tilespmem:v0+s5+$0xFFFFFFD4 ss:$0x1], $0xffff;
	v16 =	vadd.bf16 v3, v1  }
0x2b4: {  	v34 =	vld [tilespmem:s0+$0x15AA0]  }
0x2b5: {  	s7 =	sadd.s32 $0x5, s7;
	v1 =	vshll.u32 v33, $0x6;
	v35 =	vld [tilespmem:s0+$0x15AB0]  }
0x2b6: {  	p0 =	slt.u32 s7, $0x78;
	v24 =	vmul.u32 $0x15, v20;
	v2 =	vshll.u32 v20, $0x8;
	(v2sf) =	vpush v1, $0x9;
	v36 =	vld [tilespmem:s30+$0x15FC0]  }
0x2b7: {  	v23 =	vmul.u32 $0x15, v19;
	v8 =	vshll.u32 v19, $0x8;
	(v2sf) =	vpush v20, $0x3;
	v37 =	vld [tilespmem:s30+$0x15FD0]  }
0x2b8: {  	v22 =	vmul.u32 $0x15, v17;
	v9 =	vshll.u32 v17, $0x8;
	(v2sf) =	vpush v33, $0x5;
	v38 =	vld [tilespmem:s30+$0x15FE0]  }
0x2b9: {  	v26 =	vmul.u32 $0x15, v21;
	v3 =	vshll.u32 v21, $0x8;
	(v2sf) =	vpush v33, $0x1;
	v39 =	vld [tilespmem:s30+$0x15FF0]  }
0x2ba: {  	v40 =	vmul.u32 $0x15, v33;
	v4 =	vshra.s32 v3, $0x2;
	(v2sf) =	vpush v1, $0x7;
	v41 =	vld [tilespmem:s19+$0x15FC0]  }
0x2bb: {  	v3 =	vshra.s32 v2, $0x2;
	v2 =	vshra.s32 v8, $0x2;
	(v2sf) =	vpush v33, $0x3;
	v42 =	vld [tilespmem:s19+$0x15FD0]  }
0x2bc: {  	v8 =	vshll.u32 v33, $0x8;
	v1 =	vshra.s32 v9, $0x2;
	(v2sf) =	vpush v40, $0x0;
	v33 =	vld [tilespmem:s19+$0x15FE0]  }
0x2bd: {  	v11 =	vshll.u32 v21, $0x6;
	v43 =	vshra.s32 v8, $0x2;
	(v2sf) =	vpush v40, $0x2;
	v44 =	vld [tilespmem:s19+$0x15FF0]  }
0x2be: {  	v10 =	vshll.u32 v20, $0x6;
	v9 =	vshll.u32 v19, $0x6;
	(v2sf) =	vpush v43, $0xA;
	v45 =	vld [tilespmem:s22+$0x15FC0]  }
0x2bf: {  	v34 =	vadd.bf16 v34, v6;
	v8 =	vshll.u32 v17, $0x6;
	(v2sf) =	vpush v40, $0x4;
	v40 =	vld [tilespmem:s22+$0x15FD0]  }
0x2c0: {  	v35 =	vadd.bf16 v35, v5;
	v6 =	vadd.bf16 v36, v28;
	v28 =	vld [tilespmem:s22+$0x15FE0]  }
0x2c1: {  	v5 =	vadd.bf16 v37, v30;
	(v2sf) =	vpush v26, $0x2;
	v30 =	vld [tilespmem:s22+$0x15FF0]  }
0x2c2: {  	v25 =	vadd.bf16 v38, v25;
	v36 =	vunpack.i.u.bf16.f32 v6;
	(v2sf) =	vpush v24, $0x2;
	v37 =	vld [tilespmem:s1+$0x15FC0]  }
0x2c3: {  	v6 =	vunpack.i.l.bf16.f32 v6;
	v18 =	vadd.bf16 v39, v18;
	(v2sf) =	vpush v23, $0x2;
	[tilespmem:s10+$0xFFFFFED0] =	vst v36;
	v36 =	vld [tilespmem:s1+$0x15FD0]  }
0x2c4: {  	v15 =	vadd.bf16 v41, v15;
	(v2sf) =	vpush v22, $0x2;
	[tilespmem:s10+$0xFFFFFEC0] =	vst v6;
	v6 =	vunpack.i.u.bf16.f32 v5;
	v38 =	vld [tilespmem:s1+$0x15FE0]  }
0x2c5: {  	v39 =	vunpack.i.l.bf16.f32 v5;
	v41 =	vadd.bf16 v42, v14;
	(v2sf) =	vpush v43, $0x6;
	s2 =	spop (v2sf);
	[tilespmem:s10+$0xFFFFFEF0] =	vst v6;
	v42 =	vld [tilespmem:s1+$0x15FF0]  }
0x2c6: {  	v14 =	vunpack.i.u.bf16.f32 v25;
	v33 =	vadd.bf16 v33, v13;
	v5 =	vld [tilespmem:s2+$0x15A80];
	s0 =	spop (v2sf);
	(v2sf) =	vpush v43, $0x8;
	[tilespmem:s10+$0xFFFFFEE0] =	vst v39  }
0x2c7: {  	v13 =	vunpack.i.l.bf16.f32 v25;
	v39 =	vadd.bf16 v44, v7;
	v6 =	vld [tilespmem:s2+$0x15A90];
	(v2sf) =	vpush v21, $0x3;
	s1 =	spop (v2sf);
	[tilespmem:s10+$0xFFFFFF10] =	vst v14  }
0x2c8: {  	v43 =	vadd.bf16 v45, v12;
	v7 =	vld [tilespmem:s2+$0x15AA0];
	(v2sf) =	vpush v19, $0x3;
	s3 =	spop (v2sf);
	[tilespmem:s10+$0xFFFFFF00] =	vst v13;
	v13 =	vunpack.i.u.bf16.f32 v18  }
0x2c9: {  	v32 =	vadd.bf16 v40, v32;
	v14 =	vunpack.i.l.bf16.f32 v18;
	v25 =	vld [tilespmem:s2+$0x15AB0];
	(v2sf) =	vpush v17, $0x3;
	s2 =	spop (v2sf);
	[tilespmem:s10+$0xFFFFFF30] =	vst v13  }
0x2ca: {  	v28 =	vadd.bf16 v28, v31;
	v13 =	vunpack.i.u.bf16.f32 v15;
	v12 =	vld [tilespmem:s2+$0x15000];
	(v2sf) =	vpush v26, $0x0;
	s4 =	spop (v2sf);
	[tilespmem:s10+$0xFFFFFF20] =	vst v14  }
0x2cb: {  	v29 =	vadd.bf16 v30, v29;
	v18 =	vunpack.i.l.bf16.f32 v15;
	v14 =	vld [tilespmem:s2+$0x15010];
	(v2sf) =	vpush v24, $0x0;
	s6 =	spop (v2sf);
	[tilespmem:s10+$0xFFFFFF50] =	vst v13  }
0x2cc: {  	v27 =	vadd.bf16 v37, v27;
	v13 =	vunpack.i.u.bf16.f32 v41;
	v15 =	vld [tilespmem:s2+$0x15020];
	(v2sf) =	vpush v23, $0x0;
	s8 =	spop (v2sf);
	[tilespmem:s10+$0xFFFFFF40] =	vst v18  }
0x2cd: {  	v31 =	vadd.bf16 v36, v16;
	s3 =	sadd.s32 s3, s6;
	v18 =	vunpack.i.l.bf16.f32 v41;
	s4 =	sadd.s32 s8, s4;
	v30 =	vld [tilespmem:s2+$0x15030];
	(v2sf) =	vpush v22, $0x0;
	s6 =	spop (v2sf);
	[tilespmem:s10+$0xFFFFFF70] =	vst v13  }
0x2ce: {  	v34 =	vadd.bf16 v38, v34;
	s2 =	sshll.u32 s3, $0x8;
	s3 =	sshll.u32 s4, $0x8;
	v13 =	vld [tilespmem:s6+$0x15FC0];
	(v2sf) =	vpush v21, $0x1;
	s4 =	spop (v2sf);
	[tilespmem:s10+$0xFFFFFF60] =	vst v18;
	v18 =	vunpack.i.u.bf16.f32 v33  }
0x2cf: {  	v35 =	vadd.bf16 v42, v35;
	s2 =	sshra.s32 s2, $0x2;
	v33 =	vunpack.i.l.bf16.f32 v33;
	s3 =	sadd.s32 $0x1B900, s3;
	s4 =	sadd.s32 s4, s1;
	v16 =	vld [tilespmem:s6+$0x15FD0];
	(v2sf) =	vpush v20, $0x1;
	[tilespmem:s10+$0xFFFFFF90] =	vst v18  }
0x2d0: {  	v18 =	vunpack.i.l.bf16.f32 v39;
	v36 =	vld [tilespmem:s2+$0x30];
	s1 =	sshra.s32 s3, $0x2;
	s3 =	sshll.u32 s4, $0x8;
	s4 =	spop (v2sf);
	(v2sf) =	vpush v19, $0x1;
	[tilespmem:s10+$0xFFFFFF80] =	vst v33;
	v33 =	vunpack.i.u.bf16.f32 v39  }
0x2d1: {  	v38 =	vunpack.i.u.bf16.f32 v43;
	v39 =	vunpack.i.l.bf16.f32 v43;
	v37 =	vld [tilespmem:s1+$0x30];
	s3 =	sadd.s32 $0x37200, s3;
	s8 =	spop (v2sf);
	(v2sf) =	vpush v17, $0x1;
	[tilespmem:s10+$0xFFFFFFA0] =	vst v18  }
0x2d2: {  	s0 =	sadd.s32 s8, s0;
	s3 =	sshra.s32 s3, $0x2;
	v18 =	vld [tilespmem:s6+$0x15FE0];
	(v2sf) =	vpush v26, $0x4;
	s9 =	spop (v2sf);
	[tilespmem:s10+$0xFFFFFFB0] =	vst v33;
	v26 =	vunpack.i.u.bf16.f32 v32;
	v32 =	vunpack.i.l.bf16.f32 v32  }
0x2d3: {  	s0 =	sshll.u32 s0, $0x8;
	v33 =	vld [tilespmem:s3+$0x30];
	(v2sf) =	vpush v24, $0x4;
	s11 =	spop (v2sf);
	[tilespmem:s10+$0xFFFFFFC0] =	vst v39;
	v24 =	vunpack.i.u.bf16.f32 v28;
	v28 =	vunpack.i.l.bf16.f32 v28  }
0x2d4: {  	s0 =	sadd.s32 $0x1B900, s0;
	v39 =	vld [tilespmem:s6+$0x15FF0];
	(v2sf) =	vpush v23, $0x4;
	s8 =	spop (v2sf);
	[tilespmem:s10+$0xFFFFFFD0] =	vst v38;
	v23 =	vunpack.i.u.bf16.f32 v29;
	v29 =	vunpack.i.l.bf16.f32 v29  }
0x2d5: {  	s0 =	sshra.s32 s0, $0x2;
	v38 =	vld [tilespmem:s8+$0x14AF0];
	(v2sf) =	vpush v22, $0x4;
	s6 =	spop (v2sf);
	[tilespmem:s10+$0xFFFFFFE0] =	vst v32;
	v32 =	vunpack.i.u.bf16.f32 v27;
	v27 =	vunpack.i.l.bf16.f32 v27  }
0x2d6: {  	v36 =	vadd.bf16 v37, v36;
	v22 =	vld [tilespmem:s6+$0x15540];
	s12 =	spop (v2sf);
	(v2sf) =	vpush v21, $0x5;
	[tilespmem:s10+$0xFFFFFFF0] =	vst v26;
	v26 =	vunpack.i.u.bf16.f32 v31  }
0x2d7: {  	s4 =	sadd.s32 s4, s12;
	v21 =	vld [tilespmem:s6+$0x15550];
	(v2sf) =	vpush v20, $0x5;
	s12 =	spop (v2sf);
	[tilespmem:s10+$0x0] =	vst v28;
	v28 =	vunpack.i.l.bf16.f32 v31;
	v31 =	vunpack.i.u.bf16.f32 v34  }
0x2d8: {  	s4 =	sshll.u32 s4, $0x8;
	s9 =	sadd.s32 s9, s12;
	v33 =	vadd.bf16 v33, v36;
	v20 =	vld [tilespmem:s6+$0x15560];
	(v2sf) =	vpush v19, $0x5;
	s12 =	spop (v2sf);
	[tilespmem:s10+$0x10] =	vst v24;
	v24 =	vunpack.i.l.bf16.f32 v34  }
0x2d9: {  	s9 =	sshll.u32 s9, $0x8;
	s11 =	sadd.s32 s11, s12;
	v34 =	vld [tilespmem:s6+$0x15570];
	s12 =	spop (v2sf);
	(v2sf) =	vpush v17, $0x5;
	[tilespmem:s10+$0x20] =	vst v29;
	v29 =	vunpack.i.u.bf16.f32 v35;
	v35 =	vunpack.i.l.bf16.f32 v35  }
0x2da: {  	s4 =	sadd.s32 $0x1B900, s4;
	s6 =	sshll.u32 s11, $0x8;
	v17 =	vld [tilespmem:s8+$0x14AC0];
	v33 =	vadd.bf16 v38, v33;
	(v2sf) =	vpush v4, $0x6;
	s11 =	spop (v2sf);
	[tilespmem:s10+$0x30] =	vst v23  }
0x2db: {  	s9 =	sadd.s32 $0x1B900, s9;
	s13 =	sadd.s32 $0x1B900, s6;
	v19 =	vld [tilespmem:s8+$0x14AD0];
	(v2sf) =	vpush v3, $0x6;
	s14 =	spop (v2sf);
	[tilespmem:s10+$0x40] =	vst v27  }
0x2dc: {  	s4 =	sshra.s32 s4, $0x2;
	s6 =	sshra.s32 s9, $0x2;
	v23 =	vld [tilespmem:s8+$0x14AE0];
	v27 =	vadd.bf16 v30, v33;
	(v2sf) =	vpush v2, $0x6;
	s8 =	spop (v2sf);
	[tilespmem:s10+$0x50] =	vst v32  }
0x2dd: {  	s19 =	sshra.s32 s13, $0x2;
	v30 =	vld [tilespmem:s2+$0x0];
	s9 =	spop (v2sf);
	(v2sf) =	vpush v1, $0x6;
	[tilespmem:s10+$0x60] =	vst v28  }
0x2de: {  	s9 =	sadd.s32 s9, s12;
	v28 =	vld [tilespmem:s2+$0x10];
	v27 =	vadd.bf16 v34, v27;
	(v2sf) =	vpush v11, $0x7;
	s12 =	spop (v2sf);
	[tilespmem:s10+$0x70] =	vst v26  }
0x2df: {  	s9 =	sshll.u32 s9, $0x8;
	s11 =	sadd.s32 s12, s11;
	v26 =	vld [tilespmem:s2+$0x20];
	(v2sf) =	vpush v10, $0x7;
	s2 =	spop (v2sf);
	[tilespmem:s10+$0x80] =	vst v24  }
0x2e0: {  	s11 =	sshll.u32 s11, $0x8;
	s2 =	sadd.s32 s2, s14;
	v24 =	vld [tilespmem:s3+$0x0];
	v25 =	vadd.bf16 v25, v27;
	(v2sf) =	vpush v9, $0x7;
	s12 =	spop (v2sf);
	[tilespmem:s10+$0x90] =	vst v31  }
0x2e1: {  	s2 =	sshll.u32 s2, $0x8;
	s8 =	sadd.s32 s12, s8;
	v27 =	vld [tilespmem:s3+$0x10];
	s12 =	spop (v2sf);
	(v2sf) =	vpush v8, $0x7;
	[tilespmem:s10+$0xA0] =	vst v35  }
0x2e2: {  	s22 =	sshra.s32 s9, $0x2;
	s8 =	sshll.u32 s8, $0x8;
	v31 =	vld [tilespmem:s3+$0x20];
	v25 =	vadd.bf16 v39, v25;
	(v2sf) =	vpush v4, $0x8;
	s3 =	spop (v2sf);
	[tilespmem:s10+$0xB0] =	vst v29  }
0x2e3: {  	s17 =	sshra.s32 s11, $0x2;
	s14 =	sshra.s32 s2, $0x2;
	v29 =	vld [tilespmem:s1+$0x0];
	(v2sf) =	vpush v3, $0x8;
	s2 =	spop (v2sf)  }
0x2e4: {  	s10 =	sadd.s32 $0x280, s10;
	s13 =	sshra.s32 s8, $0x2;
	v32 =	vld [tilespmem:s1+$0x10];
	v33 =	vunpack.i.u.bf16.f32 v25;
	v25 =	vunpack.i.l.bf16.f32 v25;
	(v2sf) =	vpush v2, $0x8;
	s8 =	spop (v2sf)  }
0x2e5: {  	v34 =	vld [tilespmem:s1+$0x20];
	[tilespmem:s10+$0x130] =	vst v33;
	s1 =	spop (v2sf);
	(v2sf) =	vpush v1, $0x8  }
0x2e6: {  	v33 =	vld [tilespmem:s4+$0x0];
	s1 =	sadd.s32 s12, s1;
	[tilespmem:s10+$0x120] =	vst v25;
	(v2sf) =	vpush v11, $0x9;
	s9 =	spop (v2sf)  }
0x2e7: {  	v11 =	vld [tilespmem:s4+$0x10];
	s1 =	sshll.u32 s1, $0x8;
	s3 =	sadd.s32 s3, s9;
	(v2sf) =	vpush v10, $0x9;
	s9 =	spop (v2sf)  }
0x2e8: {  	v10 =	vld [tilespmem:s4+$0x20];
	s11 =	sshll.u32 s3, $0x8;
	s2 =	sadd.s32 s2, s9;
	v25 =	vadd.bf16 v29, v30;
	(v2sf) =	vpush v9, $0x9;
	s3 =	spop (v2sf)  }
0x2e9: {  	v9 =	vld [tilespmem:s4+$0x30];
	s2 =	sshll.u32 s2, $0x8;
	s3 =	sadd.s32 s8, s3;
	v28 =	vadd.bf16 v32, v28;
	s8 =	spop (v2sf);
	(v2sf) =	vpush v8, $0x9  }
0x2ea: {  	s1 =	sadd.s32 $0x37200, s1;
	v8 =	vld [tilespmem:s0+$0x0];
	s9 =	sshll.u32 s3, $0x8;
	v26 =	vadd.bf16 v34, v26;
	(v2sf) =	vpush v4, $0xA;
	s3 =	spop (v2sf)  }
0x2eb: {  	s11 =	sadd.s32 $0x37200, s11;
	s2 =	sadd.s32 $0x37200, s2;
	v24 =	vadd.bf16 v24, v25;
	v4 =	vld [tilespmem:s0+$0x10];
	(v2sf) =	vpush v3, $0xA;
	s4 =	spop (v2sf)  }
0x2ec: {  	s18 =	sshra.s32 s1, $0x2;
	s1 =	sadd.s32 $0x37200, s9;
	v25 =	vadd.bf16 v27, v28;
	v3 =	vld [tilespmem:s0+$0x20];
	(v2sf) =	vpush v2, $0xA;
	s26 =	spop (v2sf)  }
0x2ed: {  	s31 =	sshra.s32 s11, $0x2;
	s9 =	sshra.s32 s2, $0x2;
	v26 =	vadd.bf16 v31, v26;
	v2 =	vld [tilespmem:s0+$0x30];
	s29 =	spop (v2sf);
	(v2sf) =	vpush v1, $0xA  }
0x2ee: {  	s15 =	sshra.s32 s1, $0x2;
	v17 =	vadd.bf16 v17, v24;
	v19 =	vadd.bf16 v19, v25;
	v1 =	vld [tilespmem:s6+$0x0];
	s24 =	spop (v2sf)  }
0x2ef: {  	v23 =	vadd.bf16 v23, v26;
	v24 =	vld [tilespmem:s6+$0x10];
	s28 =	spop (v2sf)  }
0x2f0: {  	v12 =	vadd.bf16 v12, v17;
	v14 =	vadd.bf16 v14, v19;
	v25 =	vld [tilespmem:s6+$0x20];
	s2 =	spop (v2sf)  }
0x2f1: {  	v15 =	vadd.bf16 v15, v23;
	v17 =	vld [tilespmem:s6+$0x30];
	s6 =	spop (v2sf)  }
0x2f2: {  	v12 =	vadd.bf16 v22, v12;
	v14 =	vadd.bf16 v21, v14;
	v19 =	vld [tilespmem:s19+$0x0];
	s12 =	spop (v2sf)  }
0x2f3: {  	v15 =	vadd.bf16 v20, v15;
	v21 =	vld [tilespmem:s19+$0x10];
	s11 =	spop (v2sf)  }
0x2f4: {  	v5 =	vadd.bf16 v5, v12;
	v6 =	vadd.bf16 v6, v14;
	v20 =	vld [tilespmem:s19+$0x20];
	s21 =	spop (v2sf)  }
0x2f5: {  	v7 =	vadd.bf16 v7, v15;
	v12 =	vld [tilespmem:s19+$0x30];
	s23 =	spop (v2sf)  }
0x2f6: {  	v5 =	vadd.bf16 v13, v5;
	v6 =	vadd.bf16 v16, v6;
	v14 =	vld [tilespmem:s22+$0x0];
	s20 =	spop (v2sf)  }
0x2f7: {  	v7 =	vadd.bf16 v18, v7;
	v13 =	vld [tilespmem:s22+$0x10];
	s25 =	spop (v2sf)  }
0x2f8: {  	v16 =	vunpack.i.u.bf16.f32 v5;
	v5 =	vunpack.i.l.bf16.f32 v5;
	v18 =	vunpack.i.u.bf16.f32 v6;
	v15 =	vld [tilespmem:s22+$0x20];
	s0 =	spop (v2sf)  }
0x2f9: {  	v22 =	vld [tilespmem:s22+$0x30];
	[tilespmem:s10+$0xC0] =	vst v5;
	v5 =	vunpack.i.l.bf16.f32 v6;
	v6 =	vunpack.i.u.bf16.f32 v7;
	v7 =	vunpack.i.l.bf16.f32 v7;
	s30 =	spop (v2sf)  }
0x2fa: {  	v23 =	vld [tilespmem:s17+$0x0];
	[tilespmem:s10+$0xD0] =	vst v16;
	s19 =	spop (v2sf)  }
0x2fb: {  	v14 =	vadd.bf16 v33, v14;
	v16 =	vld [tilespmem:s17+$0x10];
	[tilespmem:s10+$0xE0] =	vst v5;
	s22 =	spop (v2sf)  }
0x2fc: {  	v5 =	vadd.bf16 v11, v13;
	v11 =	vld [tilespmem:s17+$0x20];
	[tilespmem:s10+$0xF0] =	vst v18;
	s1 =	spop (v2sf)  }
0x2fd: {  	v10 =	vadd.bf16 v10, v15;
	v13 =	vld [tilespmem:s17+$0x30];
	[tilespmem:s10+$0x100] =	vst v7  }
0x2fe: {  	v7 =	vadd.bf16 v9, v22;
	v9 =	vld [tilespmem:s14+$0x0];
	[tilespmem:s10+$0x110] =	vst v6  }
0x2ff: {  	v6 =	vadd.bf16 v8, v23;
	v8 =	vld [tilespmem:s14+$0x10]  }
0x300: {  	v4 =	vadd.bf16 v4, v16;
	v15 =	vld [tilespmem:s14+$0x20]  }
0x301: {  	v3 =	vadd.bf16 v3, v11;
	v11 =	vld [tilespmem:s14+$0x30]  }
0x302: {  	v2 =	vadd.bf16 v2, v13;
	v13 =	vld [tilespmem:s13+$0x0]  }
0x303: {  	v1 =	vadd.bf16 v1, v9;
	v9 =	vld [tilespmem:s13+$0x10]  }
0x304: {  	v8 =	vadd.bf16 v24, v8;
	v16 =	vld [tilespmem:s13+$0x20]  }
0x305: {  	v15 =	vadd.bf16 v25, v15;
	v18 =	vld [tilespmem:s13+$0x30]  }
0x306: {  	v22 =	vld [tilespmem:s18+$0x0];
	v11 =	vadd.bf16 v17, v11  }
0x307: {  	v17 =	vld [tilespmem:s18+$0x10];
	v13 =	vadd.bf16 v19, v13  }
0x308: {  	v19 =	vld [tilespmem:s18+$0x20];
	v9 =	vadd.bf16 v21, v9  }
0x309: {  	v21 =	vld [tilespmem:s18+$0x30];
	v16 =	vadd.bf16 v20, v16  }
0x30a: {  	v20 =	vld [tilespmem:s31+$0x0];
	v12 =	vadd.bf16 v12, v18  }
0x30b: {  	v14 =	vadd.bf16 v22, v14;
	v18 =	vld [tilespmem:s31+$0x10]  }
0x30c: {  	v5 =	vadd.bf16 v17, v5;
	v17 =	vld [tilespmem:s31+$0x20]  }
0x30d: {  	v10 =	vadd.bf16 v19, v10;
	v19 =	vld [tilespmem:s31+$0x30]  }
0x30e: {  	v7 =	vadd.bf16 v21, v7;
	v21 =	vld [tilespmem:s9+$0x0]  }
0x30f: {  	v6 =	vadd.bf16 v20, v6;
	v20 =	vld [tilespmem:s9+$0x10]  }
0x310: {  	v4 =	vadd.bf16 v18, v4;
	v18 =	vld [tilespmem:s9+$0x20]  }
0x311: {  	v3 =	vadd.bf16 v17, v3;
	v17 =	vld [tilespmem:s9+$0x30]  }
0x312: {  	v2 =	vadd.bf16 v19, v2;
	v19 =	vld [tilespmem:s15+$0x0]  }
0x313: {  	v1 =	vadd.bf16 v21, v1;
	v21 =	vld [tilespmem:s15+$0x10]  }
0x314: {  	v8 =	vadd.bf16 v20, v8;
	v20 =	vld [tilespmem:s15+$0x20]  }
0x315: {  	v15 =	vadd.bf16 v18, v15;
	v18 =	vld [tilespmem:s15+$0x30]  }
0x316: {  	v22 =	vld [tilespmem:s8+$0x14AC0];
	v11 =	vadd.bf16 v17, v11  }
0x317: {  	v17 =	vld [tilespmem:s8+$0x14AD0];
	v13 =	vadd.bf16 v19, v13  }
0x318: {  	v19 =	vld [tilespmem:s8+$0x14AE0];
	v9 =	vadd.bf16 v21, v9  }
0x319: {  	v21 =	vld [tilespmem:s8+$0x14AF0];
	v16 =	vadd.bf16 v20, v16  }
0x31a: {  	v20 =	vld [tilespmem:s3+$0x14AC0];
	v12 =	vadd.bf16 v18, v12  }
0x31b: {  	v14 =	vadd.bf16 v22, v14;
	v18 =	vld [tilespmem:s3+$0x14AD0]  }
0x31c: {  	v5 =	vadd.bf16 v17, v5;
	v17 =	vld [tilespmem:s3+$0x14AE0]  }
0x31d: {  	v10 =	vadd.bf16 v19, v10;
	v19 =	vld [tilespmem:s3+$0x14AF0]  }
0x31e: {  	v7 =	vadd.bf16 v21, v7;
	v21 =	vld [tilespmem:s4+$0x14AC0]  }
0x31f: {  	v6 =	vadd.bf16 v20, v6;
	v20 =	vld [tilespmem:s4+$0x14AD0]  }
0x320: {  	v4 =	vadd.bf16 v18, v4;
	v18 =	vld [tilespmem:s4+$0x14AE0]  }
0x321: {  	v3 =	vadd.bf16 v17, v3;
	v17 =	vld [tilespmem:s4+$0x14AF0]  }
0x322: {  	v2 =	vadd.bf16 v19, v2;
	v19 =	vld [tilespmem:s26+$0x14AC0]  }
0x323: {  	v1 =	vadd.bf16 v21, v1;
	v21 =	vld [tilespmem:s26+$0x14AD0]  }
0x324: {  	v8 =	vadd.bf16 v20, v8;
	v20 =	vld [tilespmem:s26+$0x14AE0]  }
0x325: {  	v15 =	vadd.bf16 v18, v15;
	v18 =	vld [tilespmem:s26+$0x14AF0]  }
0x326: {  	v22 =	vld [tilespmem:s29+$0x15000];
	v11 =	vadd.bf16 v17, v11  }
0x327: {  	v17 =	vld [tilespmem:s29+$0x15010];
	v13 =	vadd.bf16 v19, v13  }
0x328: {  	v19 =	vld [tilespmem:s29+$0x15020];
	v9 =	vadd.bf16 v21, v9  }
0x329: {  	v21 =	vld [tilespmem:s29+$0x15030];
	v16 =	vadd.bf16 v20, v16  }
0x32a: {  	v20 =	vld [tilespmem:s24+$0x15000];
	v12 =	vadd.bf16 v18, v12  }
0x32b: {  	v14 =	vadd.bf16 v22, v14;
	v18 =	vld [tilespmem:s24+$0x15010]  }
0x32c: {  	v5 =	vadd.bf16 v17, v5;
	v17 =	vld [tilespmem:s24+$0x15020]  }
0x32d: {  	v10 =	vadd.bf16 v19, v10;
	v19 =	vld [tilespmem:s24+$0x15030]  }
0x32e: {  	v7 =	vadd.bf16 v21, v7;
	v21 =	vld [tilespmem:s28+$0x15000]  }
0x32f: {  	v6 =	vadd.bf16 v20, v6;
	v20 =	vld [tilespmem:s28+$0x15010]  }
0x330: {  	v4 =	vadd.bf16 v18, v4;
	v18 =	vld [tilespmem:s28+$0x15020]  }
0x331: {  	v3 =	vadd.bf16 v17, v3;
	v17 =	vld [tilespmem:s28+$0x15030]  }
0x332: {  	v2 =	vadd.bf16 v19, v2;
	v19 =	vld [tilespmem:s2+$0x15000]  }
0x333: {  	v1 =	vadd.bf16 v21, v1;
	v21 =	vld [tilespmem:s2+$0x15010]  }
0x334: {  	v8 =	vadd.bf16 v20, v8;
	v20 =	vld [tilespmem:s2+$0x15020]  }
0x335: {  	v15 =	vadd.bf16 v18, v15;
	v18 =	vld [tilespmem:s2+$0x15030]  }
0x336: {  	v22 =	vld [tilespmem:s6+$0x15540];
	v11 =	vadd.bf16 v17, v11  }
0x337: {  	v17 =	vld [tilespmem:s6+$0x15550];
	v13 =	vadd.bf16 v19, v13  }
0x338: {  	v19 =	vld [tilespmem:s6+$0x15560];
	v21 =	vadd.bf16 v21, v9  }
0x339: {  	v9 =	vld [tilespmem:s6+$0x15570];
	v16 =	vadd.bf16 v20, v16  }
0x33a: {  	v20 =	vld [tilespmem:s12+$0x15540];
	v12 =	vadd.bf16 v18, v12  }
0x33b: {  	v14 =	vadd.bf16 v22, v14;
	v18 =	vld [tilespmem:s12+$0x15550]  }
0x33c: {  	v17 =	vadd.bf16 v17, v5;
	v5 =	vld [tilespmem:s12+$0x15560]  }
0x33d: {  	v10 =	vadd.bf16 v19, v10;
	v19 =	vld [tilespmem:s12+$0x15570]  }
0x33e: {  	v7 =	vadd.bf16 v9, v7;
	v9 =	vld [tilespmem:s11+$0x15540]  }
0x33f: {  	v20 =	vadd.bf16 v20, v6;
	v6 =	vld [tilespmem:s11+$0x15550]  }
0x340: {  	v22 =	vadd.bf16 v18, v4;
	v4 =	vld [tilespmem:s11+$0x15560]  }
0x341: {  	v3 =	vadd.bf16 v5, v3;
	v5 =	vld [tilespmem:s11+$0x15570]  }
0x342: {  	v19 =	vadd.bf16 v19, v2;
	v2 =	vld [tilespmem:s21+$0x15540]  }
0x343: {  	v23 =	vadd.bf16 v9, v1;
	v1 =	vld [tilespmem:s21+$0x15550]  }
0x344: {  	v9 =	vadd.bf16 v6, v8;
	v6 =	vld [tilespmem:s21+$0x15560]  }
0x345: {  	v8 =	vadd.bf16 v4, v15;
	v15 =	vld [tilespmem:s21+$0x15570]  }
0x346: {  	v18 =	vld [tilespmem:s23+$0x15A80];
	v4 =	vadd.bf16 v5, v11  }
0x347: {  	v11 =	vld [tilespmem:s23+$0x15A90];
	v2 =	vadd.bf16 v2, v13  }
0x348: {  	v13 =	vld [tilespmem:s23+$0x15AA0];
	v1 =	vadd.bf16 v1, v21  }
0x349: {  	v21 =	vld [tilespmem:s23+$0x15AB0];
	v6 =	vadd.bf16 v6, v16  }
0x34a: {  	v16 =	vld [tilespmem:s20+$0x15A80];
	v5 =	vadd.bf16 v15, v12  }
0x34b: {  	v28 =	vadd.bf16 v18, v14;
	v12 =	vld [tilespmem:s20+$0x15A90]  }
0x34c: {  	v30 =	vadd.bf16 v11, v17;
	v17 =	vld [tilespmem:s20+$0x15AA0]  }
0x34d: {  	v25 =	vadd.bf16 v13, v10;
	v24 =	vld [tilespmem:s20+$0x15AB0]  }
0x34e: {  	v18 =	vadd.bf16 v21, v7;
	v26 =	vld [tilespmem:s25+$0x15A80]  }
.Ltmp7:
0x34f: {  	v15 =	vadd.bf16 v16, v20;
	v10 =	vld [tilespmem:s25+$0x15A90];
	(pc) =	sbr.rel @p0 .LBB2_17-.Ltmp7, $4  }
0x350: {  	v14 =	vadd.bf16 v12, v22;
	v11 =	vld [tilespmem:s25+$0x15AA0]  }
0x351: {  	v13 =	vadd.bf16 v17, v3;
	v16 =	vld [tilespmem:s25+$0x15AB0]  }
0x352: {  	v7 =	vadd.bf16 v24, v19;
	v21 =	vld [tilespmem:s0+$0x15A80]  }
0x353: {  	s5 =	sadd.s32 $0x37, s5;
	v12 =	vadd.bf16 v26, v23;
	v3 =	vld [tilespmem:s0+$0x15A90]  }
0x354: {  	v0 =	vld [tilespmem:s30+$0x15FC0];
	_ =	sdelay $0x1  }
0x355: {  	v17 =	vld [tilespmem:s30+$0x15FD0];
	_ =	sdelay $0x1  }
0x356: {  	v19 =	vld [tilespmem:s30+$0x15FE0]  }
0x357: {  	v0 =	vadd.bf16 v0, v28  }
0x358: {  	v20 =	vld [tilespmem:s30+$0x15FF0]  }
0x359: {  	v17 =	vadd.bf16 v17, v30;
	v22 =	vunpack.i.u.bf16.f32 v0  }
0x35a: {  	v23 =	vld [tilespmem:s19+$0x15FC0];
	v0 =	vunpack.i.l.bf16.f32 v0;
	[tilespmem:s10+$0xFFFFFED0] =	vst v22  }
0x35b: {  	v19 =	vadd.bf16 v19, v25;
	[tilespmem:s10+$0xFFFFFEC0] =	vst v0;
	v0 =	vunpack.i.u.bf16.f32 v17  }
0x35c: {  	v48 =	vld [tilespmem:s19+$0x15FD0];
	v17 =	vunpack.i.l.bf16.f32 v17;
	[tilespmem:s10+$0xFFFFFEF0] =	vst v0  }
0x35d: {  	v0 =	vadd.bf16 v20, v18;
	[tilespmem:s10+$0xFFFFFEE0] =	vst v17;
	v17 =	vunpack.i.u.bf16.f32 v19  }
0x35e: {  	v18 =	vld [tilespmem:s19+$0x15FE0];
	v19 =	vunpack.i.l.bf16.f32 v19;
	[tilespmem:s10+$0xFFFFFF10] =	vst v17  }
0x35f: {  	v15 =	vadd.bf16 v23, v15;
	[tilespmem:s10+$0xFFFFFF00] =	vst v19;
	v17 =	vunpack.i.u.bf16.f32 v0  }
0x360: {  	v19 =	vld [tilespmem:s19+$0x15FF0];
	v0 =	vunpack.i.l.bf16.f32 v0;
	[tilespmem:s10+$0xFFFFFF30] =	vst v17  }
0x361: {  	v14 =	vadd.bf16 v48, v14;
	[tilespmem:s10+$0xFFFFFF20] =	vst v0;
	v0 =	vunpack.i.u.bf16.f32 v15  }
0x362: {  	v17 =	vld [tilespmem:s22+$0x15FC0];
	v15 =	vunpack.i.l.bf16.f32 v15;
	[tilespmem:s10+$0xFFFFFF50] =	vst v0  }
0x363: {  	[tilespmem:s10+$0xFFFFFF40] =	vst v15;
	v0 =	vadd.bf16 v18, v13;
	v13 =	vunpack.i.u.bf16.f32 v14  }
0x364: {  	v15 =	vld [tilespmem:s22+$0x15FD0];
	v14 =	vunpack.i.l.bf16.f32 v14;
	[tilespmem:s10+$0xFFFFFF70] =	vst v13  }
0x365: {  	v7 =	vadd.bf16 v19, v7;
	[tilespmem:s10+$0xFFFFFF60] =	vst v14;
	v13 =	vunpack.i.u.bf16.f32 v0  }
0x366: {  	v14 =	vld [tilespmem:s22+$0x15FE0];
	v0 =	vunpack.i.l.bf16.f32 v0;
	[tilespmem:s10+$0xFFFFFF90] =	vst v13  }
0x367: {  	v9 =	vadd.bf16 v10, v9;
	v10 =	vadd.bf16 v17, v12;
	[tilespmem:s10+$0xFFFFFF80] =	vst v0;
	v0 =	vunpack.i.l.bf16.f32 v7  }
0x368: {  	v12 =	vld [tilespmem:s22+$0x15FF0];
	v7 =	vunpack.i.u.bf16.f32 v7;
	[tilespmem:s10+$0xFFFFFFA0] =	vst v0  }
0x369: {  	v0 =	vadd.bf16 v11, v8;
	v8 =	vadd.bf16 v15, v9;
	[tilespmem:s10+$0xFFFFFFB0] =	vst v7;
	v9 =	vunpack.i.l.bf16.f32 v10  }
0x36a: {  	v7 =	vld [tilespmem:s1+$0x15FC0];
	v10 =	vunpack.i.u.bf16.f32 v10;
	[tilespmem:s10+$0xFFFFFFC0] =	vst v9  }
0x36b: {  	v4 =	vadd.bf16 v16, v4;
	v9 =	vld [tilespmem:s0+$0x15AA0];
	v0 =	vadd.bf16 v14, v0;
	v11 =	vunpack.i.l.bf16.f32 v8;
	[tilespmem:s10+$0xFFFFFFD0] =	vst v10  }
0x36c: {  	v10 =	vld [tilespmem:s1+$0x15FD0];
	v8 =	vunpack.i.u.bf16.f32 v8;
	[tilespmem:s10+$0xFFFFFFE0] =	vst v11  }
0x36d: {  	v2 =	vadd.bf16 v21, v2;
	v11 =	vld [tilespmem:s0+$0x15AB0];
	[tilespmem:s10+$0xFFFFFFF0] =	vst v8;
	v4 =	vadd.bf16 v12, v4;
	v12 =	vunpack.i.l.bf16.f32 v0  }
0x36e: {  	v8 =	vld [tilespmem:s1+$0x15FE0];
	v0 =	vunpack.i.u.bf16.f32 v0;
	[tilespmem:s10+$0x0] =	vst v12  }
0x36f: {  	v1 =	vadd.bf16 v3, v1;
	v2 =	vadd.bf16 v7, v2;
	[tilespmem:s10+$0x10] =	vst v0;
	v3 =	vunpack.i.l.bf16.f32 v4  }
0x370: {  	v0 =	vld [tilespmem:s1+$0x15FF0];
	v4 =	vunpack.i.u.bf16.f32 v4;
	[tilespmem:s10+$0x20] =	vst v3  }
0x371: {  	v3 =	vadd.bf16 v9, v6;
	v1 =	vadd.bf16 v10, v1;
	v6 =	vunpack.i.l.bf16.f32 v2;
	[tilespmem:s10+$0x30] =	vst v4  }
0x372: {  	v2 =	vunpack.i.u.bf16.f32 v2;
	[tilespmem:s10+$0x40] =	vst v6  }
0x373: {  	v4 =	vadd.bf16 v11, v5;
	[tilespmem:s10+$0x50] =	vst v2;
	v3 =	vadd.bf16 v8, v3;
	v5 =	vunpack.i.l.bf16.f32 v1  }
0x374: {  	v1 =	vunpack.i.u.bf16.f32 v1;
	[tilespmem:s10+$0x60] =	vst v5  }
0x375: {  	v0 =	vadd.bf16 v0, v4;
	[tilespmem:s10+$0x70] =	vst v1;
	v2 =	vunpack.i.l.bf16.f32 v3  }
0x376: {  	v1 =	vunpack.i.u.bf16.f32 v3;
	[tilespmem:s10+$0x80] =	vst v2  }
0x377: {  	v2 =	vunpack.i.l.bf16.f32 v0;
	[tilespmem:s10+$0x90] =	vst v1  }
0x378: {  	[tilespmem:s10+$0xA0] =	vst v2  }
0x379: {  	s14 =	rddreg [dreg:$0xb]  }
0x37a: {  	v0 =	vunpack.i.u.bf16.f32 v0;
	s15 =	rddreg [dreg:$0x19]  }
0x37b: {  	s2 =	simm.s32 $0x0;
	s17 =	simm.s32 $0x17100;
	[tilespmem:s10+$0xB0] =	vst v0;
	s0 =	sadd.s32 s15, s14  }
0x37c: {  	s18 =	simm.s32 $0x4;
	s3 =	rddreg [dreg:$0x1b];
	s0 =	smul.u32 $0xB, s0  }
0x37d: {  	[hbm4b:s3+s2] =	stream.linear.scatter [tilespmem:s17], [sflag:$0x1], $0x3E80, $0x38;
	[tilespmem:$0x1EE00] =	vst v63  }
0x37e: {  	s21 =	simm.s32 $0x16500;
	_ =	swait.ge [sflag:s18], $0x580;
	s0 =	sand.u32 $0x7FFFFFF8, s0  }
0x37f: {  	[sflag:s18] =	ssyncset.done $0x0;
	s19 =	rddreg [dreg:$0x1a];
	s0 =	smin.u32 s0, $0x10C360  }
0x380: {  	s20 =	rddreg [dreg:$0x3];
	s1 =	sshra.s32 s19, $0x2;
	s0 =	sshrl.u32 s0, $0x3  }
0x381: {  	s22 =	simm.s32 $0x2;
	[sflag:s18] =	ssyncadd.s32 $0xFFFFFA80;
	v0 =	vmov s1;
	s0 =	sadd.s32 s20, s0  }
0x382: {  	[tilespmem:s21], [sflag:$0x3] =	stream.linear.gather [hbm4b:s0+s2], $0x580, $0x38;
	[tilespmem:$0x1EE00] =	vst v63  }
0x383: {  	_ =	swait.ge [sflag:s22], $0x3E80  }
0x384: {  	[sflag:s22] =	ssyncset.done $0x0  }
0x385: {  	s15 =	rddreg [dreg:$0x15];
	[sflag:s22] =	ssyncadd.s32 $0xFFFFC180  }
0x386: {  	v1 =	vld.idx.msk [tilespmem:v0+s15+$0x0 ss:$0x1], $0xffff;
	_ =	sdelay $0x2  }
0x387: {  	v13 =	vld.idx.msk [tilespmem:v0+s15+$0xFFFFFFDF ss:$0x1], $0xffff;
	_ =	sdelay $0x1  }
0x388: {  	v2 =	vshll.u32 v1, $0x6  }
0x389: {  	(v2sf) =	vpush v2, $0x9;
	_ =	sdelay $0x1  }
0x38a: {  	(v2sf) =	vpush v13, $0x3  }
0x38b: {  	(v2sf) =	vpush v1, $0x5  }
0x38c: {  	v16 =	vld.idx.msk [tilespmem:v0+s15+$0xFFFFFFD4 ss:$0x1], $0xffff;
	(v2sf) =	vpush v1, $0x1  }
0x38d: {  	v3 =	vmul.u32 $0x15, v1;
	(v2sf) =	vpush v2, $0x7  }
0x38e: {  	v15 =	vld.idx.msk [tilespmem:v0+s15+$0xFFFFFFEA ss:$0x1], $0xffff;
	(v2sf) =	vpush v1, $0x3  }
0x38f: {  	v14 =	vld.idx.msk [tilespmem:v0+s15+$0xFFFFFFF5 ss:$0x1], $0xffff;
	v1 =	vshll.u32 v1, $0x8;
	(v2sf) =	vpush v3, $0x0  }
0x390: {  	v1 =	vshra.s32 v1, $0x2;
	(v2sf) =	vpush v3, $0x2  }
0x391: {  	v2 =	vmul.u32 $0x15, v16;
	(v2sf) =	vpush v1, $0xA  }
0x392: {  	v4 =	vmul.u32 $0x15, v13;
	(v2sf) =	vpush v3, $0x4  }
0x393: {  	v5 =	vmul.u32 $0x15, v15;
	(v2sf) =	vpush v2, $0x2  }
0x394: {  	v6 =	vmul.u32 $0x15, v14;
	(v2sf) =	vpush v4, $0x2  }
0x395: {  	(v2sf) =	vpush v5, $0x2  }
0x396: {  	(v2sf) =	vpush v6, $0x2  }
0x397: {  	(v2sf) =	vpush v1, $0x6;
	s23 =	spop (v2sf)  }
0x398: {  	(v2sf) =	vpush v1, $0x8;
	v1 =	vld [tilespmem:s23+$0x15A90];
	_ =	sdelay $0x4  }
0x399: {  	v12 =	vld [tilespmem:s23+$0x15A80];
	[tilespmem:$0x1FD40] =	vst v1  }
0x39a: {  	v1 =	vld [tilespmem:s23+$0x15AA0];
	_ =	sdelay $0x1  }
0x39b: {  	s24 =	spop (v2sf)  }
0x39c: {  	s25 =	spop (v2sf)  }
0x39d: {  	s26 =	spop (v2sf)  }
0x39e: {  	s4 =	spop (v2sf);
	[tilespmem:$0x1FD50] =	vst v1  }
0x39f: {  	v1 =	vld [tilespmem:s4+$0x15010];
	_ =	sdelay $0x3  }
0x3a0: {  	v9 =	vld [tilespmem:s23+$0x15AB0]  }
0x3a1: {  	v8 =	vld [tilespmem:s4+$0x15000];
	[tilespmem:$0x1FCF0] =	vst v1  }
0x3a2: {  	v1 =	vld [tilespmem:s4+$0x15020];
	_ =	sdelay $0x1  }
0x3a3: {  	s5 =	spop (v2sf)  }
0x3a4: {  	s6 =	spop (v2sf)  }
0x3a5: {  	s7 =	spop (v2sf)  }
0x3a6: {  	s8 =	spop (v2sf);
	[tilespmem:$0x1FD00] =	vst v1  }
0x3a7: {  	v1 =	vld [tilespmem:s8+$0x15FC0];
	_ =	sdelay $0x4  }
0x3a8: {  	v30 =	vld [tilespmem:s4+$0x15030];
	[tilespmem:$0x1FD60] =	vst v1  }
0x3a9: {  	v1 =	vld [tilespmem:s8+$0x15FD0];
	_ =	sdelay $0x4  }
0x3aa: {  	[tilespmem:$0x1FD70] =	vst v1  }
0x3ab: {  	v1 =	vld [tilespmem:s8+$0x15FE0];
	_ =	sdelay $0x4  }
0x3ac: {  	s9 =	spop (v2sf);
	[tilespmem:$0x1FD80] =	vst v1  }
0x3ad: {  	s28 =	spop (v2sf);
	v1 =	vld [tilespmem:s8+$0x15FF0]  }
0x3ae: {  	s29 =	spop (v2sf)  }
0x3af: {  	s11 =	spop (v2sf)  }
0x3b0: {  	s30 =	spop (v2sf)  }
0x3b1: {  	s12 =	spop (v2sf)  }
0x3b2: {  	s31 =	spop (v2sf);
	[tilespmem:$0x1FCB0] =	vst v1  }
0x3b3: {  	v1 =	vld [tilespmem:s31+$0x15540];
	_ =	sdelay $0x4  }
0x3b4: {  	[tilespmem:$0x1FD10] =	vst v1  }
0x3b5: {  	v1 =	vld [tilespmem:s31+$0x15550];
	_ =	sdelay $0x4  }
0x3b6: {  	[tilespmem:$0x1FD20] =	vst v1  }
0x3b7: {  	v1 =	vld [tilespmem:s31+$0x15560];
	_ =	sdelay $0x4  }
0x3b8: {  	[tilespmem:$0x1FD30] =	vst v1  }
0x3b9: {  	v1 =	vld [tilespmem:s12+$0x14AC0];
	_ =	sdelay $0x3  }
0x3ba: {  	v34 =	vld [tilespmem:s31+$0x15570]  }
0x3bb: {  	v46 =	vld [tilespmem:s12+$0x14AF0];
	[tilespmem:$0x1FCC0] =	vst v1  }
0x3bc: {  	v1 =	vld [tilespmem:s12+$0x14AD0]  }
0x3bd: {  	(v2sf) =	vpush v16, $0x3;
	_ =	sdelay $0x3  }
0x3be: {  	[tilespmem:$0x1FCD0] =	vst v1  }
0x3bf: {  	v1 =	vld [tilespmem:s12+$0x14AE0];
	_ =	sdelay $0x2  }
0x3c0: {  	s3 =	sadd.s32 s26, s6;
	s2 =	sadd.s32 s9, s25  }
0x3c1: {  	s3 =	sshll.u32 s3, $0x8;
	s2 =	sshll.u32 s2, $0x8  }
0x3c2: {  	s3 =	sshra.s32 s3, $0x2;
	s2 =	sadd.s32 $0x37200, s2;
	[tilespmem:$0x1FCE0] =	vst v1  }
0x3c3: {  	s2 =	sshra.s32 s2, $0x2;
	v10 =	vld [tilespmem:s3+$0x30]  }
0x3c4: {  	v61 =	vld [tilespmem:s2+$0x30]  }
0x3c5: {  	v40 =	vld [tilespmem:s3+$0x0]  }
0x3c6: {  	v43 =	vld [tilespmem:s3+$0x10]  }
0x3c7: {  	s9 =	spop (v2sf);
	v41 =	vld [tilespmem:s3+$0x20]  }
0x3c8: {  	v42 =	vld [tilespmem:s2+$0x0];
	s3 =	sadd.s32 s28, s9  }
0x3c9: {  	v44 =	vld [tilespmem:s2+$0x10];
	s10 =	sshll.u32 s3, $0x8  }
0x3ca: {  	s5 =	sadd.s32 s7, s5;
	v45 =	vld [tilespmem:s2+$0x20];
	s2 =	sadd.s32 $0x1B900, s10  }
0x3cb: {  	s5 =	sshll.u32 s5, $0x8;
	s2 =	sshra.s32 s2, $0x2  }
0x3cc: {  	s5 =	sadd.s32 $0x1B900, s5;
	v1 =	vld [tilespmem:s2+$0x0]  }
0x3cd: {  	s5 =	sshra.s32 s5, $0x2  }
0x3ce: {  	v7 =	vld [tilespmem:s5+$0x30]  }
0x3cf: {  	v47 =	vld [tilespmem:s5+$0x0]  }
0x3d0: {  	v49 =	vld [tilespmem:s5+$0x10]  }
0x3d1: {  	v48 =	vld [tilespmem:s5+$0x20];
	[tilespmem:$0x1FD90] =	vst v1  }
0x3d2: {  	v1 =	vld [tilespmem:s2+$0x10];
	_ =	sdelay $0x4  }
0x3d3: {  	[tilespmem:$0x1FDA0] =	vst v1  }
0x3d4: {  	v1 =	vld [tilespmem:s2+$0x20];
	_ =	sdelay $0x4  }
0x3d5: {  	[tilespmem:$0x1FDB0] =	vst v1  }
0x3d6: {  	v1 =	vld [tilespmem:s2+$0x30];
	_ =	sdelay $0x1  }
0x3d7: {  	s0 =	sadd.s32 s29, s24  }
0x3d8: {  	s0 =	sshll.u32 s0, $0x8  }
0x3d9: {  	s0 =	sadd.s32 $0x1B900, s0  }
0x3da: {  	s0 =	sshra.s32 s0, $0x2;
	[tilespmem:$0x1FDC0] =	vst v1  }
0x3db: {  	v1 =	vld [tilespmem:s0+$0x0];
	_ =	sdelay $0x3  }
0x3dc: {  	(v2sf) =	vpush v15, $0x3  }
0x3dd: {  	[tilespmem:$0x1FDD0] =	vst v1  }
0x3de: {  	v1 =	vld [tilespmem:s0+$0x10];
	_ =	sdelay $0x4  }
0x3df: {  	[tilespmem:$0x1FDE0] =	vst v1  }
0x3e0: {  	v1 =	vld [tilespmem:s0+$0x20];
	_ =	sdelay $0x4  }
0x3e1: {  	[tilespmem:$0x1FDF0] =	vst v1  }
0x3e2: {  	v1 =	vld [tilespmem:s0+$0x30]  }
0x3e3: {  	s12 =	spop (v2sf)  }
0x3e4: {  	s13 =	sadd.s32 s11, s12  }
0x3e5: {  	s2 =	sshll.u32 s13, $0x8  }
0x3e6: {  	s2 =	sadd.s32 $0x1B900, s2  }
0x3e7: {  	s2 =	sshra.s32 s2, $0x2;
	[tilespmem:$0x1FE00] =	vst v1  }
0x3e8: {  	(v2sf) =	vpush v14, $0x3;
	v1 =	vld [tilespmem:s2+$0x0]  }
0x3e9: {  	(v2sf) =	vpush v2, $0x0  }
0x3ea: {  	(v2sf) =	vpush v4, $0x0  }
0x3eb: {  	(v2sf) =	vpush v5, $0x0  }
0x3ec: {  	(v2sf) =	vpush v6, $0x0  }
0x3ed: {  	(v2sf) =	vpush v16, $0x1;
	[tilespmem:$0x1FE10] =	vst v1  }
0x3ee: {  	(v2sf) =	vpush v13, $0x1;
	v1 =	vld [tilespmem:s2+$0x10];
	_ =	sdelay $0x4  }
0x3ef: {  	[tilespmem:$0x1FE20] =	vst v1  }
0x3f0: {  	v1 =	vld [tilespmem:s2+$0x20]  }
0x3f1: {  	(v2sf) =	vpush v15, $0x1  }
0x3f2: {  	(v2sf) =	vpush v14, $0x1  }
0x3f3: {  	s14 =	spop (v2sf);
	(v2sf) =	vpush v2, $0x4  }
0x3f4: {  	s18 =	spop (v2sf);
	(v2sf) =	vpush v4, $0x4  }
0x3f5: {  	s19 =	spop (v2sf);
	(v2sf) =	vpush v5, $0x4;
	[tilespmem:$0x1FE30] =	vst v1  }
0x3f6: {  	s20 =	spop (v2sf);
	(v2sf) =	vpush v6, $0x4;
	v1 =	vld [tilespmem:s2+$0x30]  }
0x3f7: {  	s21 =	spop (v2sf);
	(v2sf) =	vpush v16, $0x5  }
0x3f8: {  	s17 =	sadd.s32 s30, s14;
	s22 =	spop (v2sf);
	(v2sf) =	vpush v13, $0x5  }
0x3f9: {  	s23 =	spop (v2sf);
	(v2sf) =	vpush v15, $0x5;
	s0 =	sshll.u32 s17, $0x8  }
0x3fa: {  	s0 =	sadd.s32 $0x1B900, s0  }
0x3fb: {  	s0 =	sshra.s32 s0, $0x2;
	[tilespmem:$0x1FE40] =	vst v1  }
0x3fc: {  	v1 =	vld [tilespmem:s0+$0x0];
	_ =	sdelay $0x3  }
0x3fd: {  	s24 =	spop (v2sf)  }
0x3fe: {  	v2 =	vshll.u32 v13, $0x8;
	v4 =	vld [tilespmem:$0x1FCB0];
	s25 =	spop (v2sf);
	[tilespmem:$0x1FE50] =	vst v1;
	v1 =	vshll.u32 v16, $0x8  }
0x3ff: {  	v2 =	vshra.s32 v2, $0x2;
	(v2sf) =	vpush v14, $0x5;
	s26 =	spop (v2sf);
	v36 =	vld [tilespmem:$0x1FE40];
	v3 =	vshra.s32 v1, $0x2  }
0x400: {  	s1 =	sadd.s32 s22, s18;
	v7 =	vadd.bf16 v7, v10;
	s28 =	spop (v2sf);
	v37 =	vld [tilespmem:s0+$0x10];
	v1 =	vshll.u32 v15, $0x8;
	(v2sf) =	vpush v3, $0x6  }
0x401: {  	s1 =	sshll.u32 s1, $0x8;
	v10 =	vshll.u32 v14, $0x8;
	s29 =	spop (v2sf);
	v38 =	vld [tilespmem:s0+$0x20];
	v1 =	vshra.s32 v1, $0x2;
	(v2sf) =	vpush v2, $0x6  }
0x402: {  	s1 =	sshra.s32 s1, $0x2;
	v10 =	vshra.s32 v10, $0x2;
	v7 =	vadd.bf16 v61, v7;
	s30 =	spop (v2sf);
	v39 =	vld [tilespmem:s0+$0x30];
	(v2sf) =	vpush v1, $0x6  }
0x403: {  	s31 =	spop (v2sf);
	v16 =	vshll.u32 v16, $0x6;
	v50 =	vld [tilespmem:s1+$0x0];
	(v2sf) =	vpush v10, $0x6  }
0x404: {  	v13 =	vshll.u32 v13, $0x6;
	v7 =	vadd.bf16 v46, v7;
	s7 =	spop (v2sf);
	s2 =	sadd.s32 s25, s21;
	v51 =	vld [tilespmem:s1+$0x10];
	(v2sf) =	vpush v16, $0x7  }
0x405: {  	s8 =	spop (v2sf);
	s2 =	sshll.u32 s2, $0x8;
	v52 =	vld [tilespmem:s1+$0x20];
	v15 =	vshll.u32 v15, $0x6;
	(v2sf) =	vpush v13, $0x7  }
0x406: {  	v14 =	vshll.u32 v14, $0x6;
	v7 =	vadd.bf16 v30, v7;
	s2 =	sshra.s32 s2, $0x2;
	v53 =	vld [tilespmem:s1+$0x30];
	(v2sf) =	vpush v15, $0x7  }
0x407: {  	v63 =	vld [tilespmem:s2+$0x0];
	(v2sf) =	vpush v14, $0x7  }
0x408: {  	v7 =	vadd.bf16 v34, v7;
	s0 =	sadd.s32 s23, s19;
	v35 =	vld [tilespmem:s2+$0x10];
	(v2sf) =	vpush v3, $0x8  }
0x409: {  	v33 =	vld [tilespmem:s2+$0x20];
	s0 =	sshll.u32 s0, $0x8;
	(v2sf) =	vpush v2, $0x8  }
0x40a: {  	v7 =	vadd.bf16 v9, v7;
	v32 =	vld [tilespmem:s2+$0x30];
	s0 =	sshra.s32 s0, $0x2;
	(v2sf) =	vpush v1, $0x8  }
0x40b: {  	v55 =	vld [tilespmem:s0+$0x0];
	(v2sf) =	vpush v10, $0x8  }
0x40c: {  	s1 =	sadd.s32 s24, s20;
	(v2sf) =	vpush v16, $0x9;
	v16 =	vadd.bf16 v4, v7;
	v4 =	vld [tilespmem:$0x1FCC0]  }
0x40d: {  	s1 =	sshll.u32 s1, $0x8;
	v54 =	vld [tilespmem:s0+$0x10];
	v7 =	vadd.bf16 v47, v40  }
0x40e: {  	s1 =	sshra.s32 s1, $0x2;
	v56 =	vld [tilespmem:s0+$0x20]  }
0x40f: {  	s10 =	spop (v2sf);
	v58 =	vld [tilespmem:s1+$0x0];
	v7 =	vadd.bf16 v42, v7  }
0x410: {  	v59 =	vld [tilespmem:s1+$0x10];
	(v2sf) =	vpush v13, $0x9;
	s12 =	spop (v2sf)  }
0x411: {  	s13 =	spop (v2sf);
	(v2sf) =	vpush v15, $0x9;
	v7 =	vadd.bf16 v4, v7;
	v4 =	vld [tilespmem:$0x1FCD0]  }
0x412: {  	v49 =	vadd.bf16 v49, v43;
	v60 =	vld [tilespmem:s1+$0x20];
	(v2sf) =	vpush v14, $0x9  }
0x413: {  	s14 =	spop (v2sf);
	(v2sf) =	vpush v3, $0xA;
	v3 =	vld [tilespmem:$0x1FCE0]  }
0x414: {  	v62 =	vld [tilespmem:s1+$0x30];
	v40 =	vadd.bf16 v44, v49;
	v15 =	vadd.bf16 v48, v41  }
0x415: {  	s6 =	sadd.s32 s26, s31;
	(v2sf) =	vpush v2, $0xA;
	v2 =	vld [tilespmem:$0x1FD00]  }
0x416: {  	s1 =	sshll.u32 s6, $0x8;
	v14 =	vadd.bf16 v45, v15;
	v40 =	vadd.bf16 v4, v40;
	v4 =	vld [tilespmem:$0x1FCF0]  }
0x417: {  	v57 =	vld [tilespmem:s0+$0x30];
	s1 =	sadd.s32 $0x37200, s1  }
0x418: {  	s1 =	sshra.s32 s1, $0x2;
	(v2sf) =	vpush v1, $0xA;
	v1 =	vld [tilespmem:$0x1FD30];
	v3 =	vadd.bf16 v3, v14  }
0x419: {  	v31 =	vld [tilespmem:s1+$0x0]  }
0x41a: {  	v2 =	vadd.bf16 v2, v3;
	v3 =	vld [tilespmem:$0x1FD10]  }
0x41b: {  	v40 =	vadd.bf16 v4, v40;
	v4 =	vld [tilespmem:$0x1FD20]  }
0x41c: {  	s0 =	sadd.s32 s28, s7;
	v29 =	vld [tilespmem:s1+$0x10]  }
0x41d: {  	s0 =	sshll.u32 s0, $0x8;
	v1 =	vadd.bf16 v1, v2;
	v2 =	vld [tilespmem:$0x1FD40]  }
0x41e: {  	s0 =	sadd.s32 $0x37200, s0;
	v28 =	vld [tilespmem:s1+$0x20];
	v7 =	vadd.bf16 v8, v7  }
0x41f: {  	s0 =	sshra.s32 s0, $0x2;
	v27 =	vld [tilespmem:s1+$0x30]  }
0x420: {  	v26 =	vld [tilespmem:s0+$0x0];
	v3 =	vadd.bf16 v3, v7;
	v7 =	vadd.bf16 v4, v40  }
0x421: {  	v25 =	vld [tilespmem:s0+$0x10]  }
0x422: {  	s9 =	sadd.s32 s29, s8;
	v7 =	vadd.bf16 v2, v7;
	v2 =	vld [tilespmem:$0x1FD50]  }
0x423: {  	s1 =	sshll.u32 s9, $0x8;
	v24 =	vld [tilespmem:s0+$0x20]  }
0x424: {  	s1 =	sadd.s32 $0x37200, s1;
	v23 =	vld [tilespmem:s0+$0x30]  }
0x425: {  	s1 =	sshra.s32 s1, $0x2;
	v62 =	vadd.bf16 v36, v62;
	v36 =	vld [tilespmem:$0x1FE50]  }
0x426: {  	v22 =	vld [tilespmem:s1+$0x0]  }
0x427: {  	s11 =	sadd.s32 s30, s10;
	v1 =	vadd.bf16 v2, v1;
	v2 =	vld [tilespmem:$0x1FD60]  }
0x428: {  	s0 =	sshll.u32 s11, $0x8;
	v61 =	vld [tilespmem:s1+$0x10]  }
0x429: {  	s0 =	sadd.s32 $0x37200, s0;
	v21 =	vld [tilespmem:s1+$0x20]  }
0x42a: {  	s0 =	sshra.s32 s0, $0x2;
	v46 =	vld [tilespmem:s1+$0x30];
	v3 =	vadd.bf16 v12, v3  }
0x42b: {  	v20 =	vld [tilespmem:s0+$0x0]  }
0x42c: {  	(v2sf) =	vpush v10, $0xA;
	v10 =	vadd.bf16 v2, v3;
	v2 =	vld [tilespmem:$0x1FD70]  }
0x42d: {  	v30 =	vld [tilespmem:s0+$0x10]  }
0x42e: {  	v19 =	vld [tilespmem:s0+$0x20]  }
0x42f: {  	v34 =	vld [tilespmem:s0+$0x30]  }
0x430: {  	v18 =	vld [tilespmem:s12+$0x14AC0]  }
0x431: {  	v12 =	vadd.bf16 v2, v7;
	v2 =	vld [tilespmem:$0x1FD80]  }
0x432: {  	v17 =	vld [tilespmem:s12+$0x14AD0]  }
0x433: {  	v11 =	vld [tilespmem:s12+$0x14AE0]  }
0x434: {  	v9 =	vld [tilespmem:s12+$0x14AF0]  }
0x435: {  	v43 =	vld [tilespmem:s13+$0x14AC0]  }
0x436: {  	v13 =	vadd.bf16 v2, v1;
	v2 =	vld [tilespmem:$0x1FDA0]  }
0x437: {  	v41 =	vld [tilespmem:s13+$0x14AD0]  }
0x438: {  	v42 =	vld [tilespmem:s13+$0x14AE0]  }
0x439: {  	v15 =	vld [tilespmem:s13+$0x14AF0]  }
0x43a: {  	v44 =	vld [tilespmem:s14+$0x14AC0]  }
0x43b: {  	v51 =	vadd.bf16 v2, v51;
	v2 =	vld [tilespmem:$0x1FDB0]  }
0x43c: {  	v45 =	vld [tilespmem:s14+$0x14AE0]  }
0x43d: {  	s17 =	spop (v2sf);
	v47 =	vld [tilespmem:s14+$0x14AF0]  }
0x43e: {  	v8 =	vld [tilespmem:s17+$0x14AD0]  }
0x43f: {  	v48 =	vld [tilespmem:s17+$0x14AE0]  }
0x440: {  	v52 =	vadd.bf16 v2, v52;
	v2 =	vld [tilespmem:$0x1FDC0]  }
0x441: {  	s18 =	spop (v2sf);
	v49 =	vld [tilespmem:s17+$0x14AF0]  }
0x442: {  	v6 =	vld [tilespmem:s18+$0x15020]  }
0x443: {  	s19 =	spop (v2sf);
	v5 =	vld [tilespmem:s18+$0x15030]  }
0x444: {  	v36 =	vadd.bf16 v36, v63;
	v63 =	vld [tilespmem:s19+$0x15030]  }
0x445: {  	s20 =	spop (v2sf);
	v53 =	vadd.bf16 v2, v53;
	v2 =	vld [tilespmem:$0x1FDD0]  }
0x446: {  	v35 =	vadd.bf16 v37, v35;
	v37 =	vld [tilespmem:s20+$0x15000]  }
0x447: {  	v33 =	vadd.bf16 v38, v33;
	v38 =	vld [tilespmem:s20+$0x15020]  }
0x448: {  	v32 =	vadd.bf16 v39, v32;
	v39 =	vld [tilespmem:s20+$0x15030]  }
0x449: {  	s21 =	spop (v2sf);
	v14 =	vld [tilespmem:s14+$0x14AD0]  }
0x44a: {  	v46 =	vadd.bf16 v46, v62;
	s22 =	spop (v2sf);
	v55 =	vadd.bf16 v2, v55;
	v2 =	vld [tilespmem:$0x1FDE0]  }
0x44b: {  	v30 =	vadd.bf16 v30, v35;
	v62 =	vld [tilespmem:s22+$0x15540];
	s23 =	spop (v2sf)  }
0x44c: {  	v46 =	vadd.bf16 v47, v46;
	s24 =	spop (v2sf);
	v47 =	vld [tilespmem:s23+$0x15570]  }
0x44d: {  	v8 =	vadd.bf16 v8, v30;
	v30 =	vld [tilespmem:s24+$0x15540]  }
0x44e: {  	v1 =	vld [tilespmem:$0x1FD90]  }
0x44f: {  	v54 =	vadd.bf16 v2, v54;
	v2 =	vld [tilespmem:$0x1FDF0]  }
0x450: {  	v40 =	vld [tilespmem:s17+$0x14AC0]  }
0x451: {  	v4 =	vld [tilespmem:s19+$0x15000]  }
0x452: {  	v3 =	vld [tilespmem:s19+$0x15010]  }
0x453: {  	v7 =	vld [tilespmem:s18+$0x15000]  }
0x454: {  	v1 =	vadd.bf16 v1, v50;
	v56 =	vadd.bf16 v2, v56;
	v2 =	vld [tilespmem:$0x1FE00]  }
0x455: {  	v20 =	vadd.bf16 v20, v36;
	v50 =	vld [tilespmem:s18+$0x15010]  }
0x456: {  	v19 =	vadd.bf16 v19, v33;
	v1 =	vadd.bf16 v31, v1;
	v31 =	vld [tilespmem:s20+$0x15010]  }
0x457: {  	v32 =	vadd.bf16 v34, v32;
	v29 =	vadd.bf16 v29, v51;
	v51 =	vld [tilespmem:s21+$0x15000]  }
0x458: {  	v19 =	vadd.bf16 v48, v19;
	v1 =	vadd.bf16 v18, v1;
	v18 =	vld [tilespmem:s22+$0x15550]  }
0x459: {  	v32 =	vadd.bf16 v49, v32;
	v57 =	vadd.bf16 v2, v57;
	v2 =	vld [tilespmem:$0x1FE10]  }
0x45a: {  	v17 =	vadd.bf16 v17, v29;
	v29 =	vld [tilespmem:s23+$0x15540];
	v28 =	vadd.bf16 v28, v52  }
0x45b: {  	v20 =	vadd.bf16 v40, v20;
	v1 =	vadd.bf16 v7, v1;
	v7 =	vld [tilespmem:s24+$0x15550]  }
0x45c: {  	s25 =	spop (v2sf);
	v17 =	vadd.bf16 v50, v17;
	v11 =	vadd.bf16 v11, v28;
	v28 =	vld [tilespmem:s22+$0x15560]  }
0x45d: {  	v50 =	vld [tilespmem:s25+$0x15550];
	v20 =	vadd.bf16 v51, v20;
	v27 =	vadd.bf16 v27, v53  }
0x45e: {  	v33 =	vadd.bf16 v62, v1;
	v58 =	vadd.bf16 v2, v58;
	v2 =	vld [tilespmem:$0x1FE20]  }
0x45f: {  	v6 =	vadd.bf16 v6, v11;
	v11 =	vld [tilespmem:s24+$0x15560];
	v9 =	vadd.bf16 v9, v27  }
0x460: {  	v17 =	vadd.bf16 v18, v17;
	v53 =	vld [tilespmem:s25+$0x15570];
	v26 =	vadd.bf16 v26, v55  }
0x461: {  	s26 =	spop (v2sf);
	v27 =	vld [tilespmem:s22+$0x15570];
	v18 =	vadd.bf16 v28, v6;
	v5 =	vadd.bf16 v5, v9  }
0x462: {  	v28 =	vld [tilespmem:s26+$0x15AA0];
	v26 =	vadd.bf16 v43, v26;
	v25 =	vadd.bf16 v25, v54  }
0x463: {  	v23 =	vadd.bf16 v23, v57;
	v59 =	vadd.bf16 v2, v59;
	v2 =	vld [tilespmem:$0x1FE30]  }
0x464: {  	v4 =	vadd.bf16 v4, v26;
	v26 =	vld [tilespmem:s24+$0x15570];
	v25 =	vadd.bf16 v41, v25  }
0x465: {  	v24 =	vadd.bf16 v24, v56;
	v56 =	vld [tilespmem:s26+$0x15A80];
	v15 =	vadd.bf16 v15, v23  }
0x466: {  	v27 =	vadd.bf16 v27, v5;
	v22 =	vadd.bf16 v22, v58;
	v58 =	vld [tilespmem:s21+$0x15010]  }
0x467: {  	v3 =	vadd.bf16 v3, v25;
	v57 =	vld [tilespmem:s26+$0x15A90];
	v9 =	vadd.bf16 v63, v15  }
0x468: {  	v22 =	vadd.bf16 v44, v22;
	v44 =	vld [tilespmem:s23+$0x15550];
	v60 =	vadd.bf16 v2, v60  }
0x469: {  	v24 =	vadd.bf16 v42, v24;
	v59 =	vadd.bf16 v61, v59;
	v61 =	vld [tilespmem:s21+$0x15030]  }
0x46a: {  	v40 =	vadd.bf16 v47, v9;
	v2 =	vld [tilespmem:s19+$0x15020];
	v21 =	vadd.bf16 v21, v60  }
0x46b: {  	v15 =	vadd.bf16 v37, v22;
	v55 =	vadd.bf16 v58, v8;
	v60 =	vld [tilespmem:s21+$0x15020]  }
0x46c: {  	v58 =	vadd.bf16 v29, v4;
	v21 =	vadd.bf16 v45, v21;
	v45 =	vld [tilespmem:s23+$0x15560]  }
0x46d: {  	s28 =	spop (v2sf);
	v25 =	vld [tilespmem:s25+$0x15560];
	v29 =	vadd.bf16 v56, v33;
	v62 =	vadd.bf16 v30, v15  }
0x46e: {  	s9 =	simm.s32 $0x1B0C0;
	v1 =	vunpack.i.u.bf16.f32 v16;
	v63 =	vld [tilespmem:s28+$0x15A90];
	v30 =	vadd.bf16 v57, v17;
	v14 =	vadd.bf16 v14, v59  }
0x46f: {  	v5 =	vunpack.i.u.bf16.f32 v10;
	[tilespmem:s9+$0x130] =	vst v1;
	v3 =	vadd.bf16 v44, v3;
	v2 =	vadd.bf16 v2, v24;
	v24 =	vld [tilespmem:s25+$0x15540]  }
0x470: {  	v1 =	vunpack.i.l.bf16.f32 v10;
	[tilespmem:s9+$0xD0] =	vst v5;
	v59 =	vld [tilespmem:s26+$0x15AB0];
	v14 =	vadd.bf16 v31, v14;
	v32 =	vadd.bf16 v61, v32  }
0x471: {  	[tilespmem:s9+$0xC0] =	vst v1;
	v61 =	vld [tilespmem:s28+$0x15A80];
	v19 =	vadd.bf16 v60, v19;
	v60 =	vadd.bf16 v45, v2;
	v2 =	vunpack.i.l.bf16.f32 v16  }
0x472: {  	s29 =	spop (v2sf);
	v31 =	vadd.bf16 v39, v46;
	v9 =	vadd.bf16 v7, v14;
	v7 =	vld [tilespmem:s28+$0x15AA0];
	[tilespmem:s9+$0x120] =	vst v2  }
0x473: {  	v21 =	vadd.bf16 v38, v21;
	v6 =	vadd.bf16 v25, v19;
	v19 =	vld [tilespmem:s29+$0x15A80];
	s30 =	rddreg [dreg:$0x18]  }
0x474: {  	v10 =	vunpack.i.l.bf16.f32 v12;
	v1 =	vadd.bf16 v50, v55;
	v2 =	vadd.bf16 v24, v20;
	v20 =	vld [tilespmem:s28+$0x15AB0];
	s0 =	sshll.u32 s30, $0x4  }
0x475: {  	s31 =	rddreg [dreg:$0x1];
	s10 =	spop (v2sf);
	v12 =	vunpack.i.u.bf16.f32 v12;
	v4 =	vadd.bf16 v26, v31;
	v8 =	vadd.bf16 v11, v21;
	v11 =	vld [tilespmem:s29+$0x15A90];
	[tilespmem:s9+$0xE0] =	vst v10;
	s0 =	sand.u32 $0x1FFFFFF0, s0  }
0x476: {  	s14 =	spop (v2sf);
	v14 =	vadd.bf16 v63, v3;
	v5 =	vadd.bf16 v53, v32;
	v16 =	vld [tilespmem:s29+$0x15AA0];
	[tilespmem:s9+$0xF0] =	vst v12;
	s0 =	sadd.s32 s31, s0  }
0x477: {  	s13 =	spop (v2sf);
	v17 =	vld [tilespmem:s29+$0x15AB0];
	v15 =	vadd.bf16 v61, v58;
	v25 =	vadd.bf16 v28, v18;
	v10 =	vunpack.i.l.bf16.f32 v13;
	[dreg:$0x1c] =	wrdreg s0  }
0x478: {  	v18 =	vadd.bf16 v59, v27;
	v12 =	vunpack.i.u.bf16.f32 v13;
	v13 =	vadd.bf16 v7, v60;
	s0 =	spop (v2sf);
	[tilespmem:s9+$0x100] =	vst v10;
	v10 =	vld [tilespmem:s10+$0x15A80]  }
0x479: {  	s5 =	sadd.s32 $0x37, s15;
	s7 =	simm.s32 $0x0;
	v7 =	vadd.bf16 v20, v40;
	s1 =	spop (v2sf);
	[tilespmem:s9+$0x110] =	vst v12;
	v12 =	vadd.bf16 v19, v62;
	v3 =	vld [tilespmem:s10+$0x15A90]  }
.LBB2_19:
0x47a: {  	v33 =	vld.idx.msk [tilespmem:v0+s5+$0x0 ss:$0x1], $0xffff;
	v32 =	vadd.bf16 v11, v9  }
0x47b: {  	v20 =	vld.idx.msk [tilespmem:v0+s5+$0xFFFFFFDF ss:$0x1], $0xffff;
	v31 =	vadd.bf16 v16, v8  }
0x47c: {  	v19 =	vld.idx.msk [tilespmem:v0+s5+$0xFFFFFFEA ss:$0x1], $0xffff;
	v28 =	vadd.bf16 v17, v4  }
0x47d: {  	v17 =	vld.idx.msk [tilespmem:v0+s5+$0xFFFFFFF5 ss:$0x1], $0xffff;
	v27 =	vadd.bf16 v10, v2  }
0x47e: {  	v21 =	vld.idx.msk [tilespmem:v0+s5+$0xFFFFFFD4 ss:$0x1], $0xffff;
	v16 =	vadd.bf16 v3, v1  }
0x47f: {  	v34 =	vld [tilespmem:s10+$0x15AA0]  }
0x480: {  	s7 =	sadd.s32 $0x5, s7;
	v1 =	vshll.u32 v33, $0x6;
	v35 =	vld [tilespmem:s10+$0x15AB0]  }
0x481: {  	p0 =	slt.u32 s7, $0x78;
	v24 =	vmul.u32 $0x15, v20;
	v2 =	vshll.u32 v20, $0x8;
	(v2sf) =	vpush v1, $0x9;
	v36 =	vld [tilespmem:s14+$0x15FC0]  }
0x482: {  	v23 =	vmul.u32 $0x15, v19;
	v8 =	vshll.u32 v19, $0x8;
	(v2sf) =	vpush v20, $0x3;
	v37 =	vld [tilespmem:s14+$0x15FD0]  }
0x483: {  	v22 =	vmul.u32 $0x15, v17;
	v9 =	vshll.u32 v17, $0x8;
	(v2sf) =	vpush v33, $0x5;
	v38 =	vld [tilespmem:s14+$0x15FE0]  }
0x484: {  	v26 =	vmul.u32 $0x15, v21;
	v3 =	vshll.u32 v21, $0x8;
	(v2sf) =	vpush v33, $0x1;
	v39 =	vld [tilespmem:s14+$0x15FF0]  }
0x485: {  	v40 =	vmul.u32 $0x15, v33;
	v4 =	vshra.s32 v3, $0x2;
	(v2sf) =	vpush v1, $0x7;
	v41 =	vld [tilespmem:s13+$0x15FC0]  }
0x486: {  	v3 =	vshra.s32 v2, $0x2;
	v2 =	vshra.s32 v8, $0x2;
	(v2sf) =	vpush v33, $0x3;
	v42 =	vld [tilespmem:s13+$0x15FD0]  }
0x487: {  	v8 =	vshll.u32 v33, $0x8;
	v1 =	vshra.s32 v9, $0x2;
	(v2sf) =	vpush v40, $0x0;
	v33 =	vld [tilespmem:s13+$0x15FE0]  }
0x488: {  	v11 =	vshll.u32 v21, $0x6;
	v43 =	vshra.s32 v8, $0x2;
	(v2sf) =	vpush v40, $0x2;
	v44 =	vld [tilespmem:s13+$0x15FF0]  }
0x489: {  	v10 =	vshll.u32 v20, $0x6;
	v9 =	vshll.u32 v19, $0x6;
	(v2sf) =	vpush v43, $0xA;
	v45 =	vld [tilespmem:s0+$0x15FC0]  }
0x48a: {  	v34 =	vadd.bf16 v34, v6;
	v8 =	vshll.u32 v17, $0x6;
	(v2sf) =	vpush v40, $0x4;
	v40 =	vld [tilespmem:s0+$0x15FD0]  }
0x48b: {  	v35 =	vadd.bf16 v35, v5;
	v6 =	vadd.bf16 v36, v29;
	v29 =	vld [tilespmem:s0+$0x15FE0]  }
0x48c: {  	v5 =	vadd.bf16 v37, v30;
	(v2sf) =	vpush v26, $0x2;
	v30 =	vld [tilespmem:s0+$0x15FF0]  }
0x48d: {  	v25 =	vadd.bf16 v38, v25;
	v36 =	vunpack.i.u.bf16.f32 v6;
	(v2sf) =	vpush v24, $0x2;
	v37 =	vld [tilespmem:s1+$0x15FC0]  }
0x48e: {  	v6 =	vunpack.i.l.bf16.f32 v6;
	v18 =	vadd.bf16 v39, v18;
	(v2sf) =	vpush v23, $0x2;
	[tilespmem:s9+$0xFFFFFED0] =	vst v36;
	v36 =	vld [tilespmem:s1+$0x15FD0]  }
0x48f: {  	v15 =	vadd.bf16 v41, v15;
	(v2sf) =	vpush v22, $0x2;
	[tilespmem:s9+$0xFFFFFEC0] =	vst v6;
	v6 =	vunpack.i.u.bf16.f32 v5;
	v38 =	vld [tilespmem:s1+$0x15FE0]  }
0x490: {  	v39 =	vunpack.i.l.bf16.f32 v5;
	v41 =	vadd.bf16 v42, v14;
	(v2sf) =	vpush v43, $0x6;
	s2 =	spop (v2sf);
	[tilespmem:s9+$0xFFFFFEF0] =	vst v6;
	v42 =	vld [tilespmem:s1+$0x15FF0]  }
0x491: {  	v14 =	vunpack.i.u.bf16.f32 v25;
	v33 =	vadd.bf16 v33, v13;
	v5 =	vld [tilespmem:s2+$0x15A80];
	s0 =	spop (v2sf);
	(v2sf) =	vpush v43, $0x8;
	[tilespmem:s9+$0xFFFFFEE0] =	vst v39  }
0x492: {  	v13 =	vunpack.i.l.bf16.f32 v25;
	v39 =	vadd.bf16 v44, v7;
	v6 =	vld [tilespmem:s2+$0x15A90];
	(v2sf) =	vpush v21, $0x3;
	s1 =	spop (v2sf);
	[tilespmem:s9+$0xFFFFFF10] =	vst v14  }
0x493: {  	v43 =	vadd.bf16 v45, v12;
	v7 =	vld [tilespmem:s2+$0x15AA0];
	(v2sf) =	vpush v19, $0x3;
	s3 =	spop (v2sf);
	[tilespmem:s9+$0xFFFFFF00] =	vst v13;
	v13 =	vunpack.i.u.bf16.f32 v18  }
0x494: {  	v32 =	vadd.bf16 v40, v32;
	v14 =	vunpack.i.l.bf16.f32 v18;
	v25 =	vld [tilespmem:s2+$0x15AB0];
	(v2sf) =	vpush v17, $0x3;
	s2 =	spop (v2sf);
	[tilespmem:s9+$0xFFFFFF30] =	vst v13  }
0x495: {  	v29 =	vadd.bf16 v29, v31;
	v13 =	vunpack.i.u.bf16.f32 v15;
	v12 =	vld [tilespmem:s2+$0x15000];
	(v2sf) =	vpush v26, $0x0;
	s4 =	spop (v2sf);
	[tilespmem:s9+$0xFFFFFF20] =	vst v14  }
0x496: {  	v28 =	vadd.bf16 v30, v28;
	v18 =	vunpack.i.l.bf16.f32 v15;
	v14 =	vld [tilespmem:s2+$0x15010];
	(v2sf) =	vpush v24, $0x0;
	s6 =	spop (v2sf);
	[tilespmem:s9+$0xFFFFFF50] =	vst v13  }
0x497: {  	v27 =	vadd.bf16 v37, v27;
	v13 =	vunpack.i.u.bf16.f32 v41;
	v15 =	vld [tilespmem:s2+$0x15020];
	(v2sf) =	vpush v23, $0x0;
	s8 =	spop (v2sf);
	[tilespmem:s9+$0xFFFFFF40] =	vst v18  }
0x498: {  	v31 =	vadd.bf16 v36, v16;
	s3 =	sadd.s32 s3, s6;
	v18 =	vunpack.i.l.bf16.f32 v41;
	s4 =	sadd.s32 s8, s4;
	v30 =	vld [tilespmem:s2+$0x15030];
	(v2sf) =	vpush v22, $0x0;
	s6 =	spop (v2sf);
	[tilespmem:s9+$0xFFFFFF70] =	vst v13  }
0x499: {  	v34 =	vadd.bf16 v38, v34;
	s2 =	sshll.u32 s3, $0x8;
	s3 =	sshll.u32 s4, $0x8;
	v13 =	vld [tilespmem:s6+$0x15FC0];
	(v2sf) =	vpush v21, $0x1;
	s4 =	spop (v2sf);
	[tilespmem:s9+$0xFFFFFF60] =	vst v18;
	v18 =	vunpack.i.u.bf16.f32 v33  }
0x49a: {  	v35 =	vadd.bf16 v42, v35;
	s2 =	sshra.s32 s2, $0x2;
	v33 =	vunpack.i.l.bf16.f32 v33;
	s3 =	sadd.s32 $0x1B900, s3;
	s4 =	sadd.s32 s4, s1;
	v16 =	vld [tilespmem:s6+$0x15FD0];
	(v2sf) =	vpush v20, $0x1;
	[tilespmem:s9+$0xFFFFFF90] =	vst v18  }
0x49b: {  	v18 =	vunpack.i.l.bf16.f32 v39;
	v36 =	vld [tilespmem:s2+$0x30];
	s1 =	sshra.s32 s3, $0x2;
	s3 =	sshll.u32 s4, $0x8;
	s4 =	spop (v2sf);
	(v2sf) =	vpush v19, $0x1;
	[tilespmem:s9+$0xFFFFFF80] =	vst v33;
	v33 =	vunpack.i.u.bf16.f32 v39  }
0x49c: {  	v38 =	vunpack.i.u.bf16.f32 v43;
	v39 =	vunpack.i.l.bf16.f32 v43;
	v37 =	vld [tilespmem:s1+$0x30];
	s3 =	sadd.s32 $0x37200, s3;
	s8 =	spop (v2sf);
	(v2sf) =	vpush v17, $0x1;
	[tilespmem:s9+$0xFFFFFFA0] =	vst v18  }
0x49d: {  	s0 =	sadd.s32 s8, s0;
	s3 =	sshra.s32 s3, $0x2;
	v18 =	vld [tilespmem:s6+$0x15FE0];
	(v2sf) =	vpush v26, $0x4;
	s10 =	spop (v2sf);
	[tilespmem:s9+$0xFFFFFFB0] =	vst v33;
	v26 =	vunpack.i.u.bf16.f32 v32;
	v32 =	vunpack.i.l.bf16.f32 v32  }
0x49e: {  	s0 =	sshll.u32 s0, $0x8;
	v33 =	vld [tilespmem:s3+$0x30];
	(v2sf) =	vpush v24, $0x4;
	s11 =	spop (v2sf);
	[tilespmem:s9+$0xFFFFFFC0] =	vst v39;
	v24 =	vunpack.i.u.bf16.f32 v29;
	v29 =	vunpack.i.l.bf16.f32 v29  }
0x49f: {  	s0 =	sadd.s32 $0x1B900, s0;
	v39 =	vld [tilespmem:s6+$0x15FF0];
	(v2sf) =	vpush v23, $0x4;
	s8 =	spop (v2sf);
	[tilespmem:s9+$0xFFFFFFD0] =	vst v38;
	v23 =	vunpack.i.u.bf16.f32 v28;
	v28 =	vunpack.i.l.bf16.f32 v28  }
0x4a0: {  	s0 =	sshra.s32 s0, $0x2;
	v38 =	vld [tilespmem:s8+$0x14AF0];
	(v2sf) =	vpush v22, $0x4;
	s6 =	spop (v2sf);
	[tilespmem:s9+$0xFFFFFFE0] =	vst v32;
	v32 =	vunpack.i.u.bf16.f32 v27;
	v27 =	vunpack.i.l.bf16.f32 v27  }
0x4a1: {  	v36 =	vadd.bf16 v37, v36;
	v22 =	vld [tilespmem:s6+$0x15540];
	s12 =	spop (v2sf);
	(v2sf) =	vpush v21, $0x5;
	[tilespmem:s9+$0xFFFFFFF0] =	vst v26;
	v26 =	vunpack.i.u.bf16.f32 v31  }
0x4a2: {  	s4 =	sadd.s32 s4, s12;
	v21 =	vld [tilespmem:s6+$0x15550];
	(v2sf) =	vpush v20, $0x5;
	s12 =	spop (v2sf);
	[tilespmem:s9+$0x0] =	vst v29;
	v29 =	vunpack.i.l.bf16.f32 v31;
	v31 =	vunpack.i.u.bf16.f32 v34  }
0x4a3: {  	s4 =	sshll.u32 s4, $0x8;
	s10 =	sadd.s32 s10, s12;
	v33 =	vadd.bf16 v33, v36;
	v20 =	vld [tilespmem:s6+$0x15560];
	(v2sf) =	vpush v19, $0x5;
	s12 =	spop (v2sf);
	[tilespmem:s9+$0x10] =	vst v24;
	v24 =	vunpack.i.l.bf16.f32 v34  }
0x4a4: {  	s10 =	sshll.u32 s10, $0x8;
	s11 =	sadd.s32 s11, s12;
	v34 =	vld [tilespmem:s6+$0x15570];
	s12 =	spop (v2sf);
	(v2sf) =	vpush v17, $0x5;
	[tilespmem:s9+$0x20] =	vst v28;
	v28 =	vunpack.i.u.bf16.f32 v35;
	v35 =	vunpack.i.l.bf16.f32 v35  }
0x4a5: {  	s4 =	sadd.s32 $0x1B900, s4;
	s6 =	sshll.u32 s11, $0x8;
	v17 =	vld [tilespmem:s8+$0x14AC0];
	v33 =	vadd.bf16 v38, v33;
	(v2sf) =	vpush v4, $0x6;
	s11 =	spop (v2sf);
	[tilespmem:s9+$0x30] =	vst v23  }
0x4a6: {  	s10 =	sadd.s32 $0x1B900, s10;
	s13 =	sadd.s32 $0x1B900, s6;
	v19 =	vld [tilespmem:s8+$0x14AD0];
	(v2sf) =	vpush v3, $0x6;
	s14 =	spop (v2sf);
	[tilespmem:s9+$0x40] =	vst v27  }
0x4a7: {  	s4 =	sshra.s32 s4, $0x2;
	s6 =	sshra.s32 s10, $0x2;
	v23 =	vld [tilespmem:s8+$0x14AE0];
	v27 =	vadd.bf16 v30, v33;
	(v2sf) =	vpush v2, $0x6;
	s8 =	spop (v2sf);
	[tilespmem:s9+$0x50] =	vst v32  }
0x4a8: {  	s10 =	sshra.s32 s13, $0x2;
	v30 =	vld [tilespmem:s2+$0x0];
	s13 =	spop (v2sf);
	(v2sf) =	vpush v1, $0x6;
	[tilespmem:s9+$0x60] =	vst v29  }
0x4a9: {  	s12 =	sadd.s32 s13, s12;
	v29 =	vld [tilespmem:s2+$0x10];
	v27 =	vadd.bf16 v34, v27;
	(v2sf) =	vpush v11, $0x7;
	s13 =	spop (v2sf);
	[tilespmem:s9+$0x70] =	vst v26  }
0x4aa: {  	s12 =	sshll.u32 s12, $0x8;
	s11 =	sadd.s32 s13, s11;
	v26 =	vld [tilespmem:s2+$0x20];
	(v2sf) =	vpush v10, $0x7;
	s2 =	spop (v2sf);
	[tilespmem:s9+$0x80] =	vst v24  }
0x4ab: {  	s11 =	sshll.u32 s11, $0x8;
	s2 =	sadd.s32 s2, s14;
	v24 =	vld [tilespmem:s3+$0x0];
	v25 =	vadd.bf16 v25, v27;
	(v2sf) =	vpush v9, $0x7;
	s13 =	spop (v2sf);
	[tilespmem:s9+$0x90] =	vst v31  }
0x4ac: {  	s2 =	sshll.u32 s2, $0x8;
	s8 =	sadd.s32 s13, s8;
	v27 =	vld [tilespmem:s3+$0x10];
	s14 =	spop (v2sf);
	(v2sf) =	vpush v8, $0x7;
	[tilespmem:s9+$0xA0] =	vst v35  }
0x4ad: {  	s13 =	sshra.s32 s12, $0x2;
	s8 =	sshll.u32 s8, $0x8;
	v31 =	vld [tilespmem:s3+$0x20];
	v25 =	vadd.bf16 v39, v25;
	(v2sf) =	vpush v4, $0x8;
	s3 =	spop (v2sf);
	[tilespmem:s9+$0xB0] =	vst v28  }
0x4ae: {  	s15 =	sshra.s32 s11, $0x2;
	s30 =	sshra.s32 s2, $0x2;
	v28 =	vld [tilespmem:s1+$0x0];
	(v2sf) =	vpush v3, $0x8;
	s2 =	spop (v2sf)  }
0x4af: {  	s9 =	sadd.s32 $0x280, s9;
	s29 =	sshra.s32 s8, $0x2;
	v32 =	vld [tilespmem:s1+$0x10];
	v33 =	vunpack.i.u.bf16.f32 v25;
	v25 =	vunpack.i.l.bf16.f32 v25;
	(v2sf) =	vpush v2, $0x8;
	s8 =	spop (v2sf)  }
0x4b0: {  	v34 =	vld [tilespmem:s1+$0x20];
	[tilespmem:s9+$0x130] =	vst v33;
	s1 =	spop (v2sf);
	(v2sf) =	vpush v1, $0x8  }
0x4b1: {  	v33 =	vld [tilespmem:s4+$0x0];
	s1 =	sadd.s32 s14, s1;
	[tilespmem:s9+$0x120] =	vst v25;
	(v2sf) =	vpush v11, $0x9;
	s11 =	spop (v2sf)  }
0x4b2: {  	v11 =	vld [tilespmem:s4+$0x10];
	s1 =	sshll.u32 s1, $0x8;
	s3 =	sadd.s32 s3, s11;
	(v2sf) =	vpush v10, $0x9;
	s11 =	spop (v2sf)  }
0x4b3: {  	v10 =	vld [tilespmem:s4+$0x20];
	s12 =	sshll.u32 s3, $0x8;
	s2 =	sadd.s32 s2, s11;
	v25 =	vadd.bf16 v28, v30;
	(v2sf) =	vpush v9, $0x9;
	s3 =	spop (v2sf)  }
0x4b4: {  	v9 =	vld [tilespmem:s4+$0x30];
	s2 =	sshll.u32 s2, $0x8;
	s3 =	sadd.s32 s8, s3;
	v28 =	vadd.bf16 v32, v29;
	s28 =	spop (v2sf);
	(v2sf) =	vpush v8, $0x9  }
0x4b5: {  	s1 =	sadd.s32 $0x37200, s1;
	v8 =	vld [tilespmem:s0+$0x0];
	s8 =	sshll.u32 s3, $0x8;
	v26 =	vadd.bf16 v34, v26;
	(v2sf) =	vpush v4, $0xA;
	s3 =	spop (v2sf)  }
0x4b6: {  	s11 =	sadd.s32 $0x37200, s12;
	s2 =	sadd.s32 $0x37200, s2;
	v24 =	vadd.bf16 v24, v25;
	v4 =	vld [tilespmem:s0+$0x10];
	(v2sf) =	vpush v3, $0xA;
	s4 =	spop (v2sf)  }
0x4b7: {  	s18 =	sshra.s32 s1, $0x2;
	s1 =	sadd.s32 $0x37200, s8;
	v25 =	vadd.bf16 v27, v28;
	v3 =	vld [tilespmem:s0+$0x20];
	(v2sf) =	vpush v2, $0xA;
	s26 =	spop (v2sf)  }
0x4b8: {  	s31 =	sshra.s32 s11, $0x2;
	s8 =	sshra.s32 s2, $0x2;
	v26 =	vadd.bf16 v31, v26;
	v2 =	vld [tilespmem:s0+$0x30];
	s25 =	spop (v2sf);
	(v2sf) =	vpush v1, $0xA  }
0x4b9: {  	s17 =	sshra.s32 s1, $0x2;
	v17 =	vadd.bf16 v17, v24;
	v19 =	vadd.bf16 v19, v25;
	v1 =	vld [tilespmem:s6+$0x0];
	s24 =	spop (v2sf)  }
0x4ba: {  	v23 =	vadd.bf16 v23, v26;
	v24 =	vld [tilespmem:s6+$0x10];
	s23 =	spop (v2sf)  }
0x4bb: {  	v12 =	vadd.bf16 v12, v17;
	v14 =	vadd.bf16 v14, v19;
	v25 =	vld [tilespmem:s6+$0x20];
	s2 =	spop (v2sf)  }
0x4bc: {  	v15 =	vadd.bf16 v15, v23;
	v17 =	vld [tilespmem:s6+$0x30];
	s6 =	spop (v2sf)  }
0x4bd: {  	v12 =	vadd.bf16 v22, v12;
	v14 =	vadd.bf16 v21, v14;
	v19 =	vld [tilespmem:s10+$0x0];
	s12 =	spop (v2sf)  }
0x4be: {  	v15 =	vadd.bf16 v20, v15;
	v21 =	vld [tilespmem:s10+$0x10];
	s11 =	spop (v2sf)  }
0x4bf: {  	v5 =	vadd.bf16 v5, v12;
	v6 =	vadd.bf16 v6, v14;
	v20 =	vld [tilespmem:s10+$0x20];
	s21 =	spop (v2sf)  }
0x4c0: {  	v7 =	vadd.bf16 v7, v15;
	v12 =	vld [tilespmem:s10+$0x30];
	s22 =	spop (v2sf)  }
0x4c1: {  	v5 =	vadd.bf16 v13, v5;
	v6 =	vadd.bf16 v16, v6;
	v14 =	vld [tilespmem:s13+$0x0];
	s20 =	spop (v2sf)  }
0x4c2: {  	v7 =	vadd.bf16 v18, v7;
	v13 =	vld [tilespmem:s13+$0x10];
	s19 =	spop (v2sf)  }
0x4c3: {  	v16 =	vunpack.i.u.bf16.f32 v5;
	v5 =	vunpack.i.l.bf16.f32 v5;
	v18 =	vunpack.i.u.bf16.f32 v6;
	v15 =	vld [tilespmem:s13+$0x20];
	s10 =	spop (v2sf)  }
0x4c4: {  	v22 =	vld [tilespmem:s13+$0x30];
	[tilespmem:s9+$0xC0] =	vst v5;
	v5 =	vunpack.i.l.bf16.f32 v6;
	v6 =	vunpack.i.u.bf16.f32 v7;
	v7 =	vunpack.i.l.bf16.f32 v7;
	s14 =	spop (v2sf)  }
0x4c5: {  	v23 =	vld [tilespmem:s15+$0x0];
	[tilespmem:s9+$0xD0] =	vst v16;
	s13 =	spop (v2sf)  }
0x4c6: {  	v14 =	vadd.bf16 v33, v14;
	v16 =	vld [tilespmem:s15+$0x10];
	[tilespmem:s9+$0xE0] =	vst v5;
	s0 =	spop (v2sf)  }
0x4c7: {  	v5 =	vadd.bf16 v11, v13;
	v11 =	vld [tilespmem:s15+$0x20];
	[tilespmem:s9+$0xF0] =	vst v18;
	s1 =	spop (v2sf)  }
0x4c8: {  	v10 =	vadd.bf16 v10, v15;
	v13 =	vld [tilespmem:s15+$0x30];
	[tilespmem:s9+$0x100] =	vst v7  }
0x4c9: {  	v7 =	vadd.bf16 v9, v22;
	v9 =	vld [tilespmem:s30+$0x0];
	[tilespmem:s9+$0x110] =	vst v6  }
0x4ca: {  	v6 =	vadd.bf16 v8, v23;
	v8 =	vld [tilespmem:s30+$0x10]  }
0x4cb: {  	v4 =	vadd.bf16 v4, v16;
	v15 =	vld [tilespmem:s30+$0x20]  }
0x4cc: {  	v3 =	vadd.bf16 v3, v11;
	v11 =	vld [tilespmem:s30+$0x30]  }
0x4cd: {  	v2 =	vadd.bf16 v2, v13;
	v13 =	vld [tilespmem:s29+$0x0]  }
0x4ce: {  	v1 =	vadd.bf16 v1, v9;
	v9 =	vld [tilespmem:s29+$0x10]  }
0x4cf: {  	v8 =	vadd.bf16 v24, v8;
	v16 =	vld [tilespmem:s29+$0x20]  }
0x4d0: {  	v15 =	vadd.bf16 v25, v15;
	v18 =	vld [tilespmem:s29+$0x30]  }
0x4d1: {  	v22 =	vld [tilespmem:s18+$0x0];
	v11 =	vadd.bf16 v17, v11  }
0x4d2: {  	v17 =	vld [tilespmem:s18+$0x10];
	v13 =	vadd.bf16 v19, v13  }
0x4d3: {  	v19 =	vld [tilespmem:s18+$0x20];
	v9 =	vadd.bf16 v21, v9  }
0x4d4: {  	v21 =	vld [tilespmem:s18+$0x30];
	v16 =	vadd.bf16 v20, v16  }
0x4d5: {  	v20 =	vld [tilespmem:s31+$0x0];
	v12 =	vadd.bf16 v12, v18  }
0x4d6: {  	v14 =	vadd.bf16 v22, v14;
	v18 =	vld [tilespmem:s31+$0x10]  }
0x4d7: {  	v5 =	vadd.bf16 v17, v5;
	v17 =	vld [tilespmem:s31+$0x20]  }
0x4d8: {  	v10 =	vadd.bf16 v19, v10;
	v19 =	vld [tilespmem:s31+$0x30]  }
0x4d9: {  	v7 =	vadd.bf16 v21, v7;
	v21 =	vld [tilespmem:s8+$0x0]  }
0x4da: {  	v6 =	vadd.bf16 v20, v6;
	v20 =	vld [tilespmem:s8+$0x10]  }
0x4db: {  	v4 =	vadd.bf16 v18, v4;
	v18 =	vld [tilespmem:s8+$0x20]  }
0x4dc: {  	v3 =	vadd.bf16 v17, v3;
	v17 =	vld [tilespmem:s8+$0x30]  }
0x4dd: {  	v2 =	vadd.bf16 v19, v2;
	v19 =	vld [tilespmem:s17+$0x0]  }
0x4de: {  	v1 =	vadd.bf16 v21, v1;
	v21 =	vld [tilespmem:s17+$0x10]  }
0x4df: {  	v8 =	vadd.bf16 v20, v8;
	v20 =	vld [tilespmem:s17+$0x20]  }
0x4e0: {  	v15 =	vadd.bf16 v18, v15;
	v18 =	vld [tilespmem:s17+$0x30]  }
0x4e1: {  	v22 =	vld [tilespmem:s28+$0x14AC0];
	v11 =	vadd.bf16 v17, v11  }
0x4e2: {  	v17 =	vld [tilespmem:s28+$0x14AD0];
	v13 =	vadd.bf16 v19, v13  }
0x4e3: {  	v19 =	vld [tilespmem:s28+$0x14AE0];
	v9 =	vadd.bf16 v21, v9  }
0x4e4: {  	v21 =	vld [tilespmem:s28+$0x14AF0];
	v16 =	vadd.bf16 v20, v16  }
0x4e5: {  	v20 =	vld [tilespmem:s3+$0x14AC0];
	v12 =	vadd.bf16 v18, v12  }
0x4e6: {  	v14 =	vadd.bf16 v22, v14;
	v18 =	vld [tilespmem:s3+$0x14AD0]  }
0x4e7: {  	v5 =	vadd.bf16 v17, v5;
	v17 =	vld [tilespmem:s3+$0x14AE0]  }
0x4e8: {  	v10 =	vadd.bf16 v19, v10;
	v19 =	vld [tilespmem:s3+$0x14AF0]  }
0x4e9: {  	v7 =	vadd.bf16 v21, v7;
	v21 =	vld [tilespmem:s4+$0x14AC0]  }
0x4ea: {  	v6 =	vadd.bf16 v20, v6;
	v20 =	vld [tilespmem:s4+$0x14AD0]  }
0x4eb: {  	v4 =	vadd.bf16 v18, v4;
	v18 =	vld [tilespmem:s4+$0x14AE0]  }
0x4ec: {  	v3 =	vadd.bf16 v17, v3;
	v17 =	vld [tilespmem:s4+$0x14AF0]  }
0x4ed: {  	v2 =	vadd.bf16 v19, v2;
	v19 =	vld [tilespmem:s26+$0x14AC0]  }
0x4ee: {  	v1 =	vadd.bf16 v21, v1;
	v21 =	vld [tilespmem:s26+$0x14AD0]  }
0x4ef: {  	v8 =	vadd.bf16 v20, v8;
	v20 =	vld [tilespmem:s26+$0x14AE0]  }
0x4f0: {  	v15 =	vadd.bf16 v18, v15;
	v18 =	vld [tilespmem:s26+$0x14AF0]  }
0x4f1: {  	v22 =	vld [tilespmem:s25+$0x15000];
	v11 =	vadd.bf16 v17, v11  }
0x4f2: {  	v17 =	vld [tilespmem:s25+$0x15010];
	v13 =	vadd.bf16 v19, v13  }
0x4f3: {  	v19 =	vld [tilespmem:s25+$0x15020];
	v9 =	vadd.bf16 v21, v9  }
0x4f4: {  	v21 =	vld [tilespmem:s25+$0x15030];
	v16 =	vadd.bf16 v20, v16  }
0x4f5: {  	v20 =	vld [tilespmem:s24+$0x15000];
	v12 =	vadd.bf16 v18, v12  }
0x4f6: {  	v14 =	vadd.bf16 v22, v14;
	v18 =	vld [tilespmem:s24+$0x15010]  }
0x4f7: {  	v5 =	vadd.bf16 v17, v5;
	v17 =	vld [tilespmem:s24+$0x15020]  }
0x4f8: {  	v10 =	vadd.bf16 v19, v10;
	v19 =	vld [tilespmem:s24+$0x15030]  }
0x4f9: {  	v7 =	vadd.bf16 v21, v7;
	v21 =	vld [tilespmem:s23+$0x15000]  }
0x4fa: {  	v6 =	vadd.bf16 v20, v6;
	v20 =	vld [tilespmem:s23+$0x15010]  }
0x4fb: {  	v4 =	vadd.bf16 v18, v4;
	v18 =	vld [tilespmem:s23+$0x15020]  }
0x4fc: {  	v3 =	vadd.bf16 v17, v3;
	v17 =	vld [tilespmem:s23+$0x15030]  }
0x4fd: {  	v2 =	vadd.bf16 v19, v2;
	v19 =	vld [tilespmem:s2+$0x15000]  }
0x4fe: {  	v1 =	vadd.bf16 v21, v1;
	v21 =	vld [tilespmem:s2+$0x15010]  }
0x4ff: {  	v8 =	vadd.bf16 v20, v8;
	v20 =	vld [tilespmem:s2+$0x15020]  }
0x500: {  	v15 =	vadd.bf16 v18, v15;
	v18 =	vld [tilespmem:s2+$0x15030]  }
0x501: {  	v22 =	vld [tilespmem:s6+$0x15540];
	v11 =	vadd.bf16 v17, v11  }
0x502: {  	v17 =	vld [tilespmem:s6+$0x15550];
	v13 =	vadd.bf16 v19, v13  }
0x503: {  	v19 =	vld [tilespmem:s6+$0x15560];
	v21 =	vadd.bf16 v21, v9  }
0x504: {  	v9 =	vld [tilespmem:s6+$0x15570];
	v16 =	vadd.bf16 v20, v16  }
0x505: {  	v20 =	vld [tilespmem:s12+$0x15540];
	v12 =	vadd.bf16 v18, v12  }
0x506: {  	v14 =	vadd.bf16 v22, v14;
	v18 =	vld [tilespmem:s12+$0x15550]  }
0x507: {  	v17 =	vadd.bf16 v17, v5;
	v5 =	vld [tilespmem:s12+$0x15560]  }
0x508: {  	v10 =	vadd.bf16 v19, v10;
	v19 =	vld [tilespmem:s12+$0x15570]  }
0x509: {  	v7 =	vadd.bf16 v9, v7;
	v9 =	vld [tilespmem:s11+$0x15540]  }
0x50a: {  	v20 =	vadd.bf16 v20, v6;
	v6 =	vld [tilespmem:s11+$0x15550]  }
0x50b: {  	v22 =	vadd.bf16 v18, v4;
	v4 =	vld [tilespmem:s11+$0x15560]  }
0x50c: {  	v3 =	vadd.bf16 v5, v3;
	v5 =	vld [tilespmem:s11+$0x15570]  }
0x50d: {  	v19 =	vadd.bf16 v19, v2;
	v2 =	vld [tilespmem:s21+$0x15540]  }
0x50e: {  	v23 =	vadd.bf16 v9, v1;
	v1 =	vld [tilespmem:s21+$0x15550]  }
0x50f: {  	v9 =	vadd.bf16 v6, v8;
	v6 =	vld [tilespmem:s21+$0x15560]  }
0x510: {  	v8 =	vadd.bf16 v4, v15;
	v15 =	vld [tilespmem:s21+$0x15570]  }
0x511: {  	v18 =	vld [tilespmem:s22+$0x15A80];
	v4 =	vadd.bf16 v5, v11  }
0x512: {  	v11 =	vld [tilespmem:s22+$0x15A90];
	v2 =	vadd.bf16 v2, v13  }
0x513: {  	v13 =	vld [tilespmem:s22+$0x15AA0];
	v1 =	vadd.bf16 v1, v21  }
0x514: {  	v21 =	vld [tilespmem:s22+$0x15AB0];
	v6 =	vadd.bf16 v6, v16  }
0x515: {  	v16 =	vld [tilespmem:s20+$0x15A80];
	v5 =	vadd.bf16 v15, v12  }
0x516: {  	v29 =	vadd.bf16 v18, v14;
	v12 =	vld [tilespmem:s20+$0x15A90]  }
0x517: {  	v30 =	vadd.bf16 v11, v17;
	v17 =	vld [tilespmem:s20+$0x15AA0]  }
0x518: {  	v25 =	vadd.bf16 v13, v10;
	v10 =	vld [tilespmem:s20+$0x15AB0]  }
0x519: {  	v18 =	vadd.bf16 v21, v7;
	v21 =	vld [tilespmem:s19+$0x15A80]  }
.Ltmp8:
0x51a: {  	v15 =	vadd.bf16 v16, v20;
	v11 =	vld [tilespmem:s19+$0x15A90];
	(pc) =	sbr.rel @p0 .LBB2_19-.Ltmp8, $4  }
0x51b: {  	v14 =	vadd.bf16 v12, v22;
	v16 =	vld [tilespmem:s19+$0x15AA0]  }
0x51c: {  	v13 =	vadd.bf16 v17, v3;
	v17 =	vld [tilespmem:s19+$0x15AB0]  }
0x51d: {  	v7 =	vadd.bf16 v10, v19;
	v10 =	vld [tilespmem:s10+$0x15A80]  }
0x51e: {  	s5 =	sadd.s32 $0x37, s5;
	v12 =	vadd.bf16 v21, v23;
	v3 =	vld [tilespmem:s10+$0x15A90]  }
0x51f: {  	v0 =	vld [tilespmem:s14+$0x15FC0];
	_ =	sdelay $0x1  }
0x520: {  	v19 =	vld [tilespmem:s14+$0x15FD0];
	_ =	sdelay $0x1  }
0x521: {  	v20 =	vld [tilespmem:s14+$0x15FE0]  }
0x522: {  	v0 =	vadd.bf16 v0, v29  }
0x523: {  	v21 =	vld [tilespmem:s14+$0x15FF0]  }
0x524: {  	v23 =	vld [tilespmem:s13+$0x15FC0];
	v19 =	vadd.bf16 v19, v30;
	v22 =	vunpack.i.u.bf16.f32 v0  }
0x525: {  	v0 =	vunpack.i.l.bf16.f32 v0;
	[tilespmem:s9+$0xFFFFFED0] =	vst v22  }
0x526: {  	v32 =	vld [tilespmem:s13+$0x15FE0];
	v20 =	vadd.bf16 v20, v25;
	v28 =	vunpack.i.u.bf16.f32 v19;
	[tilespmem:s9+$0xFFFFFEC0] =	vst v0  }
0x527: {  	v34 =	vld [tilespmem:s13+$0x15FF0];
	v19 =	vunpack.i.l.bf16.f32 v19;
	[tilespmem:s9+$0xFFFFFEF0] =	vst v28  }
0x528: {  	v30 =	vadd.bf16 v21, v18;
	v31 =	vunpack.i.u.bf16.f32 v20;
	[tilespmem:s9+$0xFFFFFEE0] =	vst v19  }
0x529: {  	v36 =	vld [tilespmem:s0+$0x15FC0];
	v15 =	vadd.bf16 v23, v15;
	v20 =	vunpack.i.l.bf16.f32 v20;
	[tilespmem:s9+$0xFFFFFF10] =	vst v31  }
0x52a: {  	v33 =	vunpack.i.u.bf16.f32 v30;
	[tilespmem:s9+$0xFFFFFF00] =	vst v20  }
0x52b: {  	v39 =	vld [tilespmem:s0+$0x15FD0];
	v37 =	vadd.bf16 v32, v13;
	v35 =	vunpack.i.u.bf16.f32 v15;
	[tilespmem:s9+$0xFFFFFF30] =	vst v33  }
0x52c: {  	v29 =	vld [tilespmem:s13+$0x15FD0];
	v7 =	vadd.bf16 v34, v7;
	v15 =	vunpack.i.l.bf16.f32 v15;
	[tilespmem:s9+$0xFFFFFF50] =	vst v35  }
0x52d: {  	v44 =	vld [tilespmem:s0+$0x15FF0];
	v40 =	vunpack.i.u.bf16.f32 v37;
	[tilespmem:s9+$0xFFFFFF40] =	vst v15  }
0x52e: {  	v9 =	vadd.bf16 v11, v9;
	v42 =	vadd.bf16 v36, v12;
	v43 =	vunpack.i.l.bf16.f32 v7;
	[tilespmem:s9+$0xFFFFFF90] =	vst v40  }
0x52f: {  	v48 =	vld [tilespmem:s1+$0x15FC0];
	v7 =	vunpack.i.u.bf16.f32 v7;
	[tilespmem:s9+$0xFFFFFFA0] =	vst v43  }
0x530: {  	v4 =	vadd.bf16 v17, v4;
	v46 =	vadd.bf16 v39, v9;
	v47 =	vunpack.i.l.bf16.f32 v42;
	[tilespmem:s9+$0xFFFFFFB0] =	vst v7  }
0x531: {  	v41 =	vld [tilespmem:s0+$0x15FE0];
	v11 =	vunpack.i.u.bf16.f32 v42;
	[tilespmem:s9+$0xFFFFFFC0] =	vst v47  }
0x532: {  	v51 =	vld [tilespmem:s1+$0x15FD0];
	v2 =	vadd.bf16 v10, v2;
	v4 =	vadd.bf16 v44, v4;
	v50 =	vunpack.i.l.bf16.f32 v46;
	[tilespmem:s9+$0xFFFFFFD0] =	vst v11  }
0x533: {  	v49 =	vld [tilespmem:s10+$0x15AA0];
	v45 =	vadd.bf16 v16, v8;
	v8 =	vunpack.i.u.bf16.f32 v46;
	[tilespmem:s9+$0xFFFFFFE0] =	vst v50  }
0x534: {  	v2 =	vadd.bf16 v48, v2;
	v55 =	vunpack.i.l.bf16.f32 v4;
	[tilespmem:s9+$0xFFFFFFF0] =	vst v8  }
0x535: {  	v54 =	vld [tilespmem:s1+$0x15FE0];
	v1 =	vadd.bf16 v3, v1;
	v4 =	vunpack.i.u.bf16.f32 v4;
	[tilespmem:s9+$0x20] =	vst v55  }
0x536: {  	v52 =	vld [tilespmem:s10+$0x15AB0];
	v58 =	vunpack.i.l.bf16.f32 v2;
	[tilespmem:s9+$0x30] =	vst v4  }
0x537: {  	v56 =	vld [tilespmem:s1+$0x15FF0];
	v1 =	vadd.bf16 v51, v1;
	v2 =	vunpack.i.u.bf16.f32 v2;
	[tilespmem:s9+$0x40] =	vst v58  }
0x538: {  	v57 =	vadd.bf16 v49, v6;
	v0 =	vunpack.i.l.bf16.f32 v30;
	[tilespmem:s9+$0x50] =	vst v2  }
0x539: {  	v60 =	vunpack.i.l.bf16.f32 v1;
	[tilespmem:s9+$0xFFFFFF20] =	vst v0  }
0x53a: {  	v3 =	vadd.bf16 v54, v57;
	v1 =	vunpack.i.u.bf16.f32 v1;
	[tilespmem:s9+$0x60] =	vst v60  }
0x53b: {  	v0 =	vunpack.i.l.bf16.f32 v37;
	[tilespmem:s9+$0x70] =	vst v1  }
0x53c: {  	v61 =	vunpack.i.l.bf16.f32 v3;
	v14 =	vadd.bf16 v29, v14;
	[tilespmem:s9+$0xFFFFFF80] =	vst v0  }
0x53d: {  	v62 =	vunpack.i.u.bf16.f32 v3;
	v0 =	vadd.bf16 v41, v45;
	[tilespmem:s9+$0x80] =	vst v61  }
0x53e: {  	v59 =	vadd.bf16 v52, v5;
	[tilespmem:s9+$0x90] =	vst v62;
	v38 =	vunpack.i.u.bf16.f32 v14  }
0x53f: {  	v53 =	vunpack.i.l.bf16.f32 v0;
	v0 =	vunpack.i.u.bf16.f32 v0;
	[tilespmem:s9+$0xFFFFFF70] =	vst v38  }
0x540: {  	v14 =	vunpack.i.l.bf16.f32 v14;
	[tilespmem:s9+$0x10] =	vst v0;
	v0 =	vadd.bf16 v56, v59  }
0x541: {  	[tilespmem:s9+$0xFFFFFF60] =	vst v14  }
0x542: {  	[tilespmem:s9+$0x0] =	vst v53;
	v63 =	vunpack.i.l.bf16.f32 v0  }
0x543: {  	v0 =	vunpack.i.u.bf16.f32 v0;
	[tilespmem:s9+$0xA0] =	vst v63  }
0x544: {  	[tilespmem:s9+$0xB0] =	vst v0  }
0x545: {  	s2 =	rddreg [dreg:$0x14]  }
0x546: {  	s2 =	sadd.s32 $0x1, s2  }
0x547: {  	s28 =	rddreg [dreg:$0x1c];
	p0 =	sne.s32 s2, $0xC  }
.Ltmp9:
0x548: {  	s29 =	rddreg [dreg:$0x17];
	(pc) =	sbr.rel @p0 .LBB2_16-.Ltmp9, $4  }
0x549: {  	s31 =	simm.s32 $0x0;
	s26 =	simm.s32 $0x1AF80;
	s30 =	rddreg [dreg:$0x15]  }
0x54a: {  	[hbm4b:s28+s31] =	stream.linear.scatter [tilespmem:s26], [sflag:$0x2], $0x3E80, $0x38;
	[tilespmem:$0x1EE00] =	vst v63  }
0x54b: {  	s16 =	sadd.s32 $0xABE, s16;
	s11 =	rddreg [dreg:$0x16];
	s0 =	sadd.s32 $0xABE, s30  }
0x54c: {  	s1 =	sadd.s32 $0xABE, s29;
	s11 =	sadd.s32 $0xABE, s11;
	[dreg:$0x15] =	wrdreg s0  }
0x54d: {  	s0 =	simm.s32 $0x3  }
0x54e: {  	_ =	swait.ge [sflag:s0], $0x580  }
0x54f: {  	[sflag:s0] =	ssyncset.done $0x0  }
0x550: {  	s25 =	simm.s32 $0x1;
	[sflag:s0] =	ssyncadd.s32 $0xFFFFFA80  }
0x551: {  	_ =	swait.ge [sflag:s25], $0x3E80  }
0x552: {  	[sflag:s25] =	ssyncset.done $0x0  }
0x553: {  	s14 =	rddreg [dreg:$0x12];
	[sflag:s25] =	ssyncadd.s32 $0xFFFFC180  }
0x554: {  	v0 =	vld [tilespmem:s14+$0x16];
	_ =	sdelay $0x2  }
0x555: {  	v9 =	vld [tilespmem:s14+$0xFFFFFFF5];
	_ =	sdelay $0x1  }
0x556: {  	v1 =	vshll.u32 v0, $0x6  }
0x557: {  	(v2sf) =	vpush v1, $0x9;
	_ =	sdelay $0x1  }
0x558: {  	(v2sf) =	vpush v9, $0x3  }
0x559: {  	(v2sf) =	vpush v0, $0x5  }
0x55a: {  	v15 =	vld [tilespmem:s14+$0xFFFFFFEA];
	(v2sf) =	vpush v0, $0x1  }
0x55b: {  	v2 =	vmul.u32 $0x15, v0;
	(v2sf) =	vpush v1, $0x7  }
0x55c: {  	v14 =	vld [tilespmem:s14+$0x0];
	(v2sf) =	vpush v0, $0x3  }
0x55d: {  	v13 =	vld [tilespmem:s14+$0xB];
	v0 =	vshll.u32 v0, $0x8;
	(v2sf) =	vpush v2, $0x0  }
0x55e: {  	v0 =	vshra.s32 v0, $0x2;
	(v2sf) =	vpush v2, $0x2  }
0x55f: {  	v1 =	vmul.u32 $0x15, v15;
	(v2sf) =	vpush v0, $0xA  }
0x560: {  	v3 =	vmul.u32 $0x15, v9;
	(v2sf) =	vpush v2, $0x4  }
0x561: {  	v4 =	vmul.u32 $0x15, v14;
	(v2sf) =	vpush v1, $0x2  }
0x562: {  	v5 =	vmul.u32 $0x15, v13;
	(v2sf) =	vpush v3, $0x2  }
0x563: {  	(v2sf) =	vpush v4, $0x2  }
0x564: {  	(v2sf) =	vpush v5, $0x2  }
0x565: {  	(v2sf) =	vpush v0, $0x6;
	s1 =	spop (v2sf)  }
0x566: {  	(v2sf) =	vpush v0, $0x8;
	v0 =	vld [tilespmem:s1+$0x15A90];
	_ =	sdelay $0x4  }
0x567: {  	v7 =	vld [tilespmem:s1+$0x15A80];
	[tilespmem:$0x1FBA0] =	vst v0  }
0x568: {  	v0 =	vld [tilespmem:s1+$0x15AA0];
	_ =	sdelay $0x1  }
0x569: {  	s26 =	spop (v2sf)  }
0x56a: {  	s2 =	spop (v2sf)  }
0x56b: {  	s3 =	spop (v2sf)  }
0x56c: {  	s4 =	spop (v2sf);
	[tilespmem:$0x1FBB0] =	vst v0  }
0x56d: {  	v0 =	vld [tilespmem:s4+$0x15000];
	_ =	sdelay $0x4  }
0x56e: {  	v8 =	vld [tilespmem:s1+$0x15AB0];
	[tilespmem:$0x1FB40] =	vst v0  }
0x56f: {  	v0 =	vld [tilespmem:s4+$0x15010];
	_ =	sdelay $0x4  }
0x570: {  	[tilespmem:$0x1FB50] =	vst v0  }
0x571: {  	v0 =	vld [tilespmem:s4+$0x15020];
	_ =	sdelay $0x1  }
0x572: {  	s5 =	spop (v2sf)  }
0x573: {  	s6 =	spop (v2sf)  }
0x574: {  	s7 =	spop (v2sf)  }
0x575: {  	s8 =	spop (v2sf);
	[tilespmem:$0x1FB60] =	vst v0  }
0x576: {  	v0 =	vld [tilespmem:s8+$0x15FC0];
	_ =	sdelay $0x4  }
0x577: {  	v30 =	vld [tilespmem:s4+$0x15030];
	[tilespmem:$0x1FBC0] =	vst v0  }
0x578: {  	v0 =	vld [tilespmem:s8+$0x15FD0];
	_ =	sdelay $0x4  }
0x579: {  	s9 =	spop (v2sf);
	[tilespmem:$0x1FBD0] =	vst v0  }
0x57a: {  	s10 =	spop (v2sf);
	v0 =	vld [tilespmem:s8+$0x15FE0]  }
0x57b: {  	s28 =	spop (v2sf)  }
0x57c: {  	s11 =	spop (v2sf)  }
0x57d: {  	s29 =	spop (v2sf)  }
0x57e: {  	s12 =	spop (v2sf)  }
0x57f: {  	s30 =	spop (v2sf);
	[tilespmem:$0x1FBE0] =	vst v0  }
0x580: {  	v0 =	vld [tilespmem:s30+$0x15540];
	_ =	sdelay $0x4  }
0x581: {  	v12 =	vld [tilespmem:s8+$0x15FF0];
	[tilespmem:$0x1FB70] =	vst v0  }
0x582: {  	v0 =	vld [tilespmem:s30+$0x15550];
	_ =	sdelay $0x4  }
0x583: {  	[tilespmem:$0x1FB80] =	vst v0  }
0x584: {  	v0 =	vld [tilespmem:s30+$0x15560];
	_ =	sdelay $0x4  }
0x585: {  	[tilespmem:$0x1FB90] =	vst v0  }
0x586: {  	v0 =	vld [tilespmem:s12+$0x14AC0];
	_ =	sdelay $0x3  }
0x587: {  	v35 =	vld [tilespmem:s30+$0x15570]  }
0x588: {  	v45 =	vld [tilespmem:s12+$0x14AF0];
	[tilespmem:$0x1FB10] =	vst v0  }
0x589: {  	v0 =	vld [tilespmem:s12+$0x14AD0]  }
0x58a: {  	(v2sf) =	vpush v15, $0x3;
	_ =	sdelay $0x3  }
0x58b: {  	[tilespmem:$0x1FB20] =	vst v0  }
0x58c: {  	v0 =	vld [tilespmem:s12+$0x14AE0];
	_ =	sdelay $0x2  }
0x58d: {  	s3 =	sadd.s32 s3, s6;
	s2 =	sadd.s32 s9, s2  }
0x58e: {  	s3 =	sshll.u32 s3, $0x8;
	s2 =	sshll.u32 s2, $0x8  }
0x58f: {  	s3 =	sshra.s32 s3, $0x2;
	s2 =	sadd.s32 $0x37200, s2;
	[tilespmem:$0x1FB30] =	vst v0  }
0x590: {  	s2 =	sshra.s32 s2, $0x2;
	v10 =	vld [tilespmem:s3+$0x30]  }
0x591: {  	v63 =	vld [tilespmem:s2+$0x30]  }
0x592: {  	v39 =	vld [tilespmem:s3+$0x0]  }
0x593: {  	v40 =	vld [tilespmem:s3+$0x10]  }
0x594: {  	s9 =	spop (v2sf);
	v42 =	vld [tilespmem:s3+$0x20]  }
0x595: {  	v41 =	vld [tilespmem:s2+$0x0];
	s3 =	sadd.s32 s10, s9  }
0x596: {  	v43 =	vld [tilespmem:s2+$0x10];
	s12 =	sshll.u32 s3, $0x8  }
0x597: {  	s5 =	sadd.s32 s7, s5;
	v44 =	vld [tilespmem:s2+$0x20];
	s2 =	sadd.s32 $0x1B900, s12  }
0x598: {  	s5 =	sshll.u32 s5, $0x8;
	s2 =	sshra.s32 s2, $0x2  }
0x599: {  	s5 =	sadd.s32 $0x1B900, s5;
	v0 =	vld [tilespmem:s2+$0x0]  }
0x59a: {  	s5 =	sshra.s32 s5, $0x2  }
0x59b: {  	v6 =	vld [tilespmem:s5+$0x30]  }
0x59c: {  	v46 =	vld [tilespmem:s5+$0x0]  }
0x59d: {  	v47 =	vld [tilespmem:s5+$0x10]  }
0x59e: {  	v48 =	vld [tilespmem:s5+$0x20];
	[tilespmem:$0x1FBF0] =	vst v0  }
0x59f: {  	v0 =	vld [tilespmem:s2+$0x10];
	_ =	sdelay $0x4  }
0x5a0: {  	[tilespmem:$0x1FC00] =	vst v0  }
0x5a1: {  	v0 =	vld [tilespmem:s2+$0x20];
	_ =	sdelay $0x4  }
0x5a2: {  	[tilespmem:$0x1FC10] =	vst v0  }
0x5a3: {  	v0 =	vld [tilespmem:s2+$0x30];
	_ =	sdelay $0x1  }
0x5a4: {  	s0 =	sadd.s32 s28, s26  }
0x5a5: {  	s0 =	sshll.u32 s0, $0x8  }
0x5a6: {  	s0 =	sadd.s32 $0x1B900, s0  }
0x5a7: {  	s0 =	sshra.s32 s0, $0x2;
	[tilespmem:$0x1FC20] =	vst v0  }
0x5a8: {  	v0 =	vld [tilespmem:s0+$0x0];
	_ =	sdelay $0x3  }
0x5a9: {  	(v2sf) =	vpush v14, $0x3  }
0x5aa: {  	[tilespmem:$0x1FC30] =	vst v0  }
0x5ab: {  	v0 =	vld [tilespmem:s0+$0x10];
	_ =	sdelay $0x4  }
0x5ac: {  	[tilespmem:$0x1FC40] =	vst v0  }
0x5ad: {  	v0 =	vld [tilespmem:s0+$0x20]  }
0x5ae: {  	(v2sf) =	vpush v13, $0x3  }
0x5af: {  	(v2sf) =	vpush v1, $0x0;
	_ =	sdelay $0x2  }
0x5b0: {  	[tilespmem:$0x1FC50] =	vst v0  }
0x5b1: {  	v0 =	vld [tilespmem:s0+$0x30]  }
0x5b2: {  	s13 =	spop (v2sf);
	v6 =	vadd.bf16 v6, v10  }
0x5b3: {  	s15 =	sadd.s32 s11, s13  }
0x5b4: {  	(v2sf) =	vpush v3, $0x0;
	v6 =	vadd.bf16 v63, v6;
	s2 =	sshll.u32 s15, $0x8  }
0x5b5: {  	(v2sf) =	vpush v4, $0x0;
	s2 =	sadd.s32 $0x1B900, s2  }
0x5b6: {  	(v2sf) =	vpush v5, $0x0;
	v6 =	vadd.bf16 v45, v6;
	s2 =	sshra.s32 s2, $0x2;
	[tilespmem:$0x1FC60] =	vst v0  }
0x5b7: {  	(v2sf) =	vpush v15, $0x1;
	v0 =	vld [tilespmem:s2+$0x0]  }
0x5b8: {  	(v2sf) =	vpush v9, $0x1;
	v6 =	vadd.bf16 v30, v6  }
0x5b9: {  	(v2sf) =	vpush v14, $0x1  }
0x5ba: {  	(v2sf) =	vpush v13, $0x1;
	v6 =	vadd.bf16 v35, v6  }
0x5bb: {  	(v2sf) =	vpush v1, $0x4;
	s16 =	spop (v2sf)  }
0x5bc: {  	s18 =	spop (v2sf);
	(v2sf) =	vpush v3, $0x4;
	v3 =	vld [tilespmem:$0x1FB10];
	v6 =	vadd.bf16 v8, v6;
	[tilespmem:$0x1FC70] =	vst v0  }
0x5bd: {  	v0 =	vld [tilespmem:s2+$0x10]  }
0x5be: {  	v12 =	vadd.bf16 v12, v6;
	v6 =	vadd.bf16 v46, v39;
	_ =	sdelay $0x1  }
0x5bf: {  	v6 =	vadd.bf16 v41, v6;
	_ =	sdelay $0x1  }
0x5c0: {  	v6 =	vadd.bf16 v3, v6;
	v3 =	vld [tilespmem:$0x1FB20];
	[tilespmem:$0x1FC80] =	vst v0  }
0x5c1: {  	v0 =	vld [tilespmem:s2+$0x20]  }
0x5c2: {  	v40 =	vadd.bf16 v47, v40;
	_ =	sdelay $0x1  }
0x5c3: {  	s19 =	spop (v2sf);
	(v2sf) =	vpush v4, $0x4;
	v40 =	vadd.bf16 v43, v40  }
0x5c4: {  	s20 =	spop (v2sf);
	(v2sf) =	vpush v5, $0x4  }
0x5c5: {  	s21 =	spop (v2sf);
	(v2sf) =	vpush v15, $0x5;
	v40 =	vadd.bf16 v3, v40;
	v3 =	vld [tilespmem:$0x1FB30];
	[tilespmem:$0x1FC90] =	vst v0  }
0x5c6: {  	s22 =	spop (v2sf);
	(v2sf) =	vpush v9, $0x5;
	v0 =	vld [tilespmem:s2+$0x30]  }
0x5c7: {  	s23 =	spop (v2sf);
	(v2sf) =	vpush v14, $0x5;
	v42 =	vadd.bf16 v48, v42  }
0x5c8: {  	s17 =	sadd.s32 s29, s16  }
0x5c9: {  	v47 =	vadd.bf16 v44, v42;
	s0 =	sshll.u32 s17, $0x8  }
0x5ca: {  	s24 =	spop (v2sf);
	s0 =	sadd.s32 $0x1B900, s0  }
0x5cb: {  	s25 =	spop (v2sf);
	v41 =	vadd.bf16 v3, v47;
	v3 =	vld [tilespmem:$0x1FB50];
	s0 =	sshra.s32 s0, $0x2;
	[tilespmem:$0x1FCA0] =	vst v0;
	v0 =	vshll.u32 v15, $0x8  }
0x5cc: {  	v1 =	vshll.u32 v9, $0x8;
	s26 =	spop (v2sf);
	(v2sf) =	vpush v13, $0x5;
	v34 =	vld [tilespmem:s0+$0x0];
	v2 =	vshra.s32 v0, $0x2  }
0x5cd: {  	v1 =	vshra.s32 v1, $0x2;
	s1 =	sadd.s32 s22, s18;
	v36 =	vld [tilespmem:s0+$0x10];
	(v2sf) =	vpush v2, $0x6  }
0x5ce: {  	s1 =	sshll.u32 s1, $0x8;
	v37 =	vld [tilespmem:s0+$0x20];
	v0 =	vshll.u32 v14, $0x8;
	(v2sf) =	vpush v1, $0x6  }
0x5cf: {  	s1 =	sshra.s32 s1, $0x2;
	v38 =	vld [tilespmem:s0+$0x30];
	v0 =	vshra.s32 v0, $0x2  }
0x5d0: {  	v49 =	vld [tilespmem:s1+$0x0];
	(v2sf) =	vpush v0, $0x6  }
0x5d1: {  	s28 =	spop (v2sf);
	v10 =	vshll.u32 v13, $0x8;
	s2 =	sadd.s32 s25, s21;
	v50 =	vld [tilespmem:s1+$0x10]  }
0x5d2: {  	s29 =	spop (v2sf);
	v10 =	vshra.s32 v10, $0x2;
	s2 =	sshll.u32 s2, $0x8;
	v51 =	vld [tilespmem:s1+$0x20]  }
0x5d3: {  	s30 =	spop (v2sf);
	s2 =	sshra.s32 s2, $0x2;
	v15 =	vshll.u32 v15, $0x6;
	v52 =	vld [tilespmem:s1+$0x30];
	(v2sf) =	vpush v10, $0x6  }
0x5d4: {  	s7 =	spop (v2sf);
	v45 =	vshll.u32 v9, $0x6;
	v61 =	vld [tilespmem:s2+$0x0];
	(v2sf) =	vpush v15, $0x7  }
0x5d5: {  	s9 =	spop (v2sf);
	s0 =	sadd.s32 s23, s19;
	v62 =	vld [tilespmem:s2+$0x10];
	v14 =	vshll.u32 v14, $0x6;
	(v2sf) =	vpush v45, $0x7  }
0x5d6: {  	s10 =	spop (v2sf);
	v13 =	vshll.u32 v13, $0x6;
	v32 =	vld [tilespmem:s2+$0x20];
	s0 =	sshll.u32 s0, $0x8;
	(v2sf) =	vpush v14, $0x7  }
0x5d7: {  	v31 =	vld [tilespmem:s2+$0x30];
	s0 =	sshra.s32 s0, $0x2;
	(v2sf) =	vpush v13, $0x7  }
0x5d8: {  	s1 =	sadd.s32 s24, s20;
	v53 =	vld [tilespmem:s0+$0x0];
	(v2sf) =	vpush v2, $0x8  }
0x5d9: {  	s1 =	sshll.u32 s1, $0x8;
	v54 =	vld [tilespmem:s0+$0x10];
	(v2sf) =	vpush v1, $0x8  }
0x5da: {  	s1 =	sshra.s32 s1, $0x2;
	v55 =	vld [tilespmem:s0+$0x20];
	(v2sf) =	vpush v0, $0x8  }
0x5db: {  	s12 =	spop (v2sf);
	v57 =	vld [tilespmem:s1+$0x0];
	(v2sf) =	vpush v10, $0x8  }
0x5dc: {  	v58 =	vld [tilespmem:s1+$0x10];
	(v2sf) =	vpush v15, $0x9;
	s15 =	spop (v2sf)  }
0x5dd: {  	s8 =	sadd.s32 s26, s7;
	v59 =	vld [tilespmem:s1+$0x20];
	s16 =	spop (v2sf);
	(v2sf) =	vpush v45, $0x9  }
0x5de: {  	v60 =	vld [tilespmem:s1+$0x30];
	s1 =	sshll.u32 s8, $0x8;
	(v2sf) =	vpush v14, $0x9  }
0x5df: {  	v56 =	vld [tilespmem:s0+$0x30];
	s1 =	sadd.s32 $0x37200, s1;
	s17 =	spop (v2sf);
	(v2sf) =	vpush v13, $0x9  }
0x5e0: {  	s1 =	sshra.s32 s1, $0x2;
	(v2sf) =	vpush v2, $0xA;
	v2 =	vld [tilespmem:$0x1FB40]  }
0x5e1: {  	v29 =	vld [tilespmem:s1+$0x0]  }
0x5e2: {  	(v2sf) =	vpush v1, $0xA;
	v1 =	vld [tilespmem:$0x1FB70]  }
0x5e3: {  	v28 =	vld [tilespmem:s1+$0x10]  }
0x5e4: {  	s0 =	sadd.s32 s28, s9;
	v27 =	vld [tilespmem:s1+$0x20]  }
0x5e5: {  	s0 =	sshll.u32 s0, $0x8;
	v26 =	vld [tilespmem:s1+$0x30];
	v2 =	vadd.bf16 v2, v6  }
0x5e6: {  	s0 =	sadd.s32 $0x37200, s0;
	v6 =	vadd.bf16 v3, v40;
	v3 =	vld [tilespmem:$0x1FB60]  }
0x5e7: {  	s0 =	sshra.s32 s0, $0x2;
	v1 =	vadd.bf16 v1, v2;
	v2 =	vld [tilespmem:$0x1FB80]  }
0x5e8: {  	v25 =	vld [tilespmem:s0+$0x0]  }
0x5e9: {  	s18 =	spop (v2sf);
	(v2sf) =	vpush v0, $0xA;
	v0 =	vadd.bf16 v7, v1;
	v1 =	vld [tilespmem:$0x1FBA0]  }
0x5ea: {  	v24 =	vld [tilespmem:s0+$0x10]  }
0x5eb: {  	s11 =	sadd.s32 s29, s10;
	v23 =	vld [tilespmem:s0+$0x20]  }
0x5ec: {  	s1 =	sshll.u32 s11, $0x8;
	v48 =	vadd.bf16 v3, v41;
	v3 =	vld [tilespmem:$0x1FB90];
	v2 =	vadd.bf16 v2, v6  }
0x5ed: {  	s1 =	sadd.s32 $0x37200, s1;
	v22 =	vld [tilespmem:s0+$0x30]  }
0x5ee: {  	s1 =	sshra.s32 s1, $0x2;
	v2 =	vadd.bf16 v1, v2;
	v1 =	vld [tilespmem:$0x1FBB0]  }
0x5ef: {  	v21 =	vld [tilespmem:s1+$0x0]  }
0x5f0: {  	s13 =	sadd.s32 s30, s12;
	v63 =	vld [tilespmem:s1+$0x10]  }
0x5f1: {  	s0 =	sshll.u32 s13, $0x8;
	v20 =	vld [tilespmem:s1+$0x20];
	v6 =	vadd.bf16 v3, v48  }
0x5f2: {  	s0 =	sadd.s32 $0x37200, s0;
	v19 =	vld [tilespmem:s1+$0x30]  }
0x5f3: {  	s0 =	sshra.s32 s0, $0x2;
	v33 =	vadd.bf16 v1, v6;
	v1 =	vld [tilespmem:$0x1FBC0]  }
0x5f4: {  	v18 =	vld [tilespmem:s0+$0x0]  }
0x5f5: {  	v30 =	vld [tilespmem:s0+$0x10]  }
0x5f6: {  	v17 =	vld [tilespmem:s0+$0x20]  }
0x5f7: {  	v35 =	vld [tilespmem:s0+$0x30]  }
0x5f8: {  	s19 =	spop (v2sf);
	(v2sf) =	vpush v10, $0xA;
	v10 =	vadd.bf16 v1, v0;
	v0 =	vld [tilespmem:$0x1FBD0]  }
0x5f9: {  	v16 =	vld [tilespmem:s15+$0x14AC0]  }
0x5fa: {  	v8 =	vld [tilespmem:s15+$0x14AD0]  }
0x5fb: {  	v11 =	vld [tilespmem:s15+$0x14AE0]  }
0x5fc: {  	v15 =	vld [tilespmem:s15+$0x14AF0]  }
0x5fd: {  	v6 =	vadd.bf16 v0, v2;
	v0 =	vld [tilespmem:$0x1FBE0]  }
0x5fe: {  	v39 =	vld [tilespmem:s16+$0x14AC0]  }
0x5ff: {  	v45 =	vld [tilespmem:s16+$0x14AD0]  }
0x600: {  	v14 =	vld [tilespmem:s16+$0x14AE0]  }
0x601: {  	v42 =	vld [tilespmem:s16+$0x14AF0]  }
0x602: {  	v9 =	vadd.bf16 v0, v33;
	v0 =	vld [tilespmem:$0x1FBF0]  }
0x603: {  	v13 =	vld [tilespmem:s17+$0x14AC0]  }
0x604: {  	v43 =	vld [tilespmem:s17+$0x14AD0]  }
0x605: {  	v44 =	vld [tilespmem:s17+$0x14AE0]  }
0x606: {  	v46 =	vld [tilespmem:s18+$0x14AC0]  }
0x607: {  	v49 =	vadd.bf16 v0, v49;
	v0 =	vld [tilespmem:$0x1FC00]  }
0x608: {  	v5 =	vld [tilespmem:s19+$0x15000]  }
0x609: {  	v47 =	vld [tilespmem:s19+$0x15010];
	s20 =	spop (v2sf)  }
0x60a: {  	v4 =	vld [tilespmem:s19+$0x15020];
	s21 =	spop (v2sf)  }
0x60b: {  	v34 =	vadd.bf16 v34, v61;
	v61 =	vld [tilespmem:s21+$0x15000]  }
0x60c: {  	v50 =	vadd.bf16 v0, v50;
	v0 =	vld [tilespmem:$0x1FC10]  }
0x60d: {  	v32 =	vadd.bf16 v37, v32;
	v37 =	vld [tilespmem:s21+$0x15010]  }
0x60e: {  	v31 =	vadd.bf16 v38, v31;
	v38 =	vld [tilespmem:s21+$0x15020];
	s22 =	spop (v2sf)  }
0x60f: {  	s23 =	spop (v2sf);
	v40 =	vld [tilespmem:s18+$0x14AD0]  }
0x610: {  	v36 =	vadd.bf16 v36, v62;
	v62 =	vld [tilespmem:s23+$0x15540]  }
0x611: {  	v51 =	vadd.bf16 v0, v51;
	v0 =	vld [tilespmem:$0x1FC20]  }
0x612: {  	v7 =	vld [tilespmem:s18+$0x14AE0]  }
0x613: {  	v48 =	vld [tilespmem:s18+$0x14AF0]  }
0x614: {  	v41 =	vld [tilespmem:s17+$0x14AF0]  }
0x615: {  	v17 =	vadd.bf16 v17, v32;
	v3 =	vld [tilespmem:s19+$0x15030]  }
0x616: {  	v31 =	vadd.bf16 v35, v31;
	s24 =	spop (v2sf);
	v52 =	vadd.bf16 v0, v52;
	v0 =	vld [tilespmem:$0x1FC30]  }
0x617: {  	s25 =	spop (v2sf);
	v33 =	vld [tilespmem:$0x1FC90]  }
0x618: {  	v7 =	vadd.bf16 v7, v17;
	v17 =	vadd.bf16 v48, v31;
	v31 =	vld [tilespmem:s25+$0x15550]  }
0x619: {  	v1 =	vld [tilespmem:s20+$0x15010]  }
0x61a: {  	v2 =	vld [tilespmem:s20+$0x15000]  }
0x61b: {  	v53 =	vadd.bf16 v0, v53;
	v0 =	vld [tilespmem:$0x1FC40]  }
0x61c: {  	v59 =	vadd.bf16 v33, v59;
	v33 =	vld [tilespmem:$0x1FCA0]  }
0x61d: {  	v29 =	vadd.bf16 v29, v49;
	v49 =	vld [tilespmem:s21+$0x15030]  }
0x61e: {  	v20 =	vadd.bf16 v20, v59;
	v59 =	vld [tilespmem:s22+$0x15030]  }
0x61f: {  	v16 =	vadd.bf16 v16, v29;
	v29 =	vld [tilespmem:s24+$0x15560]  }
0x620: {  	v18 =	vadd.bf16 v18, v34;
	v54 =	vadd.bf16 v0, v54;
	v0 =	vld [tilespmem:$0x1FC50]  }
0x621: {  	v30 =	vadd.bf16 v30, v36;
	v33 =	vadd.bf16 v33, v60;
	v60 =	vld [tilespmem:s20+$0x15030]  }
0x622: {  	v18 =	vadd.bf16 v46, v18;
	s26 =	spop (v2sf);
	v5 =	vadd.bf16 v5, v16;
	v16 =	vld [tilespmem:s25+$0x15560]  }
0x623: {  	s28 =	spop (v2sf);
	v30 =	vadd.bf16 v40, v30;
	v28 =	vadd.bf16 v28, v50;
	v50 =	vld [tilespmem:s22+$0x15000]  }
0x624: {  	v17 =	vadd.bf16 v59, v17;
	v59 =	vld [tilespmem:s28+$0x15AA0];
	v27 =	vadd.bf16 v27, v51  }
0x625: {  	v26 =	vadd.bf16 v26, v52;
	v55 =	vadd.bf16 v0, v55;
	v0 =	vld [tilespmem:$0x1FC60]  }
0x626: {  	v20 =	vadd.bf16 v44, v20;
	v8 =	vadd.bf16 v8, v28;
	v28 =	vld [tilespmem:s23+$0x15560]  }
0x627: {  	v11 =	vadd.bf16 v11, v27;
	v27 =	vld [tilespmem:s24+$0x15540];
	v15 =	vadd.bf16 v15, v26  }
0x628: {  	v20 =	vadd.bf16 v38, v20;
	v19 =	vadd.bf16 v19, v33;
	v26 =	vld [tilespmem:s23+$0x15570]  }
0x629: {  	v3 =	vadd.bf16 v3, v15;
	v15 =	vld [tilespmem:s26+$0x15540];
	v25 =	vadd.bf16 v25, v53  }
0x62a: {  	v5 =	vadd.bf16 v62, v5;
	v56 =	vadd.bf16 v0, v56;
	v0 =	vld [tilespmem:$0x1FC70]  }
0x62b: {  	v4 =	vadd.bf16 v4, v11;
	v11 =	vld [tilespmem:s25+$0x15570];
	v25 =	vadd.bf16 v39, v25  }
0x62c: {  	s29 =	spop (v2sf);
	v19 =	vadd.bf16 v41, v19;
	v18 =	vadd.bf16 v50, v18;
	v52 =	vld [tilespmem:s24+$0x15570]  }
0x62d: {  	s30 =	spop (v2sf);
	v8 =	vadd.bf16 v47, v8;
	v2 =	vadd.bf16 v2, v25;
	v25 =	vld [tilespmem:s26+$0x15570]  }
0x62e: {  	v26 =	vadd.bf16 v26, v3;
	v3 =	vadd.bf16 v15, v18;
	v18 =	vld [tilespmem:s30+$0x15A80]  }
0x62f: {  	v19 =	vadd.bf16 v49, v19;
	v57 =	vadd.bf16 v0, v57;
	v0 =	vld [tilespmem:$0x1FC80]  }
0x630: {  	v24 =	vadd.bf16 v24, v54;
	v54 =	vld [tilespmem:s25+$0x15540];
	v22 =	vadd.bf16 v22, v56  }
0x631: {  	v28 =	vadd.bf16 v28, v4;
	v2 =	vadd.bf16 v27, v2;
	v56 =	vld [tilespmem:s22+$0x15010]  }
0x632: {  	v24 =	vadd.bf16 v45, v24;
	v22 =	vadd.bf16 v42, v22;
	v42 =	vld [tilespmem:s24+$0x15550]  }
0x633: {  	v27 =	vadd.bf16 v59, v28;
	v23 =	vadd.bf16 v23, v55;
	v55 =	vld [tilespmem:s26+$0x15550]  }
0x634: {  	v1 =	vadd.bf16 v1, v24;
	v24 =	vld [tilespmem:s26+$0x15560];
	v58 =	vadd.bf16 v0, v58  }
0x635: {  	v14 =	vadd.bf16 v14, v23;
	v21 =	vadd.bf16 v21, v57;
	v0 =	vld [tilespmem:s20+$0x15020]  }
0x636: {  	v30 =	vadd.bf16 v56, v30;
	v57 =	vadd.bf16 v63, v58;
	v58 =	vld [tilespmem:s22+$0x15020]  }
0x637: {  	s8 =	simm.s32 $0x17240;
	v13 =	vadd.bf16 v13, v21;
	v23 =	vadd.bf16 v42, v1;
	v1 =	vunpack.i.l.bf16.f32 v12;
	v63 =	vld [tilespmem:s23+$0x15550]  }
0x638: {  	v4 =	vadd.bf16 v25, v17;
	v56 =	vld [tilespmem:s28+$0x15A80];
	[tilespmem:s8+$0x120] =	vst v1;
	v1 =	vadd.bf16 v55, v30  }
0x639: {  	v13 =	vadd.bf16 v61, v13;
	v61 =	vld [tilespmem:s29+$0x15A80];
	v45 =	vadd.bf16 v43, v57  }
0x63a: {  	v0 =	vadd.bf16 v0, v14;
	v14 =	vadd.bf16 v60, v22;
	v60 =	vld [tilespmem:s28+$0x15AB0]  }
0x63b: {  	v36 =	vadd.bf16 v54, v13;
	v57 =	vadd.bf16 v58, v7;
	v58 =	vld [tilespmem:s28+$0x15A90]  }
0x63c: {  	v21 =	vadd.bf16 v37, v45;
	v32 =	vadd.bf16 v63, v8;
	v63 =	vld [tilespmem:s29+$0x15A90]  }
0x63d: {  	v62 =	vadd.bf16 v29, v0;
	v0 =	vunpack.i.u.bf16.f32 v12;
	v7 =	vadd.bf16 v11, v19;
	v11 =	vld [tilespmem:s29+$0x15AB0]  }
0x63e: {  	v35 =	vadd.bf16 v52, v14;
	v8 =	vadd.bf16 v16, v20;
	v19 =	vld [tilespmem:s30+$0x15A90];
	v12 =	vunpack.i.l.bf16.f32 v6;
	[tilespmem:s8+$0x130] =	vst v0  }
0x63f: {  	v14 =	vadd.bf16 v61, v2;
	v21 =	vadd.bf16 v31, v21;
	v31 =	vld [tilespmem:s29+$0x15AA0];
	v0 =	vunpack.i.l.bf16.f32 v10;
	[tilespmem:s8+$0xE0] =	vst v12  }
0x640: {  	s9 =	spop (v2sf);
	v16 =	vld [tilespmem:s30+$0x15AA0];
	v10 =	vunpack.i.u.bf16.f32 v10;
	[tilespmem:s8+$0xC0] =	vst v0;
	v0 =	vadd.bf16 v24, v57;
	v24 =	vadd.bf16 v56, v5  }
0x641: {  	s13 =	spop (v2sf);
	v15 =	vld [tilespmem:s30+$0x15AB0];
	[tilespmem:s8+$0xD0] =	vst v10;
	v5 =	vunpack.i.u.bf16.f32 v6;
	v6 =	vunpack.i.l.bf16.f32 v9;
	v17 =	vadd.bf16 v60, v26  }
0x642: {  	s10 =	spop (v2sf);
	v10 =	vld [tilespmem:s9+$0x15A80];
	[tilespmem:s8+$0x100] =	vst v6;
	v6 =	vadd.bf16 v18, v36;
	v29 =	vadd.bf16 v58, v32  }
0x643: {  	s0 =	spop (v2sf);
	v2 =	vunpack.i.u.bf16.f32 v9;
	v9 =	vld [tilespmem:s9+$0x15A90];
	[tilespmem:s8+$0xF0] =	vst v5;
	v13 =	vadd.bf16 v63, v23;
	v5 =	vadd.bf16 v11, v35  }
0x644: {  	s7 =	simm.s32 $0x0;
	s5 =	sadd.s32 $0x37, s14;
	s1 =	spop (v2sf);
	[tilespmem:s8+$0x110] =	vst v2;
	v2 =	vld [tilespmem:s9+$0x15AA0];
	v11 =	vadd.bf16 v19, v21;
	v12 =	vadd.bf16 v31, v62  }
.LBB2_22:
0x645: {  	v31 =	vld [tilespmem:s5+$0x16];
	v32 =	vadd.bf16 v16, v8  }
0x646: {  	v19 =	vld [tilespmem:s5+$0xFFFFFFF5];
	v30 =	vadd.bf16 v15, v7  }
0x647: {  	v18 =	vld [tilespmem:s5+$0x0];
	v28 =	vadd.bf16 v10, v3  }
0x648: {  	v16 =	vld [tilespmem:s5+$0xB];
	v26 =	vadd.bf16 v9, v1  }
0x649: {  	v20 =	vld [tilespmem:s5+$0xFFFFFFEA];
	v15 =	vadd.bf16 v2, v0  }
0x64a: {  	v0 =	vshll.u32 v31, $0x6;
	v33 =	vld [tilespmem:s9+$0x15AB0]  }
0x64b: {  	s7 =	sadd.s32 $0x5, s7;
	v23 =	vmul.u32 $0x15, v19;
	v1 =	vshll.u32 v19, $0x8;
	(v2sf) =	vpush v0, $0x9;
	v34 =	vld [tilespmem:s13+$0x15FC0]  }
0x64c: {  	p0 =	slt.u32 s7, $0x78;
	v22 =	vmul.u32 $0x15, v18;
	v7 =	vshll.u32 v18, $0x8;
	(v2sf) =	vpush v19, $0x3;
	v35 =	vld [tilespmem:s13+$0x15FD0]  }
0x64d: {  	v21 =	vmul.u32 $0x15, v16;
	v8 =	vshll.u32 v16, $0x8;
	(v2sf) =	vpush v31, $0x5;
	v36 =	vld [tilespmem:s13+$0x15FE0]  }
0x64e: {  	v25 =	vmul.u32 $0x15, v20;
	v2 =	vshll.u32 v20, $0x8;
	(v2sf) =	vpush v31, $0x1;
	v37 =	vld [tilespmem:s13+$0x15FF0]  }
0x64f: {  	v38 =	vmul.u32 $0x15, v31;
	v3 =	vshra.s32 v2, $0x2;
	(v2sf) =	vpush v0, $0x7;
	v39 =	vld [tilespmem:s10+$0x15FC0]  }
0x650: {  	v2 =	vshra.s32 v1, $0x2;
	v1 =	vshra.s32 v7, $0x2;
	(v2sf) =	vpush v31, $0x3;
	v40 =	vld [tilespmem:s10+$0x15FD0]  }
0x651: {  	v0 =	vshra.s32 v8, $0x2;
	v7 =	vshll.u32 v31, $0x8;
	(v2sf) =	vpush v38, $0x0;
	v31 =	vld [tilespmem:s10+$0x15FE0]  }
0x652: {  	v10 =	vshll.u32 v20, $0x6;
	v41 =	vshra.s32 v7, $0x2;
	(v2sf) =	vpush v38, $0x2;
	v42 =	vld [tilespmem:s10+$0x15FF0]  }
0x653: {  	v9 =	vshll.u32 v19, $0x6;
	v8 =	vshll.u32 v18, $0x6;
	(v2sf) =	vpush v41, $0xA;
	v43 =	vld [tilespmem:s0+$0x15FC0]  }
0x654: {  	v33 =	vadd.bf16 v33, v4;
	v7 =	vshll.u32 v16, $0x6;
	(v2sf) =	vpush v38, $0x4;
	v38 =	vld [tilespmem:s0+$0x15FD0]  }
0x655: {  	v4 =	vadd.bf16 v34, v24;
	v24 =	vadd.bf16 v35, v29;
	v29 =	vld [tilespmem:s0+$0x15FE0]  }
0x656: {  	v27 =	vadd.bf16 v36, v27;
	(v2sf) =	vpush v25, $0x2;
	v34 =	vld [tilespmem:s0+$0x15FF0]  }
0x657: {  	v35 =	vunpack.i.u.bf16.f32 v4;
	v17 =	vadd.bf16 v37, v17;
	(v2sf) =	vpush v23, $0x2;
	v36 =	vld [tilespmem:s1+$0x15FC0]  }
0x658: {  	v4 =	vunpack.i.l.bf16.f32 v4;
	v14 =	vadd.bf16 v39, v14;
	(v2sf) =	vpush v22, $0x2;
	[tilespmem:s8+$0xFFFFFED0] =	vst v35;
	v35 =	vld [tilespmem:s1+$0x15FD0]  }
0x659: {  	v37 =	vadd.bf16 v40, v13;
	(v2sf) =	vpush v21, $0x2;
	[tilespmem:s8+$0xFFFFFEC0] =	vst v4;
	v4 =	vunpack.i.u.bf16.f32 v24;
	v39 =	vld [tilespmem:s1+$0x15FE0]  }
0x65a: {  	v13 =	vunpack.i.l.bf16.f32 v24;
	v31 =	vadd.bf16 v31, v12;
	(v2sf) =	vpush v41, $0x6;
	s2 =	spop (v2sf);
	[tilespmem:s8+$0xFFFFFEF0] =	vst v4;
	v40 =	vld [tilespmem:s1+$0x15FF0]  }
0x65b: {  	v12 =	vunpack.i.u.bf16.f32 v27;
	v4 =	vld [tilespmem:s2+$0x15A80];
	s0 =	spop (v2sf);
	(v2sf) =	vpush v41, $0x8;
	[tilespmem:s8+$0xFFFFFEE0] =	vst v13;
	v41 =	vadd.bf16 v42, v5  }
0x65c: {  	v13 =	vunpack.i.l.bf16.f32 v27;
	v27 =	vadd.bf16 v43, v6;
	v5 =	vld [tilespmem:s2+$0x15A90];
	(v2sf) =	vpush v20, $0x3;
	s1 =	spop (v2sf);
	[tilespmem:s8+$0xFFFFFF10] =	vst v12  }
0x65d: {  	v38 =	vadd.bf16 v38, v11;
	v12 =	vunpack.i.u.bf16.f32 v17;
	v6 =	vld [tilespmem:s2+$0x15AA0];
	(v2sf) =	vpush v18, $0x3;
	s3 =	spop (v2sf);
	[tilespmem:s8+$0xFFFFFF00] =	vst v13  }
0x65e: {  	v29 =	vadd.bf16 v29, v32;
	v13 =	vunpack.i.l.bf16.f32 v17;
	v24 =	vld [tilespmem:s2+$0x15AB0];
	(v2sf) =	vpush v16, $0x3;
	s2 =	spop (v2sf);
	[tilespmem:s8+$0xFFFFFF30] =	vst v12  }
0x65f: {  	v30 =	vadd.bf16 v34, v30;
	v12 =	vunpack.i.u.bf16.f32 v14;
	v11 =	vld [tilespmem:s2+$0x15000];
	(v2sf) =	vpush v25, $0x0;
	s4 =	spop (v2sf);
	[tilespmem:s8+$0xFFFFFF20] =	vst v13  }
0x660: {  	v28 =	vadd.bf16 v36, v28;
	v17 =	vunpack.i.l.bf16.f32 v14;
	v13 =	vld [tilespmem:s2+$0x15010];
	(v2sf) =	vpush v23, $0x0;
	s6 =	spop (v2sf);
	[tilespmem:s8+$0xFFFFFF50] =	vst v12  }
0x661: {  	v26 =	vadd.bf16 v35, v26;
	v12 =	vunpack.i.u.bf16.f32 v37;
	v14 =	vld [tilespmem:s2+$0x15020];
	(v2sf) =	vpush v22, $0x0;
	s9 =	spop (v2sf);
	[tilespmem:s8+$0xFFFFFF40] =	vst v17  }
0x662: {  	v34 =	vadd.bf16 v39, v15;
	s3 =	sadd.s32 s3, s6;
	v17 =	vunpack.i.l.bf16.f32 v37;
	s4 =	sadd.s32 s9, s4;
	v32 =	vld [tilespmem:s2+$0x15030];
	(v2sf) =	vpush v21, $0x0;
	s6 =	spop (v2sf);
	[tilespmem:s8+$0xFFFFFF70] =	vst v12  }
0x663: {  	v33 =	vadd.bf16 v40, v33;
	s2 =	sshll.u32 s3, $0x8;
	s3 =	sshll.u32 s4, $0x8;
	v12 =	vld [tilespmem:s6+$0x15FC0];
	(v2sf) =	vpush v20, $0x1;
	s4 =	spop (v2sf);
	[tilespmem:s8+$0xFFFFFF60] =	vst v17;
	v17 =	vunpack.i.u.bf16.f32 v31  }
0x664: {  	v35 =	vunpack.i.u.bf16.f32 v41;
	s2 =	sshra.s32 s2, $0x2;
	v31 =	vunpack.i.l.bf16.f32 v31;
	s3 =	sadd.s32 $0x1B900, s3;
	s4 =	sadd.s32 s4, s1;
	v15 =	vld [tilespmem:s6+$0x15FD0];
	(v2sf) =	vpush v19, $0x1;
	[tilespmem:s8+$0xFFFFFF90] =	vst v17  }
0x665: {  	v17 =	vunpack.i.l.bf16.f32 v41;
	v36 =	vld [tilespmem:s2+$0x30];
	s1 =	sshra.s32 s3, $0x2;
	s3 =	sshll.u32 s4, $0x8;
	s4 =	spop (v2sf);
	(v2sf) =	vpush v18, $0x1;
	[tilespmem:s8+$0xFFFFFF80] =	vst v31;
	v31 =	vunpack.i.u.bf16.f32 v27  }
0x666: {  	v39 =	vunpack.i.u.bf16.f32 v38;
	v27 =	vunpack.i.l.bf16.f32 v27;
	v37 =	vld [tilespmem:s1+$0x30];
	s3 =	sadd.s32 $0x37200, s3;
	s9 =	spop (v2sf);
	(v2sf) =	vpush v16, $0x1;
	[tilespmem:s8+$0xFFFFFFA0] =	vst v17  }
0x667: {  	s0 =	sadd.s32 s9, s0;
	s3 =	sshra.s32 s3, $0x2;
	v17 =	vld [tilespmem:s6+$0x15FE0];
	(v2sf) =	vpush v25, $0x4;
	s9 =	spop (v2sf);
	[tilespmem:s8+$0xFFFFFFB0] =	vst v35;
	v25 =	vunpack.i.l.bf16.f32 v38;
	v35 =	vunpack.i.u.bf16.f32 v29  }
0x668: {  	s0 =	sshll.u32 s0, $0x8;
	v38 =	vld [tilespmem:s3+$0x30];
	(v2sf) =	vpush v23, $0x4;
	s10 =	spop (v2sf);
	[tilespmem:s8+$0xFFFFFFC0] =	vst v27;
	v23 =	vunpack.i.l.bf16.f32 v29;
	v27 =	vunpack.i.u.bf16.f32 v30  }
0x669: {  	s0 =	sadd.s32 $0x1B900, s0;
	v29 =	vld [tilespmem:s6+$0x15FF0];
	(v2sf) =	vpush v22, $0x4;
	s11 =	spop (v2sf);
	[tilespmem:s8+$0xFFFFFFD0] =	vst v31;
	v22 =	vunpack.i.l.bf16.f32 v30;
	v30 =	vunpack.i.u.bf16.f32 v28  }
0x66a: {  	s0 =	sshra.s32 s0, $0x2;
	v31 =	vld [tilespmem:s11+$0x14AF0];
	(v2sf) =	vpush v21, $0x4;
	s6 =	spop (v2sf);
	[tilespmem:s8+$0xFFFFFFE0] =	vst v25;
	v25 =	vunpack.i.l.bf16.f32 v28;
	v28 =	vunpack.i.u.bf16.f32 v26  }
0x66b: {  	v26 =	vunpack.i.l.bf16.f32 v26;
	v36 =	vadd.bf16 v37, v36;
	v21 =	vld [tilespmem:s6+$0x15540];
	s12 =	spop (v2sf);
	(v2sf) =	vpush v20, $0x5;
	[tilespmem:s8+$0xFFFFFFF0] =	vst v39  }
0x66c: {  	s4 =	sadd.s32 s4, s12;
	v20 =	vld [tilespmem:s6+$0x15550];
	(v2sf) =	vpush v19, $0x5;
	s12 =	spop (v2sf);
	[tilespmem:s8+$0x0] =	vst v23;
	v23 =	vunpack.i.u.bf16.f32 v34;
	v34 =	vunpack.i.l.bf16.f32 v34  }
0x66d: {  	s4 =	sshll.u32 s4, $0x8;
	s9 =	sadd.s32 s9, s12;
	v36 =	vadd.bf16 v38, v36;
	v19 =	vld [tilespmem:s6+$0x15560];
	(v2sf) =	vpush v18, $0x5;
	s12 =	spop (v2sf);
	[tilespmem:s8+$0x10] =	vst v35;
	v35 =	vunpack.i.u.bf16.f32 v33  }
0x66e: {  	v33 =	vunpack.i.l.bf16.f32 v33;
	s9 =	sshll.u32 s9, $0x8;
	s10 =	sadd.s32 s10, s12;
	v37 =	vld [tilespmem:s6+$0x15570];
	s12 =	spop (v2sf);
	(v2sf) =	vpush v16, $0x5;
	[tilespmem:s8+$0x20] =	vst v22  }
0x66f: {  	s4 =	sadd.s32 $0x1B900, s4;
	s6 =	sshll.u32 s10, $0x8;
	v16 =	vld [tilespmem:s11+$0x14AC0];
	v31 =	vadd.bf16 v31, v36;
	(v2sf) =	vpush v3, $0x6;
	s10 =	spop (v2sf);
	[tilespmem:s8+$0x30] =	vst v27  }
0x670: {  	s9 =	sadd.s32 $0x1B900, s9;
	s13 =	sadd.s32 $0x1B900, s6;
	v18 =	vld [tilespmem:s11+$0x14AD0];
	(v2sf) =	vpush v2, $0x6;
	s14 =	spop (v2sf);
	[tilespmem:s8+$0x40] =	vst v25  }
0x671: {  	s4 =	sshra.s32 s4, $0x2;
	s6 =	sshra.s32 s9, $0x2;
	v22 =	vld [tilespmem:s11+$0x14AE0];
	v25 =	vadd.bf16 v32, v31;
	(v2sf) =	vpush v1, $0x6;
	s11 =	spop (v2sf);
	[tilespmem:s8+$0x50] =	vst v30  }
0x672: {  	s9 =	sshra.s32 s13, $0x2;
	v27 =	vld [tilespmem:s2+$0x0];
	s13 =	spop (v2sf);
	(v2sf) =	vpush v0, $0x6;
	[tilespmem:s8+$0x60] =	vst v26  }
0x673: {  	s12 =	sadd.s32 s13, s12;
	v26 =	vld [tilespmem:s2+$0x10];
	v25 =	vadd.bf16 v37, v25;
	(v2sf) =	vpush v10, $0x7;
	s13 =	spop (v2sf);
	[tilespmem:s8+$0x70] =	vst v28  }
0x674: {  	s12 =	sshll.u32 s12, $0x8;
	s10 =	sadd.s32 s13, s10;
	v28 =	vld [tilespmem:s2+$0x20];
	(v2sf) =	vpush v9, $0x7;
	s2 =	spop (v2sf);
	[tilespmem:s8+$0x80] =	vst v34  }
0x675: {  	s13 =	sshll.u32 s10, $0x8;
	s2 =	sadd.s32 s2, s14;
	v30 =	vld [tilespmem:s3+$0x0];
	v24 =	vadd.bf16 v24, v25;
	(v2sf) =	vpush v8, $0x7;
	s10 =	spop (v2sf);
	[tilespmem:s8+$0x90] =	vst v23  }
0x676: {  	s2 =	sshll.u32 s2, $0x8;
	s11 =	sadd.s32 s10, s11;
	v23 =	vld [tilespmem:s3+$0x10];
	s14 =	spop (v2sf);
	(v2sf) =	vpush v7, $0x7;
	[tilespmem:s8+$0xA0] =	vst v33  }
0x677: {  	s10 =	sshra.s32 s12, $0x2;
	s11 =	sshll.u32 s11, $0x8;
	v25 =	vld [tilespmem:s3+$0x20];
	v24 =	vadd.bf16 v29, v24;
	(v2sf) =	vpush v3, $0x8;
	s3 =	spop (v2sf);
	[tilespmem:s8+$0xB0] =	vst v35  }
0x678: {  	s25 =	sshra.s32 s13, $0x2;
	s24 =	sshra.s32 s2, $0x2;
	v29 =	vld [tilespmem:s1+$0x0];
	(v2sf) =	vpush v2, $0x8;
	s2 =	spop (v2sf)  }
0x679: {  	s8 =	sadd.s32 $0x280, s8;
	s23 =	sshra.s32 s11, $0x2;
	v31 =	vld [tilespmem:s1+$0x10];
	v32 =	vunpack.i.u.bf16.f32 v24;
	v24 =	vunpack.i.l.bf16.f32 v24;
	(v2sf) =	vpush v1, $0x8;
	s11 =	spop (v2sf)  }
0x67a: {  	v33 =	vld [tilespmem:s1+$0x20];
	[tilespmem:s8+$0x130] =	vst v32;
	s1 =	spop (v2sf);
	(v2sf) =	vpush v0, $0x8  }
0x67b: {  	v32 =	vld [tilespmem:s4+$0x0];
	s1 =	sadd.s32 s14, s1;
	[tilespmem:s8+$0x120] =	vst v24;
	(v2sf) =	vpush v10, $0x9;
	s12 =	spop (v2sf)  }
0x67c: {  	v10 =	vld [tilespmem:s4+$0x10];
	s1 =	sshll.u32 s1, $0x8;
	s3 =	sadd.s32 s3, s12;
	(v2sf) =	vpush v9, $0x9;
	s12 =	spop (v2sf)  }
0x67d: {  	v9 =	vld [tilespmem:s4+$0x20];
	s13 =	sshll.u32 s3, $0x8;
	s2 =	sadd.s32 s2, s12;
	v24 =	vadd.bf16 v29, v27;
	(v2sf) =	vpush v8, $0x9;
	s3 =	spop (v2sf)  }
0x67e: {  	v8 =	vld [tilespmem:s4+$0x30];
	s2 =	sshll.u32 s2, $0x8;
	s3 =	sadd.s32 s11, s3;
	v26 =	vadd.bf16 v31, v26;
	s22 =	spop (v2sf);
	(v2sf) =	vpush v7, $0x9  }
0x67f: {  	s1 =	sadd.s32 $0x37200, s1;
	v7 =	vld [tilespmem:s0+$0x0];
	s11 =	sshll.u32 s3, $0x8;
	v27 =	vadd.bf16 v33, v28;
	(v2sf) =	vpush v3, $0xA;
	s3 =	spop (v2sf)  }
0x680: {  	s12 =	sadd.s32 $0x37200, s13;
	s2 =	sadd.s32 $0x37200, s2;
	v24 =	vadd.bf16 v30, v24;
	v3 =	vld [tilespmem:s0+$0x10];
	(v2sf) =	vpush v2, $0xA;
	s4 =	spop (v2sf)  }
0x681: {  	s30 =	sshra.s32 s1, $0x2;
	s1 =	sadd.s32 $0x37200, s11;
	v23 =	vadd.bf16 v23, v26;
	v2 =	vld [tilespmem:s0+$0x20];
	(v2sf) =	vpush v1, $0xA;
	s21 =	spop (v2sf)  }
0x682: {  	s29 =	sshra.s32 s12, $0x2;
	s28 =	sshra.s32 s2, $0x2;
	v25 =	vadd.bf16 v25, v27;
	v1 =	vld [tilespmem:s0+$0x30];
	s20 =	spop (v2sf);
	(v2sf) =	vpush v0, $0xA  }
0x683: {  	s26 =	sshra.s32 s1, $0x2;
	v16 =	vadd.bf16 v16, v24;
	v18 =	vadd.bf16 v18, v23;
	v0 =	vld [tilespmem:s6+$0x0];
	s19 =	spop (v2sf)  }
0x684: {  	v22 =	vadd.bf16 v22, v25;
	v23 =	vld [tilespmem:s6+$0x10];
	s18 =	spop (v2sf)  }
0x685: {  	v11 =	vadd.bf16 v11, v16;
	v13 =	vadd.bf16 v13, v18;
	v24 =	vld [tilespmem:s6+$0x20];
	s2 =	spop (v2sf)  }
0x686: {  	v14 =	vadd.bf16 v14, v22;
	v16 =	vld [tilespmem:s6+$0x30];
	s6 =	spop (v2sf)  }
0x687: {  	v11 =	vadd.bf16 v21, v11;
	v13 =	vadd.bf16 v20, v13;
	v18 =	vld [tilespmem:s9+$0x0];
	s12 =	spop (v2sf)  }
0x688: {  	v14 =	vadd.bf16 v19, v14;
	v20 =	vld [tilespmem:s9+$0x10];
	s11 =	spop (v2sf)  }
0x689: {  	v4 =	vadd.bf16 v4, v11;
	v5 =	vadd.bf16 v5, v13;
	v19 =	vld [tilespmem:s9+$0x20];
	s17 =	spop (v2sf)  }
0x68a: {  	v6 =	vadd.bf16 v6, v14;
	v11 =	vld [tilespmem:s9+$0x30];
	s16 =	spop (v2sf)  }
0x68b: {  	v4 =	vadd.bf16 v12, v4;
	v5 =	vadd.bf16 v15, v5;
	v13 =	vld [tilespmem:s10+$0x0];
	s15 =	spop (v2sf)  }
0x68c: {  	v6 =	vadd.bf16 v17, v6;
	v12 =	vld [tilespmem:s10+$0x10];
	s14 =	spop (v2sf)  }
0x68d: {  	v15 =	vunpack.i.u.bf16.f32 v4;
	v4 =	vunpack.i.l.bf16.f32 v4;
	v17 =	vunpack.i.u.bf16.f32 v5;
	v14 =	vld [tilespmem:s10+$0x20];
	s9 =	spop (v2sf)  }
0x68e: {  	v21 =	vld [tilespmem:s10+$0x30];
	[tilespmem:s8+$0xC0] =	vst v4;
	v4 =	vunpack.i.l.bf16.f32 v5;
	v5 =	vunpack.i.u.bf16.f32 v6;
	v6 =	vunpack.i.l.bf16.f32 v6;
	s13 =	spop (v2sf)  }
0x68f: {  	v22 =	vld [tilespmem:s25+$0x0];
	[tilespmem:s8+$0xD0] =	vst v15;
	s10 =	spop (v2sf)  }
0x690: {  	v13 =	vadd.bf16 v32, v13;
	v15 =	vld [tilespmem:s25+$0x10];
	[tilespmem:s8+$0xE0] =	vst v4;
	s0 =	spop (v2sf)  }
0x691: {  	v4 =	vadd.bf16 v10, v12;
	v10 =	vld [tilespmem:s25+$0x20];
	[tilespmem:s8+$0xF0] =	vst v17;
	s1 =	spop (v2sf)  }
0x692: {  	v9 =	vadd.bf16 v9, v14;
	v12 =	vld [tilespmem:s25+$0x30];
	[tilespmem:s8+$0x100] =	vst v6  }
0x693: {  	v6 =	vadd.bf16 v8, v21;
	v8 =	vld [tilespmem:s24+$0x0];
	[tilespmem:s8+$0x110] =	vst v5  }
0x694: {  	v5 =	vadd.bf16 v7, v22;
	v7 =	vld [tilespmem:s24+$0x10]  }
0x695: {  	v3 =	vadd.bf16 v3, v15;
	v14 =	vld [tilespmem:s24+$0x20]  }
0x696: {  	v2 =	vadd.bf16 v2, v10;
	v10 =	vld [tilespmem:s24+$0x30]  }
0x697: {  	v1 =	vadd.bf16 v1, v12;
	v12 =	vld [tilespmem:s23+$0x0]  }
0x698: {  	v0 =	vadd.bf16 v0, v8;
	v8 =	vld [tilespmem:s23+$0x10]  }
0x699: {  	v7 =	vadd.bf16 v23, v7;
	v15 =	vld [tilespmem:s23+$0x20]  }
0x69a: {  	v14 =	vadd.bf16 v24, v14;
	v17 =	vld [tilespmem:s23+$0x30]  }
0x69b: {  	v21 =	vld [tilespmem:s30+$0x0];
	v10 =	vadd.bf16 v16, v10  }
0x69c: {  	v16 =	vld [tilespmem:s30+$0x10];
	v12 =	vadd.bf16 v18, v12  }
0x69d: {  	v18 =	vld [tilespmem:s30+$0x20];
	v8 =	vadd.bf16 v20, v8  }
0x69e: {  	v20 =	vld [tilespmem:s30+$0x30];
	v15 =	vadd.bf16 v19, v15  }
0x69f: {  	v19 =	vld [tilespmem:s29+$0x0];
	v11 =	vadd.bf16 v11, v17  }
0x6a0: {  	v13 =	vadd.bf16 v21, v13;
	v17 =	vld [tilespmem:s29+$0x10]  }
0x6a1: {  	v4 =	vadd.bf16 v16, v4;
	v16 =	vld [tilespmem:s29+$0x20]  }
0x6a2: {  	v9 =	vadd.bf16 v18, v9;
	v18 =	vld [tilespmem:s29+$0x30]  }
0x6a3: {  	v6 =	vadd.bf16 v20, v6;
	v20 =	vld [tilespmem:s28+$0x0]  }
0x6a4: {  	v5 =	vadd.bf16 v19, v5;
	v19 =	vld [tilespmem:s28+$0x10]  }
0x6a5: {  	v3 =	vadd.bf16 v17, v3;
	v17 =	vld [tilespmem:s28+$0x20]  }
0x6a6: {  	v2 =	vadd.bf16 v16, v2;
	v16 =	vld [tilespmem:s28+$0x30]  }
0x6a7: {  	v1 =	vadd.bf16 v18, v1;
	v18 =	vld [tilespmem:s26+$0x0]  }
0x6a8: {  	v0 =	vadd.bf16 v20, v0;
	v20 =	vld [tilespmem:s26+$0x10]  }
0x6a9: {  	v7 =	vadd.bf16 v19, v7;
	v19 =	vld [tilespmem:s26+$0x20]  }
0x6aa: {  	v14 =	vadd.bf16 v17, v14;
	v17 =	vld [tilespmem:s26+$0x30]  }
0x6ab: {  	v21 =	vld [tilespmem:s22+$0x14AC0];
	v10 =	vadd.bf16 v16, v10  }
0x6ac: {  	v16 =	vld [tilespmem:s22+$0x14AD0];
	v12 =	vadd.bf16 v18, v12  }
0x6ad: {  	v18 =	vld [tilespmem:s22+$0x14AE0];
	v8 =	vadd.bf16 v20, v8  }
0x6ae: {  	v20 =	vld [tilespmem:s22+$0x14AF0];
	v15 =	vadd.bf16 v19, v15  }
0x6af: {  	v19 =	vld [tilespmem:s3+$0x14AC0];
	v11 =	vadd.bf16 v17, v11  }
0x6b0: {  	v13 =	vadd.bf16 v21, v13;
	v17 =	vld [tilespmem:s3+$0x14AD0]  }
0x6b1: {  	v4 =	vadd.bf16 v16, v4;
	v16 =	vld [tilespmem:s3+$0x14AE0]  }
0x6b2: {  	v9 =	vadd.bf16 v18, v9;
	v18 =	vld [tilespmem:s3+$0x14AF0]  }
0x6b3: {  	v6 =	vadd.bf16 v20, v6;
	v20 =	vld [tilespmem:s4+$0x14AC0]  }
0x6b4: {  	v5 =	vadd.bf16 v19, v5;
	v19 =	vld [tilespmem:s4+$0x14AD0]  }
0x6b5: {  	v3 =	vadd.bf16 v17, v3;
	v17 =	vld [tilespmem:s4+$0x14AE0]  }
0x6b6: {  	v2 =	vadd.bf16 v16, v2;
	v16 =	vld [tilespmem:s4+$0x14AF0]  }
0x6b7: {  	v1 =	vadd.bf16 v18, v1;
	v18 =	vld [tilespmem:s21+$0x14AC0]  }
0x6b8: {  	v0 =	vadd.bf16 v20, v0;
	v20 =	vld [tilespmem:s21+$0x14AD0]  }
0x6b9: {  	v7 =	vadd.bf16 v19, v7;
	v19 =	vld [tilespmem:s21+$0x14AE0]  }
0x6ba: {  	v14 =	vadd.bf16 v17, v14;
	v17 =	vld [tilespmem:s21+$0x14AF0]  }
0x6bb: {  	v21 =	vld [tilespmem:s20+$0x15000];
	v10 =	vadd.bf16 v16, v10  }
0x6bc: {  	v16 =	vld [tilespmem:s20+$0x15010];
	v12 =	vadd.bf16 v18, v12  }
0x6bd: {  	v18 =	vld [tilespmem:s20+$0x15020];
	v8 =	vadd.bf16 v20, v8  }
0x6be: {  	v20 =	vld [tilespmem:s20+$0x15030];
	v15 =	vadd.bf16 v19, v15  }
0x6bf: {  	v19 =	vld [tilespmem:s19+$0x15000];
	v11 =	vadd.bf16 v17, v11  }
0x6c0: {  	v13 =	vadd.bf16 v21, v13;
	v17 =	vld [tilespmem:s19+$0x15010]  }
0x6c1: {  	v4 =	vadd.bf16 v16, v4;
	v16 =	vld [tilespmem:s19+$0x15020]  }
0x6c2: {  	v9 =	vadd.bf16 v18, v9;
	v18 =	vld [tilespmem:s19+$0x15030]  }
0x6c3: {  	v6 =	vadd.bf16 v20, v6;
	v20 =	vld [tilespmem:s18+$0x15000]  }
0x6c4: {  	v5 =	vadd.bf16 v19, v5;
	v19 =	vld [tilespmem:s18+$0x15010]  }
0x6c5: {  	v3 =	vadd.bf16 v17, v3;
	v17 =	vld [tilespmem:s18+$0x15020]  }
0x6c6: {  	v2 =	vadd.bf16 v16, v2;
	v16 =	vld [tilespmem:s18+$0x15030]  }
0x6c7: {  	v1 =	vadd.bf16 v18, v1;
	v18 =	vld [tilespmem:s2+$0x15000]  }
0x6c8: {  	v0 =	vadd.bf16 v20, v0;
	v20 =	vld [tilespmem:s2+$0x15010]  }
0x6c9: {  	v7 =	vadd.bf16 v19, v7;
	v19 =	vld [tilespmem:s2+$0x15020]  }
0x6ca: {  	v14 =	vadd.bf16 v17, v14;
	v17 =	vld [tilespmem:s2+$0x15030]  }
0x6cb: {  	v21 =	vld [tilespmem:s6+$0x15540];
	v10 =	vadd.bf16 v16, v10  }
0x6cc: {  	v16 =	vld [tilespmem:s6+$0x15550];
	v12 =	vadd.bf16 v18, v12  }
0x6cd: {  	v18 =	vld [tilespmem:s6+$0x15560];
	v20 =	vadd.bf16 v20, v8  }
0x6ce: {  	v8 =	vld [tilespmem:s6+$0x15570];
	v15 =	vadd.bf16 v19, v15  }
0x6cf: {  	v19 =	vld [tilespmem:s12+$0x15540];
	v11 =	vadd.bf16 v17, v11  }
0x6d0: {  	v13 =	vadd.bf16 v21, v13;
	v17 =	vld [tilespmem:s12+$0x15550]  }
0x6d1: {  	v16 =	vadd.bf16 v16, v4;
	v4 =	vld [tilespmem:s12+$0x15560]  }
0x6d2: {  	v9 =	vadd.bf16 v18, v9;
	v18 =	vld [tilespmem:s12+$0x15570]  }
0x6d3: {  	v6 =	vadd.bf16 v8, v6;
	v8 =	vld [tilespmem:s11+$0x15540]  }
0x6d4: {  	v5 =	vadd.bf16 v19, v5;
	v19 =	vld [tilespmem:s11+$0x15550]  }
0x6d5: {  	v21 =	vadd.bf16 v17, v3;
	v3 =	vld [tilespmem:s11+$0x15560]  }
0x6d6: {  	v2 =	vadd.bf16 v4, v2;
	v4 =	vld [tilespmem:s11+$0x15570]  }
0x6d7: {  	v18 =	vadd.bf16 v18, v1;
	v1 =	vld [tilespmem:s17+$0x15540]  }
0x6d8: {  	v22 =	vadd.bf16 v8, v0;
	v0 =	vld [tilespmem:s17+$0x15550]  }
0x6d9: {  	v19 =	vadd.bf16 v19, v7;
	v17 =	vld [tilespmem:s17+$0x15560]  }
0x6da: {  	v8 =	vadd.bf16 v3, v14;
	v14 =	vld [tilespmem:s17+$0x15570]  }
0x6db: {  	v23 =	vld [tilespmem:s16+$0x15A80];
	v7 =	vadd.bf16 v4, v10  }
0x6dc: {  	v10 =	vld [tilespmem:s16+$0x15A90];
	v3 =	vadd.bf16 v1, v12  }
0x6dd: {  	v12 =	vld [tilespmem:s16+$0x15AA0];
	v1 =	vadd.bf16 v0, v20  }
0x6de: {  	v20 =	vld [tilespmem:s16+$0x15AB0];
	v0 =	vadd.bf16 v17, v15  }
0x6df: {  	v15 =	vld [tilespmem:s15+$0x15A80];
	v4 =	vadd.bf16 v14, v11  }
0x6e0: {  	v24 =	vadd.bf16 v23, v13;
	v11 =	vld [tilespmem:s15+$0x15A90]  }
0x6e1: {  	v29 =	vadd.bf16 v10, v16;
	v10 =	vld [tilespmem:s15+$0x15AA0]  }
0x6e2: {  	v27 =	vadd.bf16 v12, v9;
	v9 =	vld [tilespmem:s15+$0x15AB0]  }
0x6e3: {  	v17 =	vadd.bf16 v20, v6;
	v6 =	vld [tilespmem:s14+$0x15A80]  }
0x6e4: {  	v14 =	vadd.bf16 v15, v5;
	v20 =	vld [tilespmem:s14+$0x15A90]  }
.Ltmp10:
0x6e5: {  	v13 =	vadd.bf16 v11, v21;
	v16 =	vld [tilespmem:s14+$0x15AA0];
	(pc) =	sbr.rel @p0 .LBB2_22-.Ltmp10, $4  }
0x6e6: {  	v12 =	vadd.bf16 v10, v2;
	v15 =	vld [tilespmem:s14+$0x15AB0]  }
0x6e7: {  	v5 =	vadd.bf16 v9, v18;
	v10 =	vld [tilespmem:s9+$0x15A80]  }
0x6e8: {  	v6 =	vadd.bf16 v6, v22;
	v9 =	vld [tilespmem:s9+$0x15A90]  }
0x6e9: {  	s5 =	sadd.s32 $0x37, s5;
	v11 =	vadd.bf16 v20, v19;
	v2 =	vld [tilespmem:s9+$0x15AA0]  }
0x6ea: {  	v18 =	vld [tilespmem:s13+$0x15FC0];
	_ =	sdelay $0x1  }
0x6eb: {  	v19 =	vld [tilespmem:s13+$0x15FD0];
	_ =	sdelay $0x1  }
0x6ec: {  	v20 =	vld [tilespmem:s13+$0x15FE0]  }
0x6ed: {  	v18 =	vadd.bf16 v18, v24  }
0x6ee: {  	v21 =	vld [tilespmem:s13+$0x15FF0]  }
0x6ef: {  	v19 =	vadd.bf16 v19, v29;
	v22 =	vunpack.i.u.bf16.f32 v18  }
0x6f0: {  	v23 =	vld [tilespmem:s10+$0x15FC0];
	v18 =	vunpack.i.l.bf16.f32 v18;
	[tilespmem:s8+$0xFFFFFED0] =	vst v22  }
0x6f1: {  	v20 =	vadd.bf16 v20, v27;
	v35 =	vunpack.i.u.bf16.f32 v19;
	[tilespmem:s8+$0xFFFFFEC0] =	vst v18  }
0x6f2: {  	v36 =	vld [tilespmem:s10+$0x15FD0];
	v19 =	vunpack.i.l.bf16.f32 v19;
	[tilespmem:s8+$0xFFFFFEF0] =	vst v35  }
0x6f3: {  	v17 =	vadd.bf16 v21, v17;
	v37 =	vunpack.i.u.bf16.f32 v20;
	[tilespmem:s8+$0xFFFFFEE0] =	vst v19  }
0x6f4: {  	v38 =	vld [tilespmem:s10+$0x15FE0];
	v20 =	vunpack.i.l.bf16.f32 v20;
	[tilespmem:s8+$0xFFFFFF10] =	vst v37  }
0x6f5: {  	v14 =	vadd.bf16 v23, v14;
	v39 =	vunpack.i.u.bf16.f32 v17;
	[tilespmem:s8+$0xFFFFFF00] =	vst v20  }
0x6f6: {  	v40 =	vld [tilespmem:s10+$0x15FF0];
	v17 =	vunpack.i.l.bf16.f32 v17;
	[tilespmem:s8+$0xFFFFFF30] =	vst v39  }
0x6f7: {  	v13 =	vadd.bf16 v36, v13;
	v41 =	vunpack.i.u.bf16.f32 v14;
	[tilespmem:s8+$0xFFFFFF20] =	vst v17  }
0x6f8: {  	v42 =	vld [tilespmem:s0+$0x15FC0];
	v14 =	vunpack.i.l.bf16.f32 v14;
	[tilespmem:s8+$0xFFFFFF50] =	vst v41  }
0x6f9: {  	v12 =	vadd.bf16 v38, v12;
	v43 =	vunpack.i.u.bf16.f32 v13;
	[tilespmem:s8+$0xFFFFFF40] =	vst v14  }
0x6fa: {  	v44 =	vld [tilespmem:s0+$0x15FD0];
	v13 =	vunpack.i.l.bf16.f32 v13;
	[tilespmem:s8+$0xFFFFFF70] =	vst v43  }
0x6fb: {  	v5 =	vadd.bf16 v40, v5;
	v45 =	vunpack.i.u.bf16.f32 v12;
	[tilespmem:s8+$0xFFFFFF60] =	vst v13  }
0x6fc: {  	v46 =	vld [tilespmem:s0+$0x15FE0];
	v12 =	vunpack.i.l.bf16.f32 v12;
	[tilespmem:s8+$0xFFFFFF90] =	vst v45  }
0x6fd: {  	v6 =	vadd.bf16 v42, v6;
	v47 =	vunpack.i.l.bf16.f32 v5;
	[tilespmem:s8+$0xFFFFFF80] =	vst v12  }
0x6fe: {  	v48 =	vld [tilespmem:s0+$0x15FF0];
	v5 =	vunpack.i.u.bf16.f32 v5;
	[tilespmem:s8+$0xFFFFFFA0] =	vst v47  }
0x6ff: {  	v8 =	vadd.bf16 v16, v8;
	v11 =	vadd.bf16 v44, v11;
	v49 =	vunpack.i.l.bf16.f32 v6;
	[tilespmem:s8+$0xFFFFFFB0] =	vst v5  }
0x700: {  	v50 =	vld [tilespmem:s1+$0x15FC0];
	v6 =	vunpack.i.u.bf16.f32 v6;
	[tilespmem:s8+$0xFFFFFFC0] =	vst v49  }
0x701: {  	v7 =	vadd.bf16 v15, v7;
	v8 =	vadd.bf16 v46, v8;
	v51 =	vunpack.i.l.bf16.f32 v11;
	[tilespmem:s8+$0xFFFFFFD0] =	vst v6  }
0x702: {  	v52 =	vld [tilespmem:s1+$0x15FD0];
	v11 =	vunpack.i.u.bf16.f32 v11;
	[tilespmem:s8+$0xFFFFFFE0] =	vst v51  }
0x703: {  	v53 =	vld [tilespmem:s9+$0x15AB0];
	v3 =	vadd.bf16 v10, v3;
	v7 =	vadd.bf16 v48, v7;
	v54 =	vunpack.i.l.bf16.f32 v8;
	[tilespmem:s8+$0xFFFFFFF0] =	vst v11  }
0x704: {  	v55 =	vld [tilespmem:s1+$0x15FE0];
	v8 =	vunpack.i.u.bf16.f32 v8;
	[tilespmem:s8+$0x0] =	vst v54  }
0x705: {  	v1 =	vadd.bf16 v9, v1;
	v3 =	vadd.bf16 v50, v3;
	v56 =	vunpack.i.l.bf16.f32 v7;
	[tilespmem:s8+$0x10] =	vst v8  }
0x706: {  	v57 =	vld [tilespmem:s1+$0x15FF0];
	v7 =	vunpack.i.u.bf16.f32 v7;
	[tilespmem:s8+$0x20] =	vst v56  }
0x707: {  	v0 =	vadd.bf16 v2, v0;
	v1 =	vadd.bf16 v52, v1;
	v58 =	vunpack.i.l.bf16.f32 v3;
	[tilespmem:s8+$0x30] =	vst v7  }
0x708: {  	v3 =	vunpack.i.u.bf16.f32 v3;
	[tilespmem:s8+$0x40] =	vst v58  }
0x709: {  	v59 =	vadd.bf16 v53, v4;
	v0 =	vadd.bf16 v55, v0;
	v60 =	vunpack.i.l.bf16.f32 v1;
	[tilespmem:s8+$0x50] =	vst v3  }
0x70a: {  	v1 =	vunpack.i.u.bf16.f32 v1;
	[tilespmem:s8+$0x60] =	vst v60  }
0x70b: {  	v2 =	vadd.bf16 v57, v59;
	v61 =	vunpack.i.l.bf16.f32 v0;
	[tilespmem:s8+$0x70] =	vst v1  }
0x70c: {  	v0 =	vunpack.i.u.bf16.f32 v0;
	[tilespmem:s8+$0x80] =	vst v61  }
0x70d: {  	v62 =	vunpack.i.l.bf16.f32 v2;
	[tilespmem:s8+$0x90] =	vst v0  }
0x70e: {  	v63 =	vunpack.i.u.bf16.f32 v2;
	[tilespmem:s8+$0xA0] =	vst v62  }
0x70f: {  	[tilespmem:s8+$0xB0] =	vst v63  }
0x710: {  	s28 =	simm.s32 $0x1;
	s8 =	simm.s32 $0x17100;
	s26 =	rddreg [dreg:$0xc]  }
0x711: {  	[hbm4b:s26+s31] =	stream.linear.scatter [tilespmem:s8], [sflag:$0x1], $0x3E80, $0x38;
	[tilespmem:$0x1EE00] =	vst v63  }
0x712: {  	_ =	swait.ge [sflag:s28], $0x3E80  }
0x713: {  	[sflag:s28] =	ssyncset.done $0x0  }
0x714: {  	s29 =	simm.s32 $0x2;
	[sflag:s28] =	ssyncadd.s32 $0xFFFFC180  }
0x715: {  	_ =	swait.ge [sflag:s29], $0x3E80  }
0x716: {  	s2 =	rddreg [dreg:$0x13]  }
0x717: {  	s30 =	rddreg [dreg:$0xd];
	s2 =	sadd.s32 $0x1, s2  }
0x718: {  	p0 =	sne.s32 s2, s30  }
.Ltmp11:
0x719: {  	_ = 	snop;
	(pc) =	sbr.rel @p0 .LBB2_1-.Ltmp11, $3  }
0x71a: {  	_ =	sdelay $0x1  }
0x71b: {  	[sflag:s29] =	ssyncset.done $0x0  }
0x71c: {  	s9 =	simm.s32 $0x5;
	[sflag:s29] =	ssyncadd.s32 $0xFFFFC180  }
0x71d: {  	_ =	sfence.sel $0x180000  }
0x71e: {  	[bflag:$0x0] =	sbarrier.arrive $0xFFFF  }
0x71f: {  	_ =	strace $0x90000047  }
0x720: {  	s0 =	stileid.u32;
	[bflag:$0x2] =	sbarrier.arrive $0xFFFF  }
0x721: {  	p0 =	sne.s32 s0, $0x0;
	s0 =	rddreg [dreg:$0x2]  }
0x722: {  	s0 =	sadd.s32 @!p0 $0x100000, s0  }
0x723: {  	[sflag:s0] =	ssyncadd.tile.s32 @!p0 $0x1;
	_ =	shalt  }
.Lfunc_end2:
_tile_overlayer_lowered:
.L_overlay_start_2:
0x724: {  	(tag) =	ssettag $0x2  }
0x725: {  	s0 =	rddreg [dreg:$0x0];
	s2 =	stileid.u32  }
0x726: {  	s1 =	rddreg [dreg:$0x1];
	p0 =	sne.s32 s2, $0x0  }
0x727: {  	s3 =	rddreg [dreg:$0x2];
	[bflag:$0x3] =	sbarrier.arrive $0xFFFF;
	s2 =	simm.s32 @!p0 $0x1C05  }
0x728: {  	[timem:s3], [sflag:s2] =	dma.local @!p0 [hbm:s0], s1  }
0x729: {  	s0 =	simm.s32 @!p0 $0x5  }
0x72a: {  	_ =	swait.ge @!p0 [sflag:s0], s1  }
0x72b: {  	s1 =	ssub.s32 @!p0 $0x0, s1;
	[sflag:s0] =	ssyncset.done @!p0 $0x0  }
0x72c: {  	[sflag:s0] =	ssyncadd.s32 @!p0 s1  }
0x72d: {  	[bflag:$0x3] =	sbarrier.arrive $0xFFFF  }
0x72e: {  	_ =	shalt  }

</sc_bundles>
